<compile_context>
chip_gen: v7x
topology: tpu7x:2x2x1
jax: 0.10.2.dev20260603
libtpu: 0.0.44.dev20260713+nightly
codegen_flags: <defaults>
</compile_context>

<pallas_src>
import functools

import jax
import jax.numpy as jnp
from jax import lax
from jax.experimental import pallas as pl
from jax.experimental.pallas import tpu as pltpu
from jax.experimental.pallas import tpu_sc as plsc

EMBED = 32
PADDED = 128
BATCH = 16384
SEQ = 50
NC = 2
NS = 16
NW = NC * NS
ROWS_W = BATCH // NW
NB = 8
NH = NB // 2
NSTEP = ROWS_W // NB
NPAIR = NSTEP // 2


def _emb_body(src_table, tgt_table, src_idx, tgt_idx, out,
              ibuf0, ibuf1, ga, gb, nbuf,
              gsema, gsemb, ssem, isem0, isem1):
    wid = lax.axis_index("s") * NC + lax.axis_index("c")
    wbase = wid * ROWS_W

    def load_idx(idx_hbm, step, ibuf, sem, start):
        b0 = pl.multiple_of(wbase + step * NB, 8)
        c = pltpu.make_async_copy(idx_hbm.at[pl.ds(b0, NB)], ibuf, sem)
        c.start() if start else c.wait()

    def gathers(table, ibuf, jb0, buf, sem, start):
        for j in range(NH):
            c = pltpu.make_async_copy(
                table.at[ibuf.at[jb0 + j]], buf.at[j], sem)
            c.start() if start else c.wait()

    def narrow(g, h0):
        def srow(s2, _):
            for u in range(2):
                s = s2 * 2 + u
                for jb in range(NH):
                    for c in range(2):
                        nbuf[h0 + jb, s, pl.ds(c * 16, 16)] = (
                            g[jb, s, pl.ds(c * 16, 16)])
            return 0
        lax.fori_loop(0, SEQ // 2, srow, 0)

    def store(t, step, sem, start):
        b0 = pl.multiple_of(wbase + step * NB, 8)
        c = pltpu.make_async_copy(nbuf, out.at[t, pl.ds(b0, NB)], sem)
        c.start() if start else c.wait()

    def step(t, table, idx_hbm, s, ibuf, isem, ibuf_n, isem_n,
             wait_prev_store, not_last, prefetch2):
        gathers(table, ibuf, 0, ga, gsema, False)

        @pl.when(wait_prev_store)
        def _():
            store(t, s - 1, ssem, False)

        narrow(ga, 0)

        @pl.when(not_last)
        def _():
            load_idx(idx_hbm, s + 1, ibuf_n, isem_n, False)
            gathers(table, ibuf_n, 0, ga, gsema, True)

        gathers(table, ibuf, NH, gb, gsemb, False)
        narrow(gb, NH)

        @pl.when(not_last)
        def _():
            gathers(table, ibuf_n, NH, gb, gsemb, True)

        store(t, s, ssem, True)

        @pl.when(prefetch2)
        def _():
            load_idx(idx_hbm, s + 2, ibuf, isem, True)

    for t in range(2):
        table = (src_table, tgt_table)[t]
        idx_hbm = (src_idx, tgt_idx)[t]

        load_idx(idx_hbm, 0, ibuf0, isem0, True)
        load_idx(idx_hbm, 1, ibuf1, isem1, True)
        load_idx(idx_hbm, 0, ibuf0, isem0, False)
        gathers(table, ibuf0, 0, ga, gsema, True)
        gathers(table, ibuf0, NH, gb, gsemb, True)

        def pair(i, _, table=table, idx_hbm=idx_hbm, t=t):
            s0 = i * 2
            s1 = s0 + 1
            step(t, table, idx_hbm, s0, ibuf0, isem0, ibuf1, isem1,
                 i > 0, True, i < NPAIR - 1)
            step(t, table, idx_hbm, s1, ibuf1, isem1, ibuf0, isem0,
                 True, i < NPAIR - 1, i < NPAIR - 1)
            return 0

        lax.fori_loop(0, NPAIR, pair, 0)
        store(t, NSTEP - 1, ssem, False)


def kernel(src_table, tgt_table, src_indices, tgt_indices):
    sel = jnp.eye(EMBED, PADDED, dtype=jnp.float32)
    src128 = jax.lax.dot(src_table, sel,
                         precision=jax.lax.Precision.HIGHEST)
    tgt128 = jax.lax.dot(tgt_table, sel,
                         precision=jax.lax.Precision.HIGHEST)
    mesh = plsc.VectorSubcoreMesh(core_axis_name="c", subcore_axis_name="s")
    k = functools.partial(
        pl.kernel,
        mesh=mesh,
        out_type=jax.ShapeDtypeStruct((2, BATCH, SEQ, EMBED), jnp.float32),
        scratch_types=[
            pltpu.VMEM((NB, SEQ), jnp.int32),
            pltpu.VMEM((NB, SEQ), jnp.int32),
            pltpu.VMEM((NH, SEQ, PADDED), jnp.float32),
            pltpu.VMEM((NH, SEQ, PADDED), jnp.float32),
            pltpu.VMEM((NB, SEQ, EMBED), jnp.float32),
            pltpu.SemaphoreType.DMA,
            pltpu.SemaphoreType.DMA,
            pltpu.SemaphoreType.DMA,
            pltpu.SemaphoreType.DMA,
            pltpu.SemaphoreType.DMA,
        ],
    )(_emb_body)
    return k(src128, tgt128, src_indices, tgt_indices)

# --- scband reference (transcript-rebuilt; emitter-appended) ---
"""Pipeline reference for scband-model-embeddings-10909216932633 (READ-ONLY COPY).

The authoritative reference and input builder live on the scoring server;
editing this copy changes nothing except your own understanding.
"""

import jax, jax.numpy as jnp
import numpy as np

VOCAB_SRC = 1000000
VOCAB_TGT = 1000000
EMBED = 32
PAD_SRC = 0
PAD_TGT = 0


def setup_inputs(seed: int = 0) -> dict:
    key = jax.random.key(seed)
    k1, k2, k3, k4 = jax.random.split(key, 4)
    src_indices = jax.random.randint(k1, (16384, 50), 0, VOCAB_SRC, dtype=jnp.int64 if jax.config.jax_enable_x64 else jnp.int32).astype(jnp.int32)
    tgt_indices = jax.random.randint(k2, (16384, 50), 0, VOCAB_TGT, dtype=jnp.int32)
    src_table = jax.random.normal(k3, (VOCAB_SRC, EMBED), dtype=jnp.float32) * 0.02
    tgt_table = jax.random.normal(k4, (VOCAB_TGT, EMBED), dtype=jnp.float32) * 0.02
    # padding_idx rows are zero-initialized in nn.Embedding
    src_table = src_table.at[PAD_SRC].set(0.0)
    tgt_table = tgt_table.at[PAD_TGT].set(0.0)
    return {"src_table": src_table, "tgt_table": tgt_table, "src_indices": src_indices, "tgt_indices": tgt_indices}


def reference(src_table, tgt_table, src_indices, tgt_indices):
    # ModelEmbeddings: two independent embedding lookups (source and target),
    # with padding_idx rows pinned to zero.
    src_emb = jnp.take(src_table, src_indices, axis=0)
    tgt_emb = jnp.take(tgt_table, tgt_indices, axis=0)
    src_emb = src_emb * (src_indices != PAD_SRC)[..., None].astype(src_emb.dtype)
    tgt_emb = tgt_emb * (tgt_indices != PAD_TGT)[..., None].astype(tgt_emb.dtype)
    return jnp.stack([src_emb, tgt_emb], axis=0)

if __name__ == "__main__":
    import jax
    _d = setup_inputs()
    print(jax.jit(kernel)(*tuple(_d.values())))

</pallas_src>

<mosaic_0001>
#map = affine_map<(d0, d1) -> (0, 0)>
#map1 = affine_map<(d0, d1) -> (0, 0, 0, 0)>
module attributes {stable_mosaic.version = 14 : i64} {
  func.func @_emb_body(%arg0: i32, %arg1: i32, %arg2: memref<1000000x128xf32, #tpu.memory_space<hbm>>, %arg3: memref<1000000x128xf32, #tpu.memory_space<hbm>>, %arg4: memref<16384x50xi32, #tpu.memory_space<hbm>>, %arg5: memref<16384x50xi32, #tpu.memory_space<hbm>>, %arg6: memref<2x16384x50x32xf32, #tpu.memory_space<hbm>>, %arg7: memref<8x50xi32, #tpu.memory_space<vmem>>, %arg8: memref<8x50xi32, #tpu.memory_space<vmem>>, %arg9: memref<4x50x128xf32, #tpu.memory_space<vmem>>, %arg10: memref<4x50x128xf32, #tpu.memory_space<vmem>>, %arg11: memref<8x50x32xf32, #tpu.memory_space<vmem>>, %arg12: memref<!tpu.dma_semaphore, #tpu.memory_space<semaphore_mem>>, %arg13: memref<!tpu.dma_semaphore, #tpu.memory_space<semaphore_mem>>, %arg14: memref<!tpu.dma_semaphore, #tpu.memory_space<semaphore_mem>>, %arg15: memref<!tpu.dma_semaphore, #tpu.memory_space<semaphore_mem>>, %arg16: memref<!tpu.dma_semaphore, #tpu.memory_space<semaphore_mem>>) attributes {dimension_semantics = [#tpu.dimension_semantics<core_parallel>, #tpu.dimension_semantics<subcore_parallel>], iteration_bounds = array<i64: 2, 16>, scalar_prefetch = 0 : i64, scratch_operands = 10 : i64, tpu.core_type = #tpu.core_type<sc_vector_subcore>, window_params = [{transform_indices = #map}, {transform_indices = #map}, {transform_indices = #map}, {transform_indices = #map}, {transform_indices = #map1}]} {
    %mul3A = arith.constant 2 : i32
    %mul3A_0 = arith.muli %arg1, %mul3A : i32
    %add3A = arith.addi %mul3A_0, %arg0 : i32
    %mul3A_1 = arith.constant 512 : i32
    %mul3A_2 = arith.muli %add3A, %mul3A_1 : i32
    %add3A_3 = arith.constant 0 : i32
    %add3A_4 = arith.addi %mul3A_2, %add3A_3 : i32
    %multiple_of3A = tpu.assume_multiple %add3A_4, 8 : i32
    %dma_start3A = arith.constant 0 : i32
    %dma_start3A_5 = tpu.memref_slice %arg4[%multiple_of3A, %dma_start3A] : memref<16384x50xi32, #tpu.memory_space<hbm>> -> memref<8x50xi32, #tpu.memory_space<hbm>>
    %dma_start3A_6 = arith.constant 0 : i32
    %dma_start3A_7 = tpu.memref_slice %arg4[%multiple_of3A, %dma_start3A_6] : memref<16384x50xi32, #tpu.memory_space<hbm>> -> memref<8x50xi32, #tpu.memory_space<hbm>>
    tpu.enqueue_dma source(%dma_start3A_7 : memref<8x50xi32, #tpu.memory_space<hbm>>) target(%arg7 : memref<8x50xi32, #tpu.memory_space<vmem>>) target_semaphore(%arg15 : memref<!tpu.dma_semaphore, #tpu.memory_space<semaphore_mem>>)
    %add3A_8 = arith.constant 8 : i32
    %add3A_9 = arith.addi %mul3A_2, %add3A_8 : i32
    %multiple_of3A_10 = tpu.assume_multiple %add3A_9, 8 : i32
    %dma_start3A_11 = arith.constant 0 : i32
    %dma_start3A_12 = tpu.memref_slice %arg4[%multiple_of3A_10, %dma_start3A_11] : memref<16384x50xi32, #tpu.memory_space<hbm>> -> memref<8x50xi32, #tpu.memory_space<hbm>>
    %dma_start3A_13 = arith.constant 0 : i32
    %dma_start3A_14 = tpu.memref_slice %arg4[%multiple_of3A_10, %dma_start3A_13] : memref<16384x50xi32, #tpu.memory_space<hbm>> -> memref<8x50xi32, #tpu.memory_space<hbm>>
    tpu.enqueue_dma source(%dma_start3A_14 : memref<8x50xi32, #tpu.memory_space<hbm>>) target(%arg8 : memref<8x50xi32, #tpu.memory_space<vmem>>) target_semaphore(%arg16 : memref<!tpu.dma_semaphore, #tpu.memory_space<semaphore_mem>>)
    %add3A_15 = arith.constant 0 : i32
    %add3A_16 = arith.addi %mul3A_2, %add3A_15 : i32
    %multiple_of3A_17 = tpu.assume_multiple %add3A_16, 8 : i32
    %dma_wait3A = arith.constant 0 : i32
    %dma_wait3A_18 = tpu.memref_slice %arg4[%multiple_of3A_17, %dma_wait3A] : memref<16384x50xi32, #tpu.memory_space<hbm>> -> memref<8x50xi32, #tpu.memory_space<hbm>>
    %dma_wait3A_19 = arith.constant 0 : i32
    %dma_wait3A_20 = tpu.memref_slice %arg4[%multiple_of3A_17, %dma_wait3A_19] : memref<16384x50xi32, #tpu.memory_space<hbm>> -> memref<8x50xi32, #tpu.memory_space<hbm>>
    tpu.wait_dma2 semaphore(%arg15 : memref<!tpu.dma_semaphore, #tpu.memory_space<semaphore_mem>>) src(%dma_wait3A_20 : memref<8x50xi32, #tpu.memory_space<hbm>>) dst(%arg7 : memref<8x50xi32, #tpu.memory_space<vmem>>)
    %dma_start3A_21 = arith.constant 0 : i32
    %dma_start3A_22 = arith.constant 0 : i32
    %dma_start3A_23 = arith.constant 0 : i32
    %dma_start3A_24 = arith.constant 0 : i32
    %dma_start3A_25 = tpu.memref_slice %arg9[%dma_start3A_22, %dma_start3A_23, %dma_start3A_24] : memref<4x50x128xf32, #tpu.memory_space<vmem>> -> memref<1x50x128xf32, #tpu.memory_space<vmem>>
    %dma_start3A_26 = tpu.memref_squeeze %dma_start3A_25 : memref<1x50x128xf32, #tpu.memory_space<vmem>> -> memref<50x128xf32, #tpu.memory_space<vmem>>
    %dma_start3A_27 = arith.constant 0 : i32
    %dma_start3A_28 = tpu.memref_slice %arg7[%dma_start3A_21, %dma_start3A_27] : memref<8x50xi32, #tpu.memory_space<vmem>> -> memref<1x50xi32, #tpu.memory_space<vmem>>
    %dma_start3A_29 = tpu.memref_squeeze %dma_start3A_28 : memref<1x50xi32, #tpu.memory_space<vmem>> -> memref<50xi32, #tpu.memory_space<vmem>>
    %dma_start3A_30 = arith.constant 0 : i32
    %dma_start3A_31 = arith.constant 0 : i32
    %dma_start3A_32 = tpu.memref_slice %arg2[%dma_start3A_30, %dma_start3A_31] : memref<1000000x128xf32, #tpu.memory_space<hbm>> -> memref<1000000x128xf32, #tpu.memory_space<hbm>>
    tpu.enqueue_indirect_dma source(%dma_start3A_32 : memref<1000000x128xf32, #tpu.memory_space<hbm>>) target(%dma_start3A_26 : memref<50x128xf32, #tpu.memory_space<vmem>>) offsets(%dma_start3A_29 : memref<50xi32, #tpu.memory_space<vmem>>) semaphore(%arg12 : memref<!tpu.dma_semaphore, #tpu.memory_space<semaphore_mem>>)
    %dma_start3A_33 = arith.constant 1 : i32
    %dma_start3A_34 = arith.constant 1 : i32
    %dma_start3A_35 = arith.constant 0 : i32
    %dma_start3A_36 = arith.constant 0 : i32
    %dma_start3A_37 = tpu.memref_slice %arg9[%dma_start3A_34, %dma_start3A_35, %dma_start3A_36] : memref<4x50x128xf32, #tpu.memory_space<vmem>> -> memref<1x50x128xf32, #tpu.memory_space<vmem>>
    %dma_start3A_38 = tpu.memref_squeeze %dma_start3A_37 : memref<1x50x128xf32, #tpu.memory_space<vmem>> -> memref<50x128xf32, #tpu.memory_space<vmem>>
    %dma_start3A_39 = arith.constant 0 : i32
    %dma_start3A_40 = tpu.memref_slice %arg7[%dma_start3A_33, %dma_start3A_39] : memref<8x50xi32, #tpu.memory_space<vmem>> -> memref<1x50xi32, #tpu.memory_space<vmem>>
    %dma_start3A_41 = tpu.memref_squeeze %dma_start3A_40 : memref<1x50xi32, #tpu.memory_space<vmem>> -> memref<50xi32, #tpu.memory_space<vmem>>
    %dma_start3A_42 = arith.constant 0 : i32
    %dma_start3A_43 = arith.constant 0 : i32
    %dma_start3A_44 = tpu.memref_slice %arg2[%dma_start3A_42, %dma_start3A_43] : memref<1000000x128xf32, #tpu.memory_space<hbm>> -> memref<1000000x128xf32, #tpu.memory_space<hbm>>
    tpu.enqueue_indirect_dma source(%dma_start3A_44 : memref<1000000x128xf32, #tpu.memory_space<hbm>>) target(%dma_start3A_38 : memref<50x128xf32, #tpu.memory_space<vmem>>) offsets(%dma_start3A_41 : memref<50xi32, #tpu.memory_space<vmem>>) semaphore(%arg12 : memref<!tpu.dma_semaphore, #tpu.memory_space<semaphore_mem>>)
    %dma_start3A_45 = arith.constant 2 : i32
    %dma_start3A_46 = arith.constant 2 : i32
    %dma_start3A_47 = arith.constant 0 : i32
    %dma_start3A_48 = arith.constant 0 : i32
    %dma_start3A_49 = tpu.memref_slice %arg9[%dma_start3A_46, %dma_start3A_47, %dma_start3A_48] : memref<4x50x128xf32, #tpu.memory_space<vmem>> -> memref<1x50x128xf32, #tpu.memory_space<vmem>>
    %dma_start3A_50 = tpu.memref_squeeze %dma_start3A_49 : memref<1x50x128xf32, #tpu.memory_space<vmem>> -> memref<50x128xf32, #tpu.memory_space<vmem>>
    %dma_start3A_51 = arith.constant 0 : i32
    %dma_start3A_52 = tpu.memref_slice %arg7[%dma_start3A_45, %dma_start3A_51] : memref<8x50xi32, #tpu.memory_space<vmem>> -> memref<1x50xi32, #tpu.memory_space<vmem>>
    %dma_start3A_53 = tpu.memref_squeeze %dma_start3A_52 : memref<1x50xi32, #tpu.memory_space<vmem>> -> memref<50xi32, #tpu.memory_space<vmem>>
    %dma_start3A_54 = arith.constant 0 : i32
    %dma_start3A_55 = arith.constant 0 : i32
    %dma_start3A_56 = tpu.memref_slice %arg2[%dma_start3A_54, %dma_start3A_55] : memref<1000000x128xf32, #tpu.memory_space<hbm>> -> memref<1000000x128xf32, #tpu.memory_space<hbm>>
    tpu.enqueue_indirect_dma source(%dma_start3A_56 : memref<1000000x128xf32, #tpu.memory_space<hbm>>) target(%dma_start3A_50 : memref<50x128xf32, #tpu.memory_space<vmem>>) offsets(%dma_start3A_53 : memref<50xi32, #tpu.memory_space<vmem>>) semaphore(%arg12 : memref<!tpu.dma_semaphore, #tpu.memory_space<semaphore_mem>>)
    %dma_start3A_57 = arith.constant 3 : i32
    %dma_start3A_58 = arith.constant 3 : i32
    %dma_start3A_59 = arith.constant 0 : i32
    %dma_start3A_60 = arith.constant 0 : i32
    %dma_start3A_61 = tpu.memref_slice %arg9[%dma_start3A_58, %dma_start3A_59, %dma_start3A_60] : memref<4x50x128xf32, #tpu.memory_space<vmem>> -> memref<1x50x128xf32, #tpu.memory_space<vmem>>
    %dma_start3A_62 = tpu.memref_squeeze %dma_start3A_61 : memref<1x50x128xf32, #tpu.memory_space<vmem>> -> memref<50x128xf32, #tpu.memory_space<vmem>>
    %dma_start3A_63 = arith.constant 0 : i32
    %dma_start3A_64 = tpu.memref_slice %arg7[%dma_start3A_57, %dma_start3A_63] : memref<8x50xi32, #tpu.memory_space<vmem>> -> memref<1x50xi32, #tpu.memory_space<vmem>>
    %dma_start3A_65 = tpu.memref_squeeze %dma_start3A_64 : memref<1x50xi32, #tpu.memory_space<vmem>> -> memref<50xi32, #tpu.memory_space<vmem>>
    %dma_start3A_66 = arith.constant 0 : i32
    %dma_start3A_67 = arith.constant 0 : i32
    %dma_start3A_68 = tpu.memref_slice %arg2[%dma_start3A_66, %dma_start3A_67] : memref<1000000x128xf32, #tpu.memory_space<hbm>> -> memref<1000000x128xf32, #tpu.memory_space<hbm>>
    tpu.enqueue_indirect_dma source(%dma_start3A_68 : memref<1000000x128xf32, #tpu.memory_space<hbm>>) target(%dma_start3A_62 : memref<50x128xf32, #tpu.memory_space<vmem>>) offsets(%dma_start3A_65 : memref<50xi32, #tpu.memory_space<vmem>>) semaphore(%arg12 : memref<!tpu.dma_semaphore, #tpu.memory_space<semaphore_mem>>)
    %dma_start3A_69 = arith.constant 4 : i32
    %dma_start3A_70 = arith.constant 0 : i32
    %dma_start3A_71 = arith.constant 0 : i32
    %dma_start3A_72 = arith.constant 0 : i32
    %dma_start3A_73 = tpu.memref_slice %arg10[%dma_start3A_70, %dma_start3A_71, %dma_start3A_72] : memref<4x50x128xf32, #tpu.memory_space<vmem>> -> memref<1x50x128xf32, #tpu.memory_space<vmem>>
    %dma_start3A_74 = tpu.memref_squeeze %dma_start3A_73 : memref<1x50x128xf32, #tpu.memory_space<vmem>> -> memref<50x128xf32, #tpu.memory_space<vmem>>
    %dma_start3A_75 = arith.constant 0 : i32
    %dma_start3A_76 = tpu.memref_slice %arg7[%dma_start3A_69, %dma_start3A_75] : memref<8x50xi32, #tpu.memory_space<vmem>> -> memref<1x50xi32, #tpu.memory_space<vmem>>
    %dma_start3A_77 = tpu.memref_squeeze %dma_start3A_76 : memref<1x50xi32, #tpu.memory_space<vmem>> -> memref<50xi32, #tpu.memory_space<vmem>>
    %dma_start3A_78 = arith.constant 0 : i32
    %dma_start3A_79 = arith.constant 0 : i32
    %dma_start3A_80 = tpu.memref_slice %arg2[%dma_start3A_78, %dma_start3A_79] : memref<1000000x128xf32, #tpu.memory_space<hbm>> -> memref<1000000x128xf32, #tpu.memory_space<hbm>>
    tpu.enqueue_indirect_dma source(%dma_start3A_80 : memref<1000000x128xf32, #tpu.memory_space<hbm>>) target(%dma_start3A_74 : memref<50x128xf32, #tpu.memory_space<vmem>>) offsets(%dma_start3A_77 : memref<50xi32, #tpu.memory_space<vmem>>) semaphore(%arg13 : memref<!tpu.dma_semaphore, #tpu.memory_space<semaphore_mem>>)
    %dma_start3A_81 = arith.constant 5 : i32
    %dma_start3A_82 = arith.constant 1 : i32
    %dma_start3A_83 = arith.constant 0 : i32
    %dma_start3A_84 = arith.constant 0 : i32
    %dma_start3A_85 = tpu.memref_slice %arg10[%dma_start3A_82, %dma_start3A_83, %dma_start3A_84] : memref<4x50x128xf32, #tpu.memory_space<vmem>> -> memref<1x50x128xf32, #tpu.memory_space<vmem>>
    %dma_start3A_86 = tpu.memref_squeeze %dma_start3A_85 : memref<1x50x128xf32, #tpu.memory_space<vmem>> -> memref<50x128xf32, #tpu.memory_space<vmem>>
    %dma_start3A_87 = arith.constant 0 : i32
    %dma_start3A_88 = tpu.memref_slice %arg7[%dma_start3A_81, %dma_start3A_87] : memref<8x50xi32, #tpu.memory_space<vmem>> -> memref<1x50xi32, #tpu.memory_space<vmem>>
    %dma_start3A_89 = tpu.memref_squeeze %dma_start3A_88 : memref<1x50xi32, #tpu.memory_space<vmem>> -> memref<50xi32, #tpu.memory_space<vmem>>
    %dma_start3A_90 = arith.constant 0 : i32
    %dma_start3A_91 = arith.constant 0 : i32
    %dma_start3A_92 = tpu.memref_slice %arg2[%dma_start3A_90, %dma_start3A_91] : memref<1000000x128xf32, #tpu.memory_space<hbm>> -> memref<1000000x128xf32, #tpu.memory_space<hbm>>
    tpu.enqueue_indirect_dma source(%dma_start3A_92 : memref<1000000x128xf32, #tpu.memory_space<hbm>>) target(%dma_start3A_86 : memref<50x128xf32, #tpu.memory_space<vmem>>) offsets(%dma_start3A_89 : memref<50xi32, #tpu.memory_space<vmem>>) semaphore(%arg13 : memref<!tpu.dma_semaphore, #tpu.memory_space<semaphore_mem>>)
    %dma_start3A_93 = arith.constant 6 : i32
    %dma_start3A_94 = arith.constant 2 : i32
    %dma_start3A_95 = arith.constant 0 : i32
    %dma_start3A_96 = arith.constant 0 : i32
    %dma_start3A_97 = tpu.memref_slice %arg10[%dma_start3A_94, %dma_start3A_95, %dma_start3A_96] : memref<4x50x128xf32, #tpu.memory_space<vmem>> -> memref<1x50x128xf32, #tpu.memory_space<vmem>>
    %dma_start3A_98 = tpu.memref_squeeze %dma_start3A_97 : memref<1x50x128xf32, #tpu.memory_space<vmem>> -> memref<50x128xf32, #tpu.memory_space<vmem>>
    %dma_start3A_99 = arith.constant 0 : i32
    %dma_start3A_100 = tpu.memref_slice %arg7[%dma_start3A_93, %dma_start3A_99] : memref<8x50xi32, #tpu.memory_space<vmem>> -> memref<1x50xi32, #tpu.memory_space<vmem>>
    %dma_start3A_101 = tpu.memref_squeeze %dma_start3A_100 : memref<1x50xi32, #tpu.memory_space<vmem>> -> memref<50xi32, #tpu.memory_space<vmem>>
    %dma_start3A_102 = arith.constant 0 : i32
    %dma_start3A_103 = arith.constant 0 : i32
    %dma_start3A_104 = tpu.memref_slice %arg2[%dma_start3A_102, %dma_start3A_103] : memref<1000000x128xf32, #tpu.memory_space<hbm>> -> memref<1000000x128xf32, #tpu.memory_space<hbm>>
    tpu.enqueue_indirect_dma source(%dma_start3A_104 : memref<1000000x128xf32, #tpu.memory_space<hbm>>) target(%dma_start3A_98 : memref<50x128xf32, #tpu.memory_space<vmem>>) offsets(%dma_start3A_101 : memref<50xi32, #tpu.memory_space<vmem>>) semaphore(%arg13 : memref<!tpu.dma_semaphore, #tpu.memory_space<semaphore_mem>>)
    %dma_start3A_105 = arith.constant 7 : i32
    %dma_start3A_106 = arith.constant 3 : i32
    %dma_start3A_107 = arith.constant 0 : i32
    %dma_start3A_108 = arith.constant 0 : i32
    %dma_start3A_109 = tpu.memref_slice %arg10[%dma_start3A_106, %dma_start3A_107, %dma_start3A_108] : memref<4x50x128xf32, #tpu.memory_space<vmem>> -> memref<1x50x128xf32, #tpu.memory_space<vmem>>
    %dma_start3A_110 = tpu.memref_squeeze %dma_start3A_109 : memref<1x50x128xf32, #tpu.memory_space<vmem>> -> memref<50x128xf32, #tpu.memory_space<vmem>>
    %dma_start3A_111 = arith.constant 0 : i32
    %dma_start3A_112 = tpu.memref_slice %arg7[%dma_start3A_105, %dma_start3A_111] : memref<8x50xi32, #tpu.memory_space<vmem>> -> memref<1x50xi32, #tpu.memory_space<vmem>>
    %dma_start3A_113 = tpu.memref_squeeze %dma_start3A_112 : memref<1x50xi32, #tpu.memory_space<vmem>> -> memref<50xi32, #tpu.memory_space<vmem>>
    %dma_start3A_114 = arith.constant 0 : i32
    %dma_start3A_115 = arith.constant 0 : i32
    %dma_start3A_116 = tpu.memref_slice %arg2[%dma_start3A_114, %dma_start3A_115] : memref<1000000x128xf32, #tpu.memory_space<hbm>> -> memref<1000000x128xf32, #tpu.memory_space<hbm>>
    tpu.enqueue_indirect_dma source(%dma_start3A_116 : memref<1000000x128xf32, #tpu.memory_space<hbm>>) target(%dma_start3A_110 : memref<50x128xf32, #tpu.memory_space<vmem>>) offsets(%dma_start3A_113 : memref<50xi32, #tpu.memory_space<vmem>>) semaphore(%arg13 : memref<!tpu.dma_semaphore, #tpu.memory_space<semaphore_mem>>)
    %scan3A = arith.constant 0 : i32
    %scan3A_117 = arith.constant 0 : i32
    %scan3A_118 = arith.constant 32 : i32
    %scan3A_119 = arith.addi %scan3A_117, %scan3A_118 : i32
    %scan3A_120 = arith.constant 1 : i32
    %scan3A_121 = scf.for %scan3A_271 = %scan3A_117 to %scan3A_119 step %scan3A_120 iter_args(%scan3A_272 = %scan3A) -> (i32)  : i32 {
      %mul3A_273 = arith.constant 2 : i32
      %mul3A_274 = arith.muli %scan3A_271, %mul3A_273 : i32
      %add3A_275 = arith.constant 1 : i32
      %add3A_276 = arith.addi %mul3A_274, %add3A_275 : i32
      %gt3A = arith.constant 0 : i32
      %gt3A_277 = arith.cmpi sgt, %scan3A_271, %gt3A : i32
      %lt3A = arith.constant 31 : i32
      %lt3A_278 = arith.cmpi slt, %scan3A_271, %lt3A : i32
      %dma_wait3A_279 = arith.constant 0 : i32
      %dma_wait3A_280 = arith.constant 0 : i32
      %dma_wait3A_281 = arith.constant 0 : i32
      %dma_wait3A_282 = arith.constant 0 : i32
      %dma_wait3A_283 = tpu.memref_slice %arg9[%dma_wait3A_280, %dma_wait3A_281, %dma_wait3A_282] : memref<4x50x128xf32, #tpu.memory_space<vmem>> -> memref<1x50x128xf32, #tpu.memory_space<vmem>>
      %dma_wait3A_284 = tpu.memref_squeeze %dma_wait3A_283 : memref<1x50x128xf32, #tpu.memory_space<vmem>> -> memref<50x128xf32, #tpu.memory_space<vmem>>
      %dma_wait3A_285 = arith.constant 0 : i32
      %dma_wait3A_286 = tpu.memref_slice %arg7[%dma_wait3A_279, %dma_wait3A_285] : memref<8x50xi32, #tpu.memory_space<vmem>> -> memref<1x50xi32, #tpu.memory_space<vmem>>
      %dma_wait3A_287 = tpu.memref_squeeze %dma_wait3A_286 : memref<1x50xi32, #tpu.memory_space<vmem>> -> memref<50xi32, #tpu.memory_space<vmem>>
      %dma_wait3A_288 = arith.constant 0 : i32
      %dma_wait3A_289 = arith.constant 0 : i32
      %dma_wait3A_290 = tpu.memref_slice %arg2[%dma_wait3A_288, %dma_wait3A_289] : memref<1000000x128xf32, #tpu.memory_space<hbm>> -> memref<1000000x128xf32, #tpu.memory_space<hbm>>
      tpu.wait_indirect_dma semaphore(%arg12 : memref<!tpu.dma_semaphore, #tpu.memory_space<semaphore_mem>>) src(%dma_wait3A_290 : memref<1000000x128xf32, #tpu.memory_space<hbm>>) dst(%dma_wait3A_284 : memref<50x128xf32, #tpu.memory_space<vmem>>)
      %dma_wait3A_291 = arith.constant 1 : i32
      %dma_wait3A_292 = arith.constant 1 : i32
      %dma_wait3A_293 = arith.constant 0 : i32
      %dma_wait3A_294 = arith.constant 0 : i32
      %dma_wait3A_295 = tpu.memref_slice %arg9[%dma_wait3A_292, %dma_wait3A_293, %dma_wait3A_294] : memref<4x50x128xf32, #tpu.memory_space<vmem>> -> memref<1x50x128xf32, #tpu.memory_space<vmem>>
      %dma_wait3A_296 = tpu.memref_squeeze %dma_wait3A_295 : memref<1x50x128xf32, #tpu.memory_space<vmem>> -> memref<50x128xf32, #tpu.memory_space<vmem>>
      %dma_wait3A_297 = arith.constant 0 : i32
      %dma_wait3A_298 = tpu.memref_slice %arg7[%dma_wait3A_291, %dma_wait3A_297] : memref<8x50xi32, #tpu.memory_space<vmem>> -> memref<1x50xi32, #tpu.memory_space<vmem>>
      %dma_wait3A_299 = tpu.memref_squeeze %dma_wait3A_298 : memref<1x50xi32, #tpu.memory_space<vmem>> -> memref<50xi32, #tpu.memory_space<vmem>>
      %dma_wait3A_300 = arith.constant 0 : i32
      %dma_wait3A_301 = arith.constant 0 : i32
      %dma_wait3A_302 = tpu.memref_slice %arg2[%dma_wait3A_300, %dma_wait3A_301] : memref<1000000x128xf32, #tpu.memory_space<hbm>> -> memref<1000000x128xf32, #tpu.memory_space<hbm>>
      tpu.wait_indirect_dma semaphore(%arg12 : memref<!tpu.dma_semaphore, #tpu.memory_space<semaphore_mem>>) src(%dma_wait3A_302 : memref<1000000x128xf32, #tpu.memory_space<hbm>>) dst(%dma_wait3A_296 : memref<50x128xf32, #tpu.memory_space<vmem>>)
      %dma_wait3A_303 = arith.constant 2 : i32
      %dma_wait3A_304 = arith.constant 2 : i32
      %dma_wait3A_305 = arith.constant 0 : i32
      %dma_wait3A_306 = arith.constant 0 : i32
      %dma_wait3A_307 = tpu.memref_slice %arg9[%dma_wait3A_304, %dma_wait3A_305, %dma_wait3A_306] : memref<4x50x128xf32, #tpu.memory_space<vmem>> -> memref<1x50x128xf32, #tpu.memory_space<vmem>>
      %dma_wait3A_308 = tpu.memref_squeeze %dma_wait3A_307 : memref<1x50x128xf32, #tpu.memory_space<vmem>> -> memref<50x128xf32, #tpu.memory_space<vmem>>
      %dma_wait3A_309 = arith.constant 0 : i32
      %dma_wait3A_310 = tpu.memref_slice %arg7[%dma_wait3A_303, %dma_wait3A_309] : memref<8x50xi32, #tpu.memory_space<vmem>> -> memref<1x50xi32, #tpu.memory_space<vmem>>
      %dma_wait3A_311 = tpu.memref_squeeze %dma_wait3A_310 : memref<1x50xi32, #tpu.memory_space<vmem>> -> memref<50xi32, #tpu.memory_space<vmem>>
      %dma_wait3A_312 = arith.constant 0 : i32
      %dma_wait3A_313 = arith.constant 0 : i32
      %dma_wait3A_314 = tpu.memref_slice %arg2[%dma_wait3A_312, %dma_wait3A_313] : memref<1000000x128xf32, #tpu.memory_space<hbm>> -> memref<1000000x128xf32, #tpu.memory_space<hbm>>
      tpu.wait_indirect_dma semaphore(%arg12 : memref<!tpu.dma_semaphore, #tpu.memory_space<semaphore_mem>>) src(%dma_wait3A_314 : memref<1000000x128xf32, #tpu.memory_space<hbm>>) dst(%dma_wait3A_308 : memref<50x128xf32, #tpu.memory_space<vmem>>)
      %dma_wait3A_315 = arith.constant 3 : i32
      %dma_wait3A_316 = arith.constant 3 : i32
      %dma_wait3A_317 = arith.constant 0 : i32
      %dma_wait3A_318 = arith.constant 0 : i32
      %dma_wait3A_319 = tpu.memref_slice %arg9[%dma_wait3A_316, %dma_wait3A_317, %dma_wait3A_318] : memref<4x50x128xf32, #tpu.memory_space<vmem>> -> memref<1x50x128xf32, #tpu.memory_space<vmem>>
      %dma_wait3A_320 = tpu.memref_squeeze %dma_wait3A_319 : memref<1x50x128xf32, #tpu.memory_space<vmem>> -> memref<50x128xf32, #tpu.memory_space<vmem>>
      %dma_wait3A_321 = arith.constant 0 : i32
      %dma_wait3A_322 = tpu.memref_slice %arg7[%dma_wait3A_315, %dma_wait3A_321] : memref<8x50xi32, #tpu.memory_space<vmem>> -> memref<1x50xi32, #tpu.memory_space<vmem>>
      %dma_wait3A_323 = tpu.memref_squeeze %dma_wait3A_322 : memref<1x50xi32, #tpu.memory_space<vmem>> -> memref<50xi32, #tpu.memory_space<vmem>>
      %dma_wait3A_324 = arith.constant 0 : i32
      %dma_wait3A_325 = arith.constant 0 : i32
      %dma_wait3A_326 = tpu.memref_slice %arg2[%dma_wait3A_324, %dma_wait3A_325] : memref<1000000x128xf32, #tpu.memory_space<hbm>> -> memref<1000000x128xf32, #tpu.memory_space<hbm>>
      tpu.wait_indirect_dma semaphore(%arg12 : memref<!tpu.dma_semaphore, #tpu.memory_space<semaphore_mem>>) src(%dma_wait3A_326 : memref<1000000x128xf32, #tpu.memory_space<hbm>>) dst(%dma_wait3A_320 : memref<50x128xf32, #tpu.memory_space<vmem>>)
      %convert_element_type3A = arith.extui %gt3A_277 : i1 to i32
      %cond3A = arith.constant 0 : i32
      %cond3A_327 = arith.cmpi ne, %convert_element_type3A, %cond3A : i32
      scf.if %cond3A_327 {
        %sub3A_663 = arith.constant 1 : i32
        %sub3A_664 = arith.subi %mul3A_274, %sub3A_663 : i32
        %mul3A_665 = arith.constant 8 : i32
        %mul3A_666 = arith.muli %sub3A_664, %mul3A_665 : i32
        %add3A_667 = arith.addi %mul3A_2, %mul3A_666 : i32
        %multiple_of3A_668 = tpu.assume_multiple %add3A_667, 8 : i32
        %dma_wait3A_669 = arith.constant 0 : i32
        %dma_wait3A_670 = arith.constant 0 : i32
        %dma_wait3A_671 = arith.constant 0 : i32
        %dma_wait3A_672 = tpu.memref_slice %arg6[%dma_wait3A_669, %multiple_of3A_668, %dma_wait3A_670, %dma_wait3A_671] : memref<2x16384x50x32xf32, #tpu.memory_space<hbm>> -> memref<1x8x50x32xf32, #tpu.memory_space<hbm>>
        %dma_wait3A_673 = tpu.memref_squeeze %dma_wait3A_672 : memref<1x8x50x32xf32, #tpu.memory_space<hbm>> -> memref<8x50x32xf32, #tpu.memory_space<hbm>>
        %dma_wait3A_674 = arith.constant 0 : i32
        %dma_wait3A_675 = arith.constant 0 : i32
        %dma_wait3A_676 = tpu.memref_slice %arg6[%dma_wait3A_669, %multiple_of3A_668, %dma_wait3A_674, %dma_wait3A_675] : memref<2x16384x50x32xf32, #tpu.memory_space<hbm>> -> memref<1x8x50x32xf32, #tpu.memory_space<hbm>>
        %dma_wait3A_677 = tpu.memref_squeeze %dma_wait3A_676 : memref<1x8x50x32xf32, #tpu.memory_space<hbm>> -> memref<8x50x32xf32, #tpu.memory_space<hbm>>
        tpu.wait_dma2 semaphore(%arg14 : memref<!tpu.dma_semaphore, #tpu.memory_space<semaphore_mem>>) src(%arg11 : memref<8x50x32xf32, #tpu.memory_space<vmem>>) dst(%dma_wait3A_677 : memref<8x50x32xf32, #tpu.memory_space<hbm>>)
      } else {
      }
      %scan3A_328 = arith.constant 0 : i32
      %scan3A_329 = arith.constant 0 : i32
      %scan3A_330 = arith.constant 25 : i32
      %scan3A_331 = arith.addi %scan3A_329, %scan3A_330 : i32
      %scan3A_332 = arith.constant 1 : i32
      %scan3A_333 = scf.for %scan3A_663 = %scan3A_329 to %scan3A_331 step %scan3A_332 iter_args(%scan3A_664 = %scan3A_328) -> (i32)  : i32 {
        %mul3A_665 = arith.constant 2 : i32
        %mul3A_666 = arith.muli %scan3A_663, %mul3A_665 : i32
        %add3A_667 = arith.constant 0 : i32
        %add3A_668 = arith.addi %mul3A_666, %add3A_667 : i32
        %get3A = arith.constant 0 : i32
        %get3A_669 = arith.index_cast %get3A : i32 to index
        %get3A_670 = arith.index_cast %add3A_668 : i32 to index
        %get3A_671 = arith.constant 0 : index
        %get3A_672 = tpu.vector_load %arg9[%get3A_669, %get3A_670, %get3A_671] {strides = array<i32>} : memref<4x50x128xf32, #tpu.memory_space<vmem>>, vector<1x1x16xf32>,
        %get3A_673 = vector.shape_cast %get3A_672 : vector<1x1x16xf32> to vector<16xf32>
        %swap3A = arith.constant 0 : i32
        %swap3A_674 = arith.index_cast %swap3A : i32 to index
        %swap3A_675 = arith.index_cast %add3A_668 : i32 to index
        %swap3A_676 = arith.constant 0 : index
        %swap3A_677 = tpu.vector_load %arg11[%swap3A_674, %swap3A_675, %swap3A_676] {strides = array<i32>} : memref<8x50x32xf32, #tpu.memory_space<vmem>>, vector<1x1x16xf32>,
        %swap3A_678 = vector.shape_cast %swap3A_677 : vector<1x1x16xf32> to vector<16xf32>
        %swap3A_679 = vector.shape_cast %get3A_673 : vector<16xf32> to vector<1x1x16xf32>
        tpu.vector_store %arg11[%swap3A_674, %swap3A_675, %swap3A_676], %swap3A_679 {strides = array<i32>} : memref<8x50x32xf32, #tpu.memory_space<vmem>>, vector<1x1x16xf32>,
        %get3A_680 = arith.constant 0 : i32
        %get3A_681 = arith.index_cast %get3A_680 : i32 to index
        %get3A_682 = arith.index_cast %add3A_668 : i32 to index
        %get3A_683 = arith.constant 16 : index
        %get3A_684 = tpu.vector_load %arg9[%get3A_681, %get3A_682, %get3A_683] {strides = array<i32>} : memref<4x50x128xf32, #tpu.memory_space<vmem>>, vector<1x1x16xf32>,
        %get3A_685 = vector.shape_cast %get3A_684 : vector<1x1x16xf32> to vector<16xf32>
        %swap3A_686 = arith.constant 0 : i32
        %swap3A_687 = arith.index_cast %swap3A_686 : i32 to index
        %swap3A_688 = arith.index_cast %add3A_668 : i32 to index
        %swap3A_689 = arith.constant 16 : index
        %swap3A_690 = tpu.vector_load %arg11[%swap3A_687, %swap3A_688, %swap3A_689] {strides = array<i32>} : memref<8x50x32xf32, #tpu.memory_space<vmem>>, vector<1x1x16xf32>,
        %swap3A_691 = vector.shape_cast %swap3A_690 : vector<1x1x16xf32> to vector<16xf32>
        %swap3A_692 = vector.shape_cast %get3A_685 : vector<16xf32> to vector<1x1x16xf32>
        tpu.vector_store %arg11[%swap3A_687, %swap3A_688, %swap3A_689], %swap3A_692 {strides = array<i32>} : memref<8x50x32xf32, #tpu.memory_space<vmem>>, vector<1x1x16xf32>,
        %get3A_693 = arith.constant 1 : i32
        %get3A_694 = arith.index_cast %get3A_693 : i32 to index
        %get3A_695 = arith.index_cast %add3A_668 : i32 to index
        %get3A_696 = arith.constant 0 : index
        %get3A_697 = tpu.vector_load %arg9[%get3A_694, %get3A_695, %get3A_696] {strides = array<i32>} : memref<4x50x128xf32, #tpu.memory_space<vmem>>, vector<1x1x16xf32>,
        %get3A_698 = vector.shape_cast %get3A_697 : vector<1x1x16xf32> to vector<16xf32>
        %swap3A_699 = arith.constant 1 : i32
        %swap3A_700 = arith.index_cast %swap3A_699 : i32 to index
        %swap3A_701 = arith.index_cast %add3A_668 : i32 to index
        %swap3A_702 = arith.constant 0 : index
        %swap3A_703 = tpu.vector_load %arg11[%swap3A_700, %swap3A_701, %swap3A_702] {strides = array<i32>} : memref<8x50x32xf32, #tpu.memory_space<vmem>>, vector<1x1x16xf32>,
        %swap3A_704 = vector.shape_cast %swap3A_703 : vector<1x1x16xf32> to vector<16xf32>
        %swap3A_705 = vector.shape_cast %get3A_698 : vector<16xf32> to vector<1x1x16xf32>
        tpu.vector_store %arg11[%swap3A_700, %swap3A_701, %swap3A_702], %swap3A_705 {strides = array<i32>} : memref<8x50x32xf32, #tpu.memory_space<vmem>>, vector<1x1x16xf32>,
        %get3A_706 = arith.constant 1 : i32
        %get3A_707 = arith.index_cast %get3A_706 : i32 to index
        %get3A_708 = arith.index_cast %add3A_668 : i32 to index
        %get3A_709 = arith.constant 16 : index
        %get3A_710 = tpu.vector_load %arg9[%get3A_707, %get3A_708, %get3A_709] {strides = array<i32>} : memref<4x50x128xf32, #tpu.memory_space<vmem>>, vector<1x1x16xf32>,
        %get3A_711 = vector.shape_cast %get3A_710 : vector<1x1x16xf32> to vector<16xf32>
        %swap3A_712 = arith.constant 1 : i32
        %swap3A_713 = arith.index_cast %swap3A_712 : i32 to index
        %swap3A_714 = arith.index_cast %add3A_668 : i32 to index
        %swap3A_715 = arith.constant 16 : index
        %swap3A_716 = tpu.vector_load %arg11[%swap3A_713, %swap3A_714, %swap3A_715] {strides = array<i32>} : memref<8x50x32xf32, #tpu.memory_space<vmem>>, vector<1x1x16xf32>,
        %swap3A_717 = vector.shape_cast %swap3A_716 : vector<1x1x16xf32> to vector<16xf32>
        %swap3A_718 = vector.shape_cast %get3A_711 : vector<16xf32> to vector<1x1x16xf32>
        tpu.vector_store %arg11[%swap3A_713, %swap3A_714, %swap3A_715], %swap3A_718 {strides = array<i32>} : memref<8x50x32xf32, #tpu.memory_space<vmem>>, vector<1x1x16xf32>,
        %get3A_719 = arith.constant 2 : i32
        %get3A_720 = arith.index_cast %get3A_719 : i32 to index
        %get3A_721 = arith.index_cast %add3A_668 : i32 to index
        %get3A_722 = arith.constant 0 : index
        %get3A_723 = tpu.vector_load %arg9[%get3A_720, %get3A_721, %get3A_722] {strides = array<i32>} : memref<4x50x128xf32, #tpu.memory_space<vmem>>, vector<1x1x16xf32>,
        %get3A_724 = vector.shape_cast %get3A_723 : vector<1x1x16xf32> to vector<16xf32>
        %swap3A_725 = arith.constant 2 : i32
        %swap3A_726 = arith.index_cast %swap3A_725 : i32 to index
        %swap3A_727 = arith.index_cast %add3A_668 : i32 to index
        %swap3A_728 = arith.constant 0 : index
        %swap3A_729 = tpu.vector_load %arg11[%swap3A_726, %swap3A_727, %swap3A_728] {strides = array<i32>} : memref<8x50x32xf32, #tpu.memory_space<vmem>>, vector<1x1x16xf32>,
        %swap3A_730 = vector.shape_cast %swap3A_729 : vector<1x1x16xf32> to vector<16xf32>
        %swap3A_731 = vector.shape_cast %get3A_724 : vector<16xf32> to vector<1x1x16xf32>
        tpu.vector_store %arg11[%swap3A_726, %swap3A_727, %swap3A_728], %swap3A_731 {strides = array<i32>} : memref<8x50x32xf32, #tpu.memory_space<vmem>>, vector<1x1x16xf32>,
        %get3A_732 = arith.constant 2 : i32
        %get3A_733 = arith.index_cast %get3A_732 : i32 to index
        %get3A_734 = arith.index_cast %add3A_668 : i32 to index
        %get3A_735 = arith.constant 16 : index
        %get3A_736 = tpu.vector_load %arg9[%get3A_733, %get3A_734, %get3A_735] {strides = array<i32>} : memref<4x50x128xf32, #tpu.memory_space<vmem>>, vector<1x1x16xf32>,
        %get3A_737 = vector.shape_cast %get3A_736 : vector<1x1x16xf32> to vector<16xf32>
        %swap3A_738 = arith.constant 2 : i32
        %swap3A_739 = arith.index_cast %swap3A_738 : i32 to index
        %swap3A_740 = arith.index_cast %add3A_668 : i32 to index
        %swap3A_741 = arith.constant 16 : index
        %swap3A_742 = tpu.vector_load %arg11[%swap3A_739, %swap3A_740, %swap3A_741] {strides = array<i32>} : memref<8x50x32xf32, #tpu.memory_space<vmem>>, vector<1x1x16xf32>,
        %swap3A_743 = vector.shape_cast %swap3A_742 : vector<1x1x16xf32> to vector<16xf32>
        %swap3A_744 = vector.shape_cast %get3A_737 : vector<16xf32> to vector<1x1x16xf32>
        tpu.vector_store %arg11[%swap3A_739, %swap3A_740, %swap3A_741], %swap3A_744 {strides = array<i32>} : memref<8x50x32xf32, #tpu.memory_space<vmem>>, vector<1x1x16xf32>,
        %get3A_745 = arith.constant 3 : i32
        %get3A_746 = arith.index_cast %get3A_745 : i32 to index
        %get3A_747 = arith.index_cast %add3A_668 : i32 to index
        %get3A_748 = arith.constant 0 : index
        %get3A_749 = tpu.vector_load %arg9[%get3A_746, %get3A_747, %get3A_748] {strides = array<i32>} : memref<4x50x128xf32, #tpu.memory_space<vmem>>, vector<1x1x16xf32>,
        %get3A_750 = vector.shape_cast %get3A_749 : vector<1x1x16xf32> to vector<16xf32>
        %swap3A_751 = arith.constant 3 : i32
        %swap3A_752 = arith.index_cast %swap3A_751 : i32 to index
        %swap3A_753 = arith.index_cast %add3A_668 : i32 to index
        %swap3A_754 = arith.constant 0 : index
        %swap3A_755 = tpu.vector_load %arg11[%swap3A_752, %swap3A_753, %swap3A_754] {strides = array<i32>} : memref<8x50x32xf32, #tpu.memory_space<vmem>>, vector<1x1x16xf32>,
        %swap3A_756 = vector.shape_cast %swap3A_755 : vector<1x1x16xf32> to vector<16xf32>
        %swap3A_757 = vector.shape_cast %get3A_750 : vector<16xf32> to vector<1x1x16xf32>
        tpu.vector_store %arg11[%swap3A_752, %swap3A_753, %swap3A_754], %swap3A_757 {strides = array<i32>} : memref<8x50x32xf32, #tpu.memory_space<vmem>>, vector<1x1x16xf32>,
        %get3A_758 = arith.constant 3 : i32
        %get3A_759 = arith.index_cast %get3A_758 : i32 to index
        %get3A_760 = arith.index_cast %add3A_668 : i32 to index
        %get3A_761 = arith.constant 16 : index
        %get3A_762 = tpu.vector_load %arg9[%get3A_759, %get3A_760, %get3A_761] {strides = array<i32>} : memref<4x50x128xf32, #tpu.memory_space<vmem>>, vector<1x1x16xf32>,
        %get3A_763 = vector.shape_cast %get3A_762 : vector<1x1x16xf32> to vector<16xf32>
        %swap3A_764 = arith.constant 3 : i32
        %swap3A_765 = arith.index_cast %swap3A_764 : i32 to index
        %swap3A_766 = arith.index_cast %add3A_668 : i32 to index
        %swap3A_767 = arith.constant 16 : index
        %swap3A_768 = tpu.vector_load %arg11[%swap3A_765, %swap3A_766, %swap3A_767] {strides = array<i32>} : memref<8x50x32xf32, #tpu.memory_space<vmem>>, vector<1x1x16xf32>,
        %swap3A_769 = vector.shape_cast %swap3A_768 : vector<1x1x16xf32> to vector<16xf32>
        %swap3A_770 = vector.shape_cast %get3A_763 : vector<16xf32> to vector<1x1x16xf32>
        tpu.vector_store %arg11[%swap3A_765, %swap3A_766, %swap3A_767], %swap3A_770 {strides = array<i32>} : memref<8x50x32xf32, #tpu.memory_space<vmem>>, vector<1x1x16xf32>,
        %mul3A_771 = arith.constant 2 : i32
        %mul3A_772 = arith.muli %scan3A_663, %mul3A_771 : i32
        %add3A_773 = arith.constant 1 : i32
        %add3A_774 = arith.addi %mul3A_772, %add3A_773 : i32
        %get3A_775 = arith.constant 0 : i32
        %get3A_776 = arith.index_cast %get3A_775 : i32 to index
        %get3A_777 = arith.index_cast %add3A_774 : i32 to index
        %get3A_778 = arith.constant 0 : index
        %get3A_779 = tpu.vector_load %arg9[%get3A_776, %get3A_777, %get3A_778] {strides = array<i32>} : memref<4x50x128xf32, #tpu.memory_space<vmem>>, vector<1x1x16xf32>,
        %get3A_780 = vector.shape_cast %get3A_779 : vector<1x1x16xf32> to vector<16xf32>
        %swap3A_781 = arith.constant 0 : i32
        %swap3A_782 = arith.index_cast %swap3A_781 : i32 to index
        %swap3A_783 = arith.index_cast %add3A_774 : i32 to index
        %swap3A_784 = arith.constant 0 : index
        %swap3A_785 = tpu.vector_load %arg11[%swap3A_782, %swap3A_783, %swap3A_784] {strides = array<i32>} : memref<8x50x32xf32, #tpu.memory_space<vmem>>, vector<1x1x16xf32>,
        %swap3A_786 = vector.shape_cast %swap3A_785 : vector<1x1x16xf32> to vector<16xf32>
        %swap3A_787 = vector.shape_cast %get3A_780 : vector<16xf32> to vector<1x1x16xf32>
        tpu.vector_store %arg11[%swap3A_782, %swap3A_783, %swap3A_784], %swap3A_787 {strides = array<i32>} : memref<8x50x32xf32, #tpu.memory_space<vmem>>, vector<1x1x16xf32>,
        %get3A_788 = arith.constant 0 : i32
        %get3A_789 = arith.index_cast %get3A_788 : i32 to index
        %get3A_790 = arith.index_cast %add3A_774 : i32 to index
        %get3A_791 = arith.constant 16 : index
        %get3A_792 = tpu.vector_load %arg9[%get3A_789, %get3A_790, %get3A_791] {strides = array<i32>} : memref<4x50x128xf32, #tpu.memory_space<vmem>>, vector<1x1x16xf32>,
        %get3A_793 = vector.shape_cast %get3A_792 : vector<1x1x16xf32> to vector<16xf32>
        %swap3A_794 = arith.constant 0 : i32
        %swap3A_795 = arith.index_cast %swap3A_794 : i32 to index
        %swap3A_796 = arith.index_cast %add3A_774 : i32 to index
        %swap3A_797 = arith.constant 16 : index
        %swap3A_798 = tpu.vector_load %arg11[%swap3A_795, %swap3A_796, %swap3A_797] {strides = array<i32>} : memref<8x50x32xf32, #tpu.memory_space<vmem>>, vector<1x1x16xf32>,
        %swap3A_799 = vector.shape_cast %swap3A_798 : vector<1x1x16xf32> to vector<16xf32>
        %swap3A_800 = vector.shape_cast %get3A_793 : vector<16xf32> to vector<1x1x16xf32>
        tpu.vector_store %arg11[%swap3A_795, %swap3A_796, %swap3A_797], %swap3A_800 {strides = array<i32>} : memref<8x50x32xf32, #tpu.memory_space<vmem>>, vector<1x1x16xf32>,
        %get3A_801 = arith.constant 1 : i32
        %get3A_802 = arith.index_cast %get3A_801 : i32 to index
        %get3A_803 = arith.index_cast %add3A_774 : i32 to index
        %get3A_804 = arith.constant 0 : index
        %get3A_805 = tpu.vector_load %arg9[%get3A_802, %get3A_803, %get3A_804] {strides = array<i32>} : memref<4x50x128xf32, #tpu.memory_space<vmem>>, vector<1x1x16xf32>,
        %get3A_806 = vector.shape_cast %get3A_805 : vector<1x1x16xf32> to vector<16xf32>
        %swap3A_807 = arith.constant 1 : i32
        %swap3A_808 = arith.index_cast %swap3A_807 : i32 to index
        %swap3A_809 = arith.index_cast %add3A_774 : i32 to index
        %swap3A_810 = arith.constant 0 : index
        %swap3A_811 = tpu.vector_load %arg11[%swap3A_808, %swap3A_809, %swap3A_810] {strides = array<i32>} : memref<8x50x32xf32, #tpu.memory_space<vmem>>, vector<1x1x16xf32>,
        %swap3A_812 = vector.shape_cast %swap3A_811 : vector<1x1x16xf32> to vector<16xf32>
        %swap3A_813 = vector.shape_cast %get3A_806 : vector<16xf32> to vector<1x1x16xf32>
        tpu.vector_store %arg11[%swap3A_808, %swap3A_809, %swap3A_810], %swap3A_813 {strides = array<i32>} : memref<8x50x32xf32, #tpu.memory_space<vmem>>, vector<1x1x16xf32>,
        %get3A_814 = arith.constant 1 : i32
        %get3A_815 = arith.index_cast %get3A_814 : i32 to index
        %get3A_816 = arith.index_cast %add3A_774 : i32 to index
        %get3A_817 = arith.constant 16 : index
        %get3A_818 = tpu.vector_load %arg9[%get3A_815, %get3A_816, %get3A_817] {strides = array<i32>} : memref<4x50x128xf32, #tpu.memory_space<vmem>>, vector<1x1x16xf32>,
        %get3A_819 = vector.shape_cast %get3A_818 : vector<1x1x16xf32> to vector<16xf32>
        %swap3A_820 = arith.constant 1 : i32
        %swap3A_821 = arith.index_cast %swap3A_820 : i32 to index
        %swap3A_822 = arith.index_cast %add3A_774 : i32 to index
        %swap3A_823 = arith.constant 16 : index
        %swap3A_824 = tpu.vector_load %arg11[%swap3A_821, %swap3A_822, %swap3A_823] {strides = array<i32>} : memref<8x50x32xf32, #tpu.memory_space<vmem>>, vector<1x1x16xf32>,
        %swap3A_825 = vector.shape_cast %swap3A_824 : vector<1x1x16xf32> to vector<16xf32>
        %swap3A_826 = vector.shape_cast %get3A_819 : vector<16xf32> to vector<1x1x16xf32>
        tpu.vector_store %arg11[%swap3A_821, %swap3A_822, %swap3A_823], %swap3A_826 {strides = array<i32>} : memref<8x50x32xf32, #tpu.memory_space<vmem>>, vector<1x1x16xf32>,
        %get3A_827 = arith.constant 2 : i32
        %get3A_828 = arith.index_cast %get3A_827 : i32 to index
        %get3A_829 = arith.index_cast %add3A_774 : i32 to index
        %get3A_830 = arith.constant 0 : index
        %get3A_831 = tpu.vector_load %arg9[%get3A_828, %get3A_829, %get3A_830] {strides = array<i32>} : memref<4x50x128xf32, #tpu.memory_space<vmem>>, vector<1x1x16xf32>,
        %get3A_832 = vector.shape_cast %get3A_831 : vector<1x1x16xf32> to vector<16xf32>
        %swap3A_833 = arith.constant 2 : i32
        %swap3A_834 = arith.index_cast %swap3A_833 : i32 to index
        %swap3A_835 = arith.index_cast %add3A_774 : i32 to index
        %swap3A_836 = arith.constant 0 : index
        %swap3A_837 = tpu.vector_load %arg11[%swap3A_834, %swap3A_835, %swap3A_836] {strides = array<i32>} : memref<8x50x32xf32, #tpu.memory_space<vmem>>, vector<1x1x16xf32>,
        %swap3A_838 = vector.shape_cast %swap3A_837 : vector<1x1x16xf32> to vector<16xf32>
        %swap3A_839 = vector.shape_cast %get3A_832 : vector<16xf32> to vector<1x1x16xf32>
        tpu.vector_store %arg11[%swap3A_834, %swap3A_835, %swap3A_836], %swap3A_839 {strides = array<i32>} : memref<8x50x32xf32, #tpu.memory_space<vmem>>, vector<1x1x16xf32>,
        %get3A_840 = arith.constant 2 : i32
        %get3A_841 = arith.index_cast %get3A_840 : i32 to index
        %get3A_842 = arith.index_cast %add3A_774 : i32 to index
        %get3A_843 = arith.constant 16 : index
        %get3A_844 = tpu.vector_load %arg9[%get3A_841, %get3A_842, %get3A_843] {strides = array<i32>} : memref<4x50x128xf32, #tpu.memory_space<vmem>>, vector<1x1x16xf32>,
        %get3A_845 = vector.shape_cast %get3A_844 : vector<1x1x16xf32> to vector<16xf32>
        %swap3A_846 = arith.constant 2 : i32
        %swap3A_847 = arith.index_cast %swap3A_846 : i32 to index
        %swap3A_848 = arith.index_cast %add3A_774 : i32 to index
        %swap3A_849 = arith.constant 16 : index
        %swap3A_850 = tpu.vector_load %arg11[%swap3A_847, %swap3A_848, %swap3A_849] {strides = array<i32>} : memref<8x50x32xf32, #tpu.memory_space<vmem>>, vector<1x1x16xf32>,
        %swap3A_851 = vector.shape_cast %swap3A_850 : vector<1x1x16xf32> to vector<16xf32>
        %swap3A_852 = vector.shape_cast %get3A_845 : vector<16xf32> to vector<1x1x16xf32>
        tpu.vector_store %arg11[%swap3A_847, %swap3A_848, %swap3A_849], %swap3A_852 {strides = array<i32>} : memref<8x50x32xf32, #tpu.memory_space<vmem>>, vector<1x1x16xf32>,
        %get3A_853 = arith.constant 3 : i32
        %get3A_854 = arith.index_cast %get3A_853 : i32 to index
        %get3A_855 = arith.index_cast %add3A_774 : i32 to index
        %get3A_856 = arith.constant 0 : index
        %get3A_857 = tpu.vector_load %arg9[%get3A_854, %get3A_855, %get3A_856] {strides = array<i32>} : memref<4x50x128xf32, #tpu.memory_space<vmem>>, vector<1x1x16xf32>,
        %get3A_858 = vector.shape_cast %get3A_857 : vector<1x1x16xf32> to vector<16xf32>
        %swap3A_859 = arith.constant 3 : i32
        %swap3A_860 = arith.index_cast %swap3A_859 : i32 to index
        %swap3A_861 = arith.index_cast %add3A_774 : i32 to index
        %swap3A_862 = arith.constant 0 : index
        %swap3A_863 = tpu.vector_load %arg11[%swap3A_860, %swap3A_861, %swap3A_862] {strides = array<i32>} : memref<8x50x32xf32, #tpu.memory_space<vmem>>, vector<1x1x16xf32>,
        %swap3A_864 = vector.shape_cast %swap3A_863 : vector<1x1x16xf32> to vector<16xf32>
        %swap3A_865 = vector.shape_cast %get3A_858 : vector<16xf32> to vector<1x1x16xf32>
        tpu.vector_store %arg11[%swap3A_860, %swap3A_861, %swap3A_862], %swap3A_865 {strides = array<i32>} : memref<8x50x32xf32, #tpu.memory_space<vmem>>, vector<1x1x16xf32>,
        %get3A_866 = arith.constant 3 : i32
        %get3A_867 = arith.index_cast %get3A_866 : i32 to index
        %get3A_868 = arith.index_cast %add3A_774 : i32 to index
        %get3A_869 = arith.constant 16 : index
        %get3A_870 = tpu.vector_load %arg9[%get3A_867, %get3A_868, %get3A_869] {strides = array<i32>} : memref<4x50x128xf32, #tpu.memory_space<vmem>>, vector<1x1x16xf32>,
        %get3A_871 = vector.shape_cast %get3A_870 : vector<1x1x16xf32> to vector<16xf32>
        %swap3A_872 = arith.constant 3 : i32
        %swap3A_873 = arith.index_cast %swap3A_872 : i32 to index
        %swap3A_874 = arith.index_cast %add3A_774 : i32 to index
        %swap3A_875 = arith.constant 16 : index
        %swap3A_876 = tpu.vector_load %arg11[%swap3A_873, %swap3A_874, %swap3A_875] {strides = array<i32>} : memref<8x50x32xf32, #tpu.memory_space<vmem>>, vector<1x1x16xf32>,
        %swap3A_877 = vector.shape_cast %swap3A_876 : vector<1x1x16xf32> to vector<16xf32>
        %swap3A_878 = vector.shape_cast %get3A_871 : vector<16xf32> to vector<1x1x16xf32>
        tpu.vector_store %arg11[%swap3A_873, %swap3A_874, %swap3A_875], %swap3A_878 {strides = array<i32>} : memref<8x50x32xf32, #tpu.memory_space<vmem>>, vector<1x1x16xf32>,
        %scan3A_879 = arith.constant 0 : i32
        scf.yield %scan3A_879 : i32
      }
      %scan3A_334 = arith.constant 25 : i32
      %add3A_335 = arith.constant 1 : i32
      %add3A_336 = arith.addi %mul3A_274, %add3A_335 : i32
      %mul3A_337 = arith.constant 8 : i32
      %mul3A_338 = arith.muli %add3A_336, %mul3A_337 : i32
      %add3A_339 = arith.addi %mul3A_2, %mul3A_338 : i32
      %multiple_of3A_340 = tpu.assume_multiple %add3A_339, 8 : i32
      %dma_wait3A_341 = arith.constant 0 : i32
      %dma_wait3A_342 = tpu.memref_slice %arg4[%multiple_of3A_340, %dma_wait3A_341] : memref<16384x50xi32, #tpu.memory_space<hbm>> -> memref<8x50xi32, #tpu.memory_space<hbm>>
      %dma_wait3A_343 = arith.constant 0 : i32
      %dma_wait3A_344 = tpu.memref_slice %arg4[%multiple_of3A_340, %dma_wait3A_343] : memref<16384x50xi32, #tpu.memory_space<hbm>> -> memref<8x50xi32, #tpu.memory_space<hbm>>
      tpu.wait_dma2 semaphore(%arg16 : memref<!tpu.dma_semaphore, #tpu.memory_space<semaphore_mem>>) src(%dma_wait3A_344 : memref<8x50xi32, #tpu.memory_space<hbm>>) dst(%arg8 : memref<8x50xi32, #tpu.memory_space<vmem>>)
      %dma_start3A_345 = arith.constant 0 : i32
      %dma_start3A_346 = arith.constant 0 : i32
      %dma_start3A_347 = arith.constant 0 : i32
      %dma_start3A_348 = arith.constant 0 : i32
      %dma_start3A_349 = tpu.memref_slice %arg9[%dma_start3A_346, %dma_start3A_347, %dma_start3A_348] : memref<4x50x128xf32, #tpu.memory_space<vmem>> -> memref<1x50x128xf32, #tpu.memory_space<vmem>>
      %dma_start3A_350 = tpu.memref_squeeze %dma_start3A_349 : memref<1x50x128xf32, #tpu.memory_space<vmem>> -> memref<50x128xf32, #tpu.memory_space<vmem>>
      %dma_start3A_351 = arith.constant 0 : i32
      %dma_start3A_352 = tpu.memref_slice %arg8[%dma_start3A_345, %dma_start3A_351] : memref<8x50xi32, #tpu.memory_space<vmem>> -> memref<1x50xi32, #tpu.memory_space<vmem>>
      %dma_start3A_353 = tpu.memref_squeeze %dma_start3A_352 : memref<1x50xi32, #tpu.memory_space<vmem>> -> memref<50xi32, #tpu.memory_space<vmem>>
      %dma_start3A_354 = arith.constant 0 : i32
      %dma_start3A_355 = arith.constant 0 : i32
      %dma_start3A_356 = tpu.memref_slice %arg2[%dma_start3A_354, %dma_start3A_355] : memref<1000000x128xf32, #tpu.memory_space<hbm>> -> memref<1000000x128xf32, #tpu.memory_space<hbm>>
      tpu.enqueue_indirect_dma source(%dma_start3A_356 : memref<1000000x128xf32, #tpu.memory_space<hbm>>) target(%dma_start3A_350 : memref<50x128xf32, #tpu.memory_space<vmem>>) offsets(%dma_start3A_353 : memref<50xi32, #tpu.memory_space<vmem>>) semaphore(%arg12 : memref<!tpu.dma_semaphore, #tpu.memory_space<semaphore_mem>>)
      %dma_start3A_357 = arith.constant 1 : i32
      %dma_start3A_358 = arith.constant 1 : i32
      %dma_start3A_359 = arith.constant 0 : i32
      %dma_start3A_360 = arith.constant 0 : i32
      %dma_start3A_361 = tpu.memref_slice %arg9[%dma_start3A_358, %dma_start3A_359, %dma_start3A_360] : memref<4x50x128xf32, #tpu.memory_space<vmem>> -> memref<1x50x128xf32, #tpu.memory_space<vmem>>
      %dma_start3A_362 = tpu.memref_squeeze %dma_start3A_361 : memref<1x50x128xf32, #tpu.memory_space<vmem>> -> memref<50x128xf32, #tpu.memory_space<vmem>>
      %dma_start3A_363 = arith.constant 0 : i32
      %dma_start3A_364 = tpu.memref_slice %arg8[%dma_start3A_357, %dma_start3A_363] : memref<8x50xi32, #tpu.memory_space<vmem>> -> memref<1x50xi32, #tpu.memory_space<vmem>>
      %dma_start3A_365 = tpu.memref_squeeze %dma_start3A_364 : memref<1x50xi32, #tpu.memory_space<vmem>> -> memref<50xi32, #tpu.memory_space<vmem>>
      %dma_start3A_366 = arith.constant 0 : i32
      %dma_start3A_367 = arith.constant 0 : i32
      %dma_start3A_368 = tpu.memref_slice %arg2[%dma_start3A_366, %dma_start3A_367] : memref<1000000x128xf32, #tpu.memory_space<hbm>> -> memref<1000000x128xf32, #tpu.memory_space<hbm>>
      tpu.enqueue_indirect_dma source(%dma_start3A_368 : memref<1000000x128xf32, #tpu.memory_space<hbm>>) target(%dma_start3A_362 : memref<50x128xf32, #tpu.memory_space<vmem>>) offsets(%dma_start3A_365 : memref<50xi32, #tpu.memory_space<vmem>>) semaphore(%arg12 : memref<!tpu.dma_semaphore, #tpu.memory_space<semaphore_mem>>)
      %dma_start3A_369 = arith.constant 2 : i32
      %dma_start3A_370 = arith.constant 2 : i32
      %dma_start3A_371 = arith.constant 0 : i32
      %dma_start3A_372 = arith.constant 0 : i32
      %dma_start3A_373 = tpu.memref_slice %arg9[%dma_start3A_370, %dma_start3A_371, %dma_start3A_372] : memref<4x50x128xf32, #tpu.memory_space<vmem>> -> memref<1x50x128xf32, #tpu.memory_space<vmem>>
      %dma_start3A_374 = tpu.memref_squeeze %dma_start3A_373 : memref<1x50x128xf32, #tpu.memory_space<vmem>> -> memref<50x128xf32, #tpu.memory_space<vmem>>
      %dma_start3A_375 = arith.constant 0 : i32
      %dma_start3A_376 = tpu.memref_slice %arg8[%dma_start3A_369, %dma_start3A_375] : memref<8x50xi32, #tpu.memory_space<vmem>> -> memref<1x50xi32, #tpu.memory_space<vmem>>
      %dma_start3A_377 = tpu.memref_squeeze %dma_start3A_376 : memref<1x50xi32, #tpu.memory_space<vmem>> -> memref<50xi32, #tpu.memory_space<vmem>>
      %dma_start3A_378 = arith.constant 0 : i32
      %dma_start3A_379 = arith.constant 0 : i32
      %dma_start3A_380 = tpu.memref_slice %arg2[%dma_start3A_378, %dma_start3A_379] : memref<1000000x128xf32, #tpu.memory_space<hbm>> -> memref<1000000x128xf32, #tpu.memory_space<hbm>>
      tpu.enqueue_indirect_dma source(%dma_start3A_380 : memref<1000000x128xf32, #tpu.memory_space<hbm>>) target(%dma_start3A_374 : memref<50x128xf32, #tpu.memory_space<vmem>>) offsets(%dma_start3A_377 : memref<50xi32, #tpu.memory_space<vmem>>) semaphore(%arg12 : memref<!tpu.dma_semaphore, #tpu.memory_space<semaphore_mem>>)
      %dma_start3A_381 = arith.constant 3 : i32
      %dma_start3A_382 = arith.constant 3 : i32
      %dma_start3A_383 = arith.constant 0 : i32
      %dma_start3A_384 = arith.constant 0 : i32
      %dma_start3A_385 = tpu.memref_slice %arg9[%dma_start3A_382, %dma_start3A_383, %dma_start3A_384] : memref<4x50x128xf32, #tpu.memory_space<vmem>> -> memref<1x50x128xf32, #tpu.memory_space<vmem>>
      %dma_start3A_386 = tpu.memref_squeeze %dma_start3A_385 : memref<1x50x128xf32, #tpu.memory_space<vmem>> -> memref<50x128xf32, #tpu.memory_space<vmem>>
      %dma_start3A_387 = arith.constant 0 : i32
      %dma_start3A_388 = tpu.memref_slice %arg8[%dma_start3A_381, %dma_start3A_387] : memref<8x50xi32, #tpu.memory_space<vmem>> -> memref<1x50xi32, #tpu.memory_space<vmem>>
      %dma_start3A_389 = tpu.memref_squeeze %dma_start3A_388 : memref<1x50xi32, #tpu.memory_space<vmem>> -> memref<50xi32, #tpu.memory_space<vmem>>
      %dma_start3A_390 = arith.constant 0 : i32
      %dma_start3A_391 = arith.constant 0 : i32
      %dma_start3A_392 = tpu.memref_slice %arg2[%dma_start3A_390, %dma_start3A_391] : memref<1000000x128xf32, #tpu.memory_space<hbm>> -> memref<1000000x128xf32, #tpu.memory_space<hbm>>
      tpu.enqueue_indirect_dma source(%dma_start3A_392 : memref<1000000x128xf32, #tpu.memory_space<hbm>>) target(%dma_start3A_386 : memref<50x128xf32, #tpu.memory_space<vmem>>) offsets(%dma_start3A_389 : memref<50xi32, #tpu.memory_space<vmem>>) semaphore(%arg12 : memref<!tpu.dma_semaphore, #tpu.memory_space<semaphore_mem>>)
      %dma_wait3A_393 = arith.constant 4 : i32
      %dma_wait3A_394 = arith.constant 0 : i32
      %dma_wait3A_395 = arith.constant 0 : i32
      %dma_wait3A_396 = arith.constant 0 : i32
      %dma_wait3A_397 = tpu.memref_slice %arg10[%dma_wait3A_394, %dma_wait3A_395, %dma_wait3A_396] : memref<4x50x128xf32, #tpu.memory_space<vmem>> -> memref<1x50x128xf32, #tpu.memory_space<vmem>>
      %dma_wait3A_398 = tpu.memref_squeeze %dma_wait3A_397 : memref<1x50x128xf32, #tpu.memory_space<vmem>> -> memref<50x128xf32, #tpu.memory_space<vmem>>
      %dma_wait3A_399 = arith.constant 0 : i32
      %dma_wait3A_400 = tpu.memref_slice %arg7[%dma_wait3A_393, %dma_wait3A_399] : memref<8x50xi32, #tpu.memory_space<vmem>> -> memref<1x50xi32, #tpu.memory_space<vmem>>
      %dma_wait3A_401 = tpu.memref_squeeze %dma_wait3A_400 : memref<1x50xi32, #tpu.memory_space<vmem>> -> memref<50xi32, #tpu.memory_space<vmem>>
      %dma_wait3A_402 = arith.constant 0 : i32
      %dma_wait3A_403 = arith.constant 0 : i32
      %dma_wait3A_404 = tpu.memref_slice %arg2[%dma_wait3A_402, %dma_wait3A_403] : memref<1000000x128xf32, #tpu.memory_space<hbm>> -> memref<1000000x128xf32, #tpu.memory_space<hbm>>
      tpu.wait_indirect_dma semaphore(%arg13 : memref<!tpu.dma_semaphore, #tpu.memory_space<semaphore_mem>>) src(%dma_wait3A_404 : memref<1000000x128xf32, #tpu.memory_space<hbm>>) dst(%dma_wait3A_398 : memref<50x128xf32, #tpu.memory_space<vmem>>)
      %dma_wait3A_405 = arith.constant 5 : i32
      %dma_wait3A_406 = arith.constant 1 : i32
      %dma_wait3A_407 = arith.constant 0 : i32
      %dma_wait3A_408 = arith.constant 0 : i32
      %dma_wait3A_409 = tpu.memref_slice %arg10[%dma_wait3A_406, %dma_wait3A_407, %dma_wait3A_408] : memref<4x50x128xf32, #tpu.memory_space<vmem>> -> memref<1x50x128xf32, #tpu.memory_space<vmem>>
      %dma_wait3A_410 = tpu.memref_squeeze %dma_wait3A_409 : memref<1x50x128xf32, #tpu.memory_space<vmem>> -> memref<50x128xf32, #tpu.memory_space<vmem>>
      %dma_wait3A_411 = arith.constant 0 : i32
      %dma_wait3A_412 = tpu.memref_slice %arg7[%dma_wait3A_405, %dma_wait3A_411] : memref<8x50xi32, #tpu.memory_space<vmem>> -> memref<1x50xi32, #tpu.memory_space<vmem>>
      %dma_wait3A_413 = tpu.memref_squeeze %dma_wait3A_412 : memref<1x50xi32, #tpu.memory_space<vmem>> -> memref<50xi32, #tpu.memory_space<vmem>>
      %dma_wait3A_414 = arith.constant 0 : i32
      %dma_wait3A_415 = arith.constant 0 : i32
      %dma_wait3A_416 = tpu.memref_slice %arg2[%dma_wait3A_414, %dma_wait3A_415] : memref<1000000x128xf32, #tpu.memory_space<hbm>> -> memref<1000000x128xf32, #tpu.memory_space<hbm>>
      tpu.wait_indirect_dma semaphore(%arg13 : memref<!tpu.dma_semaphore, #tpu.memory_space<semaphore_mem>>) src(%dma_wait3A_416 : memref<1000000x128xf32, #tpu.memory_space<hbm>>) dst(%dma_wait3A_410 : memref<50x128xf32, #tpu.memory_space<vmem>>)
      %dma_wait3A_417 = arith.constant 6 : i32
      %dma_wait3A_418 = arith.constant 2 : i32
      %dma_wait3A_419 = arith.constant 0 : i32
      %dma_wait3A_420 = arith.constant 0 : i32
      %dma_wait3A_421 = tpu.memref_slice %arg10[%dma_wait3A_418, %dma_wait3A_419, %dma_wait3A_420] : memref<4x50x128xf32, #tpu.memory_space<vmem>> -> memref<1x50x128xf32, #tpu.memory_space<vmem>>
      %dma_wait3A_422 = tpu.memref_squeeze %dma_wait3A_421 : memref<1x50x128xf32, #tpu.memory_space<vmem>> -> memref<50x128xf32, #tpu.memory_space<vmem>>
      %dma_wait3A_423 = arith.constant 0 : i32
      %dma_wait3A_424 = tpu.memref_slice %arg7[%dma_wait3A_417, %dma_wait3A_423] : memref<8x50xi32, #tpu.memory_space<vmem>> -> memref<1x50xi32, #tpu.memory_space<vmem>>
      %dma_wait3A_425 = tpu.memref_squeeze %dma_wait3A_424 : memref<1x50xi32, #tpu.memory_space<vmem>> -> memref<50xi32, #tpu.memory_space<vmem>>
      %dma_wait3A_426 = arith.constant 0 : i32
      %dma_wait3A_427 = arith.constant 0 : i32
      %dma_wait3A_428 = tpu.memref_slice %arg2[%dma_wait3A_426, %dma_wait3A_427] : memref<1000000x128xf32, #tpu.memory_space<hbm>> -> memref<1000000x128xf32, #tpu.memory_space<hbm>>
      tpu.wait_indirect_dma semaphore(%arg13 : memref<!tpu.dma_semaphore, #tpu.memory_space<semaphore_mem>>) src(%dma_wait3A_428 : memref<1000000x128xf32, #tpu.memory_space<hbm>>) dst(%dma_wait3A_422 : memref<50x128xf32, #tpu.memory_space<vmem>>)
      %dma_wait3A_429 = arith.constant 7 : i32
      %dma_wait3A_430 = arith.constant 3 : i32
      %dma_wait3A_431 = arith.constant 0 : i32
      %dma_wait3A_432 = arith.constant 0 : i32
      %dma_wait3A_433 = tpu.memref_slice %arg10[%dma_wait3A_430, %dma_wait3A_431, %dma_wait3A_432] : memref<4x50x128xf32, #tpu.memory_space<vmem>> -> memref<1x50x128xf32, #tpu.memory_space<vmem>>
      %dma_wait3A_434 = tpu.memref_squeeze %dma_wait3A_433 : memref<1x50x128xf32, #tpu.memory_space<vmem>> -> memref<50x128xf32, #tpu.memory_space<vmem>>
      %dma_wait3A_435 = arith.constant 0 : i32
      %dma_wait3A_436 = tpu.memref_slice %arg7[%dma_wait3A_429, %dma_wait3A_435] : memref<8x50xi32, #tpu.memory_space<vmem>> -> memref<1x50xi32, #tpu.memory_space<vmem>>
      %dma_wait3A_437 = tpu.memref_squeeze %dma_wait3A_436 : memref<1x50xi32, #tpu.memory_space<vmem>> -> memref<50xi32, #tpu.memory_space<vmem>>
      %dma_wait3A_438 = arith.constant 0 : i32
      %dma_wait3A_439 = arith.constant 0 : i32
      %dma_wait3A_440 = tpu.memref_slice %arg2[%dma_wait3A_438, %dma_wait3A_439] : memref<1000000x128xf32, #tpu.memory_space<hbm>> -> memref<1000000x128xf32, #tpu.memory_space<hbm>>
      tpu.wait_indirect_dma semaphore(%arg13 : memref<!tpu.dma_semaphore, #tpu.memory_space<semaphore_mem>>) src(%dma_wait3A_440 : memref<1000000x128xf32, #tpu.memory_space<hbm>>) dst(%dma_wait3A_434 : memref<50x128xf32, #tpu.memory_space<vmem>>)
      %scan3A_441 = arith.constant 0 : i32
      %scan3A_442 = arith.constant 0 : i32
      %scan3A_443 = arith.constant 25 : i32
      %scan3A_444 = arith.addi %scan3A_442, %scan3A_443 : i32
      %scan3A_445 = arith.constant 1 : i32
      %scan3A_446 = scf.for %scan3A_663 = %scan3A_442 to %scan3A_444 step %scan3A_445 iter_args(%scan3A_664 = %scan3A_441) -> (i32)  : i32 {
        %mul3A_665 = arith.constant 2 : i32
        %mul3A_666 = arith.muli %scan3A_663, %mul3A_665 : i32
        %add3A_667 = arith.constant 0 : i32
        %add3A_668 = arith.addi %mul3A_666, %add3A_667 : i32
        %get3A = arith.constant 0 : i32
        %get3A_669 = arith.index_cast %get3A : i32 to index
        %get3A_670 = arith.index_cast %add3A_668 : i32 to index
        %get3A_671 = arith.constant 0 : index
        %get3A_672 = tpu.vector_load %arg10[%get3A_669, %get3A_670, %get3A_671] {strides = array<i32>} : memref<4x50x128xf32, #tpu.memory_space<vmem>>, vector<1x1x16xf32>,
        %get3A_673 = vector.shape_cast %get3A_672 : vector<1x1x16xf32> to vector<16xf32>
        %swap3A = arith.constant 4 : i32
        %swap3A_674 = arith.index_cast %swap3A : i32 to index
        %swap3A_675 = arith.index_cast %add3A_668 : i32 to index
        %swap3A_676 = arith.constant 0 : index
        %swap3A_677 = tpu.vector_load %arg11[%swap3A_674, %swap3A_675, %swap3A_676] {strides = array<i32>} : memref<8x50x32xf32, #tpu.memory_space<vmem>>, vector<1x1x16xf32>,
        %swap3A_678 = vector.shape_cast %swap3A_677 : vector<1x1x16xf32> to vector<16xf32>
        %swap3A_679 = vector.shape_cast %get3A_673 : vector<16xf32> to vector<1x1x16xf32>
        tpu.vector_store %arg11[%swap3A_674, %swap3A_675, %swap3A_676], %swap3A_679 {strides = array<i32>} : memref<8x50x32xf32, #tpu.memory_space<vmem>>, vector<1x1x16xf32>,
        %get3A_680 = arith.constant 0 : i32
        %get3A_681 = arith.index_cast %get3A_680 : i32 to index
        %get3A_682 = arith.index_cast %add3A_668 : i32 to index
        %get3A_683 = arith.constant 16 : index
        %get3A_684 = tpu.vector_load %arg10[%get3A_681, %get3A_682, %get3A_683] {strides = array<i32>} : memref<4x50x128xf32, #tpu.memory_space<vmem>>, vector<1x1x16xf32>,
        %get3A_685 = vector.shape_cast %get3A_684 : vector<1x1x16xf32> to vector<16xf32>
        %swap3A_686 = arith.constant 4 : i32
        %swap3A_687 = arith.index_cast %swap3A_686 : i32 to index
        %swap3A_688 = arith.index_cast %add3A_668 : i32 to index
        %swap3A_689 = arith.constant 16 : index
        %swap3A_690 = tpu.vector_load %arg11[%swap3A_687, %swap3A_688, %swap3A_689] {strides = array<i32>} : memref<8x50x32xf32, #tpu.memory_space<vmem>>, vector<1x1x16xf32>,
        %swap3A_691 = vector.shape_cast %swap3A_690 : vector<1x1x16xf32> to vector<16xf32>
        %swap3A_692 = vector.shape_cast %get3A_685 : vector<16xf32> to vector<1x1x16xf32>
        tpu.vector_store %arg11[%swap3A_687, %swap3A_688, %swap3A_689], %swap3A_692 {strides = array<i32>} : memref<8x50x32xf32, #tpu.memory_space<vmem>>, vector<1x1x16xf32>,
        %get3A_693 = arith.constant 1 : i32
        %get3A_694 = arith.index_cast %get3A_693 : i32 to index
        %get3A_695 = arith.index_cast %add3A_668 : i32 to index
        %get3A_696 = arith.constant 0 : index
        %get3A_697 = tpu.vector_load %arg10[%get3A_694, %get3A_695, %get3A_696] {strides = array<i32>} : memref<4x50x128xf32, #tpu.memory_space<vmem>>, vector<1x1x16xf32>,
        %get3A_698 = vector.shape_cast %get3A_697 : vector<1x1x16xf32> to vector<16xf32>
        %swap3A_699 = arith.constant 5 : i32
        %swap3A_700 = arith.index_cast %swap3A_699 : i32 to index
        %swap3A_701 = arith.index_cast %add3A_668 : i32 to index
        %swap3A_702 = arith.constant 0 : index
        %swap3A_703 = tpu.vector_load %arg11[%swap3A_700, %swap3A_701, %swap3A_702] {strides = array<i32>} : memref<8x50x32xf32, #tpu.memory_space<vmem>>, vector<1x1x16xf32>,
        %swap3A_704 = vector.shape_cast %swap3A_703 : vector<1x1x16xf32> to vector<16xf32>
        %swap3A_705 = vector.shape_cast %get3A_698 : vector<16xf32> to vector<1x1x16xf32>
        tpu.vector_store %arg11[%swap3A_700, %swap3A_701, %swap3A_702], %swap3A_705 {strides = array<i32>} : memref<8x50x32xf32, #tpu.memory_space<vmem>>, vector<1x1x16xf32>,
        %get3A_706 = arith.constant 1 : i32
        %get3A_707 = arith.index_cast %get3A_706 : i32 to index
        %get3A_708 = arith.index_cast %add3A_668 : i32 to index
        %get3A_709 = arith.constant 16 : index
        %get3A_710 = tpu.vector_load %arg10[%get3A_707, %get3A_708, %get3A_709] {strides = array<i32>} : memref<4x50x128xf32, #tpu.memory_space<vmem>>, vector<1x1x16xf32>,
        %get3A_711 = vector.shape_cast %get3A_710 : vector<1x1x16xf32> to vector<16xf32>
        %swap3A_712 = arith.constant 5 : i32
        %swap3A_713 = arith.index_cast %swap3A_712 : i32 to index
        %swap3A_714 = arith.index_cast %add3A_668 : i32 to index
        %swap3A_715 = arith.constant 16 : index
        %swap3A_716 = tpu.vector_load %arg11[%swap3A_713, %swap3A_714, %swap3A_715] {strides = array<i32>} : memref<8x50x32xf32, #tpu.memory_space<vmem>>, vector<1x1x16xf32>,
        %swap3A_717 = vector.shape_cast %swap3A_716 : vector<1x1x16xf32> to vector<16xf32>
        %swap3A_718 = vector.shape_cast %get3A_711 : vector<16xf32> to vector<1x1x16xf32>
        tpu.vector_store %arg11[%swap3A_713, %swap3A_714, %swap3A_715], %swap3A_718 {strides = array<i32>} : memref<8x50x32xf32, #tpu.memory_space<vmem>>, vector<1x1x16xf32>,
        %get3A_719 = arith.constant 2 : i32
        %get3A_720 = arith.index_cast %get3A_719 : i32 to index
        %get3A_721 = arith.index_cast %add3A_668 : i32 to index
        %get3A_722 = arith.constant 0 : index
        %get3A_723 = tpu.vector_load %arg10[%get3A_720, %get3A_721, %get3A_722] {strides = array<i32>} : memref<4x50x128xf32, #tpu.memory_space<vmem>>, vector<1x1x16xf32>,
        %get3A_724 = vector.shape_cast %get3A_723 : vector<1x1x16xf32> to vector<16xf32>
        %swap3A_725 = arith.constant 6 : i32
        %swap3A_726 = arith.index_cast %swap3A_725 : i32 to index
        %swap3A_727 = arith.index_cast %add3A_668 : i32 to index
        %swap3A_728 = arith.constant 0 : index
        %swap3A_729 = tpu.vector_load %arg11[%swap3A_726, %swap3A_727, %swap3A_728] {strides = array<i32>} : memref<8x50x32xf32, #tpu.memory_space<vmem>>, vector<1x1x16xf32>,
        %swap3A_730 = vector.shape_cast %swap3A_729 : vector<1x1x16xf32> to vector<16xf32>
        %swap3A_731 = vector.shape_cast %get3A_724 : vector<16xf32> to vector<1x1x16xf32>
        tpu.vector_store %arg11[%swap3A_726, %swap3A_727, %swap3A_728], %swap3A_731 {strides = array<i32>} : memref<8x50x32xf32, #tpu.memory_space<vmem>>, vector<1x1x16xf32>,
        %get3A_732 = arith.constant 2 : i32
        %get3A_733 = arith.index_cast %get3A_732 : i32 to index
        %get3A_734 = arith.index_cast %add3A_668 : i32 to index
        %get3A_735 = arith.constant 16 : index
        %get3A_736 = tpu.vector_load %arg10[%get3A_733, %get3A_734, %get3A_735] {strides = array<i32>} : memref<4x50x128xf32, #tpu.memory_space<vmem>>, vector<1x1x16xf32>,
        %get3A_737 = vector.shape_cast %get3A_736 : vector<1x1x16xf32> to vector<16xf32>
        %swap3A_738 = arith.constant 6 : i32
        %swap3A_739 = arith.index_cast %swap3A_738 : i32 to index
        %swap3A_740 = arith.index_cast %add3A_668 : i32 to index
        %swap3A_741 = arith.constant 16 : index
        %swap3A_742 = tpu.vector_load %arg11[%swap3A_739, %swap3A_740, %swap3A_741] {strides = array<i32>} : memref<8x50x32xf32, #tpu.memory_space<vmem>>, vector<1x1x16xf32>,
        %swap3A_743 = vector.shape_cast %swap3A_742 : vector<1x1x16xf32> to vector<16xf32>
        %swap3A_744 = vector.shape_cast %get3A_737 : vector<16xf32> to vector<1x1x16xf32>
        tpu.vector_store %arg11[%swap3A_739, %swap3A_740, %swap3A_741], %swap3A_744 {strides = array<i32>} : memref<8x50x32xf32, #tpu.memory_space<vmem>>, vector<1x1x16xf32>,
        %get3A_745 = arith.constant 3 : i32
        %get3A_746 = arith.index_cast %get3A_745 : i32 to index
        %get3A_747 = arith.index_cast %add3A_668 : i32 to index
        %get3A_748 = arith.constant 0 : index
        %get3A_749 = tpu.vector_load %arg10[%get3A_746, %get3A_747, %get3A_748] {strides = array<i32>} : memref<4x50x128xf32, #tpu.memory_space<vmem>>, vector<1x1x16xf32>,
        %get3A_750 = vector.shape_cast %get3A_749 : vector<1x1x16xf32> to vector<16xf32>
        %swap3A_751 = arith.constant 7 : i32
        %swap3A_752 = arith.index_cast %swap3A_751 : i32 to index
        %swap3A_753 = arith.index_cast %add3A_668 : i32 to index
        %swap3A_754 = arith.constant 0 : index
        %swap3A_755 = tpu.vector_load %arg11[%swap3A_752, %swap3A_753, %swap3A_754] {strides = array<i32>} : memref<8x50x32xf32, #tpu.memory_space<vmem>>, vector<1x1x16xf32>,
        %swap3A_756 = vector.shape_cast %swap3A_755 : vector<1x1x16xf32> to vector<16xf32>
        %swap3A_757 = vector.shape_cast %get3A_750 : vector<16xf32> to vector<1x1x16xf32>
        tpu.vector_store %arg11[%swap3A_752, %swap3A_753, %swap3A_754], %swap3A_757 {strides = array<i32>} : memref<8x50x32xf32, #tpu.memory_space<vmem>>, vector<1x1x16xf32>,
        %get3A_758 = arith.constant 3 : i32
        %get3A_759 = arith.index_cast %get3A_758 : i32 to index
        %get3A_760 = arith.index_cast %add3A_668 : i32 to index
        %get3A_761 = arith.constant 16 : index
        %get3A_762 = tpu.vector_load %arg10[%get3A_759, %get3A_760, %get3A_761] {strides = array<i32>} : memref<4x50x128xf32, #tpu.memory_space<vmem>>, vector<1x1x16xf32>,
        %get3A_763 = vector.shape_cast %get3A_762 : vector<1x1x16xf32> to vector<16xf32>
        %swap3A_764 = arith.constant 7 : i32
        %swap3A_765 = arith.index_cast %swap3A_764 : i32 to index
        %swap3A_766 = arith.index_cast %add3A_668 : i32 to index
        %swap3A_767 = arith.constant 16 : index
        %swap3A_768 = tpu.vector_load %arg11[%swap3A_765, %swap3A_766, %swap3A_767] {strides = array<i32>} : memref<8x50x32xf32, #tpu.memory_space<vmem>>, vector<1x1x16xf32>,
        %swap3A_769 = vector.shape_cast %swap3A_768 : vector<1x1x16xf32> to vector<16xf32>
        %swap3A_770 = vector.shape_cast %get3A_763 : vector<16xf32> to vector<1x1x16xf32>
        tpu.vector_store %arg11[%swap3A_765, %swap3A_766, %swap3A_767], %swap3A_770 {strides = array<i32>} : memref<8x50x32xf32, #tpu.memory_space<vmem>>, vector<1x1x16xf32>,
        %mul3A_771 = arith.constant 2 : i32
        %mul3A_772 = arith.muli %scan3A_663, %mul3A_771 : i32
        %add3A_773 = arith.constant 1 : i32
        %add3A_774 = arith.addi %mul3A_772, %add3A_773 : i32
        %get3A_775 = arith.constant 0 : i32
        %get3A_776 = arith.index_cast %get3A_775 : i32 to index
        %get3A_777 = arith.index_cast %add3A_774 : i32 to index
        %get3A_778 = arith.constant 0 : index
        %get3A_779 = tpu.vector_load %arg10[%get3A_776, %get3A_777, %get3A_778] {strides = array<i32>} : memref<4x50x128xf32, #tpu.memory_space<vmem>>, vector<1x1x16xf32>,
        %get3A_780 = vector.shape_cast %get3A_779 : vector<1x1x16xf32> to vector<16xf32>
        %swap3A_781 = arith.constant 4 : i32
        %swap3A_782 = arith.index_cast %swap3A_781 : i32 to index
        %swap3A_783 = arith.index_cast %add3A_774 : i32 to index
        %swap3A_784 = arith.constant 0 : index
        %swap3A_785 = tpu.vector_load %arg11[%swap3A_782, %swap3A_783, %swap3A_784] {strides = array<i32>} : memref<8x50x32xf32, #tpu.memory_space<vmem>>, vector<1x1x16xf32>,
        %swap3A_786 = vector.shape_cast %swap3A_785 : vector<1x1x16xf32> to vector<16xf32>
        %swap3A_787 = vector.shape_cast %get3A_780 : vector<16xf32> to vector<1x1x16xf32>
        tpu.vector_store %arg11[%swap3A_782, %swap3A_783, %swap3A_784], %swap3A_787 {strides = array<i32>} : memref<8x50x32xf32, #tpu.memory_space<vmem>>, vector<1x1x16xf32>,
        %get3A_788 = arith.constant 0 : i32
        %get3A_789 = arith.index_cast %get3A_788 : i32 to index
        %get3A_790 = arith.index_cast %add3A_774 : i32 to index
        %get3A_791 = arith.constant 16 : index
        %get3A_792 = tpu.vector_load %arg10[%get3A_789, %get3A_790, %get3A_791] {strides = array<i32>} : memref<4x50x128xf32, #tpu.memory_space<vmem>>, vector<1x1x16xf32>,
        %get3A_793 = vector.shape_cast %get3A_792 : vector<1x1x16xf32> to vector<16xf32>
        %swap3A_794 = arith.constant 4 : i32
        %swap3A_795 = arith.index_cast %swap3A_794 : i32 to index
        %swap3A_796 = arith.index_cast %add3A_774 : i32 to index
        %swap3A_797 = arith.constant 16 : index
        %swap3A_798 = tpu.vector_load %arg11[%swap3A_795, %swap3A_796, %swap3A_797] {strides = array<i32>} : memref<8x50x32xf32, #tpu.memory_space<vmem>>, vector<1x1x16xf32>,
        %swap3A_799 = vector.shape_cast %swap3A_798 : vector<1x1x16xf32> to vector<16xf32>
        %swap3A_800 = vector.shape_cast %get3A_793 : vector<16xf32> to vector<1x1x16xf32>
        tpu.vector_store %arg11[%swap3A_795, %swap3A_796, %swap3A_797], %swap3A_800 {strides = array<i32>} : memref<8x50x32xf32, #tpu.memory_space<vmem>>, vector<1x1x16xf32>,
        %get3A_801 = arith.constant 1 : i32
        %get3A_802 = arith.index_cast %get3A_801 : i32 to index
        %get3A_803 = arith.index_cast %add3A_774 : i32 to index
        %get3A_804 = arith.constant 0 : index
        %get3A_805 = tpu.vector_load %arg10[%get3A_802, %get3A_803, %get3A_804] {strides = array<i32>} : memref<4x50x128xf32, #tpu.memory_space<vmem>>, vector<1x1x16xf32>,
        %get3A_806 = vector.shape_cast %get3A_805 : vector<1x1x16xf32> to vector<16xf32>
        %swap3A_807 = arith.constant 5 : i32
        %swap3A_808 = arith.index_cast %swap3A_807 : i32 to index
        %swap3A_809 = arith.index_cast %add3A_774 : i32 to index
        %swap3A_810 = arith.constant 0 : index
        %swap3A_811 = tpu.vector_load %arg11[%swap3A_808, %swap3A_809, %swap3A_810] {strides = array<i32>} : memref<8x50x32xf32, #tpu.memory_space<vmem>>, vector<1x1x16xf32>,
        %swap3A_812 = vector.shape_cast %swap3A_811 : vector<1x1x16xf32> to vector<16xf32>
        %swap3A_813 = vector.shape_cast %get3A_806 : vector<16xf32> to vector<1x1x16xf32>
        tpu.vector_store %arg11[%swap3A_808, %swap3A_809, %swap3A_810], %swap3A_813 {strides = array<i32>} : memref<8x50x32xf32, #tpu.memory_space<vmem>>, vector<1x1x16xf32>,
        %get3A_814 = arith.constant 1 : i32
        %get3A_815 = arith.index_cast %get3A_814 : i32 to index
        %get3A_816 = arith.index_cast %add3A_774 : i32 to index
        %get3A_817 = arith.constant 16 : index
        %get3A_818 = tpu.vector_load %arg10[%get3A_815, %get3A_816, %get3A_817] {strides = array<i32>} : memref<4x50x128xf32, #tpu.memory_space<vmem>>, vector<1x1x16xf32>,
        %get3A_819 = vector.shape_cast %get3A_818 : vector<1x1x16xf32> to vector<16xf32>
        %swap3A_820 = arith.constant 5 : i32
        %swap3A_821 = arith.index_cast %swap3A_820 : i32 to index
        %swap3A_822 = arith.index_cast %add3A_774 : i32 to index
        %swap3A_823 = arith.constant 16 : index
        %swap3A_824 = tpu.vector_load %arg11[%swap3A_821, %swap3A_822, %swap3A_823] {strides = array<i32>} : memref<8x50x32xf32, #tpu.memory_space<vmem>>, vector<1x1x16xf32>,
        %swap3A_825 = vector.shape_cast %swap3A_824 : vector<1x1x16xf32> to vector<16xf32>
        %swap3A_826 = vector.shape_cast %get3A_819 : vector<16xf32> to vector<1x1x16xf32>
        tpu.vector_store %arg11[%swap3A_821, %swap3A_822, %swap3A_823], %swap3A_826 {strides = array<i32>} : memref<8x50x32xf32, #tpu.memory_space<vmem>>, vector<1x1x16xf32>,
        %get3A_827 = arith.constant 2 : i32
        %get3A_828 = arith.index_cast %get3A_827 : i32 to index
        %get3A_829 = arith.index_cast %add3A_774 : i32 to index
        %get3A_830 = arith.constant 0 : index
        %get3A_831 = tpu.vector_load %arg10[%get3A_828, %get3A_829, %get3A_830] {strides = array<i32>} : memref<4x50x128xf32, #tpu.memory_space<vmem>>, vector<1x1x16xf32>,
        %get3A_832 = vector.shape_cast %get3A_831 : vector<1x1x16xf32> to vector<16xf32>
        %swap3A_833 = arith.constant 6 : i32
        %swap3A_834 = arith.index_cast %swap3A_833 : i32 to index
        %swap3A_835 = arith.index_cast %add3A_774 : i32 to index
        %swap3A_836 = arith.constant 0 : index
        %swap3A_837 = tpu.vector_load %arg11[%swap3A_834, %swap3A_835, %swap3A_836] {strides = array<i32>} : memref<8x50x32xf32, #tpu.memory_space<vmem>>, vector<1x1x16xf32>,
        %swap3A_838 = vector.shape_cast %swap3A_837 : vector<1x1x16xf32> to vector<16xf32>
        %swap3A_839 = vector.shape_cast %get3A_832 : vector<16xf32> to vector<1x1x16xf32>
        tpu.vector_store %arg11[%swap3A_834, %swap3A_835, %swap3A_836], %swap3A_839 {strides = array<i32>} : memref<8x50x32xf32, #tpu.memory_space<vmem>>, vector<1x1x16xf32>,
        %get3A_840 = arith.constant 2 : i32
        %get3A_841 = arith.index_cast %get3A_840 : i32 to index
        %get3A_842 = arith.index_cast %add3A_774 : i32 to index
        %get3A_843 = arith.constant 16 : index
        %get3A_844 = tpu.vector_load %arg10[%get3A_841, %get3A_842, %get3A_843] {strides = array<i32>} : memref<4x50x128xf32, #tpu.memory_space<vmem>>, vector<1x1x16xf32>,
        %get3A_845 = vector.shape_cast %get3A_844 : vector<1x1x16xf32> to vector<16xf32>
        %swap3A_846 = arith.constant 6 : i32
        %swap3A_847 = arith.index_cast %swap3A_846 : i32 to index
        %swap3A_848 = arith.index_cast %add3A_774 : i32 to index
        %swap3A_849 = arith.constant 16 : index
        %swap3A_850 = tpu.vector_load %arg11[%swap3A_847, %swap3A_848, %swap3A_849] {strides = array<i32>} : memref<8x50x32xf32, #tpu.memory_space<vmem>>, vector<1x1x16xf32>,
        %swap3A_851 = vector.shape_cast %swap3A_850 : vector<1x1x16xf32> to vector<16xf32>
        %swap3A_852 = vector.shape_cast %get3A_845 : vector<16xf32> to vector<1x1x16xf32>
        tpu.vector_store %arg11[%swap3A_847, %swap3A_848, %swap3A_849], %swap3A_852 {strides = array<i32>} : memref<8x50x32xf32, #tpu.memory_space<vmem>>, vector<1x1x16xf32>,
        %get3A_853 = arith.constant 3 : i32
        %get3A_854 = arith.index_cast %get3A_853 : i32 to index
        %get3A_855 = arith.index_cast %add3A_774 : i32 to index
        %get3A_856 = arith.constant 0 : index
        %get3A_857 = tpu.vector_load %arg10[%get3A_854, %get3A_855, %get3A_856] {strides = array<i32>} : memref<4x50x128xf32, #tpu.memory_space<vmem>>, vector<1x1x16xf32>,
        %get3A_858 = vector.shape_cast %get3A_857 : vector<1x1x16xf32> to vector<16xf32>
        %swap3A_859 = arith.constant 7 : i32
        %swap3A_860 = arith.index_cast %swap3A_859 : i32 to index
        %swap3A_861 = arith.index_cast %add3A_774 : i32 to index
        %swap3A_862 = arith.constant 0 : index
        %swap3A_863 = tpu.vector_load %arg11[%swap3A_860, %swap3A_861, %swap3A_862] {strides = array<i32>} : memref<8x50x32xf32, #tpu.memory_space<vmem>>, vector<1x1x16xf32>,
        %swap3A_864 = vector.shape_cast %swap3A_863 : vector<1x1x16xf32> to vector<16xf32>
        %swap3A_865 = vector.shape_cast %get3A_858 : vector<16xf32> to vector<1x1x16xf32>
        tpu.vector_store %arg11[%swap3A_860, %swap3A_861, %swap3A_862], %swap3A_865 {strides = array<i32>} : memref<8x50x32xf32, #tpu.memory_space<vmem>>, vector<1x1x16xf32>,
        %get3A_866 = arith.constant 3 : i32
        %get3A_867 = arith.index_cast %get3A_866 : i32 to index
        %get3A_868 = arith.index_cast %add3A_774 : i32 to index
        %get3A_869 = arith.constant 16 : index
        %get3A_870 = tpu.vector_load %arg10[%get3A_867, %get3A_868, %get3A_869] {strides = array<i32>} : memref<4x50x128xf32, #tpu.memory_space<vmem>>, vector<1x1x16xf32>,
        %get3A_871 = vector.shape_cast %get3A_870 : vector<1x1x16xf32> to vector<16xf32>
        %swap3A_872 = arith.constant 7 : i32
        %swap3A_873 = arith.index_cast %swap3A_872 : i32 to index
        %swap3A_874 = arith.index_cast %add3A_774 : i32 to index
        %swap3A_875 = arith.constant 16 : index
        %swap3A_876 = tpu.vector_load %arg11[%swap3A_873, %swap3A_874, %swap3A_875] {strides = array<i32>} : memref<8x50x32xf32, #tpu.memory_space<vmem>>, vector<1x1x16xf32>,
        %swap3A_877 = vector.shape_cast %swap3A_876 : vector<1x1x16xf32> to vector<16xf32>
        %swap3A_878 = vector.shape_cast %get3A_871 : vector<16xf32> to vector<1x1x16xf32>
        tpu.vector_store %arg11[%swap3A_873, %swap3A_874, %swap3A_875], %swap3A_878 {strides = array<i32>} : memref<8x50x32xf32, #tpu.memory_space<vmem>>, vector<1x1x16xf32>,
        %scan3A_879 = arith.constant 0 : i32
        scf.yield %scan3A_879 : i32
      }
      %scan3A_447 = arith.constant 25 : i32
      %dma_start3A_448 = arith.constant 4 : i32
      %dma_start3A_449 = arith.constant 0 : i32
      %dma_start3A_450 = arith.constant 0 : i32
      %dma_start3A_451 = arith.constant 0 : i32
      %dma_start3A_452 = tpu.memref_slice %arg10[%dma_start3A_449, %dma_start3A_450, %dma_start3A_451] : memref<4x50x128xf32, #tpu.memory_space<vmem>> -> memref<1x50x128xf32, #tpu.memory_space<vmem>>
      %dma_start3A_453 = tpu.memref_squeeze %dma_start3A_452 : memref<1x50x128xf32, #tpu.memory_space<vmem>> -> memref<50x128xf32, #tpu.memory_space<vmem>>
      %dma_start3A_454 = arith.constant 0 : i32
      %dma_start3A_455 = tpu.memref_slice %arg8[%dma_start3A_448, %dma_start3A_454] : memref<8x50xi32, #tpu.memory_space<vmem>> -> memref<1x50xi32, #tpu.memory_space<vmem>>
      %dma_start3A_456 = tpu.memref_squeeze %dma_start3A_455 : memref<1x50xi32, #tpu.memory_space<vmem>> -> memref<50xi32, #tpu.memory_space<vmem>>
      %dma_start3A_457 = arith.constant 0 : i32
      %dma_start3A_458 = arith.constant 0 : i32
      %dma_start3A_459 = tpu.memref_slice %arg2[%dma_start3A_457, %dma_start3A_458] : memref<1000000x128xf32, #tpu.memory_space<hbm>> -> memref<1000000x128xf32, #tpu.memory_space<hbm>>
      tpu.enqueue_indirect_dma source(%dma_start3A_459 : memref<1000000x128xf32, #tpu.memory_space<hbm>>) target(%dma_start3A_453 : memref<50x128xf32, #tpu.memory_space<vmem>>) offsets(%dma_start3A_456 : memref<50xi32, #tpu.memory_space<vmem>>) semaphore(%arg13 : memref<!tpu.dma_semaphore, #tpu.memory_space<semaphore_mem>>)
      %dma_start3A_460 = arith.constant 5 : i32
      %dma_start3A_461 = arith.constant 1 : i32
      %dma_start3A_462 = arith.constant 0 : i32
      %dma_start3A_463 = arith.constant 0 : i32
      %dma_start3A_464 = tpu.memref_slice %arg10[%dma_start3A_461, %dma_start3A_462, %dma_start3A_463] : memref<4x50x128xf32, #tpu.memory_space<vmem>> -> memref<1x50x128xf32, #tpu.memory_space<vmem>>
      %dma_start3A_465 = tpu.memref_squeeze %dma_start3A_464 : memref<1x50x128xf32, #tpu.memory_space<vmem>> -> memref<50x128xf32, #tpu.memory_space<vmem>>
      %dma_start3A_466 = arith.constant 0 : i32
      %dma_start3A_467 = tpu.memref_slice %arg8[%dma_start3A_460, %dma_start3A_466] : memref<8x50xi32, #tpu.memory_space<vmem>> -> memref<1x50xi32, #tpu.memory_space<vmem>>
      %dma_start3A_468 = tpu.memref_squeeze %dma_start3A_467 : memref<1x50xi32, #tpu.memory_space<vmem>> -> memref<50xi32, #tpu.memory_space<vmem>>
      %dma_start3A_469 = arith.constant 0 : i32
      %dma_start3A_470 = arith.constant 0 : i32
      %dma_start3A_471 = tpu.memref_slice %arg2[%dma_start3A_469, %dma_start3A_470] : memref<1000000x128xf32, #tpu.memory_space<hbm>> -> memref<1000000x128xf32, #tpu.memory_space<hbm>>
      tpu.enqueue_indirect_dma source(%dma_start3A_471 : memref<1000000x128xf32, #tpu.memory_space<hbm>>) target(%dma_start3A_465 : memref<50x128xf32, #tpu.memory_space<vmem>>) offsets(%dma_start3A_468 : memref<50xi32, #tpu.memory_space<vmem>>) semaphore(%arg13 : memref<!tpu.dma_semaphore, #tpu.memory_space<semaphore_mem>>)
      %dma_start3A_472 = arith.constant 6 : i32
      %dma_start3A_473 = arith.constant 2 : i32
      %dma_start3A_474 = arith.constant 0 : i32
      %dma_start3A_475 = arith.constant 0 : i32
      %dma_start3A_476 = tpu.memref_slice %arg10[%dma_start3A_473, %dma_start3A_474, %dma_start3A_475] : memref<4x50x128xf32, #tpu.memory_space<vmem>> -> memref<1x50x128xf32, #tpu.memory_space<vmem>>
      %dma_start3A_477 = tpu.memref_squeeze %dma_start3A_476 : memref<1x50x128xf32, #tpu.memory_space<vmem>> -> memref<50x128xf32, #tpu.memory_space<vmem>>
      %dma_start3A_478 = arith.constant 0 : i32
      %dma_start3A_479 = tpu.memref_slice %arg8[%dma_start3A_472, %dma_start3A_478] : memref<8x50xi32, #tpu.memory_space<vmem>> -> memref<1x50xi32, #tpu.memory_space<vmem>>
      %dma_start3A_480 = tpu.memref_squeeze %dma_start3A_479 : memref<1x50xi32, #tpu.memory_space<vmem>> -> memref<50xi32, #tpu.memory_space<vmem>>
      %dma_start3A_481 = arith.constant 0 : i32
      %dma_start3A_482 = arith.constant 0 : i32
      %dma_start3A_483 = tpu.memref_slice %arg2[%dma_start3A_481, %dma_start3A_482] : memref<1000000x128xf32, #tpu.memory_space<hbm>> -> memref<1000000x128xf32, #tpu.memory_space<hbm>>
      tpu.enqueue_indirect_dma source(%dma_start3A_483 : memref<1000000x128xf32, #tpu.memory_space<hbm>>) target(%dma_start3A_477 : memref<50x128xf32, #tpu.memory_space<vmem>>) offsets(%dma_start3A_480 : memref<50xi32, #tpu.memory_space<vmem>>) semaphore(%arg13 : memref<!tpu.dma_semaphore, #tpu.memory_space<semaphore_mem>>)
      %dma_start3A_484 = arith.constant 7 : i32
      %dma_start3A_485 = arith.constant 3 : i32
      %dma_start3A_486 = arith.constant 0 : i32
      %dma_start3A_487 = arith.constant 0 : i32
      %dma_start3A_488 = tpu.memref_slice %arg10[%dma_start3A_485, %dma_start3A_486, %dma_start3A_487] : memref<4x50x128xf32, #tpu.memory_space<vmem>> -> memref<1x50x128xf32, #tpu.memory_space<vmem>>
      %dma_start3A_489 = tpu.memref_squeeze %dma_start3A_488 : memref<1x50x128xf32, #tpu.memory_space<vmem>> -> memref<50x128xf32, #tpu.memory_space<vmem>>
      %dma_start3A_490 = arith.constant 0 : i32
      %dma_start3A_491 = tpu.memref_slice %arg8[%dma_start3A_484, %dma_start3A_490] : memref<8x50xi32, #tpu.memory_space<vmem>> -> memref<1x50xi32, #tpu.memory_space<vmem>>
      %dma_start3A_492 = tpu.memref_squeeze %dma_start3A_491 : memref<1x50xi32, #tpu.memory_space<vmem>> -> memref<50xi32, #tpu.memory_space<vmem>>
      %dma_start3A_493 = arith.constant 0 : i32
      %dma_start3A_494 = arith.constant 0 : i32
      %dma_start3A_495 = tpu.memref_slice %arg2[%dma_start3A_493, %dma_start3A_494] : memref<1000000x128xf32, #tpu.memory_space<hbm>> -> memref<1000000x128xf32, #tpu.memory_space<hbm>>
      tpu.enqueue_indirect_dma source(%dma_start3A_495 : memref<1000000x128xf32, #tpu.memory_space<hbm>>) target(%dma_start3A_489 : memref<50x128xf32, #tpu.memory_space<vmem>>) offsets(%dma_start3A_492 : memref<50xi32, #tpu.memory_space<vmem>>) semaphore(%arg13 : memref<!tpu.dma_semaphore, #tpu.memory_space<semaphore_mem>>)
      %mul3A_496 = arith.constant 8 : i32
      %mul3A_497 = arith.muli %mul3A_274, %mul3A_496 : i32
      %add3A_498 = arith.addi %mul3A_2, %mul3A_497 : i32
      %multiple_of3A_499 = tpu.assume_multiple %add3A_498, 8 : i32
      %dma_start3A_500 = arith.constant 0 : i32
      %dma_start3A_501 = arith.constant 0 : i32
      %dma_start3A_502 = arith.constant 0 : i32
      %dma_start3A_503 = tpu.memref_slice %arg6[%dma_start3A_500, %multiple_of3A_499, %dma_start3A_501, %dma_start3A_502] : memref<2x16384x50x32xf32, #tpu.memory_space<hbm>> -> memref<1x8x50x32xf32, #tpu.memory_space<hbm>>
      %dma_start3A_504 = tpu.memref_squeeze %dma_start3A_503 : memref<1x8x50x32xf32, #tpu.memory_space<hbm>> -> memref<8x50x32xf32, #tpu.memory_space<hbm>>
      %dma_start3A_505 = arith.constant 0 : i32
      %dma_start3A_506 = arith.constant 0 : i32
      %dma_start3A_507 = tpu.memref_slice %arg6[%dma_start3A_500, %multiple_of3A_499, %dma_start3A_505, %dma_start3A_506] : memref<2x16384x50x32xf32, #tpu.memory_space<hbm>> -> memref<1x8x50x32xf32, #tpu.memory_space<hbm>>
      %dma_start3A_508 = tpu.memref_squeeze %dma_start3A_507 : memref<1x8x50x32xf32, #tpu.memory_space<hbm>> -> memref<8x50x32xf32, #tpu.memory_space<hbm>>
      tpu.enqueue_dma source(%arg11 : memref<8x50x32xf32, #tpu.memory_space<vmem>>) target(%dma_start3A_508 : memref<8x50x32xf32, #tpu.memory_space<hbm>>) target_semaphore(%arg14 : memref<!tpu.dma_semaphore, #tpu.memory_space<semaphore_mem>>)
      %convert_element_type3A_509 = arith.extui %lt3A_278 : i1 to i32
      %cond3A_510 = arith.constant 0 : i32
      %cond3A_511 = arith.cmpi ne, %convert_element_type3A_509, %cond3A_510 : i32
      scf.if %cond3A_511 {
        %add3A_663 = arith.constant 2 : i32
        %add3A_664 = arith.addi %mul3A_274, %add3A_663 : i32
        %mul3A_665 = arith.constant 8 : i32
        %mul3A_666 = arith.muli %add3A_664, %mul3A_665 : i32
        %add3A_667 = arith.addi %mul3A_2, %mul3A_666 : i32
        %multiple_of3A_668 = tpu.assume_multiple %add3A_667, 8 : i32
        %dma_start3A_669 = arith.constant 0 : i32
        %dma_start3A_670 = tpu.memref_slice %arg4[%multiple_of3A_668, %dma_start3A_669] : memref<16384x50xi32, #tpu.memory_space<hbm>> -> memref<8x50xi32, #tpu.memory_space<hbm>>
        %dma_start3A_671 = arith.constant 0 : i32
        %dma_start3A_672 = tpu.memref_slice %arg4[%multiple_of3A_668, %dma_start3A_671] : memref<16384x50xi32, #tpu.memory_space<hbm>> -> memref<8x50xi32, #tpu.memory_space<hbm>>
        tpu.enqueue_dma source(%dma_start3A_672 : memref<8x50xi32, #tpu.memory_space<hbm>>) target(%arg7 : memref<8x50xi32, #tpu.memory_space<vmem>>) target_semaphore(%arg15 : memref<!tpu.dma_semaphore, #tpu.memory_space<semaphore_mem>>)
      } else {
      }
      %lt3A_512 = arith.constant 31 : i32
      %lt3A_513 = arith.cmpi slt, %scan3A_271, %lt3A_512 : i32
      %lt3A_514 = arith.constant 31 : i32
      %lt3A_515 = arith.cmpi slt, %scan3A_271, %lt3A_514 : i32
      %dma_wait3A_516 = arith.constant 0 : i32
      %dma_wait3A_517 = arith.constant 0 : i32
      %dma_wait3A_518 = arith.constant 0 : i32
      %dma_wait3A_519 = arith.constant 0 : i32
      %dma_wait3A_520 = tpu.memref_slice %arg9[%dma_wait3A_517, %dma_wait3A_518, %dma_wait3A_519] : memref<4x50x128xf32, #tpu.memory_space<vmem>> -> memref<1x50x128xf32, #tpu.memory_space<vmem>>
      %dma_wait3A_521 = tpu.memref_squeeze %dma_wait3A_520 : memref<1x50x128xf32, #tpu.memory_space<vmem>> -> memref<50x128xf32, #tpu.memory_space<vmem>>
      %dma_wait3A_522 = arith.constant 0 : i32
      %dma_wait3A_523 = tpu.memref_slice %arg8[%dma_wait3A_516, %dma_wait3A_522] : memref<8x50xi32, #tpu.memory_space<vmem>> -> memref<1x50xi32, #tpu.memory_space<vmem>>
      %dma_wait3A_524 = tpu.memref_squeeze %dma_wait3A_523 : memref<1x50xi32, #tpu.memory_space<vmem>> -> memref<50xi32, #tpu.memory_space<vmem>>
      %dma_wait3A_525 = arith.constant 0 : i32
      %dma_wait3A_526 = arith.constant 0 : i32
      %dma_wait3A_527 = tpu.memref_slice %arg2[%dma_wait3A_525, %dma_wait3A_526] : memref<1000000x128xf32, #tpu.memory_space<hbm>> -> memref<1000000x128xf32, #tpu.memory_space<hbm>>
      tpu.wait_indirect_dma semaphore(%arg12 : memref<!tpu.dma_semaphore, #tpu.memory_space<semaphore_mem>>) src(%dma_wait3A_527 : memref<1000000x128xf32, #tpu.memory_space<hbm>>) dst(%dma_wait3A_521 : memref<50x128xf32, #tpu.memory_space<vmem>>)
      %dma_wait3A_528 = arith.constant 1 : i32
      %dma_wait3A_529 = arith.constant 1 : i32
      %dma_wait3A_530 = arith.constant 0 : i32
      %dma_wait3A_531 = arith.constant 0 : i32
      %dma_wait3A_532 = tpu.memref_slice %arg9[%dma_wait3A_529, %dma_wait3A_530, %dma_wait3A_531] : memref<4x50x128xf32, #tpu.memory_space<vmem>> -> memref<1x50x128xf32, #tpu.memory_space<vmem>>
      %dma_wait3A_533 = tpu.memref_squeeze %dma_wait3A_532 : memref<1x50x128xf32, #tpu.memory_space<vmem>> -> memref<50x128xf32, #tpu.memory_space<vmem>>
      %dma_wait3A_534 = arith.constant 0 : i32
      %dma_wait3A_535 = tpu.memref_slice %arg8[%dma_wait3A_528, %dma_wait3A_534] : memref<8x50xi32, #tpu.memory_space<vmem>> -> memref<1x50xi32, #tpu.memory_space<vmem>>
      %dma_wait3A_536 = tpu.memref_squeeze %dma_wait3A_535 : memref<1x50xi32, #tpu.memory_space<vmem>> -> memref<50xi32, #tpu.memory_space<vmem>>
      %dma_wait3A_537 = arith.constant 0 : i32
      %dma_wait3A_538 = arith.constant 0 : i32
      %dma_wait3A_539 = tpu.memref_slice %arg2[%dma_wait3A_537, %dma_wait3A_538] : memref<1000000x128xf32, #tpu.memory_space<hbm>> -> memref<1000000x128xf32, #tpu.memory_space<hbm>>
      tpu.wait_indirect_dma semaphore(%arg12 : memref<!tpu.dma_semaphore, #tpu.memory_space<semaphore_mem>>) src(%dma_wait3A_539 : memref<1000000x128xf32, #tpu.memory_space<hbm>>) dst(%dma_wait3A_533 : memref<50x128xf32, #tpu.memory_space<vmem>>)
      %dma_wait3A_540 = arith.constant 2 : i32
      %dma_wait3A_541 = arith.constant 2 : i32
      %dma_wait3A_542 = arith.constant 0 : i32
      %dma_wait3A_543 = arith.constant 0 : i32
      %dma_wait3A_544 = tpu.memref_slice %arg9[%dma_wait3A_541, %dma_wait3A_542, %dma_wait3A_543] : memref<4x50x128xf32, #tpu.memory_space<vmem>> -> memref<1x50x128xf32, #tpu.memory_space<vmem>>
      %dma_wait3A_545 = tpu.memref_squeeze %dma_wait3A_544 : memref<1x50x128xf32, #tpu.memory_space<vmem>> -> memref<50x128xf32, #tpu.memory_space<vmem>>
      %dma_wait3A_546 = arith.constant 0 : i32
      %dma_wait3A_547 = tpu.memref_slice %arg8[%dma_wait3A_540, %dma_wait3A_546] : memref<8x50xi32, #tpu.memory_space<vmem>> -> memref<1x50xi32, #tpu.memory_space<vmem>>
      %dma_wait3A_548 = tpu.memref_squeeze %dma_wait3A_547 : memref<1x50xi32, #tpu.memory_space<vmem>> -> memref<50xi32, #tpu.memory_space<vmem>>
      %dma_wait3A_549 = arith.constant 0 : i32
      %dma_wait3A_550 = arith.constant 0 : i32
      %dma_wait3A_551 = tpu.memref_slice %arg2[%dma_wait3A_549, %dma_wait3A_550] : memref<1000000x128xf32, #tpu.memory_space<hbm>> -> memref<1000000x128xf32, #tpu.memory_space<hbm>>
      tpu.wait_indirect_dma semaphore(%arg12 : memref<!tpu.dma_semaphore, #tpu.memory_space<semaphore_mem>>) src(%dma_wait3A_551 : memref<1000000x128xf32, #tpu.memory_space<hbm>>) dst(%dma_wait3A_545 : memref<50x128xf32, #tpu.memory_space<vmem>>)
      %dma_wait3A_552 = arith.constant 3 : i32
      %dma_wait3A_553 = arith.constant 3 : i32
      %dma_wait3A_554 = arith.constant 0 : i32
      %dma_wait3A_555 = arith.constant 0 : i32
      %dma_wait3A_556 = tpu.memref_slice %arg9[%dma_wait3A_553, %dma_wait3A_554, %dma_wait3A_555] : memref<4x50x128xf32, #tpu.memory_space<vmem>> -> memref<1x50x128xf32, #tpu.memory_space<vmem>>
      %dma_wait3A_557 = tpu.memref_squeeze %dma_wait3A_556 : memref<1x50x128xf32, #tpu.memory_space<vmem>> -> memref<50x128xf32, #tpu.memory_space<vmem>>
      %dma_wait3A_558 = arith.constant 0 : i32
      %dma_wait3A_559 = tpu.memref_slice %arg8[%dma_wait3A_552, %dma_wait3A_558] : memref<8x50xi32, #tpu.memory_space<vmem>> -> memref<1x50xi32, #tpu.memory_space<vmem>>
      %dma_wait3A_560 = tpu.memref_squeeze %dma_wait3A_559 : memref<1x50xi32, #tpu.memory_space<vmem>> -> memref<50xi32, #tpu.memory_space<vmem>>
      %dma_wait3A_561 = arith.constant 0 : i32
      %dma_wait3A_562 = arith.constant 0 : i32
      %dma_wait3A_563 = tpu.memref_slice %arg2[%dma_wait3A_561, %dma_wait3A_562] : memref<1000000x128xf32, #tpu.memory_space<hbm>> -> memref<1000000x128xf32, #tpu.memory_space<hbm>>
      tpu.wait_indirect_dma semaphore(%arg12 : memref<!tpu.dma_semaphore, #tpu.memory_space<semaphore_mem>>) src(%dma_wait3A_563 : memref<1000000x128xf32, #tpu.memory_space<hbm>>) dst(%dma_wait3A_557 : memref<50x128xf32, #tpu.memory_space<vmem>>)
      %sub3A = arith.constant 1 : i32
      %sub3A_564 = arith.subi %add3A_276, %sub3A : i32
      %mul3A_565 = arith.constant 8 : i32
      %mul3A_566 = arith.muli %sub3A_564, %mul3A_565 : i32
      %add3A_567 = arith.addi %mul3A_2, %mul3A_566 : i32
      %multiple_of3A_568 = tpu.assume_multiple %add3A_567, 8 : i32
      %dma_wait3A_569 = arith.constant 0 : i32
      %dma_wait3A_570 = arith.constant 0 : i32
      %dma_wait3A_571 = arith.constant 0 : i32
      %dma_wait3A_572 = tpu.memref_slice %arg6[%dma_wait3A_569, %multiple_of3A_568, %dma_wait3A_570, %dma_wait3A_571] : memref<2x16384x50x32xf32, #tpu.memory_space<hbm>> -> memref<1x8x50x32xf32, #tpu.memory_space<hbm>>
      %dma_wait3A_573 = tpu.memref_squeeze %dma_wait3A_572 : memref<1x8x50x32xf32, #tpu.memory_space<hbm>> -> memref<8x50x32xf32, #tpu.memory_space<hbm>>
      %dma_wait3A_574 = arith.constant 0 : i32
      %dma_wait3A_575 = arith.constant 0 : i32
      %dma_wait3A_576 = tpu.memref_slice %arg6[%dma_wait3A_569, %multiple_of3A_568, %dma_wait3A_574, %dma_wait3A_575] : memref<2x16384x50x32xf32, #tpu.memory_space<hbm>> -> memref<1x8x50x32xf32, #tpu.memory_space<hbm>>
      %dma_wait3A_577 = tpu.memref_squeeze %dma_wait3A_576 : memref<1x8x50x32xf32, #tpu.memory_space<hbm>> -> memref<8x50x32xf32, #tpu.memory_space<hbm>>
      tpu.wait_dma2 semaphore(%arg14 : memref<!tpu.dma_semaphore, #tpu.memory_space<semaphore_mem>>) src(%arg11 : memref<8x50x32xf32, #tpu.memory_space<vmem>>) dst(%dma_wait3A_577 : memref<8x50x32xf32, #tpu.memory_space<hbm>>)
      %scan3A_578 = arith.constant 0 : i32
      %scan3A_579 = arith.constant 0 : i32
      %scan3A_580 = arith.constant 25 : i32
      %scan3A_581 = arith.addi %scan3A_579, %scan3A_580 : i32
      %scan3A_582 = arith.constant 1 : i32
      %scan3A_583 = scf.for %scan3A_663 = %scan3A_579 to %scan3A_581 step %scan3A_582 iter_args(%scan3A_664 = %scan3A_578) -> (i32)  : i32 {
        %mul3A_665 = arith.constant 2 : i32
        %mul3A_666 = arith.muli %scan3A_663, %mul3A_665 : i32
        %add3A_667 = arith.constant 0 : i32
        %add3A_668 = arith.addi %mul3A_666, %add3A_667 : i32
        %get3A = arith.constant 0 : i32
        %get3A_669 = arith.index_cast %get3A : i32 to index
        %get3A_670 = arith.index_cast %add3A_668 : i32 to index
        %get3A_671 = arith.constant 0 : index
        %get3A_672 = tpu.vector_load %arg9[%get3A_669, %get3A_670, %get3A_671] {strides = array<i32>} : memref<4x50x128xf32, #tpu.memory_space<vmem>>, vector<1x1x16xf32>,
        %get3A_673 = vector.shape_cast %get3A_672 : vector<1x1x16xf32> to vector<16xf32>
        %swap3A = arith.constant 0 : i32
        %swap3A_674 = arith.index_cast %swap3A : i32 to index
        %swap3A_675 = arith.index_cast %add3A_668 : i32 to index
        %swap3A_676 = arith.constant 0 : index
        %swap3A_677 = tpu.vector_load %arg11[%swap3A_674, %swap3A_675, %swap3A_676] {strides = array<i32>} : memref<8x50x32xf32, #tpu.memory_space<vmem>>, vector<1x1x16xf32>,
        %swap3A_678 = vector.shape_cast %swap3A_677 : vector<1x1x16xf32> to vector<16xf32>
        %swap3A_679 = vector.shape_cast %get3A_673 : vector<16xf32> to vector<1x1x16xf32>
        tpu.vector_store %arg11[%swap3A_674, %swap3A_675, %swap3A_676], %swap3A_679 {strides = array<i32>} : memref<8x50x32xf32, #tpu.memory_space<vmem>>, vector<1x1x16xf32>,
        %get3A_680 = arith.constant 0 : i32
        %get3A_681 = arith.index_cast %get3A_680 : i32 to index
        %get3A_682 = arith.index_cast %add3A_668 : i32 to index
        %get3A_683 = arith.constant 16 : index
        %get3A_684 = tpu.vector_load %arg9[%get3A_681, %get3A_682, %get3A_683] {strides = array<i32>} : memref<4x50x128xf32, #tpu.memory_space<vmem>>, vector<1x1x16xf32>,
        %get3A_685 = vector.shape_cast %get3A_684 : vector<1x1x16xf32> to vector<16xf32>
        %swap3A_686 = arith.constant 0 : i32
        %swap3A_687 = arith.index_cast %swap3A_686 : i32 to index
        %swap3A_688 = arith.index_cast %add3A_668 : i32 to index
        %swap3A_689 = arith.constant 16 : index
        %swap3A_690 = tpu.vector_load %arg11[%swap3A_687, %swap3A_688, %swap3A_689] {strides = array<i32>} : memref<8x50x32xf32, #tpu.memory_space<vmem>>, vector<1x1x16xf32>,
        %swap3A_691 = vector.shape_cast %swap3A_690 : vector<1x1x16xf32> to vector<16xf32>
        %swap3A_692 = vector.shape_cast %get3A_685 : vector<16xf32> to vector<1x1x16xf32>
        tpu.vector_store %arg11[%swap3A_687, %swap3A_688, %swap3A_689], %swap3A_692 {strides = array<i32>} : memref<8x50x32xf32, #tpu.memory_space<vmem>>, vector<1x1x16xf32>,
        %get3A_693 = arith.constant 1 : i32
        %get3A_694 = arith.index_cast %get3A_693 : i32 to index
        %get3A_695 = arith.index_cast %add3A_668 : i32 to index
        %get3A_696 = arith.constant 0 : index
        %get3A_697 = tpu.vector_load %arg9[%get3A_694, %get3A_695, %get3A_696] {strides = array<i32>} : memref<4x50x128xf32, #tpu.memory_space<vmem>>, vector<1x1x16xf32>,
        %get3A_698 = vector.shape_cast %get3A_697 : vector<1x1x16xf32> to vector<16xf32>
        %swap3A_699 = arith.constant 1 : i32
        %swap3A_700 = arith.index_cast %swap3A_699 : i32 to index
        %swap3A_701 = arith.index_cast %add3A_668 : i32 to index
        %swap3A_702 = arith.constant 0 : index
        %swap3A_703 = tpu.vector_load %arg11[%swap3A_700, %swap3A_701, %swap3A_702] {strides = array<i32>} : memref<8x50x32xf32, #tpu.memory_space<vmem>>, vector<1x1x16xf32>,
        %swap3A_704 = vector.shape_cast %swap3A_703 : vector<1x1x16xf32> to vector<16xf32>
        %swap3A_705 = vector.shape_cast %get3A_698 : vector<16xf32> to vector<1x1x16xf32>
        tpu.vector_store %arg11[%swap3A_700, %swap3A_701, %swap3A_702], %swap3A_705 {strides = array<i32>} : memref<8x50x32xf32, #tpu.memory_space<vmem>>, vector<1x1x16xf32>,
        %get3A_706 = arith.constant 1 : i32
        %get3A_707 = arith.index_cast %get3A_706 : i32 to index
        %get3A_708 = arith.index_cast %add3A_668 : i32 to index
        %get3A_709 = arith.constant 16 : index
        %get3A_710 = tpu.vector_load %arg9[%get3A_707, %get3A_708, %get3A_709] {strides = array<i32>} : memref<4x50x128xf32, #tpu.memory_space<vmem>>, vector<1x1x16xf32>,
        %get3A_711 = vector.shape_cast %get3A_710 : vector<1x1x16xf32> to vector<16xf32>
        %swap3A_712 = arith.constant 1 : i32
        %swap3A_713 = arith.index_cast %swap3A_712 : i32 to index
        %swap3A_714 = arith.index_cast %add3A_668 : i32 to index
        %swap3A_715 = arith.constant 16 : index
        %swap3A_716 = tpu.vector_load %arg11[%swap3A_713, %swap3A_714, %swap3A_715] {strides = array<i32>} : memref<8x50x32xf32, #tpu.memory_space<vmem>>, vector<1x1x16xf32>,
        %swap3A_717 = vector.shape_cast %swap3A_716 : vector<1x1x16xf32> to vector<16xf32>
        %swap3A_718 = vector.shape_cast %get3A_711 : vector<16xf32> to vector<1x1x16xf32>
        tpu.vector_store %arg11[%swap3A_713, %swap3A_714, %swap3A_715], %swap3A_718 {strides = array<i32>} : memref<8x50x32xf32, #tpu.memory_space<vmem>>, vector<1x1x16xf32>,
        %get3A_719 = arith.constant 2 : i32
        %get3A_720 = arith.index_cast %get3A_719 : i32 to index
        %get3A_721 = arith.index_cast %add3A_668 : i32 to index
        %get3A_722 = arith.constant 0 : index
        %get3A_723 = tpu.vector_load %arg9[%get3A_720, %get3A_721, %get3A_722] {strides = array<i32>} : memref<4x50x128xf32, #tpu.memory_space<vmem>>, vector<1x1x16xf32>,
        %get3A_724 = vector.shape_cast %get3A_723 : vector<1x1x16xf32> to vector<16xf32>
        %swap3A_725 = arith.constant 2 : i32
        %swap3A_726 = arith.index_cast %swap3A_725 : i32 to index
        %swap3A_727 = arith.index_cast %add3A_668 : i32 to index
        %swap3A_728 = arith.constant 0 : index
        %swap3A_729 = tpu.vector_load %arg11[%swap3A_726, %swap3A_727, %swap3A_728] {strides = array<i32>} : memref<8x50x32xf32, #tpu.memory_space<vmem>>, vector<1x1x16xf32>,
        %swap3A_730 = vector.shape_cast %swap3A_729 : vector<1x1x16xf32> to vector<16xf32>
        %swap3A_731 = vector.shape_cast %get3A_724 : vector<16xf32> to vector<1x1x16xf32>
        tpu.vector_store %arg11[%swap3A_726, %swap3A_727, %swap3A_728], %swap3A_731 {strides = array<i32>} : memref<8x50x32xf32, #tpu.memory_space<vmem>>, vector<1x1x16xf32>,
        %get3A_732 = arith.constant 2 : i32
        %get3A_733 = arith.index_cast %get3A_732 : i32 to index
        %get3A_734 = arith.index_cast %add3A_668 : i32 to index
        %get3A_735 = arith.constant 16 : index
        %get3A_736 = tpu.vector_load %arg9[%get3A_733, %get3A_734, %get3A_735] {strides = array<i32>} : memref<4x50x128xf32, #tpu.memory_space<vmem>>, vector<1x1x16xf32>,
        %get3A_737 = vector.shape_cast %get3A_736 : vector<1x1x16xf32> to vector<16xf32>
        %swap3A_738 = arith.constant 2 : i32
        %swap3A_739 = arith.index_cast %swap3A_738 : i32 to index
        %swap3A_740 = arith.index_cast %add3A_668 : i32 to index
        %swap3A_741 = arith.constant 16 : index
        %swap3A_742 = tpu.vector_load %arg11[%swap3A_739, %swap3A_740, %swap3A_741] {strides = array<i32>} : memref<8x50x32xf32, #tpu.memory_space<vmem>>, vector<1x1x16xf32>,
        %swap3A_743 = vector.shape_cast %swap3A_742 : vector<1x1x16xf32> to vector<16xf32>
        %swap3A_744 = vector.shape_cast %get3A_737 : vector<16xf32> to vector<1x1x16xf32>
        tpu.vector_store %arg11[%swap3A_739, %swap3A_740, %swap3A_741], %swap3A_744 {strides = array<i32>} : memref<8x50x32xf32, #tpu.memory_space<vmem>>, vector<1x1x16xf32>,
        %get3A_745 = arith.constant 3 : i32
        %get3A_746 = arith.index_cast %get3A_745 : i32 to index
        %get3A_747 = arith.index_cast %add3A_668 : i32 to index
        %get3A_748 = arith.constant 0 : index
        %get3A_749 = tpu.vector_load %arg9[%get3A_746, %get3A_747, %get3A_748] {strides = array<i32>} : memref<4x50x128xf32, #tpu.memory_space<vmem>>, vector<1x1x16xf32>,
        %get3A_750 = vector.shape_cast %get3A_749 : vector<1x1x16xf32> to vector<16xf32>
        %swap3A_751 = arith.constant 3 : i32
        %swap3A_752 = arith.index_cast %swap3A_751 : i32 to index
        %swap3A_753 = arith.index_cast %add3A_668 : i32 to index
        %swap3A_754 = arith.constant 0 : index
        %swap3A_755 = tpu.vector_load %arg11[%swap3A_752, %swap3A_753, %swap3A_754] {strides = array<i32>} : memref<8x50x32xf32, #tpu.memory_space<vmem>>, vector<1x1x16xf32>,
        %swap3A_756 = vector.shape_cast %swap3A_755 : vector<1x1x16xf32> to vector<16xf32>
        %swap3A_757 = vector.shape_cast %get3A_750 : vector<16xf32> to vector<1x1x16xf32>
        tpu.vector_store %arg11[%swap3A_752, %swap3A_753, %swap3A_754], %swap3A_757 {strides = array<i32>} : memref<8x50x32xf32, #tpu.memory_space<vmem>>, vector<1x1x16xf32>,
        %get3A_758 = arith.constant 3 : i32
        %get3A_759 = arith.index_cast %get3A_758 : i32 to index
        %get3A_760 = arith.index_cast %add3A_668 : i32 to index
        %get3A_761 = arith.constant 16 : index
        %get3A_762 = tpu.vector_load %arg9[%get3A_759, %get3A_760, %get3A_761] {strides = array<i32>} : memref<4x50x128xf32, #tpu.memory_space<vmem>>, vector<1x1x16xf32>,
        %get3A_763 = vector.shape_cast %get3A_762 : vector<1x1x16xf32> to vector<16xf32>
        %swap3A_764 = arith.constant 3 : i32
        %swap3A_765 = arith.index_cast %swap3A_764 : i32 to index
        %swap3A_766 = arith.index_cast %add3A_668 : i32 to index
        %swap3A_767 = arith.constant 16 : index
        %swap3A_768 = tpu.vector_load %arg11[%swap3A_765, %swap3A_766, %swap3A_767] {strides = array<i32>} : memref<8x50x32xf32, #tpu.memory_space<vmem>>, vector<1x1x16xf32>,
        %swap3A_769 = vector.shape_cast %swap3A_768 : vector<1x1x16xf32> to vector<16xf32>
        %swap3A_770 = vector.shape_cast %get3A_763 : vector<16xf32> to vector<1x1x16xf32>
        tpu.vector_store %arg11[%swap3A_765, %swap3A_766, %swap3A_767], %swap3A_770 {strides = array<i32>} : memref<8x50x32xf32, #tpu.memory_space<vmem>>, vector<1x1x16xf32>,
        %mul3A_771 = arith.constant 2 : i32
        %mul3A_772 = arith.muli %scan3A_663, %mul3A_771 : i32
        %add3A_773 = arith.constant 1 : i32
        %add3A_774 = arith.addi %mul3A_772, %add3A_773 : i32
        %get3A_775 = arith.constant 0 : i32
        %get3A_776 = arith.index_cast %get3A_775 : i32 to index
        %get3A_777 = arith.index_cast %add3A_774 : i32 to index
        %get3A_778 = arith.constant 0 : index
        %get3A_779 = tpu.vector_load %arg9[%get3A_776, %get3A_777, %get3A_778] {strides = array<i32>} : memref<4x50x128xf32, #tpu.memory_space<vmem>>, vector<1x1x16xf32>,
        %get3A_780 = vector.shape_cast %get3A_779 : vector<1x1x16xf32> to vector<16xf32>
        %swap3A_781 = arith.constant 0 : i32
        %swap3A_782 = arith.index_cast %swap3A_781 : i32 to index
        %swap3A_783 = arith.index_cast %add3A_774 : i32 to index
        %swap3A_784 = arith.constant 0 : index
        %swap3A_785 = tpu.vector_load %arg11[%swap3A_782, %swap3A_783, %swap3A_784] {strides = array<i32>} : memref<8x50x32xf32, #tpu.memory_space<vmem>>, vector<1x1x16xf32>,
        %swap3A_786 = vector.shape_cast %swap3A_785 : vector<1x1x16xf32> to vector<16xf32>
        %swap3A_787 = vector.shape_cast %get3A_780 : vector<16xf32> to vector<1x1x16xf32>
        tpu.vector_store %arg11[%swap3A_782, %swap3A_783, %swap3A_784], %swap3A_787 {strides = array<i32>} : memref<8x50x32xf32, #tpu.memory_space<vmem>>, vector<1x1x16xf32>,
        %get3A_788 = arith.constant 0 : i32
        %get3A_789 = arith.index_cast %get3A_788 : i32 to index
        %get3A_790 = arith.index_cast %add3A_774 : i32 to index
        %get3A_791 = arith.constant 16 : index
        %get3A_792 = tpu.vector_load %arg9[%get3A_789, %get3A_790, %get3A_791] {strides = array<i32>} : memref<4x50x128xf32, #tpu.memory_space<vmem>>, vector<1x1x16xf32>,
        %get3A_793 = vector.shape_cast %get3A_792 : vector<1x1x16xf32> to vector<16xf32>
        %swap3A_794 = arith.constant 0 : i32
        %swap3A_795 = arith.index_cast %swap3A_794 : i32 to index
        %swap3A_796 = arith.index_cast %add3A_774 : i32 to index
        %swap3A_797 = arith.constant 16 : index
        %swap3A_798 = tpu.vector_load %arg11[%swap3A_795, %swap3A_796, %swap3A_797] {strides = array<i32>} : memref<8x50x32xf32, #tpu.memory_space<vmem>>, vector<1x1x16xf32>,
        %swap3A_799 = vector.shape_cast %swap3A_798 : vector<1x1x16xf32> to vector<16xf32>
        %swap3A_800 = vector.shape_cast %get3A_793 : vector<16xf32> to vector<1x1x16xf32>
        tpu.vector_store %arg11[%swap3A_795, %swap3A_796, %swap3A_797], %swap3A_800 {strides = array<i32>} : memref<8x50x32xf32, #tpu.memory_space<vmem>>, vector<1x1x16xf32>,
        %get3A_801 = arith.constant 1 : i32
        %get3A_802 = arith.index_cast %get3A_801 : i32 to index
        %get3A_803 = arith.index_cast %add3A_774 : i32 to index
        %get3A_804 = arith.constant 0 : index
        %get3A_805 = tpu.vector_load %arg9[%get3A_802, %get3A_803, %get3A_804] {strides = array<i32>} : memref<4x50x128xf32, #tpu.memory_space<vmem>>, vector<1x1x16xf32>,
        %get3A_806 = vector.shape_cast %get3A_805 : vector<1x1x16xf32> to vector<16xf32>
        %swap3A_807 = arith.constant 1 : i32
        %swap3A_808 = arith.index_cast %swap3A_807 : i32 to index
        %swap3A_809 = arith.index_cast %add3A_774 : i32 to index
        %swap3A_810 = arith.constant 0 : index
        %swap3A_811 = tpu.vector_load %arg11[%swap3A_808, %swap3A_809, %swap3A_810] {strides = array<i32>} : memref<8x50x32xf32, #tpu.memory_space<vmem>>, vector<1x1x16xf32>,
        %swap3A_812 = vector.shape_cast %swap3A_811 : vector<1x1x16xf32> to vector<16xf32>
        %swap3A_813 = vector.shape_cast %get3A_806 : vector<16xf32> to vector<1x1x16xf32>
        tpu.vector_store %arg11[%swap3A_808, %swap3A_809, %swap3A_810], %swap3A_813 {strides = array<i32>} : memref<8x50x32xf32, #tpu.memory_space<vmem>>, vector<1x1x16xf32>,
        %get3A_814 = arith.constant 1 : i32
        %get3A_815 = arith.index_cast %get3A_814 : i32 to index
        %get3A_816 = arith.index_cast %add3A_774 : i32 to index
        %get3A_817 = arith.constant 16 : index
        %get3A_818 = tpu.vector_load %arg9[%get3A_815, %get3A_816, %get3A_817] {strides = array<i32>} : memref<4x50x128xf32, #tpu.memory_space<vmem>>, vector<1x1x16xf32>,
        %get3A_819 = vector.shape_cast %get3A_818 : vector<1x1x16xf32> to vector<16xf32>
        %swap3A_820 = arith.constant 1 : i32
        %swap3A_821 = arith.index_cast %swap3A_820 : i32 to index
        %swap3A_822 = arith.index_cast %add3A_774 : i32 to index
        %swap3A_823 = arith.constant 16 : index
        %swap3A_824 = tpu.vector_load %arg11[%swap3A_821, %swap3A_822, %swap3A_823] {strides = array<i32>} : memref<8x50x32xf32, #tpu.memory_space<vmem>>, vector<1x1x16xf32>,
        %swap3A_825 = vector.shape_cast %swap3A_824 : vector<1x1x16xf32> to vector<16xf32>
        %swap3A_826 = vector.shape_cast %get3A_819 : vector<16xf32> to vector<1x1x16xf32>
        tpu.vector_store %arg11[%swap3A_821, %swap3A_822, %swap3A_823], %swap3A_826 {strides = array<i32>} : memref<8x50x32xf32, #tpu.memory_space<vmem>>, vector<1x1x16xf32>,
        %get3A_827 = arith.constant 2 : i32
        %get3A_828 = arith.index_cast %get3A_827 : i32 to index
        %get3A_829 = arith.index_cast %add3A_774 : i32 to index
        %get3A_830 = arith.constant 0 : index
        %get3A_831 = tpu.vector_load %arg9[%get3A_828, %get3A_829, %get3A_830] {strides = array<i32>} : memref<4x50x128xf32, #tpu.memory_space<vmem>>, vector<1x1x16xf32>,
        %get3A_832 = vector.shape_cast %get3A_831 : vector<1x1x16xf32> to vector<16xf32>
        %swap3A_833 = arith.constant 2 : i32
        %swap3A_834 = arith.index_cast %swap3A_833 : i32 to index
        %swap3A_835 = arith.index_cast %add3A_774 : i32 to index
        %swap3A_836 = arith.constant 0 : index
        %swap3A_837 = tpu.vector_load %arg11[%swap3A_834, %swap3A_835, %swap3A_836] {strides = array<i32>} : memref<8x50x32xf32, #tpu.memory_space<vmem>>, vector<1x1x16xf32>,
        %swap3A_838 = vector.shape_cast %swap3A_837 : vector<1x1x16xf32> to vector<16xf32>
        %swap3A_839 = vector.shape_cast %get3A_832 : vector<16xf32> to vector<1x1x16xf32>
        tpu.vector_store %arg11[%swap3A_834, %swap3A_835, %swap3A_836], %swap3A_839 {strides = array<i32>} : memref<8x50x32xf32, #tpu.memory_space<vmem>>, vector<1x1x16xf32>,
        %get3A_840 = arith.constant 2 : i32
        %get3A_841 = arith.index_cast %get3A_840 : i32 to index
        %get3A_842 = arith.index_cast %add3A_774 : i32 to index
        %get3A_843 = arith.constant 16 : index
        %get3A_844 = tpu.vector_load %arg9[%get3A_841, %get3A_842, %get3A_843] {strides = array<i32>} : memref<4x50x128xf32, #tpu.memory_space<vmem>>, vector<1x1x16xf32>,
        %get3A_845 = vector.shape_cast %get3A_844 : vector<1x1x16xf32> to vector<16xf32>
        %swap3A_846 = arith.constant 2 : i32
        %swap3A_847 = arith.index_cast %swap3A_846 : i32 to index
        %swap3A_848 = arith.index_cast %add3A_774 : i32 to index
        %swap3A_849 = arith.constant 16 : index
        %swap3A_850 = tpu.vector_load %arg11[%swap3A_847, %swap3A_848, %swap3A_849] {strides = array<i32>} : memref<8x50x32xf32, #tpu.memory_space<vmem>>, vector<1x1x16xf32>,
        %swap3A_851 = vector.shape_cast %swap3A_850 : vector<1x1x16xf32> to vector<16xf32>
        %swap3A_852 = vector.shape_cast %get3A_845 : vector<16xf32> to vector<1x1x16xf32>
        tpu.vector_store %arg11[%swap3A_847, %swap3A_848, %swap3A_849], %swap3A_852 {strides = array<i32>} : memref<8x50x32xf32, #tpu.memory_space<vmem>>, vector<1x1x16xf32>,
        %get3A_853 = arith.constant 3 : i32
        %get3A_854 = arith.index_cast %get3A_853 : i32 to index
        %get3A_855 = arith.index_cast %add3A_774 : i32 to index
        %get3A_856 = arith.constant 0 : index
        %get3A_857 = tpu.vector_load %arg9[%get3A_854, %get3A_855, %get3A_856] {strides = array<i32>} : memref<4x50x128xf32, #tpu.memory_space<vmem>>, vector<1x1x16xf32>,
        %get3A_858 = vector.shape_cast %get3A_857 : vector<1x1x16xf32> to vector<16xf32>
        %swap3A_859 = arith.constant 3 : i32
        %swap3A_860 = arith.index_cast %swap3A_859 : i32 to index
        %swap3A_861 = arith.index_cast %add3A_774 : i32 to index
        %swap3A_862 = arith.constant 0 : index
        %swap3A_863 = tpu.vector_load %arg11[%swap3A_860, %swap3A_861, %swap3A_862] {strides = array<i32>} : memref<8x50x32xf32, #tpu.memory_space<vmem>>, vector<1x1x16xf32>,
        %swap3A_864 = vector.shape_cast %swap3A_863 : vector<1x1x16xf32> to vector<16xf32>
        %swap3A_865 = vector.shape_cast %get3A_858 : vector<16xf32> to vector<1x1x16xf32>
        tpu.vector_store %arg11[%swap3A_860, %swap3A_861, %swap3A_862], %swap3A_865 {strides = array<i32>} : memref<8x50x32xf32, #tpu.memory_space<vmem>>, vector<1x1x16xf32>,
        %get3A_866 = arith.constant 3 : i32
        %get3A_867 = arith.index_cast %get3A_866 : i32 to index
        %get3A_868 = arith.index_cast %add3A_774 : i32 to index
        %get3A_869 = arith.constant 16 : index
        %get3A_870 = tpu.vector_load %arg9[%get3A_867, %get3A_868, %get3A_869] {strides = array<i32>} : memref<4x50x128xf32, #tpu.memory_space<vmem>>, vector<1x1x16xf32>,
        %get3A_871 = vector.shape_cast %get3A_870 : vector<1x1x16xf32> to vector<16xf32>
        %swap3A_872 = arith.constant 3 : i32
        %swap3A_873 = arith.index_cast %swap3A_872 : i32 to index
        %swap3A_874 = arith.index_cast %add3A_774 : i32 to index
        %swap3A_875 = arith.constant 16 : index
        %swap3A_876 = tpu.vector_load %arg11[%swap3A_873, %swap3A_874, %swap3A_875] {strides = array<i32>} : memref<8x50x32xf32, #tpu.memory_space<vmem>>, vector<1x1x16xf32>,
        %swap3A_877 = vector.shape_cast %swap3A_876 : vector<1x1x16xf32> to vector<16xf32>
        %swap3A_878 = vector.shape_cast %get3A_871 : vector<16xf32> to vector<1x1x16xf32>
        tpu.vector_store %arg11[%swap3A_873, %swap3A_874, %swap3A_875], %swap3A_878 {strides = array<i32>} : memref<8x50x32xf32, #tpu.memory_space<vmem>>, vector<1x1x16xf32>,
        %scan3A_879 = arith.constant 0 : i32
        scf.yield %scan3A_879 : i32
      }
      %scan3A_584 = arith.constant 25 : i32
      %convert_element_type3A_585 = arith.extui %lt3A_513 : i1 to i32
      %cond3A_586 = arith.constant 0 : i32
      %cond3A_587 = arith.cmpi ne, %convert_element_type3A_585, %cond3A_586 : i32
      scf.if %cond3A_587 {
        %add3A_663 = arith.constant 1 : i32
        %add3A_664 = arith.addi %add3A_276, %add3A_663 : i32
        %mul3A_665 = arith.constant 8 : i32
        %mul3A_666 = arith.muli %add3A_664, %mul3A_665 : i32
        %add3A_667 = arith.addi %mul3A_2, %mul3A_666 : i32
        %multiple_of3A_668 = tpu.assume_multiple %add3A_667, 8 : i32
        %dma_wait3A_669 = arith.constant 0 : i32
        %dma_wait3A_670 = tpu.memref_slice %arg4[%multiple_of3A_668, %dma_wait3A_669] : memref<16384x50xi32, #tpu.memory_space<hbm>> -> memref<8x50xi32, #tpu.memory_space<hbm>>
        %dma_wait3A_671 = arith.constant 0 : i32
        %dma_wait3A_672 = tpu.memref_slice %arg4[%multiple_of3A_668, %dma_wait3A_671] : memref<16384x50xi32, #tpu.memory_space<hbm>> -> memref<8x50xi32, #tpu.memory_space<hbm>>
        tpu.wait_dma2 semaphore(%arg15 : memref<!tpu.dma_semaphore, #tpu.memory_space<semaphore_mem>>) src(%dma_wait3A_672 : memref<8x50xi32, #tpu.memory_space<hbm>>) dst(%arg7 : memref<8x50xi32, #tpu.memory_space<vmem>>)
        %dma_start3A_673 = arith.constant 0 : i32
        %dma_start3A_674 = arith.constant 0 : i32
        %dma_start3A_675 = arith.constant 0 : i32
        %dma_start3A_676 = arith.constant 0 : i32
        %dma_start3A_677 = tpu.memref_slice %arg9[%dma_start3A_674, %dma_start3A_675, %dma_start3A_676] : memref<4x50x128xf32, #tpu.memory_space<vmem>> -> memref<1x50x128xf32, #tpu.memory_space<vmem>>
        %dma_start3A_678 = tpu.memref_squeeze %dma_start3A_677 : memref<1x50x128xf32, #tpu.memory_space<vmem>> -> memref<50x128xf32, #tpu.memory_space<vmem>>
        %dma_start3A_679 = arith.constant 0 : i32
        %dma_start3A_680 = tpu.memref_slice %arg7[%dma_start3A_673, %dma_start3A_679] : memref<8x50xi32, #tpu.memory_space<vmem>> -> memref<1x50xi32, #tpu.memory_space<vmem>>
        %dma_start3A_681 = tpu.memref_squeeze %dma_start3A_680 : memref<1x50xi32, #tpu.memory_space<vmem>> -> memref<50xi32, #tpu.memory_space<vmem>>
        %dma_start3A_682 = arith.constant 0 : i32
        %dma_start3A_683 = arith.constant 0 : i32
        %dma_start3A_684 = tpu.memref_slice %arg2[%dma_start3A_682, %dma_start3A_683] : memref<1000000x128xf32, #tpu.memory_space<hbm>> -> memref<1000000x128xf32, #tpu.memory_space<hbm>>
        tpu.enqueue_indirect_dma source(%dma_start3A_684 : memref<1000000x128xf32, #tpu.memory_space<hbm>>) target(%dma_start3A_678 : memref<50x128xf32, #tpu.memory_space<vmem>>) offsets(%dma_start3A_681 : memref<50xi32, #tpu.memory_space<vmem>>) semaphore(%arg12 : memref<!tpu.dma_semaphore, #tpu.memory_space<semaphore_mem>>)
        %dma_start3A_685 = arith.constant 1 : i32
        %dma_start3A_686 = arith.constant 1 : i32
        %dma_start3A_687 = arith.constant 0 : i32
        %dma_start3A_688 = arith.constant 0 : i32
        %dma_start3A_689 = tpu.memref_slice %arg9[%dma_start3A_686, %dma_start3A_687, %dma_start3A_688] : memref<4x50x128xf32, #tpu.memory_space<vmem>> -> memref<1x50x128xf32, #tpu.memory_space<vmem>>
        %dma_start3A_690 = tpu.memref_squeeze %dma_start3A_689 : memref<1x50x128xf32, #tpu.memory_space<vmem>> -> memref<50x128xf32, #tpu.memory_space<vmem>>
        %dma_start3A_691 = arith.constant 0 : i32
        %dma_start3A_692 = tpu.memref_slice %arg7[%dma_start3A_685, %dma_start3A_691] : memref<8x50xi32, #tpu.memory_space<vmem>> -> memref<1x50xi32, #tpu.memory_space<vmem>>
        %dma_start3A_693 = tpu.memref_squeeze %dma_start3A_692 : memref<1x50xi32, #tpu.memory_space<vmem>> -> memref<50xi32, #tpu.memory_space<vmem>>
        %dma_start3A_694 = arith.constant 0 : i32
        %dma_start3A_695 = arith.constant 0 : i32
        %dma_start3A_696 = tpu.memref_slice %arg2[%dma_start3A_694, %dma_start3A_695] : memref<1000000x128xf32, #tpu.memory_space<hbm>> -> memref<1000000x128xf32, #tpu.memory_space<hbm>>
        tpu.enqueue_indirect_dma source(%dma_start3A_696 : memref<1000000x128xf32, #tpu.memory_space<hbm>>) target(%dma_start3A_690 : memref<50x128xf32, #tpu.memory_space<vmem>>) offsets(%dma_start3A_693 : memref<50xi32, #tpu.memory_space<vmem>>) semaphore(%arg12 : memref<!tpu.dma_semaphore, #tpu.memory_space<semaphore_mem>>)
        %dma_start3A_697 = arith.constant 2 : i32
        %dma_start3A_698 = arith.constant 2 : i32
        %dma_start3A_699 = arith.constant 0 : i32
        %dma_start3A_700 = arith.constant 0 : i32
        %dma_start3A_701 = tpu.memref_slice %arg9[%dma_start3A_698, %dma_start3A_699, %dma_start3A_700] : memref<4x50x128xf32, #tpu.memory_space<vmem>> -> memref<1x50x128xf32, #tpu.memory_space<vmem>>
        %dma_start3A_702 = tpu.memref_squeeze %dma_start3A_701 : memref<1x50x128xf32, #tpu.memory_space<vmem>> -> memref<50x128xf32, #tpu.memory_space<vmem>>
        %dma_start3A_703 = arith.constant 0 : i32
        %dma_start3A_704 = tpu.memref_slice %arg7[%dma_start3A_697, %dma_start3A_703] : memref<8x50xi32, #tpu.memory_space<vmem>> -> memref<1x50xi32, #tpu.memory_space<vmem>>
        %dma_start3A_705 = tpu.memref_squeeze %dma_start3A_704 : memref<1x50xi32, #tpu.memory_space<vmem>> -> memref<50xi32, #tpu.memory_space<vmem>>
        %dma_start3A_706 = arith.constant 0 : i32
        %dma_start3A_707 = arith.constant 0 : i32
        %dma_start3A_708 = tpu.memref_slice %arg2[%dma_start3A_706, %dma_start3A_707] : memref<1000000x128xf32, #tpu.memory_space<hbm>> -> memref<1000000x128xf32, #tpu.memory_space<hbm>>
        tpu.enqueue_indirect_dma source(%dma_start3A_708 : memref<1000000x128xf32, #tpu.memory_space<hbm>>) target(%dma_start3A_702 : memref<50x128xf32, #tpu.memory_space<vmem>>) offsets(%dma_start3A_705 : memref<50xi32, #tpu.memory_space<vmem>>) semaphore(%arg12 : memref<!tpu.dma_semaphore, #tpu.memory_space<semaphore_mem>>)
        %dma_start3A_709 = arith.constant 3 : i32
        %dma_start3A_710 = arith.constant 3 : i32
        %dma_start3A_711 = arith.constant 0 : i32
        %dma_start3A_712 = arith.constant 0 : i32
        %dma_start3A_713 = tpu.memref_slice %arg9[%dma_start3A_710, %dma_start3A_711, %dma_start3A_712] : memref<4x50x128xf32, #tpu.memory_space<vmem>> -> memref<1x50x128xf32, #tpu.memory_space<vmem>>
        %dma_start3A_714 = tpu.memref_squeeze %dma_start3A_713 : memref<1x50x128xf32, #tpu.memory_space<vmem>> -> memref<50x128xf32, #tpu.memory_space<vmem>>
        %dma_start3A_715 = arith.constant 0 : i32
        %dma_start3A_716 = tpu.memref_slice %arg7[%dma_start3A_709, %dma_start3A_715] : memref<8x50xi32, #tpu.memory_space<vmem>> -> memref<1x50xi32, #tpu.memory_space<vmem>>
        %dma_start3A_717 = tpu.memref_squeeze %dma_start3A_716 : memref<1x50xi32, #tpu.memory_space<vmem>> -> memref<50xi32, #tpu.memory_space<vmem>>
        %dma_start3A_718 = arith.constant 0 : i32
        %dma_start3A_719 = arith.constant 0 : i32
        %dma_start3A_720 = tpu.memref_slice %arg2[%dma_start3A_718, %dma_start3A_719] : memref<1000000x128xf32, #tpu.memory_space<hbm>> -> memref<1000000x128xf32, #tpu.memory_space<hbm>>
        tpu.enqueue_indirect_dma source(%dma_start3A_720 : memref<1000000x128xf32, #tpu.memory_space<hbm>>) target(%dma_start3A_714 : memref<50x128xf32, #tpu.memory_space<vmem>>) offsets(%dma_start3A_717 : memref<50xi32, #tpu.memory_space<vmem>>) semaphore(%arg12 : memref<!tpu.dma_semaphore, #tpu.memory_space<semaphore_mem>>)
      } else {
      }
      %dma_wait3A_588 = arith.constant 4 : i32
      %dma_wait3A_589 = arith.constant 0 : i32
      %dma_wait3A_590 = arith.constant 0 : i32
      %dma_wait3A_591 = arith.constant 0 : i32
      %dma_wait3A_592 = tpu.memref_slice %arg10[%dma_wait3A_589, %dma_wait3A_590, %dma_wait3A_591] : memref<4x50x128xf32, #tpu.memory_space<vmem>> -> memref<1x50x128xf32, #tpu.memory_space<vmem>>
      %dma_wait3A_593 = tpu.memref_squeeze %dma_wait3A_592 : memref<1x50x128xf32, #tpu.memory_space<vmem>> -> memref<50x128xf32, #tpu.memory_space<vmem>>
      %dma_wait3A_594 = arith.constant 0 : i32
      %dma_wait3A_595 = tpu.memref_slice %arg8[%dma_wait3A_588, %dma_wait3A_594] : memref<8x50xi32, #tpu.memory_space<vmem>> -> memref<1x50xi32, #tpu.memory_space<vmem>>
      %dma_wait3A_596 = tpu.memref_squeeze %dma_wait3A_595 : memref<1x50xi32, #tpu.memory_space<vmem>> -> memref<50xi32, #tpu.memory_space<vmem>>
      %dma_wait3A_597 = arith.constant 0 : i32
      %dma_wait3A_598 = arith.constant 0 : i32
      %dma_wait3A_599 = tpu.memref_slice %arg2[%dma_wait3A_597, %dma_wait3A_598] : memref<1000000x128xf32, #tpu.memory_space<hbm>> -> memref<1000000x128xf32, #tpu.memory_space<hbm>>
      tpu.wait_indirect_dma semaphore(%arg13 : memref<!tpu.dma_semaphore, #tpu.memory_space<semaphore_mem>>) src(%dma_wait3A_599 : memref<1000000x128xf32, #tpu.memory_space<hbm>>) dst(%dma_wait3A_593 : memref<50x128xf32, #tpu.memory_space<vmem>>)
      %dma_wait3A_600 = arith.constant 5 : i32
      %dma_wait3A_601 = arith.constant 1 : i32
      %dma_wait3A_602 = arith.constant 0 : i32
      %dma_wait3A_603 = arith.constant 0 : i32
      %dma_wait3A_604 = tpu.memref_slice %arg10[%dma_wait3A_601, %dma_wait3A_602, %dma_wait3A_603] : memref<4x50x128xf32, #tpu.memory_space<vmem>> -> memref<1x50x128xf32, #tpu.memory_space<vmem>>
      %dma_wait3A_605 = tpu.memref_squeeze %dma_wait3A_604 : memref<1x50x128xf32, #tpu.memory_space<vmem>> -> memref<50x128xf32, #tpu.memory_space<vmem>>
      %dma_wait3A_606 = arith.constant 0 : i32
      %dma_wait3A_607 = tpu.memref_slice %arg8[%dma_wait3A_600, %dma_wait3A_606] : memref<8x50xi32, #tpu.memory_space<vmem>> -> memref<1x50xi32, #tpu.memory_space<vmem>>
      %dma_wait3A_608 = tpu.memref_squeeze %dma_wait3A_607 : memref<1x50xi32, #tpu.memory_space<vmem>> -> memref<50xi32, #tpu.memory_space<vmem>>
      %dma_wait3A_609 = arith.constant 0 : i32
      %dma_wait3A_610 = arith.constant 0 : i32
      %dma_wait3A_611 = tpu.memref_slice %arg2[%dma_wait3A_609, %dma_wait3A_610] : memref<1000000x128xf32, #tpu.memory_space<hbm>> -> memref<1000000x128xf32, #tpu.memory_space<hbm>>
      tpu.wait_indirect_dma semaphore(%arg13 : memref<!tpu.dma_semaphore, #tpu.memory_space<semaphore_mem>>) src(%dma_wait3A_611 : memref<1000000x128xf32, #tpu.memory_space<hbm>>) dst(%dma_wait3A_605 : memref<50x128xf32, #tpu.memory_space<vmem>>)
      %dma_wait3A_612 = arith.constant 6 : i32
      %dma_wait3A_613 = arith.constant 2 : i32
      %dma_wait3A_614 = arith.constant 0 : i32
      %dma_wait3A_615 = arith.constant 0 : i32
      %dma_wait3A_616 = tpu.memref_slice %arg10[%dma_wait3A_613, %dma_wait3A_614, %dma_wait3A_615] : memref<4x50x128xf32, #tpu.memory_space<vmem>> -> memref<1x50x128xf32, #tpu.memory_space<vmem>>
      %dma_wait3A_617 = tpu.memref_squeeze %dma_wait3A_616 : memref<1x50x128xf32, #tpu.memory_space<vmem>> -> memref<50x128xf32, #tpu.memory_space<vmem>>
      %dma_wait3A_618 = arith.constant 0 : i32
      %dma_wait3A_619 = tpu.memref_slice %arg8[%dma_wait3A_612, %dma_wait3A_618] : memref<8x50xi32, #tpu.memory_space<vmem>> -> memref<1x50xi32, #tpu.memory_space<vmem>>
      %dma_wait3A_620 = tpu.memref_squeeze %dma_wait3A_619 : memref<1x50xi32, #tpu.memory_space<vmem>> -> memref<50xi32, #tpu.memory_space<vmem>>
      %dma_wait3A_621 = arith.constant 0 : i32
      %dma_wait3A_622 = arith.constant 0 : i32
      %dma_wait3A_623 = tpu.memref_slice %arg2[%dma_wait3A_621, %dma_wait3A_622] : memref<1000000x128xf32, #tpu.memory_space<hbm>> -> memref<1000000x128xf32, #tpu.memory_space<hbm>>
      tpu.wait_indirect_dma semaphore(%arg13 : memref<!tpu.dma_semaphore, #tpu.memory_space<semaphore_mem>>) src(%dma_wait3A_623 : memref<1000000x128xf32, #tpu.memory_space<hbm>>) dst(%dma_wait3A_617 : memref<50x128xf32, #tpu.memory_space<vmem>>)
      %dma_wait3A_624 = arith.constant 7 : i32
      %dma_wait3A_625 = arith.constant 3 : i32
      %dma_wait3A_626 = arith.constant 0 : i32
      %dma_wait3A_627 = arith.constant 0 : i32
      %dma_wait3A_628 = tpu.memref_slice %arg10[%dma_wait3A_625, %dma_wait3A_626, %dma_wait3A_627] : memref<4x50x128xf32, #tpu.memory_space<vmem>> -> memref<1x50x128xf32, #tpu.memory_space<vmem>>
      %dma_wait3A_629 = tpu.memref_squeeze %dma_wait3A_628 : memref<1x50x128xf32, #tpu.memory_space<vmem>> -> memref<50x128xf32, #tpu.memory_space<vmem>>
      %dma_wait3A_630 = arith.constant 0 : i32
      %dma_wait3A_631 = tpu.memref_slice %arg8[%dma_wait3A_624, %dma_wait3A_630] : memref<8x50xi32, #tpu.memory_space<vmem>> -> memref<1x50xi32, #tpu.memory_space<vmem>>
      %dma_wait3A_632 = tpu.memref_squeeze %dma_wait3A_631 : memref<1x50xi32, #tpu.memory_space<vmem>> -> memref<50xi32, #tpu.memory_space<vmem>>
      %dma_wait3A_633 = arith.constant 0 : i32
      %dma_wait3A_634 = arith.constant 0 : i32
      %dma_wait3A_635 = tpu.memref_slice %arg2[%dma_wait3A_633, %dma_wait3A_634] : memref<1000000x128xf32, #tpu.memory_space<hbm>> -> memref<1000000x128xf32, #tpu.memory_space<hbm>>
      tpu.wait_indirect_dma semaphore(%arg13 : memref<!tpu.dma_semaphore, #tpu.memory_space<semaphore_mem>>) src(%dma_wait3A_635 : memref<1000000x128xf32, #tpu.memory_space<hbm>>) dst(%dma_wait3A_629 : memref<50x128xf32, #tpu.memory_space<vmem>>)
      %scan3A_636 = arith.constant 0 : i32
      %scan3A_637 = arith.constant 0 : i32
      %scan3A_638 = arith.constant 25 : i32
      %scan3A_639 = arith.addi %scan3A_637, %scan3A_638 : i32
      %scan3A_640 = arith.constant 1 : i32
      %scan3A_641 = scf.for %scan3A_663 = %scan3A_637 to %scan3A_639 step %scan3A_640 iter_args(%scan3A_664 = %scan3A_636) -> (i32)  : i32 {
        %mul3A_665 = arith.constant 2 : i32
        %mul3A_666 = arith.muli %scan3A_663, %mul3A_665 : i32
        %add3A_667 = arith.constant 0 : i32
        %add3A_668 = arith.addi %mul3A_666, %add3A_667 : i32
        %get3A = arith.constant 0 : i32
        %get3A_669 = arith.index_cast %get3A : i32 to index
        %get3A_670 = arith.index_cast %add3A_668 : i32 to index
        %get3A_671 = arith.constant 0 : index
        %get3A_672 = tpu.vector_load %arg10[%get3A_669, %get3A_670, %get3A_671] {strides = array<i32>} : memref<4x50x128xf32, #tpu.memory_space<vmem>>, vector<1x1x16xf32>,
        %get3A_673 = vector.shape_cast %get3A_672 : vector<1x1x16xf32> to vector<16xf32>
        %swap3A = arith.constant 4 : i32
        %swap3A_674 = arith.index_cast %swap3A : i32 to index
        %swap3A_675 = arith.index_cast %add3A_668 : i32 to index
        %swap3A_676 = arith.constant 0 : index
        %swap3A_677 = tpu.vector_load %arg11[%swap3A_674, %swap3A_675, %swap3A_676] {strides = array<i32>} : memref<8x50x32xf32, #tpu.memory_space<vmem>>, vector<1x1x16xf32>,
        %swap3A_678 = vector.shape_cast %swap3A_677 : vector<1x1x16xf32> to vector<16xf32>
        %swap3A_679 = vector.shape_cast %get3A_673 : vector<16xf32> to vector<1x1x16xf32>
        tpu.vector_store %arg11[%swap3A_674, %swap3A_675, %swap3A_676], %swap3A_679 {strides = array<i32>} : memref<8x50x32xf32, #tpu.memory_space<vmem>>, vector<1x1x16xf32>,
        %get3A_680 = arith.constant 0 : i32
        %get3A_681 = arith.index_cast %get3A_680 : i32 to index
        %get3A_682 = arith.index_cast %add3A_668 : i32 to index
        %get3A_683 = arith.constant 16 : index
        %get3A_684 = tpu.vector_load %arg10[%get3A_681, %get3A_682, %get3A_683] {strides = array<i32>} : memref<4x50x128xf32, #tpu.memory_space<vmem>>, vector<1x1x16xf32>,
        %get3A_685 = vector.shape_cast %get3A_684 : vector<1x1x16xf32> to vector<16xf32>
        %swap3A_686 = arith.constant 4 : i32
        %swap3A_687 = arith.index_cast %swap3A_686 : i32 to index
        %swap3A_688 = arith.index_cast %add3A_668 : i32 to index
        %swap3A_689 = arith.constant 16 : index
        %swap3A_690 = tpu.vector_load %arg11[%swap3A_687, %swap3A_688, %swap3A_689] {strides = array<i32>} : memref<8x50x32xf32, #tpu.memory_space<vmem>>, vector<1x1x16xf32>,
        %swap3A_691 = vector.shape_cast %swap3A_690 : vector<1x1x16xf32> to vector<16xf32>
        %swap3A_692 = vector.shape_cast %get3A_685 : vector<16xf32> to vector<1x1x16xf32>
        tpu.vector_store %arg11[%swap3A_687, %swap3A_688, %swap3A_689], %swap3A_692 {strides = array<i32>} : memref<8x50x32xf32, #tpu.memory_space<vmem>>, vector<1x1x16xf32>,
        %get3A_693 = arith.constant 1 : i32
        %get3A_694 = arith.index_cast %get3A_693 : i32 to index
        %get3A_695 = arith.index_cast %add3A_668 : i32 to index
        %get3A_696 = arith.constant 0 : index
        %get3A_697 = tpu.vector_load %arg10[%get3A_694, %get3A_695, %get3A_696] {strides = array<i32>} : memref<4x50x128xf32, #tpu.memory_space<vmem>>, vector<1x1x16xf32>,
        %get3A_698 = vector.shape_cast %get3A_697 : vector<1x1x16xf32> to vector<16xf32>
        %swap3A_699 = arith.constant 5 : i32
        %swap3A_700 = arith.index_cast %swap3A_699 : i32 to index
        %swap3A_701 = arith.index_cast %add3A_668 : i32 to index
        %swap3A_702 = arith.constant 0 : index
        %swap3A_703 = tpu.vector_load %arg11[%swap3A_700, %swap3A_701, %swap3A_702] {strides = array<i32>} : memref<8x50x32xf32, #tpu.memory_space<vmem>>, vector<1x1x16xf32>,
        %swap3A_704 = vector.shape_cast %swap3A_703 : vector<1x1x16xf32> to vector<16xf32>
        %swap3A_705 = vector.shape_cast %get3A_698 : vector<16xf32> to vector<1x1x16xf32>
        tpu.vector_store %arg11[%swap3A_700, %swap3A_701, %swap3A_702], %swap3A_705 {strides = array<i32>} : memref<8x50x32xf32, #tpu.memory_space<vmem>>, vector<1x1x16xf32>,
        %get3A_706 = arith.constant 1 : i32
        %get3A_707 = arith.index_cast %get3A_706 : i32 to index
        %get3A_708 = arith.index_cast %add3A_668 : i32 to index
        %get3A_709 = arith.constant 16 : index
        %get3A_710 = tpu.vector_load %arg10[%get3A_707, %get3A_708, %get3A_709] {strides = array<i32>} : memref<4x50x128xf32, #tpu.memory_space<vmem>>, vector<1x1x16xf32>,
        %get3A_711 = vector.shape_cast %get3A_710 : vector<1x1x16xf32> to vector<16xf32>
        %swap3A_712 = arith.constant 5 : i32
        %swap3A_713 = arith.index_cast %swap3A_712 : i32 to index
        %swap3A_714 = arith.index_cast %add3A_668 : i32 to index
        %swap3A_715 = arith.constant 16 : index
        %swap3A_716 = tpu.vector_load %arg11[%swap3A_713, %swap3A_714, %swap3A_715] {strides = array<i32>} : memref<8x50x32xf32, #tpu.memory_space<vmem>>, vector<1x1x16xf32>,
        %swap3A_717 = vector.shape_cast %swap3A_716 : vector<1x1x16xf32> to vector<16xf32>
        %swap3A_718 = vector.shape_cast %get3A_711 : vector<16xf32> to vector<1x1x16xf32>
        tpu.vector_store %arg11[%swap3A_713, %swap3A_714, %swap3A_715], %swap3A_718 {strides = array<i32>} : memref<8x50x32xf32, #tpu.memory_space<vmem>>, vector<1x1x16xf32>,
        %get3A_719 = arith.constant 2 : i32
        %get3A_720 = arith.index_cast %get3A_719 : i32 to index
        %get3A_721 = arith.index_cast %add3A_668 : i32 to index
        %get3A_722 = arith.constant 0 : index
        %get3A_723 = tpu.vector_load %arg10[%get3A_720, %get3A_721, %get3A_722] {strides = array<i32>} : memref<4x50x128xf32, #tpu.memory_space<vmem>>, vector<1x1x16xf32>,
        %get3A_724 = vector.shape_cast %get3A_723 : vector<1x1x16xf32> to vector<16xf32>
        %swap3A_725 = arith.constant 6 : i32
        %swap3A_726 = arith.index_cast %swap3A_725 : i32 to index
        %swap3A_727 = arith.index_cast %add3A_668 : i32 to index
        %swap3A_728 = arith.constant 0 : index
        %swap3A_729 = tpu.vector_load %arg11[%swap3A_726, %swap3A_727, %swap3A_728] {strides = array<i32>} : memref<8x50x32xf32, #tpu.memory_space<vmem>>, vector<1x1x16xf32>,
        %swap3A_730 = vector.shape_cast %swap3A_729 : vector<1x1x16xf32> to vector<16xf32>
        %swap3A_731 = vector.shape_cast %get3A_724 : vector<16xf32> to vector<1x1x16xf32>
        tpu.vector_store %arg11[%swap3A_726, %swap3A_727, %swap3A_728], %swap3A_731 {strides = array<i32>} : memref<8x50x32xf32, #tpu.memory_space<vmem>>, vector<1x1x16xf32>,
        %get3A_732 = arith.constant 2 : i32
        %get3A_733 = arith.index_cast %get3A_732 : i32 to index
        %get3A_734 = arith.index_cast %add3A_668 : i32 to index
        %get3A_735 = arith.constant 16 : index
        %get3A_736 = tpu.vector_load %arg10[%get3A_733, %get3A_734, %get3A_735] {strides = array<i32>} : memref<4x50x128xf32, #tpu.memory_space<vmem>>, vector<1x1x16xf32>,
        %get3A_737 = vector.shape_cast %get3A_736 : vector<1x1x16xf32> to vector<16xf32>
        %swap3A_738 = arith.constant 6 : i32
        %swap3A_739 = arith.index_cast %swap3A_738 : i32 to index
        %swap3A_740 = arith.index_cast %add3A_668 : i32 to index
        %swap3A_741 = arith.constant 16 : index
        %swap3A_742 = tpu.vector_load %arg11[%swap3A_739, %swap3A_740, %swap3A_741] {strides = array<i32>} : memref<8x50x32xf32, #tpu.memory_space<vmem>>, vector<1x1x16xf32>,
        %swap3A_743 = vector.shape_cast %swap3A_742 : vector<1x1x16xf32> to vector<16xf32>
        %swap3A_744 = vector.shape_cast %get3A_737 : vector<16xf32> to vector<1x1x16xf32>
        tpu.vector_store %arg11[%swap3A_739, %swap3A_740, %swap3A_741], %swap3A_744 {strides = array<i32>} : memref<8x50x32xf32, #tpu.memory_space<vmem>>, vector<1x1x16xf32>,
        %get3A_745 = arith.constant 3 : i32
        %get3A_746 = arith.index_cast %get3A_745 : i32 to index
        %get3A_747 = arith.index_cast %add3A_668 : i32 to index
        %get3A_748 = arith.constant 0 : index
        %get3A_749 = tpu.vector_load %arg10[%get3A_746, %get3A_747, %get3A_748] {strides = array<i32>} : memref<4x50x128xf32, #tpu.memory_space<vmem>>, vector<1x1x16xf32>,
        %get3A_750 = vector.shape_cast %get3A_749 : vector<1x1x16xf32> to vector<16xf32>
        %swap3A_751 = arith.constant 7 : i32
        %swap3A_752 = arith.index_cast %swap3A_751 : i32 to index
        %swap3A_753 = arith.index_cast %add3A_668 : i32 to index
        %swap3A_754 = arith.constant 0 : index
        %swap3A_755 = tpu.vector_load %arg11[%swap3A_752, %swap3A_753, %swap3A_754] {strides = array<i32>} : memref<8x50x32xf32, #tpu.memory_space<vmem>>, vector<1x1x16xf32>,
        %swap3A_756 = vector.shape_cast %swap3A_755 : vector<1x1x16xf32> to vector<16xf32>
        %swap3A_757 = vector.shape_cast %get3A_750 : vector<16xf32> to vector<1x1x16xf32>
        tpu.vector_store %arg11[%swap3A_752, %swap3A_753, %swap3A_754], %swap3A_757 {strides = array<i32>} : memref<8x50x32xf32, #tpu.memory_space<vmem>>, vector<1x1x16xf32>,
        %get3A_758 = arith.constant 3 : i32
        %get3A_759 = arith.index_cast %get3A_758 : i32 to index
        %get3A_760 = arith.index_cast %add3A_668 : i32 to index
        %get3A_761 = arith.constant 16 : index
        %get3A_762 = tpu.vector_load %arg10[%get3A_759, %get3A_760, %get3A_761] {strides = array<i32>} : memref<4x50x128xf32, #tpu.memory_space<vmem>>, vector<1x1x16xf32>,
        %get3A_763 = vector.shape_cast %get3A_762 : vector<1x1x16xf32> to vector<16xf32>
        %swap3A_764 = arith.constant 7 : i32
        %swap3A_765 = arith.index_cast %swap3A_764 : i32 to index
        %swap3A_766 = arith.index_cast %add3A_668 : i32 to index
        %swap3A_767 = arith.constant 16 : index
        %swap3A_768 = tpu.vector_load %arg11[%swap3A_765, %swap3A_766, %swap3A_767] {strides = array<i32>} : memref<8x50x32xf32, #tpu.memory_space<vmem>>, vector<1x1x16xf32>,
        %swap3A_769 = vector.shape_cast %swap3A_768 : vector<1x1x16xf32> to vector<16xf32>
        %swap3A_770 = vector.shape_cast %get3A_763 : vector<16xf32> to vector<1x1x16xf32>
        tpu.vector_store %arg11[%swap3A_765, %swap3A_766, %swap3A_767], %swap3A_770 {strides = array<i32>} : memref<8x50x32xf32, #tpu.memory_space<vmem>>, vector<1x1x16xf32>,
        %mul3A_771 = arith.constant 2 : i32
        %mul3A_772 = arith.muli %scan3A_663, %mul3A_771 : i32
        %add3A_773 = arith.constant 1 : i32
        %add3A_774 = arith.addi %mul3A_772, %add3A_773 : i32
        %get3A_775 = arith.constant 0 : i32
        %get3A_776 = arith.index_cast %get3A_775 : i32 to index
        %get3A_777 = arith.index_cast %add3A_774 : i32 to index
        %get3A_778 = arith.constant 0 : index
        %get3A_779 = tpu.vector_load %arg10[%get3A_776, %get3A_777, %get3A_778] {strides = array<i32>} : memref<4x50x128xf32, #tpu.memory_space<vmem>>, vector<1x1x16xf32>,
        %get3A_780 = vector.shape_cast %get3A_779 : vector<1x1x16xf32> to vector<16xf32>
        %swap3A_781 = arith.constant 4 : i32
        %swap3A_782 = arith.index_cast %swap3A_781 : i32 to index
        %swap3A_783 = arith.index_cast %add3A_774 : i32 to index
        %swap3A_784 = arith.constant 0 : index
        %swap3A_785 = tpu.vector_load %arg11[%swap3A_782, %swap3A_783, %swap3A_784] {strides = array<i32>} : memref<8x50x32xf32, #tpu.memory_space<vmem>>, vector<1x1x16xf32>,
        %swap3A_786 = vector.shape_cast %swap3A_785 : vector<1x1x16xf32> to vector<16xf32>
        %swap3A_787 = vector.shape_cast %get3A_780 : vector<16xf32> to vector<1x1x16xf32>
        tpu.vector_store %arg11[%swap3A_782, %swap3A_783, %swap3A_784], %swap3A_787 {strides = array<i32>} : memref<8x50x32xf32, #tpu.memory_space<vmem>>, vector<1x1x16xf32>,
        %get3A_788 = arith.constant 0 : i32
        %get3A_789 = arith.index_cast %get3A_788 : i32 to index
        %get3A_790 = arith.index_cast %add3A_774 : i32 to index
        %get3A_791 = arith.constant 16 : index
        %get3A_792 = tpu.vector_load %arg10[%get3A_789, %get3A_790, %get3A_791] {strides = array<i32>} : memref<4x50x128xf32, #tpu.memory_space<vmem>>, vector<1x1x16xf32>,
        %get3A_793 = vector.shape_cast %get3A_792 : vector<1x1x16xf32> to vector<16xf32>
        %swap3A_794 = arith.constant 4 : i32
        %swap3A_795 = arith.index_cast %swap3A_794 : i32 to index
        %swap3A_796 = arith.index_cast %add3A_774 : i32 to index
        %swap3A_797 = arith.constant 16 : index
        %swap3A_798 = tpu.vector_load %arg11[%swap3A_795, %swap3A_796, %swap3A_797] {strides = array<i32>} : memref<8x50x32xf32, #tpu.memory_space<vmem>>, vector<1x1x16xf32>,
        %swap3A_799 = vector.shape_cast %swap3A_798 : vector<1x1x16xf32> to vector<16xf32>
        %swap3A_800 = vector.shape_cast %get3A_793 : vector<16xf32> to vector<1x1x16xf32>
        tpu.vector_store %arg11[%swap3A_795, %swap3A_796, %swap3A_797], %swap3A_800 {strides = array<i32>} : memref<8x50x32xf32, #tpu.memory_space<vmem>>, vector<1x1x16xf32>,
        %get3A_801 = arith.constant 1 : i32
        %get3A_802 = arith.index_cast %get3A_801 : i32 to index
        %get3A_803 = arith.index_cast %add3A_774 : i32 to index
        %get3A_804 = arith.constant 0 : index
        %get3A_805 = tpu.vector_load %arg10[%get3A_802, %get3A_803, %get3A_804] {strides = array<i32>} : memref<4x50x128xf32, #tpu.memory_space<vmem>>, vector<1x1x16xf32>,
        %get3A_806 = vector.shape_cast %get3A_805 : vector<1x1x16xf32> to vector<16xf32>
        %swap3A_807 = arith.constant 5 : i32
        %swap3A_808 = arith.index_cast %swap3A_807 : i32 to index
        %swap3A_809 = arith.index_cast %add3A_774 : i32 to index
        %swap3A_810 = arith.constant 0 : index
        %swap3A_811 = tpu.vector_load %arg11[%swap3A_808, %swap3A_809, %swap3A_810] {strides = array<i32>} : memref<8x50x32xf32, #tpu.memory_space<vmem>>, vector<1x1x16xf32>,
        %swap3A_812 = vector.shape_cast %swap3A_811 : vector<1x1x16xf32> to vector<16xf32>
        %swap3A_813 = vector.shape_cast %get3A_806 : vector<16xf32> to vector<1x1x16xf32>
        tpu.vector_store %arg11[%swap3A_808, %swap3A_809, %swap3A_810], %swap3A_813 {strides = array<i32>} : memref<8x50x32xf32, #tpu.memory_space<vmem>>, vector<1x1x16xf32>,
        %get3A_814 = arith.constant 1 : i32
        %get3A_815 = arith.index_cast %get3A_814 : i32 to index
        %get3A_816 = arith.index_cast %add3A_774 : i32 to index
        %get3A_817 = arith.constant 16 : index
        %get3A_818 = tpu.vector_load %arg10[%get3A_815, %get3A_816, %get3A_817] {strides = array<i32>} : memref<4x50x128xf32, #tpu.memory_space<vmem>>, vector<1x1x16xf32>,
        %get3A_819 = vector.shape_cast %get3A_818 : vector<1x1x16xf32> to vector<16xf32>
        %swap3A_820 = arith.constant 5 : i32
        %swap3A_821 = arith.index_cast %swap3A_820 : i32 to index
        %swap3A_822 = arith.index_cast %add3A_774 : i32 to index
        %swap3A_823 = arith.constant 16 : index
        %swap3A_824 = tpu.vector_load %arg11[%swap3A_821, %swap3A_822, %swap3A_823] {strides = array<i32>} : memref<8x50x32xf32, #tpu.memory_space<vmem>>, vector<1x1x16xf32>,
        %swap3A_825 = vector.shape_cast %swap3A_824 : vector<1x1x16xf32> to vector<16xf32>
        %swap3A_826 = vector.shape_cast %get3A_819 : vector<16xf32> to vector<1x1x16xf32>
        tpu.vector_store %arg11[%swap3A_821, %swap3A_822, %swap3A_823], %swap3A_826 {strides = array<i32>} : memref<8x50x32xf32, #tpu.memory_space<vmem>>, vector<1x1x16xf32>,
        %get3A_827 = arith.constant 2 : i32
        %get3A_828 = arith.index_cast %get3A_827 : i32 to index
        %get3A_829 = arith.index_cast %add3A_774 : i32 to index
        %get3A_830 = arith.constant 0 : index
        %get3A_831 = tpu.vector_load %arg10[%get3A_828, %get3A_829, %get3A_830] {strides = array<i32>} : memref<4x50x128xf32, #tpu.memory_space<vmem>>, vector<1x1x16xf32>,
        %get3A_832 = vector.shape_cast %get3A_831 : vector<1x1x16xf32> to vector<16xf32>
        %swap3A_833 = arith.constant 6 : i32
        %swap3A_834 = arith.index_cast %swap3A_833 : i32 to index
        %swap3A_835 = arith.index_cast %add3A_774 : i32 to index
        %swap3A_836 = arith.constant 0 : index
        %swap3A_837 = tpu.vector_load %arg11[%swap3A_834, %swap3A_835, %swap3A_836] {strides = array<i32>} : memref<8x50x32xf32, #tpu.memory_space<vmem>>, vector<1x1x16xf32>,
        %swap3A_838 = vector.shape_cast %swap3A_837 : vector<1x1x16xf32> to vector<16xf32>
        %swap3A_839 = vector.shape_cast %get3A_832 : vector<16xf32> to vector<1x1x16xf32>
        tpu.vector_store %arg11[%swap3A_834, %swap3A_835, %swap3A_836], %swap3A_839 {strides = array<i32>} : memref<8x50x32xf32, #tpu.memory_space<vmem>>, vector<1x1x16xf32>,
        %get3A_840 = arith.constant 2 : i32
        %get3A_841 = arith.index_cast %get3A_840 : i32 to index
        %get3A_842 = arith.index_cast %add3A_774 : i32 to index
        %get3A_843 = arith.constant 16 : index
        %get3A_844 = tpu.vector_load %arg10[%get3A_841, %get3A_842, %get3A_843] {strides = array<i32>} : memref<4x50x128xf32, #tpu.memory_space<vmem>>, vector<1x1x16xf32>,
        %get3A_845 = vector.shape_cast %get3A_844 : vector<1x1x16xf32> to vector<16xf32>
        %swap3A_846 = arith.constant 6 : i32
        %swap3A_847 = arith.index_cast %swap3A_846 : i32 to index
        %swap3A_848 = arith.index_cast %add3A_774 : i32 to index
        %swap3A_849 = arith.constant 16 : index
        %swap3A_850 = tpu.vector_load %arg11[%swap3A_847, %swap3A_848, %swap3A_849] {strides = array<i32>} : memref<8x50x32xf32, #tpu.memory_space<vmem>>, vector<1x1x16xf32>,
        %swap3A_851 = vector.shape_cast %swap3A_850 : vector<1x1x16xf32> to vector<16xf32>
        %swap3A_852 = vector.shape_cast %get3A_845 : vector<16xf32> to vector<1x1x16xf32>
        tpu.vector_store %arg11[%swap3A_847, %swap3A_848, %swap3A_849], %swap3A_852 {strides = array<i32>} : memref<8x50x32xf32, #tpu.memory_space<vmem>>, vector<1x1x16xf32>,
        %get3A_853 = arith.constant 3 : i32
        %get3A_854 = arith.index_cast %get3A_853 : i32 to index
        %get3A_855 = arith.index_cast %add3A_774 : i32 to index
        %get3A_856 = arith.constant 0 : index
        %get3A_857 = tpu.vector_load %arg10[%get3A_854, %get3A_855, %get3A_856] {strides = array<i32>} : memref<4x50x128xf32, #tpu.memory_space<vmem>>, vector<1x1x16xf32>,
        %get3A_858 = vector.shape_cast %get3A_857 : vector<1x1x16xf32> to vector<16xf32>
        %swap3A_859 = arith.constant 7 : i32
        %swap3A_860 = arith.index_cast %swap3A_859 : i32 to index
        %swap3A_861 = arith.index_cast %add3A_774 : i32 to index
        %swap3A_862 = arith.constant 0 : index
        %swap3A_863 = tpu.vector_load %arg11[%swap3A_860, %swap3A_861, %swap3A_862] {strides = array<i32>} : memref<8x50x32xf32, #tpu.memory_space<vmem>>, vector<1x1x16xf32>,
        %swap3A_864 = vector.shape_cast %swap3A_863 : vector<1x1x16xf32> to vector<16xf32>
        %swap3A_865 = vector.shape_cast %get3A_858 : vector<16xf32> to vector<1x1x16xf32>
        tpu.vector_store %arg11[%swap3A_860, %swap3A_861, %swap3A_862], %swap3A_865 {strides = array<i32>} : memref<8x50x32xf32, #tpu.memory_space<vmem>>, vector<1x1x16xf32>,
        %get3A_866 = arith.constant 3 : i32
        %get3A_867 = arith.index_cast %get3A_866 : i32 to index
        %get3A_868 = arith.index_cast %add3A_774 : i32 to index
        %get3A_869 = arith.constant 16 : index
        %get3A_870 = tpu.vector_load %arg10[%get3A_867, %get3A_868, %get3A_869] {strides = array<i32>} : memref<4x50x128xf32, #tpu.memory_space<vmem>>, vector<1x1x16xf32>,
        %get3A_871 = vector.shape_cast %get3A_870 : vector<1x1x16xf32> to vector<16xf32>
        %swap3A_872 = arith.constant 7 : i32
        %swap3A_873 = arith.index_cast %swap3A_872 : i32 to index
        %swap3A_874 = arith.index_cast %add3A_774 : i32 to index
        %swap3A_875 = arith.constant 16 : index
        %swap3A_876 = tpu.vector_load %arg11[%swap3A_873, %swap3A_874, %swap3A_875] {strides = array<i32>} : memref<8x50x32xf32, #tpu.memory_space<vmem>>, vector<1x1x16xf32>,
        %swap3A_877 = vector.shape_cast %swap3A_876 : vector<1x1x16xf32> to vector<16xf32>
        %swap3A_878 = vector.shape_cast %get3A_871 : vector<16xf32> to vector<1x1x16xf32>
        tpu.vector_store %arg11[%swap3A_873, %swap3A_874, %swap3A_875], %swap3A_878 {strides = array<i32>} : memref<8x50x32xf32, #tpu.memory_space<vmem>>, vector<1x1x16xf32>,
        %scan3A_879 = arith.constant 0 : i32
        scf.yield %scan3A_879 : i32
      }
      %scan3A_642 = arith.constant 25 : i32
      %convert_element_type3A_643 = arith.extui %lt3A_513 : i1 to i32
      %cond3A_644 = arith.constant 0 : i32
      %cond3A_645 = arith.cmpi ne, %convert_element_type3A_643, %cond3A_644 : i32
      scf.if %cond3A_645 {
        %dma_start3A_663 = arith.constant 4 : i32
        %dma_start3A_664 = arith.constant 0 : i32
        %dma_start3A_665 = arith.constant 0 : i32
        %dma_start3A_666 = arith.constant 0 : i32
        %dma_start3A_667 = tpu.memref_slice %arg10[%dma_start3A_664, %dma_start3A_665, %dma_start3A_666] : memref<4x50x128xf32, #tpu.memory_space<vmem>> -> memref<1x50x128xf32, #tpu.memory_space<vmem>>
        %dma_start3A_668 = tpu.memref_squeeze %dma_start3A_667 : memref<1x50x128xf32, #tpu.memory_space<vmem>> -> memref<50x128xf32, #tpu.memory_space<vmem>>
        %dma_start3A_669 = arith.constant 0 : i32
        %dma_start3A_670 = tpu.memref_slice %arg7[%dma_start3A_663, %dma_start3A_669] : memref<8x50xi32, #tpu.memory_space<vmem>> -> memref<1x50xi32, #tpu.memory_space<vmem>>
        %dma_start3A_671 = tpu.memref_squeeze %dma_start3A_670 : memref<1x50xi32, #tpu.memory_space<vmem>> -> memref<50xi32, #tpu.memory_space<vmem>>
        %dma_start3A_672 = arith.constant 0 : i32
        %dma_start3A_673 = arith.constant 0 : i32
        %dma_start3A_674 = tpu.memref_slice %arg2[%dma_start3A_672, %dma_start3A_673] : memref<1000000x128xf32, #tpu.memory_space<hbm>> -> memref<1000000x128xf32, #tpu.memory_space<hbm>>
        tpu.enqueue_indirect_dma source(%dma_start3A_674 : memref<1000000x128xf32, #tpu.memory_space<hbm>>) target(%dma_start3A_668 : memref<50x128xf32, #tpu.memory_space<vmem>>) offsets(%dma_start3A_671 : memref<50xi32, #tpu.memory_space<vmem>>) semaphore(%arg13 : memref<!tpu.dma_semaphore, #tpu.memory_space<semaphore_mem>>)
        %dma_start3A_675 = arith.constant 5 : i32
        %dma_start3A_676 = arith.constant 1 : i32
        %dma_start3A_677 = arith.constant 0 : i32
        %dma_start3A_678 = arith.constant 0 : i32
        %dma_start3A_679 = tpu.memref_slice %arg10[%dma_start3A_676, %dma_start3A_677, %dma_start3A_678] : memref<4x50x128xf32, #tpu.memory_space<vmem>> -> memref<1x50x128xf32, #tpu.memory_space<vmem>>
        %dma_start3A_680 = tpu.memref_squeeze %dma_start3A_679 : memref<1x50x128xf32, #tpu.memory_space<vmem>> -> memref<50x128xf32, #tpu.memory_space<vmem>>
        %dma_start3A_681 = arith.constant 0 : i32
        %dma_start3A_682 = tpu.memref_slice %arg7[%dma_start3A_675, %dma_start3A_681] : memref<8x50xi32, #tpu.memory_space<vmem>> -> memref<1x50xi32, #tpu.memory_space<vmem>>
        %dma_start3A_683 = tpu.memref_squeeze %dma_start3A_682 : memref<1x50xi32, #tpu.memory_space<vmem>> -> memref<50xi32, #tpu.memory_space<vmem>>
        %dma_start3A_684 = arith.constant 0 : i32
        %dma_start3A_685 = arith.constant 0 : i32
        %dma_start3A_686 = tpu.memref_slice %arg2[%dma_start3A_684, %dma_start3A_685] : memref<1000000x128xf32, #tpu.memory_space<hbm>> -> memref<1000000x128xf32, #tpu.memory_space<hbm>>
        tpu.enqueue_indirect_dma source(%dma_start3A_686 : memref<1000000x128xf32, #tpu.memory_space<hbm>>) target(%dma_start3A_680 : memref<50x128xf32, #tpu.memory_space<vmem>>) offsets(%dma_start3A_683 : memref<50xi32, #tpu.memory_space<vmem>>) semaphore(%arg13 : memref<!tpu.dma_semaphore, #tpu.memory_space<semaphore_mem>>)
        %dma_start3A_687 = arith.constant 6 : i32
        %dma_start3A_688 = arith.constant 2 : i32
        %dma_start3A_689 = arith.constant 0 : i32
        %dma_start3A_690 = arith.constant 0 : i32
        %dma_start3A_691 = tpu.memref_slice %arg10[%dma_start3A_688, %dma_start3A_689, %dma_start3A_690] : memref<4x50x128xf32, #tpu.memory_space<vmem>> -> memref<1x50x128xf32, #tpu.memory_space<vmem>>
        %dma_start3A_692 = tpu.memref_squeeze %dma_start3A_691 : memref<1x50x128xf32, #tpu.memory_space<vmem>> -> memref<50x128xf32, #tpu.memory_space<vmem>>
        %dma_start3A_693 = arith.constant 0 : i32
        %dma_start3A_694 = tpu.memref_slice %arg7[%dma_start3A_687, %dma_start3A_693] : memref<8x50xi32, #tpu.memory_space<vmem>> -> memref<1x50xi32, #tpu.memory_space<vmem>>
        %dma_start3A_695 = tpu.memref_squeeze %dma_start3A_694 : memref<1x50xi32, #tpu.memory_space<vmem>> -> memref<50xi32, #tpu.memory_space<vmem>>
        %dma_start3A_696 = arith.constant 0 : i32
        %dma_start3A_697 = arith.constant 0 : i32
        %dma_start3A_698 = tpu.memref_slice %arg2[%dma_start3A_696, %dma_start3A_697] : memref<1000000x128xf32, #tpu.memory_space<hbm>> -> memref<1000000x128xf32, #tpu.memory_space<hbm>>
        tpu.enqueue_indirect_dma source(%dma_start3A_698 : memref<1000000x128xf32, #tpu.memory_space<hbm>>) target(%dma_start3A_692 : memref<50x128xf32, #tpu.memory_space<vmem>>) offsets(%dma_start3A_695 : memref<50xi32, #tpu.memory_space<vmem>>) semaphore(%arg13 : memref<!tpu.dma_semaphore, #tpu.memory_space<semaphore_mem>>)
        %dma_start3A_699 = arith.constant 7 : i32
        %dma_start3A_700 = arith.constant 3 : i32
        %dma_start3A_701 = arith.constant 0 : i32
        %dma_start3A_702 = arith.constant 0 : i32
        %dma_start3A_703 = tpu.memref_slice %arg10[%dma_start3A_700, %dma_start3A_701, %dma_start3A_702] : memref<4x50x128xf32, #tpu.memory_space<vmem>> -> memref<1x50x128xf32, #tpu.memory_space<vmem>>
        %dma_start3A_704 = tpu.memref_squeeze %dma_start3A_703 : memref<1x50x128xf32, #tpu.memory_space<vmem>> -> memref<50x128xf32, #tpu.memory_space<vmem>>
        %dma_start3A_705 = arith.constant 0 : i32
        %dma_start3A_706 = tpu.memref_slice %arg7[%dma_start3A_699, %dma_start3A_705] : memref<8x50xi32, #tpu.memory_space<vmem>> -> memref<1x50xi32, #tpu.memory_space<vmem>>
        %dma_start3A_707 = tpu.memref_squeeze %dma_start3A_706 : memref<1x50xi32, #tpu.memory_space<vmem>> -> memref<50xi32, #tpu.memory_space<vmem>>
        %dma_start3A_708 = arith.constant 0 : i32
        %dma_start3A_709 = arith.constant 0 : i32
        %dma_start3A_710 = tpu.memref_slice %arg2[%dma_start3A_708, %dma_start3A_709] : memref<1000000x128xf32, #tpu.memory_space<hbm>> -> memref<1000000x128xf32, #tpu.memory_space<hbm>>
        tpu.enqueue_indirect_dma source(%dma_start3A_710 : memref<1000000x128xf32, #tpu.memory_space<hbm>>) target(%dma_start3A_704 : memref<50x128xf32, #tpu.memory_space<vmem>>) offsets(%dma_start3A_707 : memref<50xi32, #tpu.memory_space<vmem>>) semaphore(%arg13 : memref<!tpu.dma_semaphore, #tpu.memory_space<semaphore_mem>>)
      } else {
      }
      %mul3A_646 = arith.constant 8 : i32
      %mul3A_647 = arith.muli %add3A_276, %mul3A_646 : i32
      %add3A_648 = arith.addi %mul3A_2, %mul3A_647 : i32
      %multiple_of3A_649 = tpu.assume_multiple %add3A_648, 8 : i32
      %dma_start3A_650 = arith.constant 0 : i32
      %dma_start3A_651 = arith.constant 0 : i32
      %dma_start3A_652 = arith.constant 0 : i32
      %dma_start3A_653 = tpu.memref_slice %arg6[%dma_start3A_650, %multiple_of3A_649, %dma_start3A_651, %dma_start3A_652] : memref<2x16384x50x32xf32, #tpu.memory_space<hbm>> -> memref<1x8x50x32xf32, #tpu.memory_space<hbm>>
      %dma_start3A_654 = tpu.memref_squeeze %dma_start3A_653 : memref<1x8x50x32xf32, #tpu.memory_space<hbm>> -> memref<8x50x32xf32, #tpu.memory_space<hbm>>
      %dma_start3A_655 = arith.constant 0 : i32
      %dma_start3A_656 = arith.constant 0 : i32
      %dma_start3A_657 = tpu.memref_slice %arg6[%dma_start3A_650, %multiple_of3A_649, %dma_start3A_655, %dma_start3A_656] : memref<2x16384x50x32xf32, #tpu.memory_space<hbm>> -> memref<1x8x50x32xf32, #tpu.memory_space<hbm>>
      %dma_start3A_658 = tpu.memref_squeeze %dma_start3A_657 : memref<1x8x50x32xf32, #tpu.memory_space<hbm>> -> memref<8x50x32xf32, #tpu.memory_space<hbm>>
      tpu.enqueue_dma source(%arg11 : memref<8x50x32xf32, #tpu.memory_space<vmem>>) target(%dma_start3A_658 : memref<8x50x32xf32, #tpu.memory_space<hbm>>) target_semaphore(%arg14 : memref<!tpu.dma_semaphore, #tpu.memory_space<semaphore_mem>>)
      %convert_element_type3A_659 = arith.extui %lt3A_515 : i1 to i32
      %cond3A_660 = arith.constant 0 : i32
      %cond3A_661 = arith.cmpi ne, %convert_element_type3A_659, %cond3A_660 : i32
      scf.if %cond3A_661 {
        %add3A_663 = arith.constant 2 : i32
        %add3A_664 = arith.addi %add3A_276, %add3A_663 : i32
        %mul3A_665 = arith.constant 8 : i32
        %mul3A_666 = arith.muli %add3A_664, %mul3A_665 : i32
        %add3A_667 = arith.addi %mul3A_2, %mul3A_666 : i32
        %multiple_of3A_668 = tpu.assume_multiple %add3A_667, 8 : i32
        %dma_start3A_669 = arith.constant 0 : i32
        %dma_start3A_670 = tpu.memref_slice %arg4[%multiple_of3A_668, %dma_start3A_669] : memref<16384x50xi32, #tpu.memory_space<hbm>> -> memref<8x50xi32, #tpu.memory_space<hbm>>
        %dma_start3A_671 = arith.constant 0 : i32
        %dma_start3A_672 = tpu.memref_slice %arg4[%multiple_of3A_668, %dma_start3A_671] : memref<16384x50xi32, #tpu.memory_space<hbm>> -> memref<8x50xi32, #tpu.memory_space<hbm>>
        tpu.enqueue_dma source(%dma_start3A_672 : memref<8x50xi32, #tpu.memory_space<hbm>>) target(%arg8 : memref<8x50xi32, #tpu.memory_space<vmem>>) target_semaphore(%arg16 : memref<!tpu.dma_semaphore, #tpu.memory_space<semaphore_mem>>)
      } else {
      }
      %scan3A_662 = arith.constant 0 : i32
      scf.yield %scan3A_662 : i32
    }
    %scan3A_122 = arith.constant 32 : i32
    %add3A_123 = arith.constant 504 : i32
    %add3A_124 = arith.addi %mul3A_2, %add3A_123 : i32
    %multiple_of3A_125 = tpu.assume_multiple %add3A_124, 8 : i32
    %dma_wait3A_126 = arith.constant 0 : i32
    %dma_wait3A_127 = arith.constant 0 : i32
    %dma_wait3A_128 = arith.constant 0 : i32
    %dma_wait3A_129 = tpu.memref_slice %arg6[%dma_wait3A_126, %multiple_of3A_125, %dma_wait3A_127, %dma_wait3A_128] : memref<2x16384x50x32xf32, #tpu.memory_space<hbm>> -> memref<1x8x50x32xf32, #tpu.memory_space<hbm>>
    %dma_wait3A_130 = tpu.memref_squeeze %dma_wait3A_129 : memref<1x8x50x32xf32, #tpu.memory_space<hbm>> -> memref<8x50x32xf32, #tpu.memory_space<hbm>>
    %dma_wait3A_131 = arith.constant 0 : i32
    %dma_wait3A_132 = arith.constant 0 : i32
    %dma_wait3A_133 = tpu.memref_slice %arg6[%dma_wait3A_126, %multiple_of3A_125, %dma_wait3A_131, %dma_wait3A_132] : memref<2x16384x50x32xf32, #tpu.memory_space<hbm>> -> memref<1x8x50x32xf32, #tpu.memory_space<hbm>>
    %dma_wait3A_134 = tpu.memref_squeeze %dma_wait3A_133 : memref<1x8x50x32xf32, #tpu.memory_space<hbm>> -> memref<8x50x32xf32, #tpu.memory_space<hbm>>
    tpu.wait_dma2 semaphore(%arg14 : memref<!tpu.dma_semaphore, #tpu.memory_space<semaphore_mem>>) src(%arg11 : memref<8x50x32xf32, #tpu.memory_space<vmem>>) dst(%dma_wait3A_134 : memref<8x50x32xf32, #tpu.memory_space<hbm>>)
    %add3A_135 = arith.constant 0 : i32
    %add3A_136 = arith.addi %mul3A_2, %add3A_135 : i32
    %multiple_of3A_137 = tpu.assume_multiple %add3A_136, 8 : i32
    %dma_start3A_138 = arith.constant 0 : i32
    %dma_start3A_139 = tpu.memref_slice %arg5[%multiple_of3A_137, %dma_start3A_138] : memref<16384x50xi32, #tpu.memory_space<hbm>> -> memref<8x50xi32, #tpu.memory_space<hbm>>
    %dma_start3A_140 = arith.constant 0 : i32
    %dma_start3A_141 = tpu.memref_slice %arg5[%multiple_of3A_137, %dma_start3A_140] : memref<16384x50xi32, #tpu.memory_space<hbm>> -> memref<8x50xi32, #tpu.memory_space<hbm>>
    tpu.enqueue_dma source(%dma_start3A_141 : memref<8x50xi32, #tpu.memory_space<hbm>>) target(%arg7 : memref<8x50xi32, #tpu.memory_space<vmem>>) target_semaphore(%arg15 : memref<!tpu.dma_semaphore, #tpu.memory_space<semaphore_mem>>)
    %add3A_142 = arith.constant 8 : i32
    %add3A_143 = arith.addi %mul3A_2, %add3A_142 : i32
    %multiple_of3A_144 = tpu.assume_multiple %add3A_143, 8 : i32
    %dma_start3A_145 = arith.constant 0 : i32
    %dma_start3A_146 = tpu.memref_slice %arg5[%multiple_of3A_144, %dma_start3A_145] : memref<16384x50xi32, #tpu.memory_space<hbm>> -> memref<8x50xi32, #tpu.memory_space<hbm>>
    %dma_start3A_147 = arith.constant 0 : i32
    %dma_start3A_148 = tpu.memref_slice %arg5[%multiple_of3A_144, %dma_start3A_147] : memref<16384x50xi32, #tpu.memory_space<hbm>> -> memref<8x50xi32, #tpu.memory_space<hbm>>
    tpu.enqueue_dma source(%dma_start3A_148 : memref<8x50xi32, #tpu.memory_space<hbm>>) target(%arg8 : memref<8x50xi32, #tpu.memory_space<vmem>>) target_semaphore(%arg16 : memref<!tpu.dma_semaphore, #tpu.memory_space<semaphore_mem>>)
    %add3A_149 = arith.constant 0 : i32
    %add3A_150 = arith.addi %mul3A_2, %add3A_149 : i32
    %multiple_of3A_151 = tpu.assume_multiple %add3A_150, 8 : i32
    %dma_wait3A_152 = arith.constant 0 : i32
    %dma_wait3A_153 = tpu.memref_slice %arg5[%multiple_of3A_151, %dma_wait3A_152] : memref<16384x50xi32, #tpu.memory_space<hbm>> -> memref<8x50xi32, #tpu.memory_space<hbm>>
    %dma_wait3A_154 = arith.constant 0 : i32
    %dma_wait3A_155 = tpu.memref_slice %arg5[%multiple_of3A_151, %dma_wait3A_154] : memref<16384x50xi32, #tpu.memory_space<hbm>> -> memref<8x50xi32, #tpu.memory_space<hbm>>
    tpu.wait_dma2 semaphore(%arg15 : memref<!tpu.dma_semaphore, #tpu.memory_space<semaphore_mem>>) src(%dma_wait3A_155 : memref<8x50xi32, #tpu.memory_space<hbm>>) dst(%arg7 : memref<8x50xi32, #tpu.memory_space<vmem>>)
    %dma_start3A_156 = arith.constant 0 : i32
    %dma_start3A_157 = arith.constant 0 : i32
    %dma_start3A_158 = arith.constant 0 : i32
    %dma_start3A_159 = arith.constant 0 : i32
    %dma_start3A_160 = tpu.memref_slice %arg9[%dma_start3A_157, %dma_start3A_158, %dma_start3A_159] : memref<4x50x128xf32, #tpu.memory_space<vmem>> -> memref<1x50x128xf32, #tpu.memory_space<vmem>>
    %dma_start3A_161 = tpu.memref_squeeze %dma_start3A_160 : memref<1x50x128xf32, #tpu.memory_space<vmem>> -> memref<50x128xf32, #tpu.memory_space<vmem>>
    %dma_start3A_162 = arith.constant 0 : i32
    %dma_start3A_163 = tpu.memref_slice %arg7[%dma_start3A_156, %dma_start3A_162] : memref<8x50xi32, #tpu.memory_space<vmem>> -> memref<1x50xi32, #tpu.memory_space<vmem>>
    %dma_start3A_164 = tpu.memref_squeeze %dma_start3A_163 : memref<1x50xi32, #tpu.memory_space<vmem>> -> memref<50xi32, #tpu.memory_space<vmem>>
    %dma_start3A_165 = arith.constant 0 : i32
    %dma_start3A_166 = arith.constant 0 : i32
    %dma_start3A_167 = tpu.memref_slice %arg3[%dma_start3A_165, %dma_start3A_166] : memref<1000000x128xf32, #tpu.memory_space<hbm>> -> memref<1000000x128xf32, #tpu.memory_space<hbm>>
    tpu.enqueue_indirect_dma source(%dma_start3A_167 : memref<1000000x128xf32, #tpu.memory_space<hbm>>) target(%dma_start3A_161 : memref<50x128xf32, #tpu.memory_space<vmem>>) offsets(%dma_start3A_164 : memref<50xi32, #tpu.memory_space<vmem>>) semaphore(%arg12 : memref<!tpu.dma_semaphore, #tpu.memory_space<semaphore_mem>>)
    %dma_start3A_168 = arith.constant 1 : i32
    %dma_start3A_169 = arith.constant 1 : i32
    %dma_start3A_170 = arith.constant 0 : i32
    %dma_start3A_171 = arith.constant 0 : i32
    %dma_start3A_172 = tpu.memref_slice %arg9[%dma_start3A_169, %dma_start3A_170, %dma_start3A_171] : memref<4x50x128xf32, #tpu.memory_space<vmem>> -> memref<1x50x128xf32, #tpu.memory_space<vmem>>
    %dma_start3A_173 = tpu.memref_squeeze %dma_start3A_172 : memref<1x50x128xf32, #tpu.memory_space<vmem>> -> memref<50x128xf32, #tpu.memory_space<vmem>>
    %dma_start3A_174 = arith.constant 0 : i32
    %dma_start3A_175 = tpu.memref_slice %arg7[%dma_start3A_168, %dma_start3A_174] : memref<8x50xi32, #tpu.memory_space<vmem>> -> memref<1x50xi32, #tpu.memory_space<vmem>>
    %dma_start3A_176 = tpu.memref_squeeze %dma_start3A_175 : memref<1x50xi32, #tpu.memory_space<vmem>> -> memref<50xi32, #tpu.memory_space<vmem>>
    %dma_start3A_177 = arith.constant 0 : i32
    %dma_start3A_178 = arith.constant 0 : i32
    %dma_start3A_179 = tpu.memref_slice %arg3[%dma_start3A_177, %dma_start3A_178] : memref<1000000x128xf32, #tpu.memory_space<hbm>> -> memref<1000000x128xf32, #tpu.memory_space<hbm>>
    tpu.enqueue_indirect_dma source(%dma_start3A_179 : memref<1000000x128xf32, #tpu.memory_space<hbm>>) target(%dma_start3A_173 : memref<50x128xf32, #tpu.memory_space<vmem>>) offsets(%dma_start3A_176 : memref<50xi32, #tpu.memory_space<vmem>>) semaphore(%arg12 : memref<!tpu.dma_semaphore, #tpu.memory_space<semaphore_mem>>)
    %dma_start3A_180 = arith.constant 2 : i32
    %dma_start3A_181 = arith.constant 2 : i32
    %dma_start3A_182 = arith.constant 0 : i32
    %dma_start3A_183 = arith.constant 0 : i32
    %dma_start3A_184 = tpu.memref_slice %arg9[%dma_start3A_181, %dma_start3A_182, %dma_start3A_183] : memref<4x50x128xf32, #tpu.memory_space<vmem>> -> memref<1x50x128xf32, #tpu.memory_space<vmem>>
    %dma_start3A_185 = tpu.memref_squeeze %dma_start3A_184 : memref<1x50x128xf32, #tpu.memory_space<vmem>> -> memref<50x128xf32, #tpu.memory_space<vmem>>
    %dma_start3A_186 = arith.constant 0 : i32
    %dma_start3A_187 = tpu.memref_slice %arg7[%dma_start3A_180, %dma_start3A_186] : memref<8x50xi32, #tpu.memory_space<vmem>> -> memref<1x50xi32, #tpu.memory_space<vmem>>
    %dma_start3A_188 = tpu.memref_squeeze %dma_start3A_187 : memref<1x50xi32, #tpu.memory_space<vmem>> -> memref<50xi32, #tpu.memory_space<vmem>>
    %dma_start3A_189 = arith.constant 0 : i32
    %dma_start3A_190 = arith.constant 0 : i32
    %dma_start3A_191 = tpu.memref_slice %arg3[%dma_start3A_189, %dma_start3A_190] : memref<1000000x128xf32, #tpu.memory_space<hbm>> -> memref<1000000x128xf32, #tpu.memory_space<hbm>>
    tpu.enqueue_indirect_dma source(%dma_start3A_191 : memref<1000000x128xf32, #tpu.memory_space<hbm>>) target(%dma_start3A_185 : memref<50x128xf32, #tpu.memory_space<vmem>>) offsets(%dma_start3A_188 : memref<50xi32, #tpu.memory_space<vmem>>) semaphore(%arg12 : memref<!tpu.dma_semaphore, #tpu.memory_space<semaphore_mem>>)
    %dma_start3A_192 = arith.constant 3 : i32
    %dma_start3A_193 = arith.constant 3 : i32
    %dma_start3A_194 = arith.constant 0 : i32
    %dma_start3A_195 = arith.constant 0 : i32
    %dma_start3A_196 = tpu.memref_slice %arg9[%dma_start3A_193, %dma_start3A_194, %dma_start3A_195] : memref<4x50x128xf32, #tpu.memory_space<vmem>> -> memref<1x50x128xf32, #tpu.memory_space<vmem>>
    %dma_start3A_197 = tpu.memref_squeeze %dma_start3A_196 : memref<1x50x128xf32, #tpu.memory_space<vmem>> -> memref<50x128xf32, #tpu.memory_space<vmem>>
    %dma_start3A_198 = arith.constant 0 : i32
    %dma_start3A_199 = tpu.memref_slice %arg7[%dma_start3A_192, %dma_start3A_198] : memref<8x50xi32, #tpu.memory_space<vmem>> -> memref<1x50xi32, #tpu.memory_space<vmem>>
    %dma_start3A_200 = tpu.memref_squeeze %dma_start3A_199 : memref<1x50xi32, #tpu.memory_space<vmem>> -> memref<50xi32, #tpu.memory_space<vmem>>
    %dma_start3A_201 = arith.constant 0 : i32
    %dma_start3A_202 = arith.constant 0 : i32
    %dma_start3A_203 = tpu.memref_slice %arg3[%dma_start3A_201, %dma_start3A_202] : memref<1000000x128xf32, #tpu.memory_space<hbm>> -> memref<1000000x128xf32, #tpu.memory_space<hbm>>
    tpu.enqueue_indirect_dma source(%dma_start3A_203 : memref<1000000x128xf32, #tpu.memory_space<hbm>>) target(%dma_start3A_197 : memref<50x128xf32, #tpu.memory_space<vmem>>) offsets(%dma_start3A_200 : memref<50xi32, #tpu.memory_space<vmem>>) semaphore(%arg12 : memref<!tpu.dma_semaphore, #tpu.memory_space<semaphore_mem>>)
    %dma_start3A_204 = arith.constant 4 : i32
    %dma_start3A_205 = arith.constant 0 : i32
    %dma_start3A_206 = arith.constant 0 : i32
    %dma_start3A_207 = arith.constant 0 : i32
    %dma_start3A_208 = tpu.memref_slice %arg10[%dma_start3A_205, %dma_start3A_206, %dma_start3A_207] : memref<4x50x128xf32, #tpu.memory_space<vmem>> -> memref<1x50x128xf32, #tpu.memory_space<vmem>>
    %dma_start3A_209 = tpu.memref_squeeze %dma_start3A_208 : memref<1x50x128xf32, #tpu.memory_space<vmem>> -> memref<50x128xf32, #tpu.memory_space<vmem>>
    %dma_start3A_210 = arith.constant 0 : i32
    %dma_start3A_211 = tpu.memref_slice %arg7[%dma_start3A_204, %dma_start3A_210] : memref<8x50xi32, #tpu.memory_space<vmem>> -> memref<1x50xi32, #tpu.memory_space<vmem>>
    %dma_start3A_212 = tpu.memref_squeeze %dma_start3A_211 : memref<1x50xi32, #tpu.memory_space<vmem>> -> memref<50xi32, #tpu.memory_space<vmem>>
    %dma_start3A_213 = arith.constant 0 : i32
    %dma_start3A_214 = arith.constant 0 : i32
    %dma_start3A_215 = tpu.memref_slice %arg3[%dma_start3A_213, %dma_start3A_214] : memref<1000000x128xf32, #tpu.memory_space<hbm>> -> memref<1000000x128xf32, #tpu.memory_space<hbm>>
    tpu.enqueue_indirect_dma source(%dma_start3A_215 : memref<1000000x128xf32, #tpu.memory_space<hbm>>) target(%dma_start3A_209 : memref<50x128xf32, #tpu.memory_space<vmem>>) offsets(%dma_start3A_212 : memref<50xi32, #tpu.memory_space<vmem>>) semaphore(%arg13 : memref<!tpu.dma_semaphore, #tpu.memory_space<semaphore_mem>>)
    %dma_start3A_216 = arith.constant 5 : i32
    %dma_start3A_217 = arith.constant 1 : i32
    %dma_start3A_218 = arith.constant 0 : i32
    %dma_start3A_219 = arith.constant 0 : i32
    %dma_start3A_220 = tpu.memref_slice %arg10[%dma_start3A_217, %dma_start3A_218, %dma_start3A_219] : memref<4x50x128xf32, #tpu.memory_space<vmem>> -> memref<1x50x128xf32, #tpu.memory_space<vmem>>
    %dma_start3A_221 = tpu.memref_squeeze %dma_start3A_220 : memref<1x50x128xf32, #tpu.memory_space<vmem>> -> memref<50x128xf32, #tpu.memory_space<vmem>>
    %dma_start3A_222 = arith.constant 0 : i32
    %dma_start3A_223 = tpu.memref_slice %arg7[%dma_start3A_216, %dma_start3A_222] : memref<8x50xi32, #tpu.memory_space<vmem>> -> memref<1x50xi32, #tpu.memory_space<vmem>>
    %dma_start3A_224 = tpu.memref_squeeze %dma_start3A_223 : memref<1x50xi32, #tpu.memory_space<vmem>> -> memref<50xi32, #tpu.memory_space<vmem>>
    %dma_start3A_225 = arith.constant 0 : i32
    %dma_start3A_226 = arith.constant 0 : i32
    %dma_start3A_227 = tpu.memref_slice %arg3[%dma_start3A_225, %dma_start3A_226] : memref<1000000x128xf32, #tpu.memory_space<hbm>> -> memref<1000000x128xf32, #tpu.memory_space<hbm>>
    tpu.enqueue_indirect_dma source(%dma_start3A_227 : memref<1000000x128xf32, #tpu.memory_space<hbm>>) target(%dma_start3A_221 : memref<50x128xf32, #tpu.memory_space<vmem>>) offsets(%dma_start3A_224 : memref<50xi32, #tpu.memory_space<vmem>>) semaphore(%arg13 : memref<!tpu.dma_semaphore, #tpu.memory_space<semaphore_mem>>)
    %dma_start3A_228 = arith.constant 6 : i32
    %dma_start3A_229 = arith.constant 2 : i32
    %dma_start3A_230 = arith.constant 0 : i32
    %dma_start3A_231 = arith.constant 0 : i32
    %dma_start3A_232 = tpu.memref_slice %arg10[%dma_start3A_229, %dma_start3A_230, %dma_start3A_231] : memref<4x50x128xf32, #tpu.memory_space<vmem>> -> memref<1x50x128xf32, #tpu.memory_space<vmem>>
    %dma_start3A_233 = tpu.memref_squeeze %dma_start3A_232 : memref<1x50x128xf32, #tpu.memory_space<vmem>> -> memref<50x128xf32, #tpu.memory_space<vmem>>
    %dma_start3A_234 = arith.constant 0 : i32
    %dma_start3A_235 = tpu.memref_slice %arg7[%dma_start3A_228, %dma_start3A_234] : memref<8x50xi32, #tpu.memory_space<vmem>> -> memref<1x50xi32, #tpu.memory_space<vmem>>
    %dma_start3A_236 = tpu.memref_squeeze %dma_start3A_235 : memref<1x50xi32, #tpu.memory_space<vmem>> -> memref<50xi32, #tpu.memory_space<vmem>>
    %dma_start3A_237 = arith.constant 0 : i32
    %dma_start3A_238 = arith.constant 0 : i32
    %dma_start3A_239 = tpu.memref_slice %arg3[%dma_start3A_237, %dma_start3A_238] : memref<1000000x128xf32, #tpu.memory_space<hbm>> -> memref<1000000x128xf32, #tpu.memory_space<hbm>>
    tpu.enqueue_indirect_dma source(%dma_start3A_239 : memref<1000000x128xf32, #tpu.memory_space<hbm>>) target(%dma_start3A_233 : memref<50x128xf32, #tpu.memory_space<vmem>>) offsets(%dma_start3A_236 : memref<50xi32, #tpu.memory_space<vmem>>) semaphore(%arg13 : memref<!tpu.dma_semaphore, #tpu.memory_space<semaphore_mem>>)
    %dma_start3A_240 = arith.constant 7 : i32
    %dma_start3A_241 = arith.constant 3 : i32
    %dma_start3A_242 = arith.constant 0 : i32
    %dma_start3A_243 = arith.constant 0 : i32
    %dma_start3A_244 = tpu.memref_slice %arg10[%dma_start3A_241, %dma_start3A_242, %dma_start3A_243] : memref<4x50x128xf32, #tpu.memory_space<vmem>> -> memref<1x50x128xf32, #tpu.memory_space<vmem>>
    %dma_start3A_245 = tpu.memref_squeeze %dma_start3A_244 : memref<1x50x128xf32, #tpu.memory_space<vmem>> -> memref<50x128xf32, #tpu.memory_space<vmem>>
    %dma_start3A_246 = arith.constant 0 : i32
    %dma_start3A_247 = tpu.memref_slice %arg7[%dma_start3A_240, %dma_start3A_246] : memref<8x50xi32, #tpu.memory_space<vmem>> -> memref<1x50xi32, #tpu.memory_space<vmem>>
    %dma_start3A_248 = tpu.memref_squeeze %dma_start3A_247 : memref<1x50xi32, #tpu.memory_space<vmem>> -> memref<50xi32, #tpu.memory_space<vmem>>
    %dma_start3A_249 = arith.constant 0 : i32
    %dma_start3A_250 = arith.constant 0 : i32
    %dma_start3A_251 = tpu.memref_slice %arg3[%dma_start3A_249, %dma_start3A_250] : memref<1000000x128xf32, #tpu.memory_space<hbm>> -> memref<1000000x128xf32, #tpu.memory_space<hbm>>
    tpu.enqueue_indirect_dma source(%dma_start3A_251 : memref<1000000x128xf32, #tpu.memory_space<hbm>>) target(%dma_start3A_245 : memref<50x128xf32, #tpu.memory_space<vmem>>) offsets(%dma_start3A_248 : memref<50xi32, #tpu.memory_space<vmem>>) semaphore(%arg13 : memref<!tpu.dma_semaphore, #tpu.memory_space<semaphore_mem>>)
    %scan3A_252 = arith.constant 0 : i32
    %scan3A_253 = arith.constant 0 : i32
    %scan3A_254 = arith.constant 32 : i32
    %scan3A_255 = arith.addi %scan3A_253, %scan3A_254 : i32
    %scan3A_256 = arith.constant 1 : i32
    %scan3A_257 = scf.for %scan3A_271 = %scan3A_253 to %scan3A_255 step %scan3A_256 iter_args(%scan3A_272 = %scan3A_252) -> (i32)  : i32 {
      %mul3A_273 = arith.constant 2 : i32
      %mul3A_274 = arith.muli %scan3A_271, %mul3A_273 : i32
      %add3A_275 = arith.constant 1 : i32
      %add3A_276 = arith.addi %mul3A_274, %add3A_275 : i32
      %gt3A = arith.constant 0 : i32
      %gt3A_277 = arith.cmpi sgt, %scan3A_271, %gt3A : i32
      %lt3A = arith.constant 31 : i32
      %lt3A_278 = arith.cmpi slt, %scan3A_271, %lt3A : i32
      %dma_wait3A_279 = arith.constant 0 : i32
      %dma_wait3A_280 = arith.constant 0 : i32
      %dma_wait3A_281 = arith.constant 0 : i32
      %dma_wait3A_282 = arith.constant 0 : i32
      %dma_wait3A_283 = tpu.memref_slice %arg9[%dma_wait3A_280, %dma_wait3A_281, %dma_wait3A_282] : memref<4x50x128xf32, #tpu.memory_space<vmem>> -> memref<1x50x128xf32, #tpu.memory_space<vmem>>
      %dma_wait3A_284 = tpu.memref_squeeze %dma_wait3A_283 : memref<1x50x128xf32, #tpu.memory_space<vmem>> -> memref<50x128xf32, #tpu.memory_space<vmem>>
      %dma_wait3A_285 = arith.constant 0 : i32
      %dma_wait3A_286 = tpu.memref_slice %arg7[%dma_wait3A_279, %dma_wait3A_285] : memref<8x50xi32, #tpu.memory_space<vmem>> -> memref<1x50xi32, #tpu.memory_space<vmem>>
      %dma_wait3A_287 = tpu.memref_squeeze %dma_wait3A_286 : memref<1x50xi32, #tpu.memory_space<vmem>> -> memref<50xi32, #tpu.memory_space<vmem>>
      %dma_wait3A_288 = arith.constant 0 : i32
      %dma_wait3A_289 = arith.constant 0 : i32
      %dma_wait3A_290 = tpu.memref_slice %arg3[%dma_wait3A_288, %dma_wait3A_289] : memref<1000000x128xf32, #tpu.memory_space<hbm>> -> memref<1000000x128xf32, #tpu.memory_space<hbm>>
      tpu.wait_indirect_dma semaphore(%arg12 : memref<!tpu.dma_semaphore, #tpu.memory_space<semaphore_mem>>) src(%dma_wait3A_290 : memref<1000000x128xf32, #tpu.memory_space<hbm>>) dst(%dma_wait3A_284 : memref<50x128xf32, #tpu.memory_space<vmem>>)
      %dma_wait3A_291 = arith.constant 1 : i32
      %dma_wait3A_292 = arith.constant 1 : i32
      %dma_wait3A_293 = arith.constant 0 : i32
      %dma_wait3A_294 = arith.constant 0 : i32
      %dma_wait3A_295 = tpu.memref_slice %arg9[%dma_wait3A_292, %dma_wait3A_293, %dma_wait3A_294] : memref<4x50x128xf32, #tpu.memory_space<vmem>> -> memref<1x50x128xf32, #tpu.memory_space<vmem>>
      %dma_wait3A_296 = tpu.memref_squeeze %dma_wait3A_295 : memref<1x50x128xf32, #tpu.memory_space<vmem>> -> memref<50x128xf32, #tpu.memory_space<vmem>>
      %dma_wait3A_297 = arith.constant 0 : i32
      %dma_wait3A_298 = tpu.memref_slice %arg7[%dma_wait3A_291, %dma_wait3A_297] : memref<8x50xi32, #tpu.memory_space<vmem>> -> memref<1x50xi32, #tpu.memory_space<vmem>>
      %dma_wait3A_299 = tpu.memref_squeeze %dma_wait3A_298 : memref<1x50xi32, #tpu.memory_space<vmem>> -> memref<50xi32, #tpu.memory_space<vmem>>
      %dma_wait3A_300 = arith.constant 0 : i32
      %dma_wait3A_301 = arith.constant 0 : i32
      %dma_wait3A_302 = tpu.memref_slice %arg3[%dma_wait3A_300, %dma_wait3A_301] : memref<1000000x128xf32, #tpu.memory_space<hbm>> -> memref<1000000x128xf32, #tpu.memory_space<hbm>>
      tpu.wait_indirect_dma semaphore(%arg12 : memref<!tpu.dma_semaphore, #tpu.memory_space<semaphore_mem>>) src(%dma_wait3A_302 : memref<1000000x128xf32, #tpu.memory_space<hbm>>) dst(%dma_wait3A_296 : memref<50x128xf32, #tpu.memory_space<vmem>>)
      %dma_wait3A_303 = arith.constant 2 : i32
      %dma_wait3A_304 = arith.constant 2 : i32
      %dma_wait3A_305 = arith.constant 0 : i32
      %dma_wait3A_306 = arith.constant 0 : i32
      %dma_wait3A_307 = tpu.memref_slice %arg9[%dma_wait3A_304, %dma_wait3A_305, %dma_wait3A_306] : memref<4x50x128xf32, #tpu.memory_space<vmem>> -> memref<1x50x128xf32, #tpu.memory_space<vmem>>
      %dma_wait3A_308 = tpu.memref_squeeze %dma_wait3A_307 : memref<1x50x128xf32, #tpu.memory_space<vmem>> -> memref<50x128xf32, #tpu.memory_space<vmem>>
      %dma_wait3A_309 = arith.constant 0 : i32
      %dma_wait3A_310 = tpu.memref_slice %arg7[%dma_wait3A_303, %dma_wait3A_309] : memref<8x50xi32, #tpu.memory_space<vmem>> -> memref<1x50xi32, #tpu.memory_space<vmem>>
      %dma_wait3A_311 = tpu.memref_squeeze %dma_wait3A_310 : memref<1x50xi32, #tpu.memory_space<vmem>> -> memref<50xi32, #tpu.memory_space<vmem>>
      %dma_wait3A_312 = arith.constant 0 : i32
      %dma_wait3A_313 = arith.constant 0 : i32
      %dma_wait3A_314 = tpu.memref_slice %arg3[%dma_wait3A_312, %dma_wait3A_313] : memref<1000000x128xf32, #tpu.memory_space<hbm>> -> memref<1000000x128xf32, #tpu.memory_space<hbm>>
      tpu.wait_indirect_dma semaphore(%arg12 : memref<!tpu.dma_semaphore, #tpu.memory_space<semaphore_mem>>) src(%dma_wait3A_314 : memref<1000000x128xf32, #tpu.memory_space<hbm>>) dst(%dma_wait3A_308 : memref<50x128xf32, #tpu.memory_space<vmem>>)
      %dma_wait3A_315 = arith.constant 3 : i32
      %dma_wait3A_316 = arith.constant 3 : i32
      %dma_wait3A_317 = arith.constant 0 : i32
      %dma_wait3A_318 = arith.constant 0 : i32
      %dma_wait3A_319 = tpu.memref_slice %arg9[%dma_wait3A_316, %dma_wait3A_317, %dma_wait3A_318] : memref<4x50x128xf32, #tpu.memory_space<vmem>> -> memref<1x50x128xf32, #tpu.memory_space<vmem>>
      %dma_wait3A_320 = tpu.memref_squeeze %dma_wait3A_319 : memref<1x50x128xf32, #tpu.memory_space<vmem>> -> memref<50x128xf32, #tpu.memory_space<vmem>>
      %dma_wait3A_321 = arith.constant 0 : i32
      %dma_wait3A_322 = tpu.memref_slice %arg7[%dma_wait3A_315, %dma_wait3A_321] : memref<8x50xi32, #tpu.memory_space<vmem>> -> memref<1x50xi32, #tpu.memory_space<vmem>>
      %dma_wait3A_323 = tpu.memref_squeeze %dma_wait3A_322 : memref<1x50xi32, #tpu.memory_space<vmem>> -> memref<50xi32, #tpu.memory_space<vmem>>
      %dma_wait3A_324 = arith.constant 0 : i32
      %dma_wait3A_325 = arith.constant 0 : i32
      %dma_wait3A_326 = tpu.memref_slice %arg3[%dma_wait3A_324, %dma_wait3A_325] : memref<1000000x128xf32, #tpu.memory_space<hbm>> -> memref<1000000x128xf32, #tpu.memory_space<hbm>>
      tpu.wait_indirect_dma semaphore(%arg12 : memref<!tpu.dma_semaphore, #tpu.memory_space<semaphore_mem>>) src(%dma_wait3A_326 : memref<1000000x128xf32, #tpu.memory_space<hbm>>) dst(%dma_wait3A_320 : memref<50x128xf32, #tpu.memory_space<vmem>>)
      %convert_element_type3A = arith.extui %gt3A_277 : i1 to i32
      %cond3A = arith.constant 0 : i32
      %cond3A_327 = arith.cmpi ne, %convert_element_type3A, %cond3A : i32
      scf.if %cond3A_327 {
        %sub3A_663 = arith.constant 1 : i32
        %sub3A_664 = arith.subi %mul3A_274, %sub3A_663 : i32
        %mul3A_665 = arith.constant 8 : i32
        %mul3A_666 = arith.muli %sub3A_664, %mul3A_665 : i32
        %add3A_667 = arith.addi %mul3A_2, %mul3A_666 : i32
        %multiple_of3A_668 = tpu.assume_multiple %add3A_667, 8 : i32
        %dma_wait3A_669 = arith.constant 1 : i32
        %dma_wait3A_670 = arith.constant 0 : i32
        %dma_wait3A_671 = arith.constant 0 : i32
        %dma_wait3A_672 = tpu.memref_slice %arg6[%dma_wait3A_669, %multiple_of3A_668, %dma_wait3A_670, %dma_wait3A_671] : memref<2x16384x50x32xf32, #tpu.memory_space<hbm>> -> memref<1x8x50x32xf32, #tpu.memory_space<hbm>>
        %dma_wait3A_673 = tpu.memref_squeeze %dma_wait3A_672 : memref<1x8x50x32xf32, #tpu.memory_space<hbm>> -> memref<8x50x32xf32, #tpu.memory_space<hbm>>
        %dma_wait3A_674 = arith.constant 0 : i32
        %dma_wait3A_675 = arith.constant 0 : i32
        %dma_wait3A_676 = tpu.memref_slice %arg6[%dma_wait3A_669, %multiple_of3A_668, %dma_wait3A_674, %dma_wait3A_675] : memref<2x16384x50x32xf32, #tpu.memory_space<hbm>> -> memref<1x8x50x32xf32, #tpu.memory_space<hbm>>
        %dma_wait3A_677 = tpu.memref_squeeze %dma_wait3A_676 : memref<1x8x50x32xf32, #tpu.memory_space<hbm>> -> memref<8x50x32xf32, #tpu.memory_space<hbm>>
        tpu.wait_dma2 semaphore(%arg14 : memref<!tpu.dma_semaphore, #tpu.memory_space<semaphore_mem>>) src(%arg11 : memref<8x50x32xf32, #tpu.memory_space<vmem>>) dst(%dma_wait3A_677 : memref<8x50x32xf32, #tpu.memory_space<hbm>>)
      } else {
      }
      %scan3A_328 = arith.constant 0 : i32
      %scan3A_329 = arith.constant 0 : i32
      %scan3A_330 = arith.constant 25 : i32
      %scan3A_331 = arith.addi %scan3A_329, %scan3A_330 : i32
      %scan3A_332 = arith.constant 1 : i32
      %scan3A_333 = scf.for %scan3A_663 = %scan3A_329 to %scan3A_331 step %scan3A_332 iter_args(%scan3A_664 = %scan3A_328) -> (i32)  : i32 {
        %mul3A_665 = arith.constant 2 : i32
        %mul3A_666 = arith.muli %scan3A_663, %mul3A_665 : i32
        %add3A_667 = arith.constant 0 : i32
        %add3A_668 = arith.addi %mul3A_666, %add3A_667 : i32
        %get3A = arith.constant 0 : i32
        %get3A_669 = arith.index_cast %get3A : i32 to index
        %get3A_670 = arith.index_cast %add3A_668 : i32 to index
        %get3A_671 = arith.constant 0 : index
        %get3A_672 = tpu.vector_load %arg9[%get3A_669, %get3A_670, %get3A_671] {strides = array<i32>} : memref<4x50x128xf32, #tpu.memory_space<vmem>>, vector<1x1x16xf32>,
        %get3A_673 = vector.shape_cast %get3A_672 : vector<1x1x16xf32> to vector<16xf32>
        %swap3A = arith.constant 0 : i32
        %swap3A_674 = arith.index_cast %swap3A : i32 to index
        %swap3A_675 = arith.index_cast %add3A_668 : i32 to index
        %swap3A_676 = arith.constant 0 : index
        %swap3A_677 = tpu.vector_load %arg11[%swap3A_674, %swap3A_675, %swap3A_676] {strides = array<i32>} : memref<8x50x32xf32, #tpu.memory_space<vmem>>, vector<1x1x16xf32>,
        %swap3A_678 = vector.shape_cast %swap3A_677 : vector<1x1x16xf32> to vector<16xf32>
        %swap3A_679 = vector.shape_cast %get3A_673 : vector<16xf32> to vector<1x1x16xf32>
        tpu.vector_store %arg11[%swap3A_674, %swap3A_675, %swap3A_676], %swap3A_679 {strides = array<i32>} : memref<8x50x32xf32, #tpu.memory_space<vmem>>, vector<1x1x16xf32>,
        %get3A_680 = arith.constant 0 : i32
        %get3A_681 = arith.index_cast %get3A_680 : i32 to index
        %get3A_682 = arith.index_cast %add3A_668 : i32 to index
        %get3A_683 = arith.constant 16 : index
        %get3A_684 = tpu.vector_load %arg9[%get3A_681, %get3A_682, %get3A_683] {strides = array<i32>} : memref<4x50x128xf32, #tpu.memory_space<vmem>>, vector<1x1x16xf32>,
        %get3A_685 = vector.shape_cast %get3A_684 : vector<1x1x16xf32> to vector<16xf32>
        %swap3A_686 = arith.constant 0 : i32
        %swap3A_687 = arith.index_cast %swap3A_686 : i32 to index
        %swap3A_688 = arith.index_cast %add3A_668 : i32 to index
        %swap3A_689 = arith.constant 16 : index
        %swap3A_690 = tpu.vector_load %arg11[%swap3A_687, %swap3A_688, %swap3A_689] {strides = array<i32>} : memref<8x50x32xf32, #tpu.memory_space<vmem>>, vector<1x1x16xf32>,
        %swap3A_691 = vector.shape_cast %swap3A_690 : vector<1x1x16xf32> to vector<16xf32>
        %swap3A_692 = vector.shape_cast %get3A_685 : vector<16xf32> to vector<1x1x16xf32>
        tpu.vector_store %arg11[%swap3A_687, %swap3A_688, %swap3A_689], %swap3A_692 {strides = array<i32>} : memref<8x50x32xf32, #tpu.memory_space<vmem>>, vector<1x1x16xf32>,
        %get3A_693 = arith.constant 1 : i32
        %get3A_694 = arith.index_cast %get3A_693 : i32 to index
        %get3A_695 = arith.index_cast %add3A_668 : i32 to index
        %get3A_696 = arith.constant 0 : index
        %get3A_697 = tpu.vector_load %arg9[%get3A_694, %get3A_695, %get3A_696] {strides = array<i32>} : memref<4x50x128xf32, #tpu.memory_space<vmem>>, vector<1x1x16xf32>,
        %get3A_698 = vector.shape_cast %get3A_697 : vector<1x1x16xf32> to vector<16xf32>
        %swap3A_699 = arith.constant 1 : i32
        %swap3A_700 = arith.index_cast %swap3A_699 : i32 to index
        %swap3A_701 = arith.index_cast %add3A_668 : i32 to index
        %swap3A_702 = arith.constant 0 : index
        %swap3A_703 = tpu.vector_load %arg11[%swap3A_700, %swap3A_701, %swap3A_702] {strides = array<i32>} : memref<8x50x32xf32, #tpu.memory_space<vmem>>, vector<1x1x16xf32>,
        %swap3A_704 = vector.shape_cast %swap3A_703 : vector<1x1x16xf32> to vector<16xf32>
        %swap3A_705 = vector.shape_cast %get3A_698 : vector<16xf32> to vector<1x1x16xf32>
        tpu.vector_store %arg11[%swap3A_700, %swap3A_701, %swap3A_702], %swap3A_705 {strides = array<i32>} : memref<8x50x32xf32, #tpu.memory_space<vmem>>, vector<1x1x16xf32>,
        %get3A_706 = arith.constant 1 : i32
        %get3A_707 = arith.index_cast %get3A_706 : i32 to index
        %get3A_708 = arith.index_cast %add3A_668 : i32 to index
        %get3A_709 = arith.constant 16 : index
        %get3A_710 = tpu.vector_load %arg9[%get3A_707, %get3A_708, %get3A_709] {strides = array<i32>} : memref<4x50x128xf32, #tpu.memory_space<vmem>>, vector<1x1x16xf32>,
        %get3A_711 = vector.shape_cast %get3A_710 : vector<1x1x16xf32> to vector<16xf32>
        %swap3A_712 = arith.constant 1 : i32
        %swap3A_713 = arith.index_cast %swap3A_712 : i32 to index
        %swap3A_714 = arith.index_cast %add3A_668 : i32 to index
        %swap3A_715 = arith.constant 16 : index
        %swap3A_716 = tpu.vector_load %arg11[%swap3A_713, %swap3A_714, %swap3A_715] {strides = array<i32>} : memref<8x50x32xf32, #tpu.memory_space<vmem>>, vector<1x1x16xf32>,
        %swap3A_717 = vector.shape_cast %swap3A_716 : vector<1x1x16xf32> to vector<16xf32>
        %swap3A_718 = vector.shape_cast %get3A_711 : vector<16xf32> to vector<1x1x16xf32>
        tpu.vector_store %arg11[%swap3A_713, %swap3A_714, %swap3A_715], %swap3A_718 {strides = array<i32>} : memref<8x50x32xf32, #tpu.memory_space<vmem>>, vector<1x1x16xf32>,
        %get3A_719 = arith.constant 2 : i32
        %get3A_720 = arith.index_cast %get3A_719 : i32 to index
        %get3A_721 = arith.index_cast %add3A_668 : i32 to index
        %get3A_722 = arith.constant 0 : index
        %get3A_723 = tpu.vector_load %arg9[%get3A_720, %get3A_721, %get3A_722] {strides = array<i32>} : memref<4x50x128xf32, #tpu.memory_space<vmem>>, vector<1x1x16xf32>,
        %get3A_724 = vector.shape_cast %get3A_723 : vector<1x1x16xf32> to vector<16xf32>
        %swap3A_725 = arith.constant 2 : i32
        %swap3A_726 = arith.index_cast %swap3A_725 : i32 to index
        %swap3A_727 = arith.index_cast %add3A_668 : i32 to index
        %swap3A_728 = arith.constant 0 : index
        %swap3A_729 = tpu.vector_load %arg11[%swap3A_726, %swap3A_727, %swap3A_728] {strides = array<i32>} : memref<8x50x32xf32, #tpu.memory_space<vmem>>, vector<1x1x16xf32>,
        %swap3A_730 = vector.shape_cast %swap3A_729 : vector<1x1x16xf32> to vector<16xf32>
        %swap3A_731 = vector.shape_cast %get3A_724 : vector<16xf32> to vector<1x1x16xf32>
        tpu.vector_store %arg11[%swap3A_726, %swap3A_727, %swap3A_728], %swap3A_731 {strides = array<i32>} : memref<8x50x32xf32, #tpu.memory_space<vmem>>, vector<1x1x16xf32>,
        %get3A_732 = arith.constant 2 : i32
        %get3A_733 = arith.index_cast %get3A_732 : i32 to index
        %get3A_734 = arith.index_cast %add3A_668 : i32 to index
        %get3A_735 = arith.constant 16 : index
        %get3A_736 = tpu.vector_load %arg9[%get3A_733, %get3A_734, %get3A_735] {strides = array<i32>} : memref<4x50x128xf32, #tpu.memory_space<vmem>>, vector<1x1x16xf32>,
        %get3A_737 = vector.shape_cast %get3A_736 : vector<1x1x16xf32> to vector<16xf32>
        %swap3A_738 = arith.constant 2 : i32
        %swap3A_739 = arith.index_cast %swap3A_738 : i32 to index
        %swap3A_740 = arith.index_cast %add3A_668 : i32 to index
        %swap3A_741 = arith.constant 16 : index
        %swap3A_742 = tpu.vector_load %arg11[%swap3A_739, %swap3A_740, %swap3A_741] {strides = array<i32>} : memref<8x50x32xf32, #tpu.memory_space<vmem>>, vector<1x1x16xf32>,
        %swap3A_743 = vector.shape_cast %swap3A_742 : vector<1x1x16xf32> to vector<16xf32>
        %swap3A_744 = vector.shape_cast %get3A_737 : vector<16xf32> to vector<1x1x16xf32>
        tpu.vector_store %arg11[%swap3A_739, %swap3A_740, %swap3A_741], %swap3A_744 {strides = array<i32>} : memref<8x50x32xf32, #tpu.memory_space<vmem>>, vector<1x1x16xf32>,
        %get3A_745 = arith.constant 3 : i32
        %get3A_746 = arith.index_cast %get3A_745 : i32 to index
        %get3A_747 = arith.index_cast %add3A_668 : i32 to index
        %get3A_748 = arith.constant 0 : index
        %get3A_749 = tpu.vector_load %arg9[%get3A_746, %get3A_747, %get3A_748] {strides = array<i32>} : memref<4x50x128xf32, #tpu.memory_space<vmem>>, vector<1x1x16xf32>,
        %get3A_750 = vector.shape_cast %get3A_749 : vector<1x1x16xf32> to vector<16xf32>
        %swap3A_751 = arith.constant 3 : i32
        %swap3A_752 = arith.index_cast %swap3A_751 : i32 to index
        %swap3A_753 = arith.index_cast %add3A_668 : i32 to index
        %swap3A_754 = arith.constant 0 : index
        %swap3A_755 = tpu.vector_load %arg11[%swap3A_752, %swap3A_753, %swap3A_754] {strides = array<i32>} : memref<8x50x32xf32, #tpu.memory_space<vmem>>, vector<1x1x16xf32>,
        %swap3A_756 = vector.shape_cast %swap3A_755 : vector<1x1x16xf32> to vector<16xf32>
        %swap3A_757 = vector.shape_cast %get3A_750 : vector<16xf32> to vector<1x1x16xf32>
        tpu.vector_store %arg11[%swap3A_752, %swap3A_753, %swap3A_754], %swap3A_757 {strides = array<i32>} : memref<8x50x32xf32, #tpu.memory_space<vmem>>, vector<1x1x16xf32>,
        %get3A_758 = arith.constant 3 : i32
        %get3A_759 = arith.index_cast %get3A_758 : i32 to index
        %get3A_760 = arith.index_cast %add3A_668 : i32 to index
        %get3A_761 = arith.constant 16 : index
        %get3A_762 = tpu.vector_load %arg9[%get3A_759, %get3A_760, %get3A_761] {strides = array<i32>} : memref<4x50x128xf32, #tpu.memory_space<vmem>>, vector<1x1x16xf32>,
        %get3A_763 = vector.shape_cast %get3A_762 : vector<1x1x16xf32> to vector<16xf32>
        %swap3A_764 = arith.constant 3 : i32
        %swap3A_765 = arith.index_cast %swap3A_764 : i32 to index
        %swap3A_766 = arith.index_cast %add3A_668 : i32 to index
        %swap3A_767 = arith.constant 16 : index
        %swap3A_768 = tpu.vector_load %arg11[%swap3A_765, %swap3A_766, %swap3A_767] {strides = array<i32>} : memref<8x50x32xf32, #tpu.memory_space<vmem>>, vector<1x1x16xf32>,
        %swap3A_769 = vector.shape_cast %swap3A_768 : vector<1x1x16xf32> to vector<16xf32>
        %swap3A_770 = vector.shape_cast %get3A_763 : vector<16xf32> to vector<1x1x16xf32>
        tpu.vector_store %arg11[%swap3A_765, %swap3A_766, %swap3A_767], %swap3A_770 {strides = array<i32>} : memref<8x50x32xf32, #tpu.memory_space<vmem>>, vector<1x1x16xf32>,
        %mul3A_771 = arith.constant 2 : i32
        %mul3A_772 = arith.muli %scan3A_663, %mul3A_771 : i32
        %add3A_773 = arith.constant 1 : i32
        %add3A_774 = arith.addi %mul3A_772, %add3A_773 : i32
        %get3A_775 = arith.constant 0 : i32
        %get3A_776 = arith.index_cast %get3A_775 : i32 to index
        %get3A_777 = arith.index_cast %add3A_774 : i32 to index
        %get3A_778 = arith.constant 0 : index
        %get3A_779 = tpu.vector_load %arg9[%get3A_776, %get3A_777, %get3A_778] {strides = array<i32>} : memref<4x50x128xf32, #tpu.memory_space<vmem>>, vector<1x1x16xf32>,
        %get3A_780 = vector.shape_cast %get3A_779 : vector<1x1x16xf32> to vector<16xf32>
        %swap3A_781 = arith.constant 0 : i32
        %swap3A_782 = arith.index_cast %swap3A_781 : i32 to index
        %swap3A_783 = arith.index_cast %add3A_774 : i32 to index
        %swap3A_784 = arith.constant 0 : index
        %swap3A_785 = tpu.vector_load %arg11[%swap3A_782, %swap3A_783, %swap3A_784] {strides = array<i32>} : memref<8x50x32xf32, #tpu.memory_space<vmem>>, vector<1x1x16xf32>,
        %swap3A_786 = vector.shape_cast %swap3A_785 : vector<1x1x16xf32> to vector<16xf32>
        %swap3A_787 = vector.shape_cast %get3A_780 : vector<16xf32> to vector<1x1x16xf32>
        tpu.vector_store %arg11[%swap3A_782, %swap3A_783, %swap3A_784], %swap3A_787 {strides = array<i32>} : memref<8x50x32xf32, #tpu.memory_space<vmem>>, vector<1x1x16xf32>,
        %get3A_788 = arith.constant 0 : i32
        %get3A_789 = arith.index_cast %get3A_788 : i32 to index
        %get3A_790 = arith.index_cast %add3A_774 : i32 to index
        %get3A_791 = arith.constant 16 : index
        %get3A_792 = tpu.vector_load %arg9[%get3A_789, %get3A_790, %get3A_791] {strides = array<i32>} : memref<4x50x128xf32, #tpu.memory_space<vmem>>, vector<1x1x16xf32>,
        %get3A_793 = vector.shape_cast %get3A_792 : vector<1x1x16xf32> to vector<16xf32>
        %swap3A_794 = arith.constant 0 : i32
        %swap3A_795 = arith.index_cast %swap3A_794 : i32 to index
        %swap3A_796 = arith.index_cast %add3A_774 : i32 to index
        %swap3A_797 = arith.constant 16 : index
        %swap3A_798 = tpu.vector_load %arg11[%swap3A_795, %swap3A_796, %swap3A_797] {strides = array<i32>} : memref<8x50x32xf32, #tpu.memory_space<vmem>>, vector<1x1x16xf32>,
        %swap3A_799 = vector.shape_cast %swap3A_798 : vector<1x1x16xf32> to vector<16xf32>
        %swap3A_800 = vector.shape_cast %get3A_793 : vector<16xf32> to vector<1x1x16xf32>
        tpu.vector_store %arg11[%swap3A_795, %swap3A_796, %swap3A_797], %swap3A_800 {strides = array<i32>} : memref<8x50x32xf32, #tpu.memory_space<vmem>>, vector<1x1x16xf32>,
        %get3A_801 = arith.constant 1 : i32
        %get3A_802 = arith.index_cast %get3A_801 : i32 to index
        %get3A_803 = arith.index_cast %add3A_774 : i32 to index
        %get3A_804 = arith.constant 0 : index
        %get3A_805 = tpu.vector_load %arg9[%get3A_802, %get3A_803, %get3A_804] {strides = array<i32>} : memref<4x50x128xf32, #tpu.memory_space<vmem>>, vector<1x1x16xf32>,
        %get3A_806 = vector.shape_cast %get3A_805 : vector<1x1x16xf32> to vector<16xf32>
        %swap3A_807 = arith.constant 1 : i32
        %swap3A_808 = arith.index_cast %swap3A_807 : i32 to index
        %swap3A_809 = arith.index_cast %add3A_774 : i32 to index
        %swap3A_810 = arith.constant 0 : index
        %swap3A_811 = tpu.vector_load %arg11[%swap3A_808, %swap3A_809, %swap3A_810] {strides = array<i32>} : memref<8x50x32xf32, #tpu.memory_space<vmem>>, vector<1x1x16xf32>,
        %swap3A_812 = vector.shape_cast %swap3A_811 : vector<1x1x16xf32> to vector<16xf32>
        %swap3A_813 = vector.shape_cast %get3A_806 : vector<16xf32> to vector<1x1x16xf32>
        tpu.vector_store %arg11[%swap3A_808, %swap3A_809, %swap3A_810], %swap3A_813 {strides = array<i32>} : memref<8x50x32xf32, #tpu.memory_space<vmem>>, vector<1x1x16xf32>,
        %get3A_814 = arith.constant 1 : i32
        %get3A_815 = arith.index_cast %get3A_814 : i32 to index
        %get3A_816 = arith.index_cast %add3A_774 : i32 to index
        %get3A_817 = arith.constant 16 : index
        %get3A_818 = tpu.vector_load %arg9[%get3A_815, %get3A_816, %get3A_817] {strides = array<i32>} : memref<4x50x128xf32, #tpu.memory_space<vmem>>, vector<1x1x16xf32>,
        %get3A_819 = vector.shape_cast %get3A_818 : vector<1x1x16xf32> to vector<16xf32>
        %swap3A_820 = arith.constant 1 : i32
        %swap3A_821 = arith.index_cast %swap3A_820 : i32 to index
        %swap3A_822 = arith.index_cast %add3A_774 : i32 to index
        %swap3A_823 = arith.constant 16 : index
        %swap3A_824 = tpu.vector_load %arg11[%swap3A_821, %swap3A_822, %swap3A_823] {strides = array<i32>} : memref<8x50x32xf32, #tpu.memory_space<vmem>>, vector<1x1x16xf32>,
        %swap3A_825 = vector.shape_cast %swap3A_824 : vector<1x1x16xf32> to vector<16xf32>
        %swap3A_826 = vector.shape_cast %get3A_819 : vector<16xf32> to vector<1x1x16xf32>
        tpu.vector_store %arg11[%swap3A_821, %swap3A_822, %swap3A_823], %swap3A_826 {strides = array<i32>} : memref<8x50x32xf32, #tpu.memory_space<vmem>>, vector<1x1x16xf32>,
        %get3A_827 = arith.constant 2 : i32
        %get3A_828 = arith.index_cast %get3A_827 : i32 to index
        %get3A_829 = arith.index_cast %add3A_774 : i32 to index
        %get3A_830 = arith.constant 0 : index
        %get3A_831 = tpu.vector_load %arg9[%get3A_828, %get3A_829, %get3A_830] {strides = array<i32>} : memref<4x50x128xf32, #tpu.memory_space<vmem>>, vector<1x1x16xf32>,
        %get3A_832 = vector.shape_cast %get3A_831 : vector<1x1x16xf32> to vector<16xf32>
        %swap3A_833 = arith.constant 2 : i32
        %swap3A_834 = arith.index_cast %swap3A_833 : i32 to index
        %swap3A_835 = arith.index_cast %add3A_774 : i32 to index
        %swap3A_836 = arith.constant 0 : index
        %swap3A_837 = tpu.vector_load %arg11[%swap3A_834, %swap3A_835, %swap3A_836] {strides = array<i32>} : memref<8x50x32xf32, #tpu.memory_space<vmem>>, vector<1x1x16xf32>,
        %swap3A_838 = vector.shape_cast %swap3A_837 : vector<1x1x16xf32> to vector<16xf32>
        %swap3A_839 = vector.shape_cast %get3A_832 : vector<16xf32> to vector<1x1x16xf32>
        tpu.vector_store %arg11[%swap3A_834, %swap3A_835, %swap3A_836], %swap3A_839 {strides = array<i32>} : memref<8x50x32xf32, #tpu.memory_space<vmem>>, vector<1x1x16xf32>,
        %get3A_840 = arith.constant 2 : i32
        %get3A_841 = arith.index_cast %get3A_840 : i32 to index
        %get3A_842 = arith.index_cast %add3A_774 : i32 to index
        %get3A_843 = arith.constant 16 : index
        %get3A_844 = tpu.vector_load %arg9[%get3A_841, %get3A_842, %get3A_843] {strides = array<i32>} : memref<4x50x128xf32, #tpu.memory_space<vmem>>, vector<1x1x16xf32>,
        %get3A_845 = vector.shape_cast %get3A_844 : vector<1x1x16xf32> to vector<16xf32>
        %swap3A_846 = arith.constant 2 : i32
        %swap3A_847 = arith.index_cast %swap3A_846 : i32 to index
        %swap3A_848 = arith.index_cast %add3A_774 : i32 to index
        %swap3A_849 = arith.constant 16 : index
        %swap3A_850 = tpu.vector_load %arg11[%swap3A_847, %swap3A_848, %swap3A_849] {strides = array<i32>} : memref<8x50x32xf32, #tpu.memory_space<vmem>>, vector<1x1x16xf32>,
        %swap3A_851 = vector.shape_cast %swap3A_850 : vector<1x1x16xf32> to vector<16xf32>
        %swap3A_852 = vector.shape_cast %get3A_845 : vector<16xf32> to vector<1x1x16xf32>
        tpu.vector_store %arg11[%swap3A_847, %swap3A_848, %swap3A_849], %swap3A_852 {strides = array<i32>} : memref<8x50x32xf32, #tpu.memory_space<vmem>>, vector<1x1x16xf32>,
        %get3A_853 = arith.constant 3 : i32
        %get3A_854 = arith.index_cast %get3A_853 : i32 to index
        %get3A_855 = arith.index_cast %add3A_774 : i32 to index
        %get3A_856 = arith.constant 0 : index
        %get3A_857 = tpu.vector_load %arg9[%get3A_854, %get3A_855, %get3A_856] {strides = array<i32>} : memref<4x50x128xf32, #tpu.memory_space<vmem>>, vector<1x1x16xf32>,
        %get3A_858 = vector.shape_cast %get3A_857 : vector<1x1x16xf32> to vector<16xf32>
        %swap3A_859 = arith.constant 3 : i32
        %swap3A_860 = arith.index_cast %swap3A_859 : i32 to index
        %swap3A_861 = arith.index_cast %add3A_774 : i32 to index
        %swap3A_862 = arith.constant 0 : index
        %swap3A_863 = tpu.vector_load %arg11[%swap3A_860, %swap3A_861, %swap3A_862] {strides = array<i32>} : memref<8x50x32xf32, #tpu.memory_space<vmem>>, vector<1x1x16xf32>,
        %swap3A_864 = vector.shape_cast %swap3A_863 : vector<1x1x16xf32> to vector<16xf32>
        %swap3A_865 = vector.shape_cast %get3A_858 : vector<16xf32> to vector<1x1x16xf32>
        tpu.vector_store %arg11[%swap3A_860, %swap3A_861, %swap3A_862], %swap3A_865 {strides = array<i32>} : memref<8x50x32xf32, #tpu.memory_space<vmem>>, vector<1x1x16xf32>,
        %get3A_866 = arith.constant 3 : i32
        %get3A_867 = arith.index_cast %get3A_866 : i32 to index
        %get3A_868 = arith.index_cast %add3A_774 : i32 to index
        %get3A_869 = arith.constant 16 : index
        %get3A_870 = tpu.vector_load %arg9[%get3A_867, %get3A_868, %get3A_869] {strides = array<i32>} : memref<4x50x128xf32, #tpu.memory_space<vmem>>, vector<1x1x16xf32>,
        %get3A_871 = vector.shape_cast %get3A_870 : vector<1x1x16xf32> to vector<16xf32>
        %swap3A_872 = arith.constant 3 : i32
        %swap3A_873 = arith.index_cast %swap3A_872 : i32 to index
        %swap3A_874 = arith.index_cast %add3A_774 : i32 to index
        %swap3A_875 = arith.constant 16 : index
        %swap3A_876 = tpu.vector_load %arg11[%swap3A_873, %swap3A_874, %swap3A_875] {strides = array<i32>} : memref<8x50x32xf32, #tpu.memory_space<vmem>>, vector<1x1x16xf32>,
        %swap3A_877 = vector.shape_cast %swap3A_876 : vector<1x1x16xf32> to vector<16xf32>
        %swap3A_878 = vector.shape_cast %get3A_871 : vector<16xf32> to vector<1x1x16xf32>
        tpu.vector_store %arg11[%swap3A_873, %swap3A_874, %swap3A_875], %swap3A_878 {strides = array<i32>} : memref<8x50x32xf32, #tpu.memory_space<vmem>>, vector<1x1x16xf32>,
        %scan3A_879 = arith.constant 0 : i32
        scf.yield %scan3A_879 : i32
      }
      %scan3A_334 = arith.constant 25 : i32
      %add3A_335 = arith.constant 1 : i32
      %add3A_336 = arith.addi %mul3A_274, %add3A_335 : i32
      %mul3A_337 = arith.constant 8 : i32
      %mul3A_338 = arith.muli %add3A_336, %mul3A_337 : i32
      %add3A_339 = arith.addi %mul3A_2, %mul3A_338 : i32
      %multiple_of3A_340 = tpu.assume_multiple %add3A_339, 8 : i32
      %dma_wait3A_341 = arith.constant 0 : i32
      %dma_wait3A_342 = tpu.memref_slice %arg5[%multiple_of3A_340, %dma_wait3A_341] : memref<16384x50xi32, #tpu.memory_space<hbm>> -> memref<8x50xi32, #tpu.memory_space<hbm>>
      %dma_wait3A_343 = arith.constant 0 : i32
      %dma_wait3A_344 = tpu.memref_slice %arg5[%multiple_of3A_340, %dma_wait3A_343] : memref<16384x50xi32, #tpu.memory_space<hbm>> -> memref<8x50xi32, #tpu.memory_space<hbm>>
      tpu.wait_dma2 semaphore(%arg16 : memref<!tpu.dma_semaphore, #tpu.memory_space<semaphore_mem>>) src(%dma_wait3A_344 : memref<8x50xi32, #tpu.memory_space<hbm>>) dst(%arg8 : memref<8x50xi32, #tpu.memory_space<vmem>>)
      %dma_start3A_345 = arith.constant 0 : i32
      %dma_start3A_346 = arith.constant 0 : i32
      %dma_start3A_347 = arith.constant 0 : i32
      %dma_start3A_348 = arith.constant 0 : i32
      %dma_start3A_349 = tpu.memref_slice %arg9[%dma_start3A_346, %dma_start3A_347, %dma_start3A_348] : memref<4x50x128xf32, #tpu.memory_space<vmem>> -> memref<1x50x128xf32, #tpu.memory_space<vmem>>
      %dma_start3A_350 = tpu.memref_squeeze %dma_start3A_349 : memref<1x50x128xf32, #tpu.memory_space<vmem>> -> memref<50x128xf32, #tpu.memory_space<vmem>>
      %dma_start3A_351 = arith.constant 0 : i32
      %dma_start3A_352 = tpu.memref_slice %arg8[%dma_start3A_345, %dma_start3A_351] : memref<8x50xi32, #tpu.memory_space<vmem>> -> memref<1x50xi32, #tpu.memory_space<vmem>>
      %dma_start3A_353 = tpu.memref_squeeze %dma_start3A_352 : memref<1x50xi32, #tpu.memory_space<vmem>> -> memref<50xi32, #tpu.memory_space<vmem>>
      %dma_start3A_354 = arith.constant 0 : i32
      %dma_start3A_355 = arith.constant 0 : i32
      %dma_start3A_356 = tpu.memref_slice %arg3[%dma_start3A_354, %dma_start3A_355] : memref<1000000x128xf32, #tpu.memory_space<hbm>> -> memref<1000000x128xf32, #tpu.memory_space<hbm>>
      tpu.enqueue_indirect_dma source(%dma_start3A_356 : memref<1000000x128xf32, #tpu.memory_space<hbm>>) target(%dma_start3A_350 : memref<50x128xf32, #tpu.memory_space<vmem>>) offsets(%dma_start3A_353 : memref<50xi32, #tpu.memory_space<vmem>>) semaphore(%arg12 : memref<!tpu.dma_semaphore, #tpu.memory_space<semaphore_mem>>)
      %dma_start3A_357 = arith.constant 1 : i32
      %dma_start3A_358 = arith.constant 1 : i32
      %dma_start3A_359 = arith.constant 0 : i32
      %dma_start3A_360 = arith.constant 0 : i32
      %dma_start3A_361 = tpu.memref_slice %arg9[%dma_start3A_358, %dma_start3A_359, %dma_start3A_360] : memref<4x50x128xf32, #tpu.memory_space<vmem>> -> memref<1x50x128xf32, #tpu.memory_space<vmem>>
      %dma_start3A_362 = tpu.memref_squeeze %dma_start3A_361 : memref<1x50x128xf32, #tpu.memory_space<vmem>> -> memref<50x128xf32, #tpu.memory_space<vmem>>
      %dma_start3A_363 = arith.constant 0 : i32
      %dma_start3A_364 = tpu.memref_slice %arg8[%dma_start3A_357, %dma_start3A_363] : memref<8x50xi32, #tpu.memory_space<vmem>> -> memref<1x50xi32, #tpu.memory_space<vmem>>
      %dma_start3A_365 = tpu.memref_squeeze %dma_start3A_364 : memref<1x50xi32, #tpu.memory_space<vmem>> -> memref<50xi32, #tpu.memory_space<vmem>>
      %dma_start3A_366 = arith.constant 0 : i32
      %dma_start3A_367 = arith.constant 0 : i32
      %dma_start3A_368 = tpu.memref_slice %arg3[%dma_start3A_366, %dma_start3A_367] : memref<1000000x128xf32, #tpu.memory_space<hbm>> -> memref<1000000x128xf32, #tpu.memory_space<hbm>>
      tpu.enqueue_indirect_dma source(%dma_start3A_368 : memref<1000000x128xf32, #tpu.memory_space<hbm>>) target(%dma_start3A_362 : memref<50x128xf32, #tpu.memory_space<vmem>>) offsets(%dma_start3A_365 : memref<50xi32, #tpu.memory_space<vmem>>) semaphore(%arg12 : memref<!tpu.dma_semaphore, #tpu.memory_space<semaphore_mem>>)
      %dma_start3A_369 = arith.constant 2 : i32
      %dma_start3A_370 = arith.constant 2 : i32
      %dma_start3A_371 = arith.constant 0 : i32
      %dma_start3A_372 = arith.constant 0 : i32
      %dma_start3A_373 = tpu.memref_slice %arg9[%dma_start3A_370, %dma_start3A_371, %dma_start3A_372] : memref<4x50x128xf32, #tpu.memory_space<vmem>> -> memref<1x50x128xf32, #tpu.memory_space<vmem>>
      %dma_start3A_374 = tpu.memref_squeeze %dma_start3A_373 : memref<1x50x128xf32, #tpu.memory_space<vmem>> -> memref<50x128xf32, #tpu.memory_space<vmem>>
      %dma_start3A_375 = arith.constant 0 : i32
      %dma_start3A_376 = tpu.memref_slice %arg8[%dma_start3A_369, %dma_start3A_375] : memref<8x50xi32, #tpu.memory_space<vmem>> -> memref<1x50xi32, #tpu.memory_space<vmem>>
      %dma_start3A_377 = tpu.memref_squeeze %dma_start3A_376 : memref<1x50xi32, #tpu.memory_space<vmem>> -> memref<50xi32, #tpu.memory_space<vmem>>
      %dma_start3A_378 = arith.constant 0 : i32
      %dma_start3A_379 = arith.constant 0 : i32
      %dma_start3A_380 = tpu.memref_slice %arg3[%dma_start3A_378, %dma_start3A_379] : memref<1000000x128xf32, #tpu.memory_space<hbm>> -> memref<1000000x128xf32, #tpu.memory_space<hbm>>
      tpu.enqueue_indirect_dma source(%dma_start3A_380 : memref<1000000x128xf32, #tpu.memory_space<hbm>>) target(%dma_start3A_374 : memref<50x128xf32, #tpu.memory_space<vmem>>) offsets(%dma_start3A_377 : memref<50xi32, #tpu.memory_space<vmem>>) semaphore(%arg12 : memref<!tpu.dma_semaphore, #tpu.memory_space<semaphore_mem>>)
      %dma_start3A_381 = arith.constant 3 : i32
      %dma_start3A_382 = arith.constant 3 : i32
      %dma_start3A_383 = arith.constant 0 : i32
      %dma_start3A_384 = arith.constant 0 : i32
      %dma_start3A_385 = tpu.memref_slice %arg9[%dma_start3A_382, %dma_start3A_383, %dma_start3A_384] : memref<4x50x128xf32, #tpu.memory_space<vmem>> -> memref<1x50x128xf32, #tpu.memory_space<vmem>>
      %dma_start3A_386 = tpu.memref_squeeze %dma_start3A_385 : memref<1x50x128xf32, #tpu.memory_space<vmem>> -> memref<50x128xf32, #tpu.memory_space<vmem>>
      %dma_start3A_387 = arith.constant 0 : i32
      %dma_start3A_388 = tpu.memref_slice %arg8[%dma_start3A_381, %dma_start3A_387] : memref<8x50xi32, #tpu.memory_space<vmem>> -> memref<1x50xi32, #tpu.memory_space<vmem>>
      %dma_start3A_389 = tpu.memref_squeeze %dma_start3A_388 : memref<1x50xi32, #tpu.memory_space<vmem>> -> memref<50xi32, #tpu.memory_space<vmem>>
      %dma_start3A_390 = arith.constant 0 : i32
      %dma_start3A_391 = arith.constant 0 : i32
      %dma_start3A_392 = tpu.memref_slice %arg3[%dma_start3A_390, %dma_start3A_391] : memref<1000000x128xf32, #tpu.memory_space<hbm>> -> memref<1000000x128xf32, #tpu.memory_space<hbm>>
      tpu.enqueue_indirect_dma source(%dma_start3A_392 : memref<1000000x128xf32, #tpu.memory_space<hbm>>) target(%dma_start3A_386 : memref<50x128xf32, #tpu.memory_space<vmem>>) offsets(%dma_start3A_389 : memref<50xi32, #tpu.memory_space<vmem>>) semaphore(%arg12 : memref<!tpu.dma_semaphore, #tpu.memory_space<semaphore_mem>>)
      %dma_wait3A_393 = arith.constant 4 : i32
      %dma_wait3A_394 = arith.constant 0 : i32
      %dma_wait3A_395 = arith.constant 0 : i32
      %dma_wait3A_396 = arith.constant 0 : i32
      %dma_wait3A_397 = tpu.memref_slice %arg10[%dma_wait3A_394, %dma_wait3A_395, %dma_wait3A_396] : memref<4x50x128xf32, #tpu.memory_space<vmem>> -> memref<1x50x128xf32, #tpu.memory_space<vmem>>
      %dma_wait3A_398 = tpu.memref_squeeze %dma_wait3A_397 : memref<1x50x128xf32, #tpu.memory_space<vmem>> -> memref<50x128xf32, #tpu.memory_space<vmem>>
      %dma_wait3A_399 = arith.constant 0 : i32
      %dma_wait3A_400 = tpu.memref_slice %arg7[%dma_wait3A_393, %dma_wait3A_399] : memref<8x50xi32, #tpu.memory_space<vmem>> -> memref<1x50xi32, #tpu.memory_space<vmem>>
      %dma_wait3A_401 = tpu.memref_squeeze %dma_wait3A_400 : memref<1x50xi32, #tpu.memory_space<vmem>> -> memref<50xi32, #tpu.memory_space<vmem>>
      %dma_wait3A_402 = arith.constant 0 : i32
      %dma_wait3A_403 = arith.constant 0 : i32
      %dma_wait3A_404 = tpu.memref_slice %arg3[%dma_wait3A_402, %dma_wait3A_403] : memref<1000000x128xf32, #tpu.memory_space<hbm>> -> memref<1000000x128xf32, #tpu.memory_space<hbm>>
      tpu.wait_indirect_dma semaphore(%arg13 : memref<!tpu.dma_semaphore, #tpu.memory_space<semaphore_mem>>) src(%dma_wait3A_404 : memref<1000000x128xf32, #tpu.memory_space<hbm>>) dst(%dma_wait3A_398 : memref<50x128xf32, #tpu.memory_space<vmem>>)
      %dma_wait3A_405 = arith.constant 5 : i32
      %dma_wait3A_406 = arith.constant 1 : i32
      %dma_wait3A_407 = arith.constant 0 : i32
      %dma_wait3A_408 = arith.constant 0 : i32
      %dma_wait3A_409 = tpu.memref_slice %arg10[%dma_wait3A_406, %dma_wait3A_407, %dma_wait3A_408] : memref<4x50x128xf32, #tpu.memory_space<vmem>> -> memref<1x50x128xf32, #tpu.memory_space<vmem>>
      %dma_wait3A_410 = tpu.memref_squeeze %dma_wait3A_409 : memref<1x50x128xf32, #tpu.memory_space<vmem>> -> memref<50x128xf32, #tpu.memory_space<vmem>>
      %dma_wait3A_411 = arith.constant 0 : i32
      %dma_wait3A_412 = tpu.memref_slice %arg7[%dma_wait3A_405, %dma_wait3A_411] : memref<8x50xi32, #tpu.memory_space<vmem>> -> memref<1x50xi32, #tpu.memory_space<vmem>>
      %dma_wait3A_413 = tpu.memref_squeeze %dma_wait3A_412 : memref<1x50xi32, #tpu.memory_space<vmem>> -> memref<50xi32, #tpu.memory_space<vmem>>
      %dma_wait3A_414 = arith.constant 0 : i32
      %dma_wait3A_415 = arith.constant 0 : i32
      %dma_wait3A_416 = tpu.memref_slice %arg3[%dma_wait3A_414, %dma_wait3A_415] : memref<1000000x128xf32, #tpu.memory_space<hbm>> -> memref<1000000x128xf32, #tpu.memory_space<hbm>>
      tpu.wait_indirect_dma semaphore(%arg13 : memref<!tpu.dma_semaphore, #tpu.memory_space<semaphore_mem>>) src(%dma_wait3A_416 : memref<1000000x128xf32, #tpu.memory_space<hbm>>) dst(%dma_wait3A_410 : memref<50x128xf32, #tpu.memory_space<vmem>>)
      %dma_wait3A_417 = arith.constant 6 : i32
      %dma_wait3A_418 = arith.constant 2 : i32
      %dma_wait3A_419 = arith.constant 0 : i32
      %dma_wait3A_420 = arith.constant 0 : i32
      %dma_wait3A_421 = tpu.memref_slice %arg10[%dma_wait3A_418, %dma_wait3A_419, %dma_wait3A_420] : memref<4x50x128xf32, #tpu.memory_space<vmem>> -> memref<1x50x128xf32, #tpu.memory_space<vmem>>
      %dma_wait3A_422 = tpu.memref_squeeze %dma_wait3A_421 : memref<1x50x128xf32, #tpu.memory_space<vmem>> -> memref<50x128xf32, #tpu.memory_space<vmem>>
      %dma_wait3A_423 = arith.constant 0 : i32
      %dma_wait3A_424 = tpu.memref_slice %arg7[%dma_wait3A_417, %dma_wait3A_423] : memref<8x50xi32, #tpu.memory_space<vmem>> -> memref<1x50xi32, #tpu.memory_space<vmem>>
      %dma_wait3A_425 = tpu.memref_squeeze %dma_wait3A_424 : memref<1x50xi32, #tpu.memory_space<vmem>> -> memref<50xi32, #tpu.memory_space<vmem>>
      %dma_wait3A_426 = arith.constant 0 : i32
      %dma_wait3A_427 = arith.constant 0 : i32
      %dma_wait3A_428 = tpu.memref_slice %arg3[%dma_wait3A_426, %dma_wait3A_427] : memref<1000000x128xf32, #tpu.memory_space<hbm>> -> memref<1000000x128xf32, #tpu.memory_space<hbm>>
      tpu.wait_indirect_dma semaphore(%arg13 : memref<!tpu.dma_semaphore, #tpu.memory_space<semaphore_mem>>) src(%dma_wait3A_428 : memref<1000000x128xf32, #tpu.memory_space<hbm>>) dst(%dma_wait3A_422 : memref<50x128xf32, #tpu.memory_space<vmem>>)
      %dma_wait3A_429 = arith.constant 7 : i32
      %dma_wait3A_430 = arith.constant 3 : i32
      %dma_wait3A_431 = arith.constant 0 : i32
      %dma_wait3A_432 = arith.constant 0 : i32
      %dma_wait3A_433 = tpu.memref_slice %arg10[%dma_wait3A_430, %dma_wait3A_431, %dma_wait3A_432] : memref<4x50x128xf32, #tpu.memory_space<vmem>> -> memref<1x50x128xf32, #tpu.memory_space<vmem>>
      %dma_wait3A_434 = tpu.memref_squeeze %dma_wait3A_433 : memref<1x50x128xf32, #tpu.memory_space<vmem>> -> memref<50x128xf32, #tpu.memory_space<vmem>>
      %dma_wait3A_435 = arith.constant 0 : i32
      %dma_wait3A_436 = tpu.memref_slice %arg7[%dma_wait3A_429, %dma_wait3A_435] : memref<8x50xi32, #tpu.memory_space<vmem>> -> memref<1x50xi32, #tpu.memory_space<vmem>>
      %dma_wait3A_437 = tpu.memref_squeeze %dma_wait3A_436 : memref<1x50xi32, #tpu.memory_space<vmem>> -> memref<50xi32, #tpu.memory_space<vmem>>
      %dma_wait3A_438 = arith.constant 0 : i32
      %dma_wait3A_439 = arith.constant 0 : i32
      %dma_wait3A_440 = tpu.memref_slice %arg3[%dma_wait3A_438, %dma_wait3A_439] : memref<1000000x128xf32, #tpu.memory_space<hbm>> -> memref<1000000x128xf32, #tpu.memory_space<hbm>>
      tpu.wait_indirect_dma semaphore(%arg13 : memref<!tpu.dma_semaphore, #tpu.memory_space<semaphore_mem>>) src(%dma_wait3A_440 : memref<1000000x128xf32, #tpu.memory_space<hbm>>) dst(%dma_wait3A_434 : memref<50x128xf32, #tpu.memory_space<vmem>>)
      %scan3A_441 = arith.constant 0 : i32
      %scan3A_442 = arith.constant 0 : i32
      %scan3A_443 = arith.constant 25 : i32
      %scan3A_444 = arith.addi %scan3A_442, %scan3A_443 : i32
      %scan3A_445 = arith.constant 1 : i32
      %scan3A_446 = scf.for %scan3A_663 = %scan3A_442 to %scan3A_444 step %scan3A_445 iter_args(%scan3A_664 = %scan3A_441) -> (i32)  : i32 {
        %mul3A_665 = arith.constant 2 : i32
        %mul3A_666 = arith.muli %scan3A_663, %mul3A_665 : i32
        %add3A_667 = arith.constant 0 : i32
        %add3A_668 = arith.addi %mul3A_666, %add3A_667 : i32
        %get3A = arith.constant 0 : i32
        %get3A_669 = arith.index_cast %get3A : i32 to index
        %get3A_670 = arith.index_cast %add3A_668 : i32 to index
        %get3A_671 = arith.constant 0 : index
        %get3A_672 = tpu.vector_load %arg10[%get3A_669, %get3A_670, %get3A_671] {strides = array<i32>} : memref<4x50x128xf32, #tpu.memory_space<vmem>>, vector<1x1x16xf32>,
        %get3A_673 = vector.shape_cast %get3A_672 : vector<1x1x16xf32> to vector<16xf32>
        %swap3A = arith.constant 4 : i32
        %swap3A_674 = arith.index_cast %swap3A : i32 to index
        %swap3A_675 = arith.index_cast %add3A_668 : i32 to index
        %swap3A_676 = arith.constant 0 : index
        %swap3A_677 = tpu.vector_load %arg11[%swap3A_674, %swap3A_675, %swap3A_676] {strides = array<i32>} : memref<8x50x32xf32, #tpu.memory_space<vmem>>, vector<1x1x16xf32>,
        %swap3A_678 = vector.shape_cast %swap3A_677 : vector<1x1x16xf32> to vector<16xf32>
        %swap3A_679 = vector.shape_cast %get3A_673 : vector<16xf32> to vector<1x1x16xf32>
        tpu.vector_store %arg11[%swap3A_674, %swap3A_675, %swap3A_676], %swap3A_679 {strides = array<i32>} : memref<8x50x32xf32, #tpu.memory_space<vmem>>, vector<1x1x16xf32>,
        %get3A_680 = arith.constant 0 : i32
        %get3A_681 = arith.index_cast %get3A_680 : i32 to index
        %get3A_682 = arith.index_cast %add3A_668 : i32 to index
        %get3A_683 = arith.constant 16 : index
        %get3A_684 = tpu.vector_load %arg10[%get3A_681, %get3A_682, %get3A_683] {strides = array<i32>} : memref<4x50x128xf32, #tpu.memory_space<vmem>>, vector<1x1x16xf32>,
        %get3A_685 = vector.shape_cast %get3A_684 : vector<1x1x16xf32> to vector<16xf32>
        %swap3A_686 = arith.constant 4 : i32
        %swap3A_687 = arith.index_cast %swap3A_686 : i32 to index
        %swap3A_688 = arith.index_cast %add3A_668 : i32 to index
        %swap3A_689 = arith.constant 16 : index
        %swap3A_690 = tpu.vector_load %arg11[%swap3A_687, %swap3A_688, %swap3A_689] {strides = array<i32>} : memref<8x50x32xf32, #tpu.memory_space<vmem>>, vector<1x1x16xf32>,
        %swap3A_691 = vector.shape_cast %swap3A_690 : vector<1x1x16xf32> to vector<16xf32>
        %swap3A_692 = vector.shape_cast %get3A_685 : vector<16xf32> to vector<1x1x16xf32>
        tpu.vector_store %arg11[%swap3A_687, %swap3A_688, %swap3A_689], %swap3A_692 {strides = array<i32>} : memref<8x50x32xf32, #tpu.memory_space<vmem>>, vector<1x1x16xf32>,
        %get3A_693 = arith.constant 1 : i32
        %get3A_694 = arith.index_cast %get3A_693 : i32 to index
        %get3A_695 = arith.index_cast %add3A_668 : i32 to index
        %get3A_696 = arith.constant 0 : index
        %get3A_697 = tpu.vector_load %arg10[%get3A_694, %get3A_695, %get3A_696] {strides = array<i32>} : memref<4x50x128xf32, #tpu.memory_space<vmem>>, vector<1x1x16xf32>,
        %get3A_698 = vector.shape_cast %get3A_697 : vector<1x1x16xf32> to vector<16xf32>
        %swap3A_699 = arith.constant 5 : i32
        %swap3A_700 = arith.index_cast %swap3A_699 : i32 to index
        %swap3A_701 = arith.index_cast %add3A_668 : i32 to index
        %swap3A_702 = arith.constant 0 : index
        %swap3A_703 = tpu.vector_load %arg11[%swap3A_700, %swap3A_701, %swap3A_702] {strides = array<i32>} : memref<8x50x32xf32, #tpu.memory_space<vmem>>, vector<1x1x16xf32>,
        %swap3A_704 = vector.shape_cast %swap3A_703 : vector<1x1x16xf32> to vector<16xf32>
        %swap3A_705 = vector.shape_cast %get3A_698 : vector<16xf32> to vector<1x1x16xf32>
        tpu.vector_store %arg11[%swap3A_700, %swap3A_701, %swap3A_702], %swap3A_705 {strides = array<i32>} : memref<8x50x32xf32, #tpu.memory_space<vmem>>, vector<1x1x16xf32>,
        %get3A_706 = arith.constant 1 : i32
        %get3A_707 = arith.index_cast %get3A_706 : i32 to index
        %get3A_708 = arith.index_cast %add3A_668 : i32 to index
        %get3A_709 = arith.constant 16 : index
        %get3A_710 = tpu.vector_load %arg10[%get3A_707, %get3A_708, %get3A_709] {strides = array<i32>} : memref<4x50x128xf32, #tpu.memory_space<vmem>>, vector<1x1x16xf32>,
        %get3A_711 = vector.shape_cast %get3A_710 : vector<1x1x16xf32> to vector<16xf32>
        %swap3A_712 = arith.constant 5 : i32
        %swap3A_713 = arith.index_cast %swap3A_712 : i32 to index
        %swap3A_714 = arith.index_cast %add3A_668 : i32 to index
        %swap3A_715 = arith.constant 16 : index
        %swap3A_716 = tpu.vector_load %arg11[%swap3A_713, %swap3A_714, %swap3A_715] {strides = array<i32>} : memref<8x50x32xf32, #tpu.memory_space<vmem>>, vector<1x1x16xf32>,
        %swap3A_717 = vector.shape_cast %swap3A_716 : vector<1x1x16xf32> to vector<16xf32>
        %swap3A_718 = vector.shape_cast %get3A_711 : vector<16xf32> to vector<1x1x16xf32>
        tpu.vector_store %arg11[%swap3A_713, %swap3A_714, %swap3A_715], %swap3A_718 {strides = array<i32>} : memref<8x50x32xf32, #tpu.memory_space<vmem>>, vector<1x1x16xf32>,
        %get3A_719 = arith.constant 2 : i32
        %get3A_720 = arith.index_cast %get3A_719 : i32 to index
        %get3A_721 = arith.index_cast %add3A_668 : i32 to index
        %get3A_722 = arith.constant 0 : index
        %get3A_723 = tpu.vector_load %arg10[%get3A_720, %get3A_721, %get3A_722] {strides = array<i32>} : memref<4x50x128xf32, #tpu.memory_space<vmem>>, vector<1x1x16xf32>,
        %get3A_724 = vector.shape_cast %get3A_723 : vector<1x1x16xf32> to vector<16xf32>
        %swap3A_725 = arith.constant 6 : i32
        %swap3A_726 = arith.index_cast %swap3A_725 : i32 to index
        %swap3A_727 = arith.index_cast %add3A_668 : i32 to index
        %swap3A_728 = arith.constant 0 : index
        %swap3A_729 = tpu.vector_load %arg11[%swap3A_726, %swap3A_727, %swap3A_728] {strides = array<i32>} : memref<8x50x32xf32, #tpu.memory_space<vmem>>, vector<1x1x16xf32>,
        %swap3A_730 = vector.shape_cast %swap3A_729 : vector<1x1x16xf32> to vector<16xf32>
        %swap3A_731 = vector.shape_cast %get3A_724 : vector<16xf32> to vector<1x1x16xf32>
        tpu.vector_store %arg11[%swap3A_726, %swap3A_727, %swap3A_728], %swap3A_731 {strides = array<i32>} : memref<8x50x32xf32, #tpu.memory_space<vmem>>, vector<1x1x16xf32>,
        %get3A_732 = arith.constant 2 : i32
        %get3A_733 = arith.index_cast %get3A_732 : i32 to index
        %get3A_734 = arith.index_cast %add3A_668 : i32 to index
        %get3A_735 = arith.constant 16 : index
        %get3A_736 = tpu.vector_load %arg10[%get3A_733, %get3A_734, %get3A_735] {strides = array<i32>} : memref<4x50x128xf32, #tpu.memory_space<vmem>>, vector<1x1x16xf32>,
        %get3A_737 = vector.shape_cast %get3A_736 : vector<1x1x16xf32> to vector<16xf32>
        %swap3A_738 = arith.constant 6 : i32
        %swap3A_739 = arith.index_cast %swap3A_738 : i32 to index
        %swap3A_740 = arith.index_cast %add3A_668 : i32 to index
        %swap3A_741 = arith.constant 16 : index
        %swap3A_742 = tpu.vector_load %arg11[%swap3A_739, %swap3A_740, %swap3A_741] {strides = array<i32>} : memref<8x50x32xf32, #tpu.memory_space<vmem>>, vector<1x1x16xf32>,
        %swap3A_743 = vector.shape_cast %swap3A_742 : vector<1x1x16xf32> to vector<16xf32>
        %swap3A_744 = vector.shape_cast %get3A_737 : vector<16xf32> to vector<1x1x16xf32>
        tpu.vector_store %arg11[%swap3A_739, %swap3A_740, %swap3A_741], %swap3A_744 {strides = array<i32>} : memref<8x50x32xf32, #tpu.memory_space<vmem>>, vector<1x1x16xf32>,
        %get3A_745 = arith.constant 3 : i32
        %get3A_746 = arith.index_cast %get3A_745 : i32 to index
        %get3A_747 = arith.index_cast %add3A_668 : i32 to index
        %get3A_748 = arith.constant 0 : index
        %get3A_749 = tpu.vector_load %arg10[%get3A_746, %get3A_747, %get3A_748] {strides = array<i32>} : memref<4x50x128xf32, #tpu.memory_space<vmem>>, vector<1x1x16xf32>,
        %get3A_750 = vector.shape_cast %get3A_749 : vector<1x1x16xf32> to vector<16xf32>
        %swap3A_751 = arith.constant 7 : i32
        %swap3A_752 = arith.index_cast %swap3A_751 : i32 to index
        %swap3A_753 = arith.index_cast %add3A_668 : i32 to index
        %swap3A_754 = arith.constant 0 : index
        %swap3A_755 = tpu.vector_load %arg11[%swap3A_752, %swap3A_753, %swap3A_754] {strides = array<i32>} : memref<8x50x32xf32, #tpu.memory_space<vmem>>, vector<1x1x16xf32>,
        %swap3A_756 = vector.shape_cast %swap3A_755 : vector<1x1x16xf32> to vector<16xf32>
        %swap3A_757 = vector.shape_cast %get3A_750 : vector<16xf32> to vector<1x1x16xf32>
        tpu.vector_store %arg11[%swap3A_752, %swap3A_753, %swap3A_754], %swap3A_757 {strides = array<i32>} : memref<8x50x32xf32, #tpu.memory_space<vmem>>, vector<1x1x16xf32>,
        %get3A_758 = arith.constant 3 : i32
        %get3A_759 = arith.index_cast %get3A_758 : i32 to index
        %get3A_760 = arith.index_cast %add3A_668 : i32 to index
        %get3A_761 = arith.constant 16 : index
        %get3A_762 = tpu.vector_load %arg10[%get3A_759, %get3A_760, %get3A_761] {strides = array<i32>} : memref<4x50x128xf32, #tpu.memory_space<vmem>>, vector<1x1x16xf32>,
        %get3A_763 = vector.shape_cast %get3A_762 : vector<1x1x16xf32> to vector<16xf32>
        %swap3A_764 = arith.constant 7 : i32
        %swap3A_765 = arith.index_cast %swap3A_764 : i32 to index
        %swap3A_766 = arith.index_cast %add3A_668 : i32 to index
        %swap3A_767 = arith.constant 16 : index
        %swap3A_768 = tpu.vector_load %arg11[%swap3A_765, %swap3A_766, %swap3A_767] {strides = array<i32>} : memref<8x50x32xf32, #tpu.memory_space<vmem>>, vector<1x1x16xf32>,
        %swap3A_769 = vector.shape_cast %swap3A_768 : vector<1x1x16xf32> to vector<16xf32>
        %swap3A_770 = vector.shape_cast %get3A_763 : vector<16xf32> to vector<1x1x16xf32>
        tpu.vector_store %arg11[%swap3A_765, %swap3A_766, %swap3A_767], %swap3A_770 {strides = array<i32>} : memref<8x50x32xf32, #tpu.memory_space<vmem>>, vector<1x1x16xf32>,
        %mul3A_771 = arith.constant 2 : i32
        %mul3A_772 = arith.muli %scan3A_663, %mul3A_771 : i32
        %add3A_773 = arith.constant 1 : i32
        %add3A_774 = arith.addi %mul3A_772, %add3A_773 : i32
        %get3A_775 = arith.constant 0 : i32
        %get3A_776 = arith.index_cast %get3A_775 : i32 to index
        %get3A_777 = arith.index_cast %add3A_774 : i32 to index
        %get3A_778 = arith.constant 0 : index
        %get3A_779 = tpu.vector_load %arg10[%get3A_776, %get3A_777, %get3A_778] {strides = array<i32>} : memref<4x50x128xf32, #tpu.memory_space<vmem>>, vector<1x1x16xf32>,
        %get3A_780 = vector.shape_cast %get3A_779 : vector<1x1x16xf32> to vector<16xf32>
        %swap3A_781 = arith.constant 4 : i32
        %swap3A_782 = arith.index_cast %swap3A_781 : i32 to index
        %swap3A_783 = arith.index_cast %add3A_774 : i32 to index
        %swap3A_784 = arith.constant 0 : index
        %swap3A_785 = tpu.vector_load %arg11[%swap3A_782, %swap3A_783, %swap3A_784] {strides = array<i32>} : memref<8x50x32xf32, #tpu.memory_space<vmem>>, vector<1x1x16xf32>,
        %swap3A_786 = vector.shape_cast %swap3A_785 : vector<1x1x16xf32> to vector<16xf32>
        %swap3A_787 = vector.shape_cast %get3A_780 : vector<16xf32> to vector<1x1x16xf32>
        tpu.vector_store %arg11[%swap3A_782, %swap3A_783, %swap3A_784], %swap3A_787 {strides = array<i32>} : memref<8x50x32xf32, #tpu.memory_space<vmem>>, vector<1x1x16xf32>,
        %get3A_788 = arith.constant 0 : i32
        %get3A_789 = arith.index_cast %get3A_788 : i32 to index
        %get3A_790 = arith.index_cast %add3A_774 : i32 to index
        %get3A_791 = arith.constant 16 : index
        %get3A_792 = tpu.vector_load %arg10[%get3A_789, %get3A_790, %get3A_791] {strides = array<i32>} : memref<4x50x128xf32, #tpu.memory_space<vmem>>, vector<1x1x16xf32>,
        %get3A_793 = vector.shape_cast %get3A_792 : vector<1x1x16xf32> to vector<16xf32>
        %swap3A_794 = arith.constant 4 : i32
        %swap3A_795 = arith.index_cast %swap3A_794 : i32 to index
        %swap3A_796 = arith.index_cast %add3A_774 : i32 to index
        %swap3A_797 = arith.constant 16 : index
        %swap3A_798 = tpu.vector_load %arg11[%swap3A_795, %swap3A_796, %swap3A_797] {strides = array<i32>} : memref<8x50x32xf32, #tpu.memory_space<vmem>>, vector<1x1x16xf32>,
        %swap3A_799 = vector.shape_cast %swap3A_798 : vector<1x1x16xf32> to vector<16xf32>
        %swap3A_800 = vector.shape_cast %get3A_793 : vector<16xf32> to vector<1x1x16xf32>
        tpu.vector_store %arg11[%swap3A_795, %swap3A_796, %swap3A_797], %swap3A_800 {strides = array<i32>} : memref<8x50x32xf32, #tpu.memory_space<vmem>>, vector<1x1x16xf32>,
        %get3A_801 = arith.constant 1 : i32
        %get3A_802 = arith.index_cast %get3A_801 : i32 to index
        %get3A_803 = arith.index_cast %add3A_774 : i32 to index
        %get3A_804 = arith.constant 0 : index
        %get3A_805 = tpu.vector_load %arg10[%get3A_802, %get3A_803, %get3A_804] {strides = array<i32>} : memref<4x50x128xf32, #tpu.memory_space<vmem>>, vector<1x1x16xf32>,
        %get3A_806 = vector.shape_cast %get3A_805 : vector<1x1x16xf32> to vector<16xf32>
        %swap3A_807 = arith.constant 5 : i32
        %swap3A_808 = arith.index_cast %swap3A_807 : i32 to index
        %swap3A_809 = arith.index_cast %add3A_774 : i32 to index
        %swap3A_810 = arith.constant 0 : index
        %swap3A_811 = tpu.vector_load %arg11[%swap3A_808, %swap3A_809, %swap3A_810] {strides = array<i32>} : memref<8x50x32xf32, #tpu.memory_space<vmem>>, vector<1x1x16xf32>,
        %swap3A_812 = vector.shape_cast %swap3A_811 : vector<1x1x16xf32> to vector<16xf32>
        %swap3A_813 = vector.shape_cast %get3A_806 : vector<16xf32> to vector<1x1x16xf32>
        tpu.vector_store %arg11[%swap3A_808, %swap3A_809, %swap3A_810], %swap3A_813 {strides = array<i32>} : memref<8x50x32xf32, #tpu.memory_space<vmem>>, vector<1x1x16xf32>,
        %get3A_814 = arith.constant 1 : i32
        %get3A_815 = arith.index_cast %get3A_814 : i32 to index
        %get3A_816 = arith.index_cast %add3A_774 : i32 to index
        %get3A_817 = arith.constant 16 : index
        %get3A_818 = tpu.vector_load %arg10[%get3A_815, %get3A_816, %get3A_817] {strides = array<i32>} : memref<4x50x128xf32, #tpu.memory_space<vmem>>, vector<1x1x16xf32>,
        %get3A_819 = vector.shape_cast %get3A_818 : vector<1x1x16xf32> to vector<16xf32>
        %swap3A_820 = arith.constant 5 : i32
        %swap3A_821 = arith.index_cast %swap3A_820 : i32 to index
        %swap3A_822 = arith.index_cast %add3A_774 : i32 to index
        %swap3A_823 = arith.constant 16 : index
        %swap3A_824 = tpu.vector_load %arg11[%swap3A_821, %swap3A_822, %swap3A_823] {strides = array<i32>} : memref<8x50x32xf32, #tpu.memory_space<vmem>>, vector<1x1x16xf32>,
        %swap3A_825 = vector.shape_cast %swap3A_824 : vector<1x1x16xf32> to vector<16xf32>
        %swap3A_826 = vector.shape_cast %get3A_819 : vector<16xf32> to vector<1x1x16xf32>
        tpu.vector_store %arg11[%swap3A_821, %swap3A_822, %swap3A_823], %swap3A_826 {strides = array<i32>} : memref<8x50x32xf32, #tpu.memory_space<vmem>>, vector<1x1x16xf32>,
        %get3A_827 = arith.constant 2 : i32
        %get3A_828 = arith.index_cast %get3A_827 : i32 to index
        %get3A_829 = arith.index_cast %add3A_774 : i32 to index
        %get3A_830 = arith.constant 0 : index
        %get3A_831 = tpu.vector_load %arg10[%get3A_828, %get3A_829, %get3A_830] {strides = array<i32>} : memref<4x50x128xf32, #tpu.memory_space<vmem>>, vector<1x1x16xf32>,
        %get3A_832 = vector.shape_cast %get3A_831 : vector<1x1x16xf32> to vector<16xf32>
        %swap3A_833 = arith.constant 6 : i32
        %swap3A_834 = arith.index_cast %swap3A_833 : i32 to index
        %swap3A_835 = arith.index_cast %add3A_774 : i32 to index
        %swap3A_836 = arith.constant 0 : index
        %swap3A_837 = tpu.vector_load %arg11[%swap3A_834, %swap3A_835, %swap3A_836] {strides = array<i32>} : memref<8x50x32xf32, #tpu.memory_space<vmem>>, vector<1x1x16xf32>,
        %swap3A_838 = vector.shape_cast %swap3A_837 : vector<1x1x16xf32> to vector<16xf32>
        %swap3A_839 = vector.shape_cast %get3A_832 : vector<16xf32> to vector<1x1x16xf32>
        tpu.vector_store %arg11[%swap3A_834, %swap3A_835, %swap3A_836], %swap3A_839 {strides = array<i32>} : memref<8x50x32xf32, #tpu.memory_space<vmem>>, vector<1x1x16xf32>,
        %get3A_840 = arith.constant 2 : i32
        %get3A_841 = arith.index_cast %get3A_840 : i32 to index
        %get3A_842 = arith.index_cast %add3A_774 : i32 to index
        %get3A_843 = arith.constant 16 : index
        %get3A_844 = tpu.vector_load %arg10[%get3A_841, %get3A_842, %get3A_843] {strides = array<i32>} : memref<4x50x128xf32, #tpu.memory_space<vmem>>, vector<1x1x16xf32>,
        %get3A_845 = vector.shape_cast %get3A_844 : vector<1x1x16xf32> to vector<16xf32>
        %swap3A_846 = arith.constant 6 : i32
        %swap3A_847 = arith.index_cast %swap3A_846 : i32 to index
        %swap3A_848 = arith.index_cast %add3A_774 : i32 to index
        %swap3A_849 = arith.constant 16 : index
        %swap3A_850 = tpu.vector_load %arg11[%swap3A_847, %swap3A_848, %swap3A_849] {strides = array<i32>} : memref<8x50x32xf32, #tpu.memory_space<vmem>>, vector<1x1x16xf32>,
        %swap3A_851 = vector.shape_cast %swap3A_850 : vector<1x1x16xf32> to vector<16xf32>
        %swap3A_852 = vector.shape_cast %get3A_845 : vector<16xf32> to vector<1x1x16xf32>
        tpu.vector_store %arg11[%swap3A_847, %swap3A_848, %swap3A_849], %swap3A_852 {strides = array<i32>} : memref<8x50x32xf32, #tpu.memory_space<vmem>>, vector<1x1x16xf32>,
        %get3A_853 = arith.constant 3 : i32
        %get3A_854 = arith.index_cast %get3A_853 : i32 to index
        %get3A_855 = arith.index_cast %add3A_774 : i32 to index
        %get3A_856 = arith.constant 0 : index
        %get3A_857 = tpu.vector_load %arg10[%get3A_854, %get3A_855, %get3A_856] {strides = array<i32>} : memref<4x50x128xf32, #tpu.memory_space<vmem>>, vector<1x1x16xf32>,
        %get3A_858 = vector.shape_cast %get3A_857 : vector<1x1x16xf32> to vector<16xf32>
        %swap3A_859 = arith.constant 7 : i32
        %swap3A_860 = arith.index_cast %swap3A_859 : i32 to index
        %swap3A_861 = arith.index_cast %add3A_774 : i32 to index
        %swap3A_862 = arith.constant 0 : index
        %swap3A_863 = tpu.vector_load %arg11[%swap3A_860, %swap3A_861, %swap3A_862] {strides = array<i32>} : memref<8x50x32xf32, #tpu.memory_space<vmem>>, vector<1x1x16xf32>,
        %swap3A_864 = vector.shape_cast %swap3A_863 : vector<1x1x16xf32> to vector<16xf32>
        %swap3A_865 = vector.shape_cast %get3A_858 : vector<16xf32> to vector<1x1x16xf32>
        tpu.vector_store %arg11[%swap3A_860, %swap3A_861, %swap3A_862], %swap3A_865 {strides = array<i32>} : memref<8x50x32xf32, #tpu.memory_space<vmem>>, vector<1x1x16xf32>,
        %get3A_866 = arith.constant 3 : i32
        %get3A_867 = arith.index_cast %get3A_866 : i32 to index
        %get3A_868 = arith.index_cast %add3A_774 : i32 to index
        %get3A_869 = arith.constant 16 : index
        %get3A_870 = tpu.vector_load %arg10[%get3A_867, %get3A_868, %get3A_869] {strides = array<i32>} : memref<4x50x128xf32, #tpu.memory_space<vmem>>, vector<1x1x16xf32>,
        %get3A_871 = vector.shape_cast %get3A_870 : vector<1x1x16xf32> to vector<16xf32>
        %swap3A_872 = arith.constant 7 : i32
        %swap3A_873 = arith.index_cast %swap3A_872 : i32 to index
        %swap3A_874 = arith.index_cast %add3A_774 : i32 to index
        %swap3A_875 = arith.constant 16 : index
        %swap3A_876 = tpu.vector_load %arg11[%swap3A_873, %swap3A_874, %swap3A_875] {strides = array<i32>} : memref<8x50x32xf32, #tpu.memory_space<vmem>>, vector<1x1x16xf32>,
        %swap3A_877 = vector.shape_cast %swap3A_876 : vector<1x1x16xf32> to vector<16xf32>
        %swap3A_878 = vector.shape_cast %get3A_871 : vector<16xf32> to vector<1x1x16xf32>
        tpu.vector_store %arg11[%swap3A_873, %swap3A_874, %swap3A_875], %swap3A_878 {strides = array<i32>} : memref<8x50x32xf32, #tpu.memory_space<vmem>>, vector<1x1x16xf32>,
        %scan3A_879 = arith.constant 0 : i32
        scf.yield %scan3A_879 : i32
      }
      %scan3A_447 = arith.constant 25 : i32
      %dma_start3A_448 = arith.constant 4 : i32
      %dma_start3A_449 = arith.constant 0 : i32
      %dma_start3A_450 = arith.constant 0 : i32
      %dma_start3A_451 = arith.constant 0 : i32
      %dma_start3A_452 = tpu.memref_slice %arg10[%dma_start3A_449, %dma_start3A_450, %dma_start3A_451] : memref<4x50x128xf32, #tpu.memory_space<vmem>> -> memref<1x50x128xf32, #tpu.memory_space<vmem>>
      %dma_start3A_453 = tpu.memref_squeeze %dma_start3A_452 : memref<1x50x128xf32, #tpu.memory_space<vmem>> -> memref<50x128xf32, #tpu.memory_space<vmem>>
      %dma_start3A_454 = arith.constant 0 : i32
      %dma_start3A_455 = tpu.memref_slice %arg8[%dma_start3A_448, %dma_start3A_454] : memref<8x50xi32, #tpu.memory_space<vmem>> -> memref<1x50xi32, #tpu.memory_space<vmem>>
      %dma_start3A_456 = tpu.memref_squeeze %dma_start3A_455 : memref<1x50xi32, #tpu.memory_space<vmem>> -> memref<50xi32, #tpu.memory_space<vmem>>
      %dma_start3A_457 = arith.constant 0 : i32
      %dma_start3A_458 = arith.constant 0 : i32
      %dma_start3A_459 = tpu.memref_slice %arg3[%dma_start3A_457, %dma_start3A_458] : memref<1000000x128xf32, #tpu.memory_space<hbm>> -> memref<1000000x128xf32, #tpu.memory_space<hbm>>
      tpu.enqueue_indirect_dma source(%dma_start3A_459 : memref<1000000x128xf32, #tpu.memory_space<hbm>>) target(%dma_start3A_453 : memref<50x128xf32, #tpu.memory_space<vmem>>) offsets(%dma_start3A_456 : memref<50xi32, #tpu.memory_space<vmem>>) semaphore(%arg13 : memref<!tpu.dma_semaphore, #tpu.memory_space<semaphore_mem>>)
      %dma_start3A_460 = arith.constant 5 : i32
      %dma_start3A_461 = arith.constant 1 : i32
      %dma_start3A_462 = arith.constant 0 : i32
      %dma_start3A_463 = arith.constant 0 : i32
      %dma_start3A_464 = tpu.memref_slice %arg10[%dma_start3A_461, %dma_start3A_462, %dma_start3A_463] : memref<4x50x128xf32, #tpu.memory_space<vmem>> -> memref<1x50x128xf32, #tpu.memory_space<vmem>>
      %dma_start3A_465 = tpu.memref_squeeze %dma_start3A_464 : memref<1x50x128xf32, #tpu.memory_space<vmem>> -> memref<50x128xf32, #tpu.memory_space<vmem>>
      %dma_start3A_466 = arith.constant 0 : i32
      %dma_start3A_467 = tpu.memref_slice %arg8[%dma_start3A_460, %dma_start3A_466] : memref<8x50xi32, #tpu.memory_space<vmem>> -> memref<1x50xi32, #tpu.memory_space<vmem>>
      %dma_start3A_468 = tpu.memref_squeeze %dma_start3A_467 : memref<1x50xi32, #tpu.memory_space<vmem>> -> memref<50xi32, #tpu.memory_space<vmem>>
      %dma_start3A_469 = arith.constant 0 : i32
      %dma_start3A_470 = arith.constant 0 : i32
      %dma_start3A_471 = tpu.memref_slice %arg3[%dma_start3A_469, %dma_start3A_470] : memref<1000000x128xf32, #tpu.memory_space<hbm>> -> memref<1000000x128xf32, #tpu.memory_space<hbm>>
      tpu.enqueue_indirect_dma source(%dma_start3A_471 : memref<1000000x128xf32, #tpu.memory_space<hbm>>) target(%dma_start3A_465 : memref<50x128xf32, #tpu.memory_space<vmem>>) offsets(%dma_start3A_468 : memref<50xi32, #tpu.memory_space<vmem>>) semaphore(%arg13 : memref<!tpu.dma_semaphore, #tpu.memory_space<semaphore_mem>>)
      %dma_start3A_472 = arith.constant 6 : i32
      %dma_start3A_473 = arith.constant 2 : i32
      %dma_start3A_474 = arith.constant 0 : i32
      %dma_start3A_475 = arith.constant 0 : i32
      %dma_start3A_476 = tpu.memref_slice %arg10[%dma_start3A_473, %dma_start3A_474, %dma_start3A_475] : memref<4x50x128xf32, #tpu.memory_space<vmem>> -> memref<1x50x128xf32, #tpu.memory_space<vmem>>
      %dma_start3A_477 = tpu.memref_squeeze %dma_start3A_476 : memref<1x50x128xf32, #tpu.memory_space<vmem>> -> memref<50x128xf32, #tpu.memory_space<vmem>>
      %dma_start3A_478 = arith.constant 0 : i32
      %dma_start3A_479 = tpu.memref_slice %arg8[%dma_start3A_472, %dma_start3A_478] : memref<8x50xi32, #tpu.memory_space<vmem>> -> memref<1x50xi32, #tpu.memory_space<vmem>>
      %dma_start3A_480 = tpu.memref_squeeze %dma_start3A_479 : memref<1x50xi32, #tpu.memory_space<vmem>> -> memref<50xi32, #tpu.memory_space<vmem>>
      %dma_start3A_481 = arith.constant 0 : i32
      %dma_start3A_482 = arith.constant 0 : i32
      %dma_start3A_483 = tpu.memref_slice %arg3[%dma_start3A_481, %dma_start3A_482] : memref<1000000x128xf32, #tpu.memory_space<hbm>> -> memref<1000000x128xf32, #tpu.memory_space<hbm>>
      tpu.enqueue_indirect_dma source(%dma_start3A_483 : memref<1000000x128xf32, #tpu.memory_space<hbm>>) target(%dma_start3A_477 : memref<50x128xf32, #tpu.memory_space<vmem>>) offsets(%dma_start3A_480 : memref<50xi32, #tpu.memory_space<vmem>>) semaphore(%arg13 : memref<!tpu.dma_semaphore, #tpu.memory_space<semaphore_mem>>)
      %dma_start3A_484 = arith.constant 7 : i32
      %dma_start3A_485 = arith.constant 3 : i32
      %dma_start3A_486 = arith.constant 0 : i32
      %dma_start3A_487 = arith.constant 0 : i32
      %dma_start3A_488 = tpu.memref_slice %arg10[%dma_start3A_485, %dma_start3A_486, %dma_start3A_487] : memref<4x50x128xf32, #tpu.memory_space<vmem>> -> memref<1x50x128xf32, #tpu.memory_space<vmem>>
      %dma_start3A_489 = tpu.memref_squeeze %dma_start3A_488 : memref<1x50x128xf32, #tpu.memory_space<vmem>> -> memref<50x128xf32, #tpu.memory_space<vmem>>
      %dma_start3A_490 = arith.constant 0 : i32
      %dma_start3A_491 = tpu.memref_slice %arg8[%dma_start3A_484, %dma_start3A_490] : memref<8x50xi32, #tpu.memory_space<vmem>> -> memref<1x50xi32, #tpu.memory_space<vmem>>
      %dma_start3A_492 = tpu.memref_squeeze %dma_start3A_491 : memref<1x50xi32, #tpu.memory_space<vmem>> -> memref<50xi32, #tpu.memory_space<vmem>>
      %dma_start3A_493 = arith.constant 0 : i32
      %dma_start3A_494 = arith.constant 0 : i32
      %dma_start3A_495 = tpu.memref_slice %arg3[%dma_start3A_493, %dma_start3A_494] : memref<1000000x128xf32, #tpu.memory_space<hbm>> -> memref<1000000x128xf32, #tpu.memory_space<hbm>>
      tpu.enqueue_indirect_dma source(%dma_start3A_495 : memref<1000000x128xf32, #tpu.memory_space<hbm>>) target(%dma_start3A_489 : memref<50x128xf32, #tpu.memory_space<vmem>>) offsets(%dma_start3A_492 : memref<50xi32, #tpu.memory_space<vmem>>) semaphore(%arg13 : memref<!tpu.dma_semaphore, #tpu.memory_space<semaphore_mem>>)
      %mul3A_496 = arith.constant 8 : i32
      %mul3A_497 = arith.muli %mul3A_274, %mul3A_496 : i32
      %add3A_498 = arith.addi %mul3A_2, %mul3A_497 : i32
      %multiple_of3A_499 = tpu.assume_multiple %add3A_498, 8 : i32
      %dma_start3A_500 = arith.constant 1 : i32
      %dma_start3A_501 = arith.constant 0 : i32
      %dma_start3A_502 = arith.constant 0 : i32
      %dma_start3A_503 = tpu.memref_slice %arg6[%dma_start3A_500, %multiple_of3A_499, %dma_start3A_501, %dma_start3A_502] : memref<2x16384x50x32xf32, #tpu.memory_space<hbm>> -> memref<1x8x50x32xf32, #tpu.memory_space<hbm>>
      %dma_start3A_504 = tpu.memref_squeeze %dma_start3A_503 : memref<1x8x50x32xf32, #tpu.memory_space<hbm>> -> memref<8x50x32xf32, #tpu.memory_space<hbm>>
      %dma_start3A_505 = arith.constant 0 : i32
      %dma_start3A_506 = arith.constant 0 : i32
      %dma_start3A_507 = tpu.memref_slice %arg6[%dma_start3A_500, %multiple_of3A_499, %dma_start3A_505, %dma_start3A_506] : memref<2x16384x50x32xf32, #tpu.memory_space<hbm>> -> memref<1x8x50x32xf32, #tpu.memory_space<hbm>>
      %dma_start3A_508 = tpu.memref_squeeze %dma_start3A_507 : memref<1x8x50x32xf32, #tpu.memory_space<hbm>> -> memref<8x50x32xf32, #tpu.memory_space<hbm>>
      tpu.enqueue_dma source(%arg11 : memref<8x50x32xf32, #tpu.memory_space<vmem>>) target(%dma_start3A_508 : memref<8x50x32xf32, #tpu.memory_space<hbm>>) target_semaphore(%arg14 : memref<!tpu.dma_semaphore, #tpu.memory_space<semaphore_mem>>)
      %convert_element_type3A_509 = arith.extui %lt3A_278 : i1 to i32
      %cond3A_510 = arith.constant 0 : i32
      %cond3A_511 = arith.cmpi ne, %convert_element_type3A_509, %cond3A_510 : i32
      scf.if %cond3A_511 {
        %add3A_663 = arith.constant 2 : i32
        %add3A_664 = arith.addi %mul3A_274, %add3A_663 : i32
        %mul3A_665 = arith.constant 8 : i32
        %mul3A_666 = arith.muli %add3A_664, %mul3A_665 : i32
        %add3A_667 = arith.addi %mul3A_2, %mul3A_666 : i32
        %multiple_of3A_668 = tpu.assume_multiple %add3A_667, 8 : i32
        %dma_start3A_669 = arith.constant 0 : i32
        %dma_start3A_670 = tpu.memref_slice %arg5[%multiple_of3A_668, %dma_start3A_669] : memref<16384x50xi32, #tpu.memory_space<hbm>> -> memref<8x50xi32, #tpu.memory_space<hbm>>
        %dma_start3A_671 = arith.constant 0 : i32
        %dma_start3A_672 = tpu.memref_slice %arg5[%multiple_of3A_668, %dma_start3A_671] : memref<16384x50xi32, #tpu.memory_space<hbm>> -> memref<8x50xi32, #tpu.memory_space<hbm>>
        tpu.enqueue_dma source(%dma_start3A_672 : memref<8x50xi32, #tpu.memory_space<hbm>>) target(%arg7 : memref<8x50xi32, #tpu.memory_space<vmem>>) target_semaphore(%arg15 : memref<!tpu.dma_semaphore, #tpu.memory_space<semaphore_mem>>)
      } else {
      }
      %lt3A_512 = arith.constant 31 : i32
      %lt3A_513 = arith.cmpi slt, %scan3A_271, %lt3A_512 : i32
      %lt3A_514 = arith.constant 31 : i32
      %lt3A_515 = arith.cmpi slt, %scan3A_271, %lt3A_514 : i32
      %dma_wait3A_516 = arith.constant 0 : i32
      %dma_wait3A_517 = arith.constant 0 : i32
      %dma_wait3A_518 = arith.constant 0 : i32
      %dma_wait3A_519 = arith.constant 0 : i32
      %dma_wait3A_520 = tpu.memref_slice %arg9[%dma_wait3A_517, %dma_wait3A_518, %dma_wait3A_519] : memref<4x50x128xf32, #tpu.memory_space<vmem>> -> memref<1x50x128xf32, #tpu.memory_space<vmem>>
      %dma_wait3A_521 = tpu.memref_squeeze %dma_wait3A_520 : memref<1x50x128xf32, #tpu.memory_space<vmem>> -> memref<50x128xf32, #tpu.memory_space<vmem>>
      %dma_wait3A_522 = arith.constant 0 : i32
      %dma_wait3A_523 = tpu.memref_slice %arg8[%dma_wait3A_516, %dma_wait3A_522] : memref<8x50xi32, #tpu.memory_space<vmem>> -> memref<1x50xi32, #tpu.memory_space<vmem>>
      %dma_wait3A_524 = tpu.memref_squeeze %dma_wait3A_523 : memref<1x50xi32, #tpu.memory_space<vmem>> -> memref<50xi32, #tpu.memory_space<vmem>>
      %dma_wait3A_525 = arith.constant 0 : i32
      %dma_wait3A_526 = arith.constant 0 : i32
      %dma_wait3A_527 = tpu.memref_slice %arg3[%dma_wait3A_525, %dma_wait3A_526] : memref<1000000x128xf32, #tpu.memory_space<hbm>> -> memref<1000000x128xf32, #tpu.memory_space<hbm>>
      tpu.wait_indirect_dma semaphore(%arg12 : memref<!tpu.dma_semaphore, #tpu.memory_space<semaphore_mem>>) src(%dma_wait3A_527 : memref<1000000x128xf32, #tpu.memory_space<hbm>>) dst(%dma_wait3A_521 : memref<50x128xf32, #tpu.memory_space<vmem>>)
      %dma_wait3A_528 = arith.constant 1 : i32
      %dma_wait3A_529 = arith.constant 1 : i32
      %dma_wait3A_530 = arith.constant 0 : i32
      %dma_wait3A_531 = arith.constant 0 : i32
      %dma_wait3A_532 = tpu.memref_slice %arg9[%dma_wait3A_529, %dma_wait3A_530, %dma_wait3A_531] : memref<4x50x128xf32, #tpu.memory_space<vmem>> -> memref<1x50x128xf32, #tpu.memory_space<vmem>>
      %dma_wait3A_533 = tpu.memref_squeeze %dma_wait3A_532 : memref<1x50x128xf32, #tpu.memory_space<vmem>> -> memref<50x128xf32, #tpu.memory_space<vmem>>
      %dma_wait3A_534 = arith.constant 0 : i32
      %dma_wait3A_535 = tpu.memref_slice %arg8[%dma_wait3A_528, %dma_wait3A_534] : memref<8x50xi32, #tpu.memory_space<vmem>> -> memref<1x50xi32, #tpu.memory_space<vmem>>
      %dma_wait3A_536 = tpu.memref_squeeze %dma_wait3A_535 : memref<1x50xi32, #tpu.memory_space<vmem>> -> memref<50xi32, #tpu.memory_space<vmem>>
      %dma_wait3A_537 = arith.constant 0 : i32
      %dma_wait3A_538 = arith.constant 0 : i32
      %dma_wait3A_539 = tpu.memref_slice %arg3[%dma_wait3A_537, %dma_wait3A_538] : memref<1000000x128xf32, #tpu.memory_space<hbm>> -> memref<1000000x128xf32, #tpu.memory_space<hbm>>
      tpu.wait_indirect_dma semaphore(%arg12 : memref<!tpu.dma_semaphore, #tpu.memory_space<semaphore_mem>>) src(%dma_wait3A_539 : memref<1000000x128xf32, #tpu.memory_space<hbm>>) dst(%dma_wait3A_533 : memref<50x128xf32, #tpu.memory_space<vmem>>)
      %dma_wait3A_540 = arith.constant 2 : i32
      %dma_wait3A_541 = arith.constant 2 : i32
      %dma_wait3A_542 = arith.constant 0 : i32
      %dma_wait3A_543 = arith.constant 0 : i32
      %dma_wait3A_544 = tpu.memref_slice %arg9[%dma_wait3A_541, %dma_wait3A_542, %dma_wait3A_543] : memref<4x50x128xf32, #tpu.memory_space<vmem>> -> memref<1x50x128xf32, #tpu.memory_space<vmem>>
      %dma_wait3A_545 = tpu.memref_squeeze %dma_wait3A_544 : memref<1x50x128xf32, #tpu.memory_space<vmem>> -> memref<50x128xf32, #tpu.memory_space<vmem>>
      %dma_wait3A_546 = arith.constant 0 : i32
      %dma_wait3A_547 = tpu.memref_slice %arg8[%dma_wait3A_540, %dma_wait3A_546] : memref<8x50xi32, #tpu.memory_space<vmem>> -> memref<1x50xi32, #tpu.memory_space<vmem>>
      %dma_wait3A_548 = tpu.memref_squeeze %dma_wait3A_547 : memref<1x50xi32, #tpu.memory_space<vmem>> -> memref<50xi32, #tpu.memory_space<vmem>>
      %dma_wait3A_549 = arith.constant 0 : i32
      %dma_wait3A_550 = arith.constant 0 : i32
      %dma_wait3A_551 = tpu.memref_slice %arg3[%dma_wait3A_549, %dma_wait3A_550] : memref<1000000x128xf32, #tpu.memory_space<hbm>> -> memref<1000000x128xf32, #tpu.memory_space<hbm>>
      tpu.wait_indirect_dma semaphore(%arg12 : memref<!tpu.dma_semaphore, #tpu.memory_space<semaphore_mem>>) src(%dma_wait3A_551 : memref<1000000x128xf32, #tpu.memory_space<hbm>>) dst(%dma_wait3A_545 : memref<50x128xf32, #tpu.memory_space<vmem>>)
      %dma_wait3A_552 = arith.constant 3 : i32
      %dma_wait3A_553 = arith.constant 3 : i32
      %dma_wait3A_554 = arith.constant 0 : i32
      %dma_wait3A_555 = arith.constant 0 : i32
      %dma_wait3A_556 = tpu.memref_slice %arg9[%dma_wait3A_553, %dma_wait3A_554, %dma_wait3A_555] : memref<4x50x128xf32, #tpu.memory_space<vmem>> -> memref<1x50x128xf32, #tpu.memory_space<vmem>>
      %dma_wait3A_557 = tpu.memref_squeeze %dma_wait3A_556 : memref<1x50x128xf32, #tpu.memory_space<vmem>> -> memref<50x128xf32, #tpu.memory_space<vmem>>
      %dma_wait3A_558 = arith.constant 0 : i32
      %dma_wait3A_559 = tpu.memref_slice %arg8[%dma_wait3A_552, %dma_wait3A_558] : memref<8x50xi32, #tpu.memory_space<vmem>> -> memref<1x50xi32, #tpu.memory_space<vmem>>
      %dma_wait3A_560 = tpu.memref_squeeze %dma_wait3A_559 : memref<1x50xi32, #tpu.memory_space<vmem>> -> memref<50xi32, #tpu.memory_space<vmem>>
      %dma_wait3A_561 = arith.constant 0 : i32
      %dma_wait3A_562 = arith.constant 0 : i32
      %dma_wait3A_563 = tpu.memref_slice %arg3[%dma_wait3A_561, %dma_wait3A_562] : memref<1000000x128xf32, #tpu.memory_space<hbm>> -> memref<1000000x128xf32, #tpu.memory_space<hbm>>
      tpu.wait_indirect_dma semaphore(%arg12 : memref<!tpu.dma_semaphore, #tpu.memory_space<semaphore_mem>>) src(%dma_wait3A_563 : memref<1000000x128xf32, #tpu.memory_space<hbm>>) dst(%dma_wait3A_557 : memref<50x128xf32, #tpu.memory_space<vmem>>)
      %sub3A = arith.constant 1 : i32
      %sub3A_564 = arith.subi %add3A_276, %sub3A : i32
      %mul3A_565 = arith.constant 8 : i32
      %mul3A_566 = arith.muli %sub3A_564, %mul3A_565 : i32
      %add3A_567 = arith.addi %mul3A_2, %mul3A_566 : i32
      %multiple_of3A_568 = tpu.assume_multiple %add3A_567, 8 : i32
      %dma_wait3A_569 = arith.constant 1 : i32
      %dma_wait3A_570 = arith.constant 0 : i32
      %dma_wait3A_571 = arith.constant 0 : i32
      %dma_wait3A_572 = tpu.memref_slice %arg6[%dma_wait3A_569, %multiple_of3A_568, %dma_wait3A_570, %dma_wait3A_571] : memref<2x16384x50x32xf32, #tpu.memory_space<hbm>> -> memref<1x8x50x32xf32, #tpu.memory_space<hbm>>
      %dma_wait3A_573 = tpu.memref_squeeze %dma_wait3A_572 : memref<1x8x50x32xf32, #tpu.memory_space<hbm>> -> memref<8x50x32xf32, #tpu.memory_space<hbm>>
      %dma_wait3A_574 = arith.constant 0 : i32
      %dma_wait3A_575 = arith.constant 0 : i32
      %dma_wait3A_576 = tpu.memref_slice %arg6[%dma_wait3A_569, %multiple_of3A_568, %dma_wait3A_574, %dma_wait3A_575] : memref<2x16384x50x32xf32, #tpu.memory_space<hbm>> -> memref<1x8x50x32xf32, #tpu.memory_space<hbm>>
      %dma_wait3A_577 = tpu.memref_squeeze %dma_wait3A_576 : memref<1x8x50x32xf32, #tpu.memory_space<hbm>> -> memref<8x50x32xf32, #tpu.memory_space<hbm>>
      tpu.wait_dma2 semaphore(%arg14 : memref<!tpu.dma_semaphore, #tpu.memory_space<semaphore_mem>>) src(%arg11 : memref<8x50x32xf32, #tpu.memory_space<vmem>>) dst(%dma_wait3A_577 : memref<8x50x32xf32, #tpu.memory_space<hbm>>)
      %scan3A_578 = arith.constant 0 : i32
      %scan3A_579 = arith.constant 0 : i32
      %scan3A_580 = arith.constant 25 : i32
      %scan3A_581 = arith.addi %scan3A_579, %scan3A_580 : i32
      %scan3A_582 = arith.constant 1 : i32
      %scan3A_583 = scf.for %scan3A_663 = %scan3A_579 to %scan3A_581 step %scan3A_582 iter_args(%scan3A_664 = %scan3A_578) -> (i32)  : i32 {
        %mul3A_665 = arith.constant 2 : i32
        %mul3A_666 = arith.muli %scan3A_663, %mul3A_665 : i32
        %add3A_667 = arith.constant 0 : i32
        %add3A_668 = arith.addi %mul3A_666, %add3A_667 : i32
        %get3A = arith.constant 0 : i32
        %get3A_669 = arith.index_cast %get3A : i32 to index
        %get3A_670 = arith.index_cast %add3A_668 : i32 to index
        %get3A_671 = arith.constant 0 : index
        %get3A_672 = tpu.vector_load %arg9[%get3A_669, %get3A_670, %get3A_671] {strides = array<i32>} : memref<4x50x128xf32, #tpu.memory_space<vmem>>, vector<1x1x16xf32>,
        %get3A_673 = vector.shape_cast %get3A_672 : vector<1x1x16xf32> to vector<16xf32>
        %swap3A = arith.constant 0 : i32
        %swap3A_674 = arith.index_cast %swap3A : i32 to index
        %swap3A_675 = arith.index_cast %add3A_668 : i32 to index
        %swap3A_676 = arith.constant 0 : index
        %swap3A_677 = tpu.vector_load %arg11[%swap3A_674, %swap3A_675, %swap3A_676] {strides = array<i32>} : memref<8x50x32xf32, #tpu.memory_space<vmem>>, vector<1x1x16xf32>,
        %swap3A_678 = vector.shape_cast %swap3A_677 : vector<1x1x16xf32> to vector<16xf32>
        %swap3A_679 = vector.shape_cast %get3A_673 : vector<16xf32> to vector<1x1x16xf32>
        tpu.vector_store %arg11[%swap3A_674, %swap3A_675, %swap3A_676], %swap3A_679 {strides = array<i32>} : memref<8x50x32xf32, #tpu.memory_space<vmem>>, vector<1x1x16xf32>,
        %get3A_680 = arith.constant 0 : i32
        %get3A_681 = arith.index_cast %get3A_680 : i32 to index
        %get3A_682 = arith.index_cast %add3A_668 : i32 to index
        %get3A_683 = arith.constant 16 : index
        %get3A_684 = tpu.vector_load %arg9[%get3A_681, %get3A_682, %get3A_683] {strides = array<i32>} : memref<4x50x128xf32, #tpu.memory_space<vmem>>, vector<1x1x16xf32>,
        %get3A_685 = vector.shape_cast %get3A_684 : vector<1x1x16xf32> to vector<16xf32>
        %swap3A_686 = arith.constant 0 : i32
        %swap3A_687 = arith.index_cast %swap3A_686 : i32 to index
        %swap3A_688 = arith.index_cast %add3A_668 : i32 to index
        %swap3A_689 = arith.constant 16 : index
        %swap3A_690 = tpu.vector_load %arg11[%swap3A_687, %swap3A_688, %swap3A_689] {strides = array<i32>} : memref<8x50x32xf32, #tpu.memory_space<vmem>>, vector<1x1x16xf32>,
        %swap3A_691 = vector.shape_cast %swap3A_690 : vector<1x1x16xf32> to vector<16xf32>
        %swap3A_692 = vector.shape_cast %get3A_685 : vector<16xf32> to vector<1x1x16xf32>
        tpu.vector_store %arg11[%swap3A_687, %swap3A_688, %swap3A_689], %swap3A_692 {strides = array<i32>} : memref<8x50x32xf32, #tpu.memory_space<vmem>>, vector<1x1x16xf32>,
        %get3A_693 = arith.constant 1 : i32
        %get3A_694 = arith.index_cast %get3A_693 : i32 to index
        %get3A_695 = arith.index_cast %add3A_668 : i32 to index
        %get3A_696 = arith.constant 0 : index
        %get3A_697 = tpu.vector_load %arg9[%get3A_694, %get3A_695, %get3A_696] {strides = array<i32>} : memref<4x50x128xf32, #tpu.memory_space<vmem>>, vector<1x1x16xf32>,
        %get3A_698 = vector.shape_cast %get3A_697 : vector<1x1x16xf32> to vector<16xf32>
        %swap3A_699 = arith.constant 1 : i32
        %swap3A_700 = arith.index_cast %swap3A_699 : i32 to index
        %swap3A_701 = arith.index_cast %add3A_668 : i32 to index
        %swap3A_702 = arith.constant 0 : index
        %swap3A_703 = tpu.vector_load %arg11[%swap3A_700, %swap3A_701, %swap3A_702] {strides = array<i32>} : memref<8x50x32xf32, #tpu.memory_space<vmem>>, vector<1x1x16xf32>,
        %swap3A_704 = vector.shape_cast %swap3A_703 : vector<1x1x16xf32> to vector<16xf32>
        %swap3A_705 = vector.shape_cast %get3A_698 : vector<16xf32> to vector<1x1x16xf32>
        tpu.vector_store %arg11[%swap3A_700, %swap3A_701, %swap3A_702], %swap3A_705 {strides = array<i32>} : memref<8x50x32xf32, #tpu.memory_space<vmem>>, vector<1x1x16xf32>,
        %get3A_706 = arith.constant 1 : i32
        %get3A_707 = arith.index_cast %get3A_706 : i32 to index
        %get3A_708 = arith.index_cast %add3A_668 : i32 to index
        %get3A_709 = arith.constant 16 : index
        %get3A_710 = tpu.vector_load %arg9[%get3A_707, %get3A_708, %get3A_709] {strides = array<i32>} : memref<4x50x128xf32, #tpu.memory_space<vmem>>, vector<1x1x16xf32>,
        %get3A_711 = vector.shape_cast %get3A_710 : vector<1x1x16xf32> to vector<16xf32>
        %swap3A_712 = arith.constant 1 : i32
        %swap3A_713 = arith.index_cast %swap3A_712 : i32 to index
        %swap3A_714 = arith.index_cast %add3A_668 : i32 to index
        %swap3A_715 = arith.constant 16 : index
        %swap3A_716 = tpu.vector_load %arg11[%swap3A_713, %swap3A_714, %swap3A_715] {strides = array<i32>} : memref<8x50x32xf32, #tpu.memory_space<vmem>>, vector<1x1x16xf32>,
        %swap3A_717 = vector.shape_cast %swap3A_716 : vector<1x1x16xf32> to vector<16xf32>
        %swap3A_718 = vector.shape_cast %get3A_711 : vector<16xf32> to vector<1x1x16xf32>
        tpu.vector_store %arg11[%swap3A_713, %swap3A_714, %swap3A_715], %swap3A_718 {strides = array<i32>} : memref<8x50x32xf32, #tpu.memory_space<vmem>>, vector<1x1x16xf32>,
        %get3A_719 = arith.constant 2 : i32
        %get3A_720 = arith.index_cast %get3A_719 : i32 to index
        %get3A_721 = arith.index_cast %add3A_668 : i32 to index
        %get3A_722 = arith.constant 0 : index
        %get3A_723 = tpu.vector_load %arg9[%get3A_720, %get3A_721, %get3A_722] {strides = array<i32>} : memref<4x50x128xf32, #tpu.memory_space<vmem>>, vector<1x1x16xf32>,
        %get3A_724 = vector.shape_cast %get3A_723 : vector<1x1x16xf32> to vector<16xf32>
        %swap3A_725 = arith.constant 2 : i32
        %swap3A_726 = arith.index_cast %swap3A_725 : i32 to index
        %swap3A_727 = arith.index_cast %add3A_668 : i32 to index
        %swap3A_728 = arith.constant 0 : index
        %swap3A_729 = tpu.vector_load %arg11[%swap3A_726, %swap3A_727, %swap3A_728] {strides = array<i32>} : memref<8x50x32xf32, #tpu.memory_space<vmem>>, vector<1x1x16xf32>,
        %swap3A_730 = vector.shape_cast %swap3A_729 : vector<1x1x16xf32> to vector<16xf32>
        %swap3A_731 = vector.shape_cast %get3A_724 : vector<16xf32> to vector<1x1x16xf32>
        tpu.vector_store %arg11[%swap3A_726, %swap3A_727, %swap3A_728], %swap3A_731 {strides = array<i32>} : memref<8x50x32xf32, #tpu.memory_space<vmem>>, vector<1x1x16xf32>,
        %get3A_732 = arith.constant 2 : i32
        %get3A_733 = arith.index_cast %get3A_732 : i32 to index
        %get3A_734 = arith.index_cast %add3A_668 : i32 to index
        %get3A_735 = arith.constant 16 : index
        %get3A_736 = tpu.vector_load %arg9[%get3A_733, %get3A_734, %get3A_735] {strides = array<i32>} : memref<4x50x128xf32, #tpu.memory_space<vmem>>, vector<1x1x16xf32>,
        %get3A_737 = vector.shape_cast %get3A_736 : vector<1x1x16xf32> to vector<16xf32>
        %swap3A_738 = arith.constant 2 : i32
        %swap3A_739 = arith.index_cast %swap3A_738 : i32 to index
        %swap3A_740 = arith.index_cast %add3A_668 : i32 to index
        %swap3A_741 = arith.constant 16 : index
        %swap3A_742 = tpu.vector_load %arg11[%swap3A_739, %swap3A_740, %swap3A_741] {strides = array<i32>} : memref<8x50x32xf32, #tpu.memory_space<vmem>>, vector<1x1x16xf32>,
        %swap3A_743 = vector.shape_cast %swap3A_742 : vector<1x1x16xf32> to vector<16xf32>
        %swap3A_744 = vector.shape_cast %get3A_737 : vector<16xf32> to vector<1x1x16xf32>
        tpu.vector_store %arg11[%swap3A_739, %swap3A_740, %swap3A_741], %swap3A_744 {strides = array<i32>} : memref<8x50x32xf32, #tpu.memory_space<vmem>>, vector<1x1x16xf32>,
        %get3A_745 = arith.constant 3 : i32
        %get3A_746 = arith.index_cast %get3A_745 : i32 to index
        %get3A_747 = arith.index_cast %add3A_668 : i32 to index
        %get3A_748 = arith.constant 0 : index
        %get3A_749 = tpu.vector_load %arg9[%get3A_746, %get3A_747, %get3A_748] {strides = array<i32>} : memref<4x50x128xf32, #tpu.memory_space<vmem>>, vector<1x1x16xf32>,
        %get3A_750 = vector.shape_cast %get3A_749 : vector<1x1x16xf32> to vector<16xf32>
        %swap3A_751 = arith.constant 3 : i32
        %swap3A_752 = arith.index_cast %swap3A_751 : i32 to index
        %swap3A_753 = arith.index_cast %add3A_668 : i32 to index
        %swap3A_754 = arith.constant 0 : index
        %swap3A_755 = tpu.vector_load %arg11[%swap3A_752, %swap3A_753, %swap3A_754] {strides = array<i32>} : memref<8x50x32xf32, #tpu.memory_space<vmem>>, vector<1x1x16xf32>,
        %swap3A_756 = vector.shape_cast %swap3A_755 : vector<1x1x16xf32> to vector<16xf32>
        %swap3A_757 = vector.shape_cast %get3A_750 : vector<16xf32> to vector<1x1x16xf32>
        tpu.vector_store %arg11[%swap3A_752, %swap3A_753, %swap3A_754], %swap3A_757 {strides = array<i32>} : memref<8x50x32xf32, #tpu.memory_space<vmem>>, vector<1x1x16xf32>,
        %get3A_758 = arith.constant 3 : i32
        %get3A_759 = arith.index_cast %get3A_758 : i32 to index
        %get3A_760 = arith.index_cast %add3A_668 : i32 to index
        %get3A_761 = arith.constant 16 : index
        %get3A_762 = tpu.vector_load %arg9[%get3A_759, %get3A_760, %get3A_761] {strides = array<i32>} : memref<4x50x128xf32, #tpu.memory_space<vmem>>, vector<1x1x16xf32>,
        %get3A_763 = vector.shape_cast %get3A_762 : vector<1x1x16xf32> to vector<16xf32>
        %swap3A_764 = arith.constant 3 : i32
        %swap3A_765 = arith.index_cast %swap3A_764 : i32 to index
        %swap3A_766 = arith.index_cast %add3A_668 : i32 to index
        %swap3A_767 = arith.constant 16 : index
        %swap3A_768 = tpu.vector_load %arg11[%swap3A_765, %swap3A_766, %swap3A_767] {strides = array<i32>} : memref<8x50x32xf32, #tpu.memory_space<vmem>>, vector<1x1x16xf32>,
        %swap3A_769 = vector.shape_cast %swap3A_768 : vector<1x1x16xf32> to vector<16xf32>
        %swap3A_770 = vector.shape_cast %get3A_763 : vector<16xf32> to vector<1x1x16xf32>
        tpu.vector_store %arg11[%swap3A_765, %swap3A_766, %swap3A_767], %swap3A_770 {strides = array<i32>} : memref<8x50x32xf32, #tpu.memory_space<vmem>>, vector<1x1x16xf32>,
        %mul3A_771 = arith.constant 2 : i32
        %mul3A_772 = arith.muli %scan3A_663, %mul3A_771 : i32
        %add3A_773 = arith.constant 1 : i32
        %add3A_774 = arith.addi %mul3A_772, %add3A_773 : i32
        %get3A_775 = arith.constant 0 : i32
        %get3A_776 = arith.index_cast %get3A_775 : i32 to index
        %get3A_777 = arith.index_cast %add3A_774 : i32 to index
        %get3A_778 = arith.constant 0 : index
        %get3A_779 = tpu.vector_load %arg9[%get3A_776, %get3A_777, %get3A_778] {strides = array<i32>} : memref<4x50x128xf32, #tpu.memory_space<vmem>>, vector<1x1x16xf32>,
        %get3A_780 = vector.shape_cast %get3A_779 : vector<1x1x16xf32> to vector<16xf32>
        %swap3A_781 = arith.constant 0 : i32
        %swap3A_782 = arith.index_cast %swap3A_781 : i32 to index
        %swap3A_783 = arith.index_cast %add3A_774 : i32 to index
        %swap3A_784 = arith.constant 0 : index
        %swap3A_785 = tpu.vector_load %arg11[%swap3A_782, %swap3A_783, %swap3A_784] {strides = array<i32>} : memref<8x50x32xf32, #tpu.memory_space<vmem>>, vector<1x1x16xf32>,
        %swap3A_786 = vector.shape_cast %swap3A_785 : vector<1x1x16xf32> to vector<16xf32>
        %swap3A_787 = vector.shape_cast %get3A_780 : vector<16xf32> to vector<1x1x16xf32>
        tpu.vector_store %arg11[%swap3A_782, %swap3A_783, %swap3A_784], %swap3A_787 {strides = array<i32>} : memref<8x50x32xf32, #tpu.memory_space<vmem>>, vector<1x1x16xf32>,
        %get3A_788 = arith.constant 0 : i32
        %get3A_789 = arith.index_cast %get3A_788 : i32 to index
        %get3A_790 = arith.index_cast %add3A_774 : i32 to index
        %get3A_791 = arith.constant 16 : index
        %get3A_792 = tpu.vector_load %arg9[%get3A_789, %get3A_790, %get3A_791] {strides = array<i32>} : memref<4x50x128xf32, #tpu.memory_space<vmem>>, vector<1x1x16xf32>,
        %get3A_793 = vector.shape_cast %get3A_792 : vector<1x1x16xf32> to vector<16xf32>
        %swap3A_794 = arith.constant 0 : i32
        %swap3A_795 = arith.index_cast %swap3A_794 : i32 to index
        %swap3A_796 = arith.index_cast %add3A_774 : i32 to index
        %swap3A_797 = arith.constant 16 : index
        %swap3A_798 = tpu.vector_load %arg11[%swap3A_795, %swap3A_796, %swap3A_797] {strides = array<i32>} : memref<8x50x32xf32, #tpu.memory_space<vmem>>, vector<1x1x16xf32>,
        %swap3A_799 = vector.shape_cast %swap3A_798 : vector<1x1x16xf32> to vector<16xf32>
        %swap3A_800 = vector.shape_cast %get3A_793 : vector<16xf32> to vector<1x1x16xf32>
        tpu.vector_store %arg11[%swap3A_795, %swap3A_796, %swap3A_797], %swap3A_800 {strides = array<i32>} : memref<8x50x32xf32, #tpu.memory_space<vmem>>, vector<1x1x16xf32>,
        %get3A_801 = arith.constant 1 : i32
        %get3A_802 = arith.index_cast %get3A_801 : i32 to index
        %get3A_803 = arith.index_cast %add3A_774 : i32 to index
        %get3A_804 = arith.constant 0 : index
        %get3A_805 = tpu.vector_load %arg9[%get3A_802, %get3A_803, %get3A_804] {strides = array<i32>} : memref<4x50x128xf32, #tpu.memory_space<vmem>>, vector<1x1x16xf32>,
        %get3A_806 = vector.shape_cast %get3A_805 : vector<1x1x16xf32> to vector<16xf32>
        %swap3A_807 = arith.constant 1 : i32
        %swap3A_808 = arith.index_cast %swap3A_807 : i32 to index
        %swap3A_809 = arith.index_cast %add3A_774 : i32 to index
        %swap3A_810 = arith.constant 0 : index
        %swap3A_811 = tpu.vector_load %arg11[%swap3A_808, %swap3A_809, %swap3A_810] {strides = array<i32>} : memref<8x50x32xf32, #tpu.memory_space<vmem>>, vector<1x1x16xf32>,
        %swap3A_812 = vector.shape_cast %swap3A_811 : vector<1x1x16xf32> to vector<16xf32>
        %swap3A_813 = vector.shape_cast %get3A_806 : vector<16xf32> to vector<1x1x16xf32>
        tpu.vector_store %arg11[%swap3A_808, %swap3A_809, %swap3A_810], %swap3A_813 {strides = array<i32>} : memref<8x50x32xf32, #tpu.memory_space<vmem>>, vector<1x1x16xf32>,
        %get3A_814 = arith.constant 1 : i32
        %get3A_815 = arith.index_cast %get3A_814 : i32 to index
        %get3A_816 = arith.index_cast %add3A_774 : i32 to index
        %get3A_817 = arith.constant 16 : index
        %get3A_818 = tpu.vector_load %arg9[%get3A_815, %get3A_816, %get3A_817] {strides = array<i32>} : memref<4x50x128xf32, #tpu.memory_space<vmem>>, vector<1x1x16xf32>,
        %get3A_819 = vector.shape_cast %get3A_818 : vector<1x1x16xf32> to vector<16xf32>
        %swap3A_820 = arith.constant 1 : i32
        %swap3A_821 = arith.index_cast %swap3A_820 : i32 to index
        %swap3A_822 = arith.index_cast %add3A_774 : i32 to index
        %swap3A_823 = arith.constant 16 : index
        %swap3A_824 = tpu.vector_load %arg11[%swap3A_821, %swap3A_822, %swap3A_823] {strides = array<i32>} : memref<8x50x32xf32, #tpu.memory_space<vmem>>, vector<1x1x16xf32>,
        %swap3A_825 = vector.shape_cast %swap3A_824 : vector<1x1x16xf32> to vector<16xf32>
        %swap3A_826 = vector.shape_cast %get3A_819 : vector<16xf32> to vector<1x1x16xf32>
        tpu.vector_store %arg11[%swap3A_821, %swap3A_822, %swap3A_823], %swap3A_826 {strides = array<i32>} : memref<8x50x32xf32, #tpu.memory_space<vmem>>, vector<1x1x16xf32>,
        %get3A_827 = arith.constant 2 : i32
        %get3A_828 = arith.index_cast %get3A_827 : i32 to index
        %get3A_829 = arith.index_cast %add3A_774 : i32 to index
        %get3A_830 = arith.constant 0 : index
        %get3A_831 = tpu.vector_load %arg9[%get3A_828, %get3A_829, %get3A_830] {strides = array<i32>} : memref<4x50x128xf32, #tpu.memory_space<vmem>>, vector<1x1x16xf32>,
        %get3A_832 = vector.shape_cast %get3A_831 : vector<1x1x16xf32> to vector<16xf32>
        %swap3A_833 = arith.constant 2 : i32
        %swap3A_834 = arith.index_cast %swap3A_833 : i32 to index
        %swap3A_835 = arith.index_cast %add3A_774 : i32 to index
        %swap3A_836 = arith.constant 0 : index
        %swap3A_837 = tpu.vector_load %arg11[%swap3A_834, %swap3A_835, %swap3A_836] {strides = array<i32>} : memref<8x50x32xf32, #tpu.memory_space<vmem>>, vector<1x1x16xf32>,
        %swap3A_838 = vector.shape_cast %swap3A_837 : vector<1x1x16xf32> to vector<16xf32>
        %swap3A_839 = vector.shape_cast %get3A_832 : vector<16xf32> to vector<1x1x16xf32>
        tpu.vector_store %arg11[%swap3A_834, %swap3A_835, %swap3A_836], %swap3A_839 {strides = array<i32>} : memref<8x50x32xf32, #tpu.memory_space<vmem>>, vector<1x1x16xf32>,
        %get3A_840 = arith.constant 2 : i32
        %get3A_841 = arith.index_cast %get3A_840 : i32 to index
        %get3A_842 = arith.index_cast %add3A_774 : i32 to index
        %get3A_843 = arith.constant 16 : index
        %get3A_844 = tpu.vector_load %arg9[%get3A_841, %get3A_842, %get3A_843] {strides = array<i32>} : memref<4x50x128xf32, #tpu.memory_space<vmem>>, vector<1x1x16xf32>,
        %get3A_845 = vector.shape_cast %get3A_844 : vector<1x1x16xf32> to vector<16xf32>
        %swap3A_846 = arith.constant 2 : i32
        %swap3A_847 = arith.index_cast %swap3A_846 : i32 to index
        %swap3A_848 = arith.index_cast %add3A_774 : i32 to index
        %swap3A_849 = arith.constant 16 : index
        %swap3A_850 = tpu.vector_load %arg11[%swap3A_847, %swap3A_848, %swap3A_849] {strides = array<i32>} : memref<8x50x32xf32, #tpu.memory_space<vmem>>, vector<1x1x16xf32>,
        %swap3A_851 = vector.shape_cast %swap3A_850 : vector<1x1x16xf32> to vector<16xf32>
        %swap3A_852 = vector.shape_cast %get3A_845 : vector<16xf32> to vector<1x1x16xf32>
        tpu.vector_store %arg11[%swap3A_847, %swap3A_848, %swap3A_849], %swap3A_852 {strides = array<i32>} : memref<8x50x32xf32, #tpu.memory_space<vmem>>, vector<1x1x16xf32>,
        %get3A_853 = arith.constant 3 : i32
        %get3A_854 = arith.index_cast %get3A_853 : i32 to index
        %get3A_855 = arith.index_cast %add3A_774 : i32 to index
        %get3A_856 = arith.constant 0 : index
        %get3A_857 = tpu.vector_load %arg9[%get3A_854, %get3A_855, %get3A_856] {strides = array<i32>} : memref<4x50x128xf32, #tpu.memory_space<vmem>>, vector<1x1x16xf32>,
        %get3A_858 = vector.shape_cast %get3A_857 : vector<1x1x16xf32> to vector<16xf32>
        %swap3A_859 = arith.constant 3 : i32
        %swap3A_860 = arith.index_cast %swap3A_859 : i32 to index
        %swap3A_861 = arith.index_cast %add3A_774 : i32 to index
        %swap3A_862 = arith.constant 0 : index
        %swap3A_863 = tpu.vector_load %arg11[%swap3A_860, %swap3A_861, %swap3A_862] {strides = array<i32>} : memref<8x50x32xf32, #tpu.memory_space<vmem>>, vector<1x1x16xf32>,
        %swap3A_864 = vector.shape_cast %swap3A_863 : vector<1x1x16xf32> to vector<16xf32>
        %swap3A_865 = vector.shape_cast %get3A_858 : vector<16xf32> to vector<1x1x16xf32>
        tpu.vector_store %arg11[%swap3A_860, %swap3A_861, %swap3A_862], %swap3A_865 {strides = array<i32>} : memref<8x50x32xf32, #tpu.memory_space<vmem>>, vector<1x1x16xf32>,
        %get3A_866 = arith.constant 3 : i32
        %get3A_867 = arith.index_cast %get3A_866 : i32 to index
        %get3A_868 = arith.index_cast %add3A_774 : i32 to index
        %get3A_869 = arith.constant 16 : index
        %get3A_870 = tpu.vector_load %arg9[%get3A_867, %get3A_868, %get3A_869] {strides = array<i32>} : memref<4x50x128xf32, #tpu.memory_space<vmem>>, vector<1x1x16xf32>,
        %get3A_871 = vector.shape_cast %get3A_870 : vector<1x1x16xf32> to vector<16xf32>
        %swap3A_872 = arith.constant 3 : i32
        %swap3A_873 = arith.index_cast %swap3A_872 : i32 to index
        %swap3A_874 = arith.index_cast %add3A_774 : i32 to index
        %swap3A_875 = arith.constant 16 : index
        %swap3A_876 = tpu.vector_load %arg11[%swap3A_873, %swap3A_874, %swap3A_875] {strides = array<i32>} : memref<8x50x32xf32, #tpu.memory_space<vmem>>, vector<1x1x16xf32>,
        %swap3A_877 = vector.shape_cast %swap3A_876 : vector<1x1x16xf32> to vector<16xf32>
        %swap3A_878 = vector.shape_cast %get3A_871 : vector<16xf32> to vector<1x1x16xf32>
        tpu.vector_store %arg11[%swap3A_873, %swap3A_874, %swap3A_875], %swap3A_878 {strides = array<i32>} : memref<8x50x32xf32, #tpu.memory_space<vmem>>, vector<1x1x16xf32>,
        %scan3A_879 = arith.constant 0 : i32
        scf.yield %scan3A_879 : i32
      }
      %scan3A_584 = arith.constant 25 : i32
      %convert_element_type3A_585 = arith.extui %lt3A_513 : i1 to i32
      %cond3A_586 = arith.constant 0 : i32
      %cond3A_587 = arith.cmpi ne, %convert_element_type3A_585, %cond3A_586 : i32
      scf.if %cond3A_587 {
        %add3A_663 = arith.constant 1 : i32
        %add3A_664 = arith.addi %add3A_276, %add3A_663 : i32
        %mul3A_665 = arith.constant 8 : i32
        %mul3A_666 = arith.muli %add3A_664, %mul3A_665 : i32
        %add3A_667 = arith.addi %mul3A_2, %mul3A_666 : i32
        %multiple_of3A_668 = tpu.assume_multiple %add3A_667, 8 : i32
        %dma_wait3A_669 = arith.constant 0 : i32
        %dma_wait3A_670 = tpu.memref_slice %arg5[%multiple_of3A_668, %dma_wait3A_669] : memref<16384x50xi32, #tpu.memory_space<hbm>> -> memref<8x50xi32, #tpu.memory_space<hbm>>
        %dma_wait3A_671 = arith.constant 0 : i32
        %dma_wait3A_672 = tpu.memref_slice %arg5[%multiple_of3A_668, %dma_wait3A_671] : memref<16384x50xi32, #tpu.memory_space<hbm>> -> memref<8x50xi32, #tpu.memory_space<hbm>>
        tpu.wait_dma2 semaphore(%arg15 : memref<!tpu.dma_semaphore, #tpu.memory_space<semaphore_mem>>) src(%dma_wait3A_672 : memref<8x50xi32, #tpu.memory_space<hbm>>) dst(%arg7 : memref<8x50xi32, #tpu.memory_space<vmem>>)
        %dma_start3A_673 = arith.constant 0 : i32
        %dma_start3A_674 = arith.constant 0 : i32
        %dma_start3A_675 = arith.constant 0 : i32
        %dma_start3A_676 = arith.constant 0 : i32
        %dma_start3A_677 = tpu.memref_slice %arg9[%dma_start3A_674, %dma_start3A_675, %dma_start3A_676] : memref<4x50x128xf32, #tpu.memory_space<vmem>> -> memref<1x50x128xf32, #tpu.memory_space<vmem>>
        %dma_start3A_678 = tpu.memref_squeeze %dma_start3A_677 : memref<1x50x128xf32, #tpu.memory_space<vmem>> -> memref<50x128xf32, #tpu.memory_space<vmem>>
        %dma_start3A_679 = arith.constant 0 : i32
        %dma_start3A_680 = tpu.memref_slice %arg7[%dma_start3A_673, %dma_start3A_679] : memref<8x50xi32, #tpu.memory_space<vmem>> -> memref<1x50xi32, #tpu.memory_space<vmem>>
        %dma_start3A_681 = tpu.memref_squeeze %dma_start3A_680 : memref<1x50xi32, #tpu.memory_space<vmem>> -> memref<50xi32, #tpu.memory_space<vmem>>
        %dma_start3A_682 = arith.constant 0 : i32
        %dma_start3A_683 = arith.constant 0 : i32
        %dma_start3A_684 = tpu.memref_slice %arg3[%dma_start3A_682, %dma_start3A_683] : memref<1000000x128xf32, #tpu.memory_space<hbm>> -> memref<1000000x128xf32, #tpu.memory_space<hbm>>
        tpu.enqueue_indirect_dma source(%dma_start3A_684 : memref<1000000x128xf32, #tpu.memory_space<hbm>>) target(%dma_start3A_678 : memref<50x128xf32, #tpu.memory_space<vmem>>) offsets(%dma_start3A_681 : memref<50xi32, #tpu.memory_space<vmem>>) semaphore(%arg12 : memref<!tpu.dma_semaphore, #tpu.memory_space<semaphore_mem>>)
        %dma_start3A_685 = arith.constant 1 : i32
        %dma_start3A_686 = arith.constant 1 : i32
        %dma_start3A_687 = arith.constant 0 : i32
        %dma_start3A_688 = arith.constant 0 : i32
        %dma_start3A_689 = tpu.memref_slice %arg9[%dma_start3A_686, %dma_start3A_687, %dma_start3A_688] : memref<4x50x128xf32, #tpu.memory_space<vmem>> -> memref<1x50x128xf32, #tpu.memory_space<vmem>>
        %dma_start3A_690 = tpu.memref_squeeze %dma_start3A_689 : memref<1x50x128xf32, #tpu.memory_space<vmem>> -> memref<50x128xf32, #tpu.memory_space<vmem>>
        %dma_start3A_691 = arith.constant 0 : i32
        %dma_start3A_692 = tpu.memref_slice %arg7[%dma_start3A_685, %dma_start3A_691] : memref<8x50xi32, #tpu.memory_space<vmem>> -> memref<1x50xi32, #tpu.memory_space<vmem>>
        %dma_start3A_693 = tpu.memref_squeeze %dma_start3A_692 : memref<1x50xi32, #tpu.memory_space<vmem>> -> memref<50xi32, #tpu.memory_space<vmem>>
        %dma_start3A_694 = arith.constant 0 : i32
        %dma_start3A_695 = arith.constant 0 : i32
        %dma_start3A_696 = tpu.memref_slice %arg3[%dma_start3A_694, %dma_start3A_695] : memref<1000000x128xf32, #tpu.memory_space<hbm>> -> memref<1000000x128xf32, #tpu.memory_space<hbm>>
        tpu.enqueue_indirect_dma source(%dma_start3A_696 : memref<1000000x128xf32, #tpu.memory_space<hbm>>) target(%dma_start3A_690 : memref<50x128xf32, #tpu.memory_space<vmem>>) offsets(%dma_start3A_693 : memref<50xi32, #tpu.memory_space<vmem>>) semaphore(%arg12 : memref<!tpu.dma_semaphore, #tpu.memory_space<semaphore_mem>>)
        %dma_start3A_697 = arith.constant 2 : i32
        %dma_start3A_698 = arith.constant 2 : i32
        %dma_start3A_699 = arith.constant 0 : i32
        %dma_start3A_700 = arith.constant 0 : i32
        %dma_start3A_701 = tpu.memref_slice %arg9[%dma_start3A_698, %dma_start3A_699, %dma_start3A_700] : memref<4x50x128xf32, #tpu.memory_space<vmem>> -> memref<1x50x128xf32, #tpu.memory_space<vmem>>
        %dma_start3A_702 = tpu.memref_squeeze %dma_start3A_701 : memref<1x50x128xf32, #tpu.memory_space<vmem>> -> memref<50x128xf32, #tpu.memory_space<vmem>>
        %dma_start3A_703 = arith.constant 0 : i32
        %dma_start3A_704 = tpu.memref_slice %arg7[%dma_start3A_697, %dma_start3A_703] : memref<8x50xi32, #tpu.memory_space<vmem>> -> memref<1x50xi32, #tpu.memory_space<vmem>>
        %dma_start3A_705 = tpu.memref_squeeze %dma_start3A_704 : memref<1x50xi32, #tpu.memory_space<vmem>> -> memref<50xi32, #tpu.memory_space<vmem>>
        %dma_start3A_706 = arith.constant 0 : i32
        %dma_start3A_707 = arith.constant 0 : i32
        %dma_start3A_708 = tpu.memref_slice %arg3[%dma_start3A_706, %dma_start3A_707] : memref<1000000x128xf32, #tpu.memory_space<hbm>> -> memref<1000000x128xf32, #tpu.memory_space<hbm>>
        tpu.enqueue_indirect_dma source(%dma_start3A_708 : memref<1000000x128xf32, #tpu.memory_space<hbm>>) target(%dma_start3A_702 : memref<50x128xf32, #tpu.memory_space<vmem>>) offsets(%dma_start3A_705 : memref<50xi32, #tpu.memory_space<vmem>>) semaphore(%arg12 : memref<!tpu.dma_semaphore, #tpu.memory_space<semaphore_mem>>)
        %dma_start3A_709 = arith.constant 3 : i32
        %dma_start3A_710 = arith.constant 3 : i32
        %dma_start3A_711 = arith.constant 0 : i32
        %dma_start3A_712 = arith.constant 0 : i32
        %dma_start3A_713 = tpu.memref_slice %arg9[%dma_start3A_710, %dma_start3A_711, %dma_start3A_712] : memref<4x50x128xf32, #tpu.memory_space<vmem>> -> memref<1x50x128xf32, #tpu.memory_space<vmem>>
        %dma_start3A_714 = tpu.memref_squeeze %dma_start3A_713 : memref<1x50x128xf32, #tpu.memory_space<vmem>> -> memref<50x128xf32, #tpu.memory_space<vmem>>
        %dma_start3A_715 = arith.constant 0 : i32
        %dma_start3A_716 = tpu.memref_slice %arg7[%dma_start3A_709, %dma_start3A_715] : memref<8x50xi32, #tpu.memory_space<vmem>> -> memref<1x50xi32, #tpu.memory_space<vmem>>
        %dma_start3A_717 = tpu.memref_squeeze %dma_start3A_716 : memref<1x50xi32, #tpu.memory_space<vmem>> -> memref<50xi32, #tpu.memory_space<vmem>>
        %dma_start3A_718 = arith.constant 0 : i32
        %dma_start3A_719 = arith.constant 0 : i32
        %dma_start3A_720 = tpu.memref_slice %arg3[%dma_start3A_718, %dma_start3A_719] : memref<1000000x128xf32, #tpu.memory_space<hbm>> -> memref<1000000x128xf32, #tpu.memory_space<hbm>>
        tpu.enqueue_indirect_dma source(%dma_start3A_720 : memref<1000000x128xf32, #tpu.memory_space<hbm>>) target(%dma_start3A_714 : memref<50x128xf32, #tpu.memory_space<vmem>>) offsets(%dma_start3A_717 : memref<50xi32, #tpu.memory_space<vmem>>) semaphore(%arg12 : memref<!tpu.dma_semaphore, #tpu.memory_space<semaphore_mem>>)
      } else {
      }
      %dma_wait3A_588 = arith.constant 4 : i32
      %dma_wait3A_589 = arith.constant 0 : i32
      %dma_wait3A_590 = arith.constant 0 : i32
      %dma_wait3A_591 = arith.constant 0 : i32
      %dma_wait3A_592 = tpu.memref_slice %arg10[%dma_wait3A_589, %dma_wait3A_590, %dma_wait3A_591] : memref<4x50x128xf32, #tpu.memory_space<vmem>> -> memref<1x50x128xf32, #tpu.memory_space<vmem>>
      %dma_wait3A_593 = tpu.memref_squeeze %dma_wait3A_592 : memref<1x50x128xf32, #tpu.memory_space<vmem>> -> memref<50x128xf32, #tpu.memory_space<vmem>>
      %dma_wait3A_594 = arith.constant 0 : i32
      %dma_wait3A_595 = tpu.memref_slice %arg8[%dma_wait3A_588, %dma_wait3A_594] : memref<8x50xi32, #tpu.memory_space<vmem>> -> memref<1x50xi32, #tpu.memory_space<vmem>>
      %dma_wait3A_596 = tpu.memref_squeeze %dma_wait3A_595 : memref<1x50xi32, #tpu.memory_space<vmem>> -> memref<50xi32, #tpu.memory_space<vmem>>
      %dma_wait3A_597 = arith.constant 0 : i32
      %dma_wait3A_598 = arith.constant 0 : i32
      %dma_wait3A_599 = tpu.memref_slice %arg3[%dma_wait3A_597, %dma_wait3A_598] : memref<1000000x128xf32, #tpu.memory_space<hbm>> -> memref<1000000x128xf32, #tpu.memory_space<hbm>>
      tpu.wait_indirect_dma semaphore(%arg13 : memref<!tpu.dma_semaphore, #tpu.memory_space<semaphore_mem>>) src(%dma_wait3A_599 : memref<1000000x128xf32, #tpu.memory_space<hbm>>) dst(%dma_wait3A_593 : memref<50x128xf32, #tpu.memory_space<vmem>>)
      %dma_wait3A_600 = arith.constant 5 : i32
      %dma_wait3A_601 = arith.constant 1 : i32
      %dma_wait3A_602 = arith.constant 0 : i32
      %dma_wait3A_603 = arith.constant 0 : i32
      %dma_wait3A_604 = tpu.memref_slice %arg10[%dma_wait3A_601, %dma_wait3A_602, %dma_wait3A_603] : memref<4x50x128xf32, #tpu.memory_space<vmem>> -> memref<1x50x128xf32, #tpu.memory_space<vmem>>
      %dma_wait3A_605 = tpu.memref_squeeze %dma_wait3A_604 : memref<1x50x128xf32, #tpu.memory_space<vmem>> -> memref<50x128xf32, #tpu.memory_space<vmem>>
      %dma_wait3A_606 = arith.constant 0 : i32
      %dma_wait3A_607 = tpu.memref_slice %arg8[%dma_wait3A_600, %dma_wait3A_606] : memref<8x50xi32, #tpu.memory_space<vmem>> -> memref<1x50xi32, #tpu.memory_space<vmem>>
      %dma_wait3A_608 = tpu.memref_squeeze %dma_wait3A_607 : memref<1x50xi32, #tpu.memory_space<vmem>> -> memref<50xi32, #tpu.memory_space<vmem>>
      %dma_wait3A_609 = arith.constant 0 : i32
      %dma_wait3A_610 = arith.constant 0 : i32
      %dma_wait3A_611 = tpu.memref_slice %arg3[%dma_wait3A_609, %dma_wait3A_610] : memref<1000000x128xf32, #tpu.memory_space<hbm>> -> memref<1000000x128xf32, #tpu.memory_space<hbm>>
      tpu.wait_indirect_dma semaphore(%arg13 : memref<!tpu.dma_semaphore, #tpu.memory_space<semaphore_mem>>) src(%dma_wait3A_611 : memref<1000000x128xf32, #tpu.memory_space<hbm>>) dst(%dma_wait3A_605 : memref<50x128xf32, #tpu.memory_space<vmem>>)
      %dma_wait3A_612 = arith.constant 6 : i32
      %dma_wait3A_613 = arith.constant 2 : i32
      %dma_wait3A_614 = arith.constant 0 : i32
      %dma_wait3A_615 = arith.constant 0 : i32
      %dma_wait3A_616 = tpu.memref_slice %arg10[%dma_wait3A_613, %dma_wait3A_614, %dma_wait3A_615] : memref<4x50x128xf32, #tpu.memory_space<vmem>> -> memref<1x50x128xf32, #tpu.memory_space<vmem>>
      %dma_wait3A_617 = tpu.memref_squeeze %dma_wait3A_616 : memref<1x50x128xf32, #tpu.memory_space<vmem>> -> memref<50x128xf32, #tpu.memory_space<vmem>>
      %dma_wait3A_618 = arith.constant 0 : i32
      %dma_wait3A_619 = tpu.memref_slice %arg8[%dma_wait3A_612, %dma_wait3A_618] : memref<8x50xi32, #tpu.memory_space<vmem>> -> memref<1x50xi32, #tpu.memory_space<vmem>>
      %dma_wait3A_620 = tpu.memref_squeeze %dma_wait3A_619 : memref<1x50xi32, #tpu.memory_space<vmem>> -> memref<50xi32, #tpu.memory_space<vmem>>
      %dma_wait3A_621 = arith.constant 0 : i32
      %dma_wait3A_622 = arith.constant 0 : i32
      %dma_wait3A_623 = tpu.memref_slice %arg3[%dma_wait3A_621, %dma_wait3A_622] : memref<1000000x128xf32, #tpu.memory_space<hbm>> -> memref<1000000x128xf32, #tpu.memory_space<hbm>>
      tpu.wait_indirect_dma semaphore(%arg13 : memref<!tpu.dma_semaphore, #tpu.memory_space<semaphore_mem>>) src(%dma_wait3A_623 : memref<1000000x128xf32, #tpu.memory_space<hbm>>) dst(%dma_wait3A_617 : memref<50x128xf32, #tpu.memory_space<vmem>>)
      %dma_wait3A_624 = arith.constant 7 : i32
      %dma_wait3A_625 = arith.constant 3 : i32
      %dma_wait3A_626 = arith.constant 0 : i32
      %dma_wait3A_627 = arith.constant 0 : i32
      %dma_wait3A_628 = tpu.memref_slice %arg10[%dma_wait3A_625, %dma_wait3A_626, %dma_wait3A_627] : memref<4x50x128xf32, #tpu.memory_space<vmem>> -> memref<1x50x128xf32, #tpu.memory_space<vmem>>
      %dma_wait3A_629 = tpu.memref_squeeze %dma_wait3A_628 : memref<1x50x128xf32, #tpu.memory_space<vmem>> -> memref<50x128xf32, #tpu.memory_space<vmem>>
      %dma_wait3A_630 = arith.constant 0 : i32
      %dma_wait3A_631 = tpu.memref_slice %arg8[%dma_wait3A_624, %dma_wait3A_630] : memref<8x50xi32, #tpu.memory_space<vmem>> -> memref<1x50xi32, #tpu.memory_space<vmem>>
      %dma_wait3A_632 = tpu.memref_squeeze %dma_wait3A_631 : memref<1x50xi32, #tpu.memory_space<vmem>> -> memref<50xi32, #tpu.memory_space<vmem>>
      %dma_wait3A_633 = arith.constant 0 : i32
      %dma_wait3A_634 = arith.constant 0 : i32
      %dma_wait3A_635 = tpu.memref_slice %arg3[%dma_wait3A_633, %dma_wait3A_634] : memref<1000000x128xf32, #tpu.memory_space<hbm>> -> memref<1000000x128xf32, #tpu.memory_space<hbm>>
      tpu.wait_indirect_dma semaphore(%arg13 : memref<!tpu.dma_semaphore, #tpu.memory_space<semaphore_mem>>) src(%dma_wait3A_635 : memref<1000000x128xf32, #tpu.memory_space<hbm>>) dst(%dma_wait3A_629 : memref<50x128xf32, #tpu.memory_space<vmem>>)
      %scan3A_636 = arith.constant 0 : i32
      %scan3A_637 = arith.constant 0 : i32
      %scan3A_638 = arith.constant 25 : i32
      %scan3A_639 = arith.addi %scan3A_637, %scan3A_638 : i32
      %scan3A_640 = arith.constant 1 : i32
      %scan3A_641 = scf.for %scan3A_663 = %scan3A_637 to %scan3A_639 step %scan3A_640 iter_args(%scan3A_664 = %scan3A_636) -> (i32)  : i32 {
        %mul3A_665 = arith.constant 2 : i32
        %mul3A_666 = arith.muli %scan3A_663, %mul3A_665 : i32
        %add3A_667 = arith.constant 0 : i32
        %add3A_668 = arith.addi %mul3A_666, %add3A_667 : i32
        %get3A = arith.constant 0 : i32
        %get3A_669 = arith.index_cast %get3A : i32 to index
        %get3A_670 = arith.index_cast %add3A_668 : i32 to index
        %get3A_671 = arith.constant 0 : index
        %get3A_672 = tpu.vector_load %arg10[%get3A_669, %get3A_670, %get3A_671] {strides = array<i32>} : memref<4x50x128xf32, #tpu.memory_space<vmem>>, vector<1x1x16xf32>,
        %get3A_673 = vector.shape_cast %get3A_672 : vector<1x1x16xf32> to vector<16xf32>
        %swap3A = arith.constant 4 : i32
        %swap3A_674 = arith.index_cast %swap3A : i32 to index
        %swap3A_675 = arith.index_cast %add3A_668 : i32 to index
        %swap3A_676 = arith.constant 0 : index
        %swap3A_677 = tpu.vector_load %arg11[%swap3A_674, %swap3A_675, %swap3A_676] {strides = array<i32>} : memref<8x50x32xf32, #tpu.memory_space<vmem>>, vector<1x1x16xf32>,
        %swap3A_678 = vector.shape_cast %swap3A_677 : vector<1x1x16xf32> to vector<16xf32>
        %swap3A_679 = vector.shape_cast %get3A_673 : vector<16xf32> to vector<1x1x16xf32>
        tpu.vector_store %arg11[%swap3A_674, %swap3A_675, %swap3A_676], %swap3A_679 {strides = array<i32>} : memref<8x50x32xf32, #tpu.memory_space<vmem>>, vector<1x1x16xf32>,
        %get3A_680 = arith.constant 0 : i32
        %get3A_681 = arith.index_cast %get3A_680 : i32 to index
        %get3A_682 = arith.index_cast %add3A_668 : i32 to index
        %get3A_683 = arith.constant 16 : index
        %get3A_684 = tpu.vector_load %arg10[%get3A_681, %get3A_682, %get3A_683] {strides = array<i32>} : memref<4x50x128xf32, #tpu.memory_space<vmem>>, vector<1x1x16xf32>,
        %get3A_685 = vector.shape_cast %get3A_684 : vector<1x1x16xf32> to vector<16xf32>
        %swap3A_686 = arith.constant 4 : i32
        %swap3A_687 = arith.index_cast %swap3A_686 : i32 to index
        %swap3A_688 = arith.index_cast %add3A_668 : i32 to index
        %swap3A_689 = arith.constant 16 : index
        %swap3A_690 = tpu.vector_load %arg11[%swap3A_687, %swap3A_688, %swap3A_689] {strides = array<i32>} : memref<8x50x32xf32, #tpu.memory_space<vmem>>, vector<1x1x16xf32>,
        %swap3A_691 = vector.shape_cast %swap3A_690 : vector<1x1x16xf32> to vector<16xf32>
        %swap3A_692 = vector.shape_cast %get3A_685 : vector<16xf32> to vector<1x1x16xf32>
        tpu.vector_store %arg11[%swap3A_687, %swap3A_688, %swap3A_689], %swap3A_692 {strides = array<i32>} : memref<8x50x32xf32, #tpu.memory_space<vmem>>, vector<1x1x16xf32>,
        %get3A_693 = arith.constant 1 : i32
        %get3A_694 = arith.index_cast %get3A_693 : i32 to index
        %get3A_695 = arith.index_cast %add3A_668 : i32 to index
        %get3A_696 = arith.constant 0 : index
        %get3A_697 = tpu.vector_load %arg10[%get3A_694, %get3A_695, %get3A_696] {strides = array<i32>} : memref<4x50x128xf32, #tpu.memory_space<vmem>>, vector<1x1x16xf32>,
        %get3A_698 = vector.shape_cast %get3A_697 : vector<1x1x16xf32> to vector<16xf32>
        %swap3A_699 = arith.constant 5 : i32
        %swap3A_700 = arith.index_cast %swap3A_699 : i32 to index
        %swap3A_701 = arith.index_cast %add3A_668 : i32 to index
        %swap3A_702 = arith.constant 0 : index
        %swap3A_703 = tpu.vector_load %arg11[%swap3A_700, %swap3A_701, %swap3A_702] {strides = array<i32>} : memref<8x50x32xf32, #tpu.memory_space<vmem>>, vector<1x1x16xf32>,
        %swap3A_704 = vector.shape_cast %swap3A_703 : vector<1x1x16xf32> to vector<16xf32>
        %swap3A_705 = vector.shape_cast %get3A_698 : vector<16xf32> to vector<1x1x16xf32>
        tpu.vector_store %arg11[%swap3A_700, %swap3A_701, %swap3A_702], %swap3A_705 {strides = array<i32>} : memref<8x50x32xf32, #tpu.memory_space<vmem>>, vector<1x1x16xf32>,
        %get3A_706 = arith.constant 1 : i32
        %get3A_707 = arith.index_cast %get3A_706 : i32 to index
        %get3A_708 = arith.index_cast %add3A_668 : i32 to index
        %get3A_709 = arith.constant 16 : index
        %get3A_710 = tpu.vector_load %arg10[%get3A_707, %get3A_708, %get3A_709] {strides = array<i32>} : memref<4x50x128xf32, #tpu.memory_space<vmem>>, vector<1x1x16xf32>,
        %get3A_711 = vector.shape_cast %get3A_710 : vector<1x1x16xf32> to vector<16xf32>
        %swap3A_712 = arith.constant 5 : i32
        %swap3A_713 = arith.index_cast %swap3A_712 : i32 to index
        %swap3A_714 = arith.index_cast %add3A_668 : i32 to index
        %swap3A_715 = arith.constant 16 : index
        %swap3A_716 = tpu.vector_load %arg11[%swap3A_713, %swap3A_714, %swap3A_715] {strides = array<i32>} : memref<8x50x32xf32, #tpu.memory_space<vmem>>, vector<1x1x16xf32>,
        %swap3A_717 = vector.shape_cast %swap3A_716 : vector<1x1x16xf32> to vector<16xf32>
        %swap3A_718 = vector.shape_cast %get3A_711 : vector<16xf32> to vector<1x1x16xf32>
        tpu.vector_store %arg11[%swap3A_713, %swap3A_714, %swap3A_715], %swap3A_718 {strides = array<i32>} : memref<8x50x32xf32, #tpu.memory_space<vmem>>, vector<1x1x16xf32>,
        %get3A_719 = arith.constant 2 : i32
        %get3A_720 = arith.index_cast %get3A_719 : i32 to index
        %get3A_721 = arith.index_cast %add3A_668 : i32 to index
        %get3A_722 = arith.constant 0 : index
        %get3A_723 = tpu.vector_load %arg10[%get3A_720, %get3A_721, %get3A_722] {strides = array<i32>} : memref<4x50x128xf32, #tpu.memory_space<vmem>>, vector<1x1x16xf32>,
        %get3A_724 = vector.shape_cast %get3A_723 : vector<1x1x16xf32> to vector<16xf32>
        %swap3A_725 = arith.constant 6 : i32
        %swap3A_726 = arith.index_cast %swap3A_725 : i32 to index
        %swap3A_727 = arith.index_cast %add3A_668 : i32 to index
        %swap3A_728 = arith.constant 0 : index
        %swap3A_729 = tpu.vector_load %arg11[%swap3A_726, %swap3A_727, %swap3A_728] {strides = array<i32>} : memref<8x50x32xf32, #tpu.memory_space<vmem>>, vector<1x1x16xf32>,
        %swap3A_730 = vector.shape_cast %swap3A_729 : vector<1x1x16xf32> to vector<16xf32>
        %swap3A_731 = vector.shape_cast %get3A_724 : vector<16xf32> to vector<1x1x16xf32>
        tpu.vector_store %arg11[%swap3A_726, %swap3A_727, %swap3A_728], %swap3A_731 {strides = array<i32>} : memref<8x50x32xf32, #tpu.memory_space<vmem>>, vector<1x1x16xf32>,
        %get3A_732 = arith.constant 2 : i32
        %get3A_733 = arith.index_cast %get3A_732 : i32 to index
        %get3A_734 = arith.index_cast %add3A_668 : i32 to index
        %get3A_735 = arith.constant 16 : index
        %get3A_736 = tpu.vector_load %arg10[%get3A_733, %get3A_734, %get3A_735] {strides = array<i32>} : memref<4x50x128xf32, #tpu.memory_space<vmem>>, vector<1x1x16xf32>,
        %get3A_737 = vector.shape_cast %get3A_736 : vector<1x1x16xf32> to vector<16xf32>
        %swap3A_738 = arith.constant 6 : i32
        %swap3A_739 = arith.index_cast %swap3A_738 : i32 to index
        %swap3A_740 = arith.index_cast %add3A_668 : i32 to index
        %swap3A_741 = arith.constant 16 : index
        %swap3A_742 = tpu.vector_load %arg11[%swap3A_739, %swap3A_740, %swap3A_741] {strides = array<i32>} : memref<8x50x32xf32, #tpu.memory_space<vmem>>, vector<1x1x16xf32>,
        %swap3A_743 = vector.shape_cast %swap3A_742 : vector<1x1x16xf32> to vector<16xf32>
        %swap3A_744 = vector.shape_cast %get3A_737 : vector<16xf32> to vector<1x1x16xf32>
        tpu.vector_store %arg11[%swap3A_739, %swap3A_740, %swap3A_741], %swap3A_744 {strides = array<i32>} : memref<8x50x32xf32, #tpu.memory_space<vmem>>, vector<1x1x16xf32>,
        %get3A_745 = arith.constant 3 : i32
        %get3A_746 = arith.index_cast %get3A_745 : i32 to index
        %get3A_747 = arith.index_cast %add3A_668 : i32 to index
        %get3A_748 = arith.constant 0 : index
        %get3A_749 = tpu.vector_load %arg10[%get3A_746, %get3A_747, %get3A_748] {strides = array<i32>} : memref<4x50x128xf32, #tpu.memory_space<vmem>>, vector<1x1x16xf32>,
        %get3A_750 = vector.shape_cast %get3A_749 : vector<1x1x16xf32> to vector<16xf32>
        %swap3A_751 = arith.constant 7 : i32
        %swap3A_752 = arith.index_cast %swap3A_751 : i32 to index
        %swap3A_753 = arith.index_cast %add3A_668 : i32 to index
        %swap3A_754 = arith.constant 0 : index
        %swap3A_755 = tpu.vector_load %arg11[%swap3A_752, %swap3A_753, %swap3A_754] {strides = array<i32>} : memref<8x50x32xf32, #tpu.memory_space<vmem>>, vector<1x1x16xf32>,
        %swap3A_756 = vector.shape_cast %swap3A_755 : vector<1x1x16xf32> to vector<16xf32>
        %swap3A_757 = vector.shape_cast %get3A_750 : vector<16xf32> to vector<1x1x16xf32>
        tpu.vector_store %arg11[%swap3A_752, %swap3A_753, %swap3A_754], %swap3A_757 {strides = array<i32>} : memref<8x50x32xf32, #tpu.memory_space<vmem>>, vector<1x1x16xf32>,
        %get3A_758 = arith.constant 3 : i32
        %get3A_759 = arith.index_cast %get3A_758 : i32 to index
        %get3A_760 = arith.index_cast %add3A_668 : i32 to index
        %get3A_761 = arith.constant 16 : index
        %get3A_762 = tpu.vector_load %arg10[%get3A_759, %get3A_760, %get3A_761] {strides = array<i32>} : memref<4x50x128xf32, #tpu.memory_space<vmem>>, vector<1x1x16xf32>,
        %get3A_763 = vector.shape_cast %get3A_762 : vector<1x1x16xf32> to vector<16xf32>
        %swap3A_764 = arith.constant 7 : i32
        %swap3A_765 = arith.index_cast %swap3A_764 : i32 to index
        %swap3A_766 = arith.index_cast %add3A_668 : i32 to index
        %swap3A_767 = arith.constant 16 : index
        %swap3A_768 = tpu.vector_load %arg11[%swap3A_765, %swap3A_766, %swap3A_767] {strides = array<i32>} : memref<8x50x32xf32, #tpu.memory_space<vmem>>, vector<1x1x16xf32>,
        %swap3A_769 = vector.shape_cast %swap3A_768 : vector<1x1x16xf32> to vector<16xf32>
        %swap3A_770 = vector.shape_cast %get3A_763 : vector<16xf32> to vector<1x1x16xf32>
        tpu.vector_store %arg11[%swap3A_765, %swap3A_766, %swap3A_767], %swap3A_770 {strides = array<i32>} : memref<8x50x32xf32, #tpu.memory_space<vmem>>, vector<1x1x16xf32>,
        %mul3A_771 = arith.constant 2 : i32
        %mul3A_772 = arith.muli %scan3A_663, %mul3A_771 : i32
        %add3A_773 = arith.constant 1 : i32
        %add3A_774 = arith.addi %mul3A_772, %add3A_773 : i32
        %get3A_775 = arith.constant 0 : i32
        %get3A_776 = arith.index_cast %get3A_775 : i32 to index
        %get3A_777 = arith.index_cast %add3A_774 : i32 to index
        %get3A_778 = arith.constant 0 : index
        %get3A_779 = tpu.vector_load %arg10[%get3A_776, %get3A_777, %get3A_778] {strides = array<i32>} : memref<4x50x128xf32, #tpu.memory_space<vmem>>, vector<1x1x16xf32>,
        %get3A_780 = vector.shape_cast %get3A_779 : vector<1x1x16xf32> to vector<16xf32>
        %swap3A_781 = arith.constant 4 : i32
        %swap3A_782 = arith.index_cast %swap3A_781 : i32 to index
        %swap3A_783 = arith.index_cast %add3A_774 : i32 to index
        %swap3A_784 = arith.constant 0 : index
        %swap3A_785 = tpu.vector_load %arg11[%swap3A_782, %swap3A_783, %swap3A_784] {strides = array<i32>} : memref<8x50x32xf32, #tpu.memory_space<vmem>>, vector<1x1x16xf32>,
        %swap3A_786 = vector.shape_cast %swap3A_785 : vector<1x1x16xf32> to vector<16xf32>
        %swap3A_787 = vector.shape_cast %get3A_780 : vector<16xf32> to vector<1x1x16xf32>
        tpu.vector_store %arg11[%swap3A_782, %swap3A_783, %swap3A_784], %swap3A_787 {strides = array<i32>} : memref<8x50x32xf32, #tpu.memory_space<vmem>>, vector<1x1x16xf32>,
        %get3A_788 = arith.constant 0 : i32
        %get3A_789 = arith.index_cast %get3A_788 : i32 to index
        %get3A_790 = arith.index_cast %add3A_774 : i32 to index
        %get3A_791 = arith.constant 16 : index
        %get3A_792 = tpu.vector_load %arg10[%get3A_789, %get3A_790, %get3A_791] {strides = array<i32>} : memref<4x50x128xf32, #tpu.memory_space<vmem>>, vector<1x1x16xf32>,
        %get3A_793 = vector.shape_cast %get3A_792 : vector<1x1x16xf32> to vector<16xf32>
        %swap3A_794 = arith.constant 4 : i32
        %swap3A_795 = arith.index_cast %swap3A_794 : i32 to index
        %swap3A_796 = arith.index_cast %add3A_774 : i32 to index
        %swap3A_797 = arith.constant 16 : index
        %swap3A_798 = tpu.vector_load %arg11[%swap3A_795, %swap3A_796, %swap3A_797] {strides = array<i32>} : memref<8x50x32xf32, #tpu.memory_space<vmem>>, vector<1x1x16xf32>,
        %swap3A_799 = vector.shape_cast %swap3A_798 : vector<1x1x16xf32> to vector<16xf32>
        %swap3A_800 = vector.shape_cast %get3A_793 : vector<16xf32> to vector<1x1x16xf32>
        tpu.vector_store %arg11[%swap3A_795, %swap3A_796, %swap3A_797], %swap3A_800 {strides = array<i32>} : memref<8x50x32xf32, #tpu.memory_space<vmem>>, vector<1x1x16xf32>,
        %get3A_801 = arith.constant 1 : i32
        %get3A_802 = arith.index_cast %get3A_801 : i32 to index
        %get3A_803 = arith.index_cast %add3A_774 : i32 to index
        %get3A_804 = arith.constant 0 : index
        %get3A_805 = tpu.vector_load %arg10[%get3A_802, %get3A_803, %get3A_804] {strides = array<i32>} : memref<4x50x128xf32, #tpu.memory_space<vmem>>, vector<1x1x16xf32>,
        %get3A_806 = vector.shape_cast %get3A_805 : vector<1x1x16xf32> to vector<16xf32>
        %swap3A_807 = arith.constant 5 : i32
        %swap3A_808 = arith.index_cast %swap3A_807 : i32 to index
        %swap3A_809 = arith.index_cast %add3A_774 : i32 to index
        %swap3A_810 = arith.constant 0 : index
        %swap3A_811 = tpu.vector_load %arg11[%swap3A_808, %swap3A_809, %swap3A_810] {strides = array<i32>} : memref<8x50x32xf32, #tpu.memory_space<vmem>>, vector<1x1x16xf32>,
        %swap3A_812 = vector.shape_cast %swap3A_811 : vector<1x1x16xf32> to vector<16xf32>
        %swap3A_813 = vector.shape_cast %get3A_806 : vector<16xf32> to vector<1x1x16xf32>
        tpu.vector_store %arg11[%swap3A_808, %swap3A_809, %swap3A_810], %swap3A_813 {strides = array<i32>} : memref<8x50x32xf32, #tpu.memory_space<vmem>>, vector<1x1x16xf32>,
        %get3A_814 = arith.constant 1 : i32
        %get3A_815 = arith.index_cast %get3A_814 : i32 to index
        %get3A_816 = arith.index_cast %add3A_774 : i32 to index
        %get3A_817 = arith.constant 16 : index
        %get3A_818 = tpu.vector_load %arg10[%get3A_815, %get3A_816, %get3A_817] {strides = array<i32>} : memref<4x50x128xf32, #tpu.memory_space<vmem>>, vector<1x1x16xf32>,
        %get3A_819 = vector.shape_cast %get3A_818 : vector<1x1x16xf32> to vector<16xf32>
        %swap3A_820 = arith.constant 5 : i32
        %swap3A_821 = arith.index_cast %swap3A_820 : i32 to index
        %swap3A_822 = arith.index_cast %add3A_774 : i32 to index
        %swap3A_823 = arith.constant 16 : index
        %swap3A_824 = tpu.vector_load %arg11[%swap3A_821, %swap3A_822, %swap3A_823] {strides = array<i32>} : memref<8x50x32xf32, #tpu.memory_space<vmem>>, vector<1x1x16xf32>,
        %swap3A_825 = vector.shape_cast %swap3A_824 : vector<1x1x16xf32> to vector<16xf32>
        %swap3A_826 = vector.shape_cast %get3A_819 : vector<16xf32> to vector<1x1x16xf32>
        tpu.vector_store %arg11[%swap3A_821, %swap3A_822, %swap3A_823], %swap3A_826 {strides = array<i32>} : memref<8x50x32xf32, #tpu.memory_space<vmem>>, vector<1x1x16xf32>,
        %get3A_827 = arith.constant 2 : i32
        %get3A_828 = arith.index_cast %get3A_827 : i32 to index
        %get3A_829 = arith.index_cast %add3A_774 : i32 to index
        %get3A_830 = arith.constant 0 : index
        %get3A_831 = tpu.vector_load %arg10[%get3A_828, %get3A_829, %get3A_830] {strides = array<i32>} : memref<4x50x128xf32, #tpu.memory_space<vmem>>, vector<1x1x16xf32>,
        %get3A_832 = vector.shape_cast %get3A_831 : vector<1x1x16xf32> to vector<16xf32>
        %swap3A_833 = arith.constant 6 : i32
        %swap3A_834 = arith.index_cast %swap3A_833 : i32 to index
        %swap3A_835 = arith.index_cast %add3A_774 : i32 to index
        %swap3A_836 = arith.constant 0 : index
        %swap3A_837 = tpu.vector_load %arg11[%swap3A_834, %swap3A_835, %swap3A_836] {strides = array<i32>} : memref<8x50x32xf32, #tpu.memory_space<vmem>>, vector<1x1x16xf32>,
        %swap3A_838 = vector.shape_cast %swap3A_837 : vector<1x1x16xf32> to vector<16xf32>
        %swap3A_839 = vector.shape_cast %get3A_832 : vector<16xf32> to vector<1x1x16xf32>
        tpu.vector_store %arg11[%swap3A_834, %swap3A_835, %swap3A_836], %swap3A_839 {strides = array<i32>} : memref<8x50x32xf32, #tpu.memory_space<vmem>>, vector<1x1x16xf32>,
        %get3A_840 = arith.constant 2 : i32
        %get3A_841 = arith.index_cast %get3A_840 : i32 to index
        %get3A_842 = arith.index_cast %add3A_774 : i32 to index
        %get3A_843 = arith.constant 16 : index
        %get3A_844 = tpu.vector_load %arg10[%get3A_841, %get3A_842, %get3A_843] {strides = array<i32>} : memref<4x50x128xf32, #tpu.memory_space<vmem>>, vector<1x1x16xf32>,
        %get3A_845 = vector.shape_cast %get3A_844 : vector<1x1x16xf32> to vector<16xf32>
        %swap3A_846 = arith.constant 6 : i32
        %swap3A_847 = arith.index_cast %swap3A_846 : i32 to index
        %swap3A_848 = arith.index_cast %add3A_774 : i32 to index
        %swap3A_849 = arith.constant 16 : index
        %swap3A_850 = tpu.vector_load %arg11[%swap3A_847, %swap3A_848, %swap3A_849] {strides = array<i32>} : memref<8x50x32xf32, #tpu.memory_space<vmem>>, vector<1x1x16xf32>,
        %swap3A_851 = vector.shape_cast %swap3A_850 : vector<1x1x16xf32> to vector<16xf32>
        %swap3A_852 = vector.shape_cast %get3A_845 : vector<16xf32> to vector<1x1x16xf32>
        tpu.vector_store %arg11[%swap3A_847, %swap3A_848, %swap3A_849], %swap3A_852 {strides = array<i32>} : memref<8x50x32xf32, #tpu.memory_space<vmem>>, vector<1x1x16xf32>,
        %get3A_853 = arith.constant 3 : i32
        %get3A_854 = arith.index_cast %get3A_853 : i32 to index
        %get3A_855 = arith.index_cast %add3A_774 : i32 to index
        %get3A_856 = arith.constant 0 : index
        %get3A_857 = tpu.vector_load %arg10[%get3A_854, %get3A_855, %get3A_856] {strides = array<i32>} : memref<4x50x128xf32, #tpu.memory_space<vmem>>, vector<1x1x16xf32>,
        %get3A_858 = vector.shape_cast %get3A_857 : vector<1x1x16xf32> to vector<16xf32>
        %swap3A_859 = arith.constant 7 : i32
        %swap3A_860 = arith.index_cast %swap3A_859 : i32 to index
        %swap3A_861 = arith.index_cast %add3A_774 : i32 to index
        %swap3A_862 = arith.constant 0 : index
        %swap3A_863 = tpu.vector_load %arg11[%swap3A_860, %swap3A_861, %swap3A_862] {strides = array<i32>} : memref<8x50x32xf32, #tpu.memory_space<vmem>>, vector<1x1x16xf32>,
        %swap3A_864 = vector.shape_cast %swap3A_863 : vector<1x1x16xf32> to vector<16xf32>
        %swap3A_865 = vector.shape_cast %get3A_858 : vector<16xf32> to vector<1x1x16xf32>
        tpu.vector_store %arg11[%swap3A_860, %swap3A_861, %swap3A_862], %swap3A_865 {strides = array<i32>} : memref<8x50x32xf32, #tpu.memory_space<vmem>>, vector<1x1x16xf32>,
        %get3A_866 = arith.constant 3 : i32
        %get3A_867 = arith.index_cast %get3A_866 : i32 to index
        %get3A_868 = arith.index_cast %add3A_774 : i32 to index
        %get3A_869 = arith.constant 16 : index
        %get3A_870 = tpu.vector_load %arg10[%get3A_867, %get3A_868, %get3A_869] {strides = array<i32>} : memref<4x50x128xf32, #tpu.memory_space<vmem>>, vector<1x1x16xf32>,
        %get3A_871 = vector.shape_cast %get3A_870 : vector<1x1x16xf32> to vector<16xf32>
        %swap3A_872 = arith.constant 7 : i32
        %swap3A_873 = arith.index_cast %swap3A_872 : i32 to index
        %swap3A_874 = arith.index_cast %add3A_774 : i32 to index
        %swap3A_875 = arith.constant 16 : index
        %swap3A_876 = tpu.vector_load %arg11[%swap3A_873, %swap3A_874, %swap3A_875] {strides = array<i32>} : memref<8x50x32xf32, #tpu.memory_space<vmem>>, vector<1x1x16xf32>,
        %swap3A_877 = vector.shape_cast %swap3A_876 : vector<1x1x16xf32> to vector<16xf32>
        %swap3A_878 = vector.shape_cast %get3A_871 : vector<16xf32> to vector<1x1x16xf32>
        tpu.vector_store %arg11[%swap3A_873, %swap3A_874, %swap3A_875], %swap3A_878 {strides = array<i32>} : memref<8x50x32xf32, #tpu.memory_space<vmem>>, vector<1x1x16xf32>,
        %scan3A_879 = arith.constant 0 : i32
        scf.yield %scan3A_879 : i32
      }
      %scan3A_642 = arith.constant 25 : i32
      %convert_element_type3A_643 = arith.extui %lt3A_513 : i1 to i32
      %cond3A_644 = arith.constant 0 : i32
      %cond3A_645 = arith.cmpi ne, %convert_element_type3A_643, %cond3A_644 : i32
      scf.if %cond3A_645 {
        %dma_start3A_663 = arith.constant 4 : i32
        %dma_start3A_664 = arith.constant 0 : i32
        %dma_start3A_665 = arith.constant 0 : i32
        %dma_start3A_666 = arith.constant 0 : i32
        %dma_start3A_667 = tpu.memref_slice %arg10[%dma_start3A_664, %dma_start3A_665, %dma_start3A_666] : memref<4x50x128xf32, #tpu.memory_space<vmem>> -> memref<1x50x128xf32, #tpu.memory_space<vmem>>
        %dma_start3A_668 = tpu.memref_squeeze %dma_start3A_667 : memref<1x50x128xf32, #tpu.memory_space<vmem>> -> memref<50x128xf32, #tpu.memory_space<vmem>>
        %dma_start3A_669 = arith.constant 0 : i32
        %dma_start3A_670 = tpu.memref_slice %arg7[%dma_start3A_663, %dma_start3A_669] : memref<8x50xi32, #tpu.memory_space<vmem>> -> memref<1x50xi32, #tpu.memory_space<vmem>>
        %dma_start3A_671 = tpu.memref_squeeze %dma_start3A_670 : memref<1x50xi32, #tpu.memory_space<vmem>> -> memref<50xi32, #tpu.memory_space<vmem>>
        %dma_start3A_672 = arith.constant 0 : i32
        %dma_start3A_673 = arith.constant 0 : i32
        %dma_start3A_674 = tpu.memref_slice %arg3[%dma_start3A_672, %dma_start3A_673] : memref<1000000x128xf32, #tpu.memory_space<hbm>> -> memref<1000000x128xf32, #tpu.memory_space<hbm>>
        tpu.enqueue_indirect_dma source(%dma_start3A_674 : memref<1000000x128xf32, #tpu.memory_space<hbm>>) target(%dma_start3A_668 : memref<50x128xf32, #tpu.memory_space<vmem>>) offsets(%dma_start3A_671 : memref<50xi32, #tpu.memory_space<vmem>>) semaphore(%arg13 : memref<!tpu.dma_semaphore, #tpu.memory_space<semaphore_mem>>)
        %dma_start3A_675 = arith.constant 5 : i32
        %dma_start3A_676 = arith.constant 1 : i32
        %dma_start3A_677 = arith.constant 0 : i32
        %dma_start3A_678 = arith.constant 0 : i32
        %dma_start3A_679 = tpu.memref_slice %arg10[%dma_start3A_676, %dma_start3A_677, %dma_start3A_678] : memref<4x50x128xf32, #tpu.memory_space<vmem>> -> memref<1x50x128xf32, #tpu.memory_space<vmem>>
        %dma_start3A_680 = tpu.memref_squeeze %dma_start3A_679 : memref<1x50x128xf32, #tpu.memory_space<vmem>> -> memref<50x128xf32, #tpu.memory_space<vmem>>
        %dma_start3A_681 = arith.constant 0 : i32
        %dma_start3A_682 = tpu.memref_slice %arg7[%dma_start3A_675, %dma_start3A_681] : memref<8x50xi32, #tpu.memory_space<vmem>> -> memref<1x50xi32, #tpu.memory_space<vmem>>
        %dma_start3A_683 = tpu.memref_squeeze %dma_start3A_682 : memref<1x50xi32, #tpu.memory_space<vmem>> -> memref<50xi32, #tpu.memory_space<vmem>>
        %dma_start3A_684 = arith.constant 0 : i32
        %dma_start3A_685 = arith.constant 0 : i32
        %dma_start3A_686 = tpu.memref_slice %arg3[%dma_start3A_684, %dma_start3A_685] : memref<1000000x128xf32, #tpu.memory_space<hbm>> -> memref<1000000x128xf32, #tpu.memory_space<hbm>>
        tpu.enqueue_indirect_dma source(%dma_start3A_686 : memref<1000000x128xf32, #tpu.memory_space<hbm>>) target(%dma_start3A_680 : memref<50x128xf32, #tpu.memory_space<vmem>>) offsets(%dma_start3A_683 : memref<50xi32, #tpu.memory_space<vmem>>) semaphore(%arg13 : memref<!tpu.dma_semaphore, #tpu.memory_space<semaphore_mem>>)
        %dma_start3A_687 = arith.constant 6 : i32
        %dma_start3A_688 = arith.constant 2 : i32
        %dma_start3A_689 = arith.constant 0 : i32
        %dma_start3A_690 = arith.constant 0 : i32
        %dma_start3A_691 = tpu.memref_slice %arg10[%dma_start3A_688, %dma_start3A_689, %dma_start3A_690] : memref<4x50x128xf32, #tpu.memory_space<vmem>> -> memref<1x50x128xf32, #tpu.memory_space<vmem>>
        %dma_start3A_692 = tpu.memref_squeeze %dma_start3A_691 : memref<1x50x128xf32, #tpu.memory_space<vmem>> -> memref<50x128xf32, #tpu.memory_space<vmem>>
        %dma_start3A_693 = arith.constant 0 : i32
        %dma_start3A_694 = tpu.memref_slice %arg7[%dma_start3A_687, %dma_start3A_693] : memref<8x50xi32, #tpu.memory_space<vmem>> -> memref<1x50xi32, #tpu.memory_space<vmem>>
        %dma_start3A_695 = tpu.memref_squeeze %dma_start3A_694 : memref<1x50xi32, #tpu.memory_space<vmem>> -> memref<50xi32, #tpu.memory_space<vmem>>
        %dma_start3A_696 = arith.constant 0 : i32
        %dma_start3A_697 = arith.constant 0 : i32
        %dma_start3A_698 = tpu.memref_slice %arg3[%dma_start3A_696, %dma_start3A_697] : memref<1000000x128xf32, #tpu.memory_space<hbm>> -> memref<1000000x128xf32, #tpu.memory_space<hbm>>
        tpu.enqueue_indirect_dma source(%dma_start3A_698 : memref<1000000x128xf32, #tpu.memory_space<hbm>>) target(%dma_start3A_692 : memref<50x128xf32, #tpu.memory_space<vmem>>) offsets(%dma_start3A_695 : memref<50xi32, #tpu.memory_space<vmem>>) semaphore(%arg13 : memref<!tpu.dma_semaphore, #tpu.memory_space<semaphore_mem>>)
        %dma_start3A_699 = arith.constant 7 : i32
        %dma_start3A_700 = arith.constant 3 : i32
        %dma_start3A_701 = arith.constant 0 : i32
        %dma_start3A_702 = arith.constant 0 : i32
        %dma_start3A_703 = tpu.memref_slice %arg10[%dma_start3A_700, %dma_start3A_701, %dma_start3A_702] : memref<4x50x128xf32, #tpu.memory_space<vmem>> -> memref<1x50x128xf32, #tpu.memory_space<vmem>>
        %dma_start3A_704 = tpu.memref_squeeze %dma_start3A_703 : memref<1x50x128xf32, #tpu.memory_space<vmem>> -> memref<50x128xf32, #tpu.memory_space<vmem>>
        %dma_start3A_705 = arith.constant 0 : i32
        %dma_start3A_706 = tpu.memref_slice %arg7[%dma_start3A_699, %dma_start3A_705] : memref<8x50xi32, #tpu.memory_space<vmem>> -> memref<1x50xi32, #tpu.memory_space<vmem>>
        %dma_start3A_707 = tpu.memref_squeeze %dma_start3A_706 : memref<1x50xi32, #tpu.memory_space<vmem>> -> memref<50xi32, #tpu.memory_space<vmem>>
        %dma_start3A_708 = arith.constant 0 : i32
        %dma_start3A_709 = arith.constant 0 : i32
        %dma_start3A_710 = tpu.memref_slice %arg3[%dma_start3A_708, %dma_start3A_709] : memref<1000000x128xf32, #tpu.memory_space<hbm>> -> memref<1000000x128xf32, #tpu.memory_space<hbm>>
        tpu.enqueue_indirect_dma source(%dma_start3A_710 : memref<1000000x128xf32, #tpu.memory_space<hbm>>) target(%dma_start3A_704 : memref<50x128xf32, #tpu.memory_space<vmem>>) offsets(%dma_start3A_707 : memref<50xi32, #tpu.memory_space<vmem>>) semaphore(%arg13 : memref<!tpu.dma_semaphore, #tpu.memory_space<semaphore_mem>>)
      } else {
      }
      %mul3A_646 = arith.constant 8 : i32
      %mul3A_647 = arith.muli %add3A_276, %mul3A_646 : i32
      %add3A_648 = arith.addi %mul3A_2, %mul3A_647 : i32
      %multiple_of3A_649 = tpu.assume_multiple %add3A_648, 8 : i32
      %dma_start3A_650 = arith.constant 1 : i32
      %dma_start3A_651 = arith.constant 0 : i32
      %dma_start3A_652 = arith.constant 0 : i32
      %dma_start3A_653 = tpu.memref_slice %arg6[%dma_start3A_650, %multiple_of3A_649, %dma_start3A_651, %dma_start3A_652] : memref<2x16384x50x32xf32, #tpu.memory_space<hbm>> -> memref<1x8x50x32xf32, #tpu.memory_space<hbm>>
      %dma_start3A_654 = tpu.memref_squeeze %dma_start3A_653 : memref<1x8x50x32xf32, #tpu.memory_space<hbm>> -> memref<8x50x32xf32, #tpu.memory_space<hbm>>
      %dma_start3A_655 = arith.constant 0 : i32
      %dma_start3A_656 = arith.constant 0 : i32
      %dma_start3A_657 = tpu.memref_slice %arg6[%dma_start3A_650, %multiple_of3A_649, %dma_start3A_655, %dma_start3A_656] : memref<2x16384x50x32xf32, #tpu.memory_space<hbm>> -> memref<1x8x50x32xf32, #tpu.memory_space<hbm>>
      %dma_start3A_658 = tpu.memref_squeeze %dma_start3A_657 : memref<1x8x50x32xf32, #tpu.memory_space<hbm>> -> memref<8x50x32xf32, #tpu.memory_space<hbm>>
      tpu.enqueue_dma source(%arg11 : memref<8x50x32xf32, #tpu.memory_space<vmem>>) target(%dma_start3A_658 : memref<8x50x32xf32, #tpu.memory_space<hbm>>) target_semaphore(%arg14 : memref<!tpu.dma_semaphore, #tpu.memory_space<semaphore_mem>>)
      %convert_element_type3A_659 = arith.extui %lt3A_515 : i1 to i32
      %cond3A_660 = arith.constant 0 : i32
      %cond3A_661 = arith.cmpi ne, %convert_element_type3A_659, %cond3A_660 : i32
      scf.if %cond3A_661 {
        %add3A_663 = arith.constant 2 : i32
        %add3A_664 = arith.addi %add3A_276, %add3A_663 : i32
        %mul3A_665 = arith.constant 8 : i32
        %mul3A_666 = arith.muli %add3A_664, %mul3A_665 : i32
        %add3A_667 = arith.addi %mul3A_2, %mul3A_666 : i32
        %multiple_of3A_668 = tpu.assume_multiple %add3A_667, 8 : i32
        %dma_start3A_669 = arith.constant 0 : i32
        %dma_start3A_670 = tpu.memref_slice %arg5[%multiple_of3A_668, %dma_start3A_669] : memref<16384x50xi32, #tpu.memory_space<hbm>> -> memref<8x50xi32, #tpu.memory_space<hbm>>
        %dma_start3A_671 = arith.constant 0 : i32
        %dma_start3A_672 = tpu.memref_slice %arg5[%multiple_of3A_668, %dma_start3A_671] : memref<16384x50xi32, #tpu.memory_space<hbm>> -> memref<8x50xi32, #tpu.memory_space<hbm>>
        tpu.enqueue_dma source(%dma_start3A_672 : memref<8x50xi32, #tpu.memory_space<hbm>>) target(%arg8 : memref<8x50xi32, #tpu.memory_space<vmem>>) target_semaphore(%arg16 : memref<!tpu.dma_semaphore, #tpu.memory_space<semaphore_mem>>)
      } else {
      }
      %scan3A_662 = arith.constant 0 : i32
      scf.yield %scan3A_662 : i32
    }
    %scan3A_258 = arith.constant 32 : i32
    %add3A_259 = arith.constant 504 : i32
    %add3A_260 = arith.addi %mul3A_2, %add3A_259 : i32
    %multiple_of3A_261 = tpu.assume_multiple %add3A_260, 8 : i32
    %dma_wait3A_262 = arith.constant 1 : i32
    %dma_wait3A_263 = arith.constant 0 : i32
    %dma_wait3A_264 = arith.constant 0 : i32
    %dma_wait3A_265 = tpu.memref_slice %arg6[%dma_wait3A_262, %multiple_of3A_261, %dma_wait3A_263, %dma_wait3A_264] : memref<2x16384x50x32xf32, #tpu.memory_space<hbm>> -> memref<1x8x50x32xf32, #tpu.memory_space<hbm>>
    %dma_wait3A_266 = tpu.memref_squeeze %dma_wait3A_265 : memref<1x8x50x32xf32, #tpu.memory_space<hbm>> -> memref<8x50x32xf32, #tpu.memory_space<hbm>>
    %dma_wait3A_267 = arith.constant 0 : i32
    %dma_wait3A_268 = arith.constant 0 : i32
    %dma_wait3A_269 = tpu.memref_slice %arg6[%dma_wait3A_262, %multiple_of3A_261, %dma_wait3A_267, %dma_wait3A_268] : memref<2x16384x50x32xf32, #tpu.memory_space<hbm>> -> memref<1x8x50x32xf32, #tpu.memory_space<hbm>>
    %dma_wait3A_270 = tpu.memref_squeeze %dma_wait3A_269 : memref<1x8x50x32xf32, #tpu.memory_space<hbm>> -> memref<8x50x32xf32, #tpu.memory_space<hbm>>
    tpu.wait_dma2 semaphore(%arg14 : memref<!tpu.dma_semaphore, #tpu.memory_space<semaphore_mem>>) src(%arg11 : memref<8x50x32xf32, #tpu.memory_space<vmem>>) dst(%dma_wait3A_270 : memref<8x50x32xf32, #tpu.memory_space<hbm>>)
    return
  }
}

</mosaic_0001>

<sc_bundles>
// kernel: kernel.3.cloned.1.call-start
scs
__scs_entry_jumppad:
0x0: {  	(pc) =	sbr.rel $0x88, $3  }
0x1: {  	(tag) =	ssettag $0x0;
	lr =	simm.s32 $0x1  }
0x2: {  	[smem:$0x3F9D] =	sst lr;
	_ =	strace $0xD0000000  }
0x3: {  	_ = 	snop  }
0x4: {  	_ = 	snop  }
0x5: {  	_ = 	snop  }
0x6: {  	_ = 	snop  }
0x7: {  	_ = 	snop  }
__scs_overlays_trampoline_lowered:
0x8: {  	[smem:$0x3FAC] =	sst s0  }
0x9: {  	[smem:$0x3FAD] =	sst s1  }
0xa: {  	[smem:$0x3FAE] =	sst s2  }
0xb: {  	[smem:$0x3FAF] =	sst s3  }
0xc: {  	[smem:$0x3FB0] =	sst s4  }
0xd: {  	[smem:$0x3FB1] =	sst s5  }
0xe: {  	[smem:$0x3FB2] =	sst s6  }
0xf: {  	[smem:$0x3FB3] =	sst s7  }
0x10: {  	[smem:$0x3FB4] =	sst s8  }
0x11: {  	[smem:$0x3FB5] =	sst s9;
	s0 =	simm.s32 @!p0 $0x0  }
0x12: {  	s1 =	sld [smem:$0x3F9B];
	s0 =	simm.s32 @p0 $0x1  }
0x13: {  	[smem:$0x3FB6] =	sst s0;
	s0 =	simm.s32 @!p1 $0x0  }
0x14: {  	s2 =	sld [smem:$0x3F9A];
	s0 =	simm.s32 @p1 $0x1  }
0x15: {  	[smem:$0x3FB7] =	sst s0;
	s0 =	simm.s32 @!p2 $0x0  }
0x16: {  	s3 =	sld [smem:$0x3FDB];
	s0 =	simm.s32 @p2 $0x1  }
0x17: {  	s4 =	simm.s32 $0x1BF5;
	[smem:$0x3FB9] =	sst s0  }
0x18: {  	s0 =	sld [smem:$0x3F9C];
	_ =	swait.ge [sflag:s4], $0x0  }
0x19: {  	s7 =	sld [smem:$0x3F9D]  }
0x1a: {  	s8 =	sadd.s32 $0xFFFFE003, lr  }
0x1b: {  	s9 =	sadd.s32 $0xFFFFFEF7, lr;
	s5 =	simm.s32 $0xFFFFFFFF;
	p2 =	slt.u32 s8, $0xFFFFF086  }
0x1c: {  	p1 =	slt.u32 s9, $0xF7A;
	s5 =	simm.s32 @!p2 $0x0  }
0x1d: {  	s5 =	simm.s32 @p1 $0x1;
	p0 =	seq.s32 s7, s2  }
0x1e: {  	s7 =	smul.u32 @!p0 $0xF7A, s2;
	p2 =	seq.s32 @!p0 s5, $0x0  }
0x1f: {  	s9 =	smul.u32 $0xF7A, s1;
	s8 =	simm.s32 @!p0 $0x1BF5;
	p2 =	por !p2, p0  }
0x20: {  	[sflag:s8] =	ssyncset.s32 @!p0 $0xFFFFF086;
	s6 =	sadd.s32 @!p0 s3, s7;
	s7 =	simm.s32 @!p0 $0x108  }
0x21: {  	s3 =	sadd.s32 s3, s9;
	s6 =	sadd.s32 @!p0 $0x88, s6;
	s7 =	simm.s32 @p2 $0x1082  }
0x22: {  	[simem:s7], [sflag:s8] =	dma.local @!p0 [hbm:s6], $0xF7A  }
0x23: {  	s9 =	sor.u32 $0xD0000000, s2;
	s6 =	simm.s32 $0x108;
	_ =	swait.ge @!p0 [sflag:s8], $0x0  }
0x24: {  	s3 =	sadd.s32 $0x88, s3;
	s6 =	simm.s32 @!p1 $0x1082;
	[sflag:s4] =	ssyncset.s32 $0xFFFFF086  }
0x25: {  	[simem:s6], [sflag:s4] =	dma.local [hbm:s3], $0xF7A  }
0x26: {  	[smem:$0x3F9D] =	sst s1;
	(tag) =	ssettag s2;
	_ =	strace s9  }
0x27: {  	s1 =	sld [smem:$0x3FAD]  }
0x28: {  	s2 =	sld [smem:$0x3FAE]  }
0x29: {  	s4 =	sld [smem:$0x3FB0]  }
0x2a: {  	p0 =	seq.s32 s5, $0x0;
	s5 =	sld [smem:$0x3FB1]  }
0x2b: {  	s6 =	sld [smem:$0x3FB2]  }
0x2c: {  	s7 =	sld [smem:$0x3FB3]  }
0x2d: {  	s3 =	simm.s32 $0x108;
	s8 =	sld [smem:$0x3FB4]  }
0x2e: {  	s3 =	simm.s32 @!p0 $0x1082;
	s9 =	sld [smem:$0x3FB5]  }
0x2f: {  	lr =	sadd.s32 s0, s3;
	s0 =	sld [smem:$0x3FAC]  }
0x30: {  	s3 =	sld [smem:$0x3FAF]  }
0x31: {  	[smem:$0x3FB8] =	sst s10  }
0x32: {  	s10 =	sld [smem:$0x3FB6];
	_ =	sdelay $0x3  }
0x33: {  	p0 =	seq.s32 s10, $0x1;
	s10 =	sld [smem:$0x3FB8];
	_ =	sdelay $0x3  }
0x34: {  	[smem:$0x3FB8] =	sst s10  }
0x35: {  	s10 =	sld [smem:$0x3FB7];
	_ =	sdelay $0x3  }
0x36: {  	p1 =	seq.s32 s10, $0x1;
	s10 =	sld [smem:$0x3FB8];
	_ =	sdelay $0x3  }
0x37: {  	[smem:$0x3FB8] =	sst s10  }
0x38: {  	s10 =	sld [smem:$0x3FB9]  }
0x39: {  	_ = 	snop;
	(pc) =	sbr.ind lr, $3  }
0x3a: {  	_ = 	snop  }
0x3b: {  	_ = 	snop  }
0x3c: {  	p2 =	seq.s32 s10, $0x1;
	s10 =	sld [smem:$0x3FB8]  }
0x3d: {  	_ =	shalt  }
0x3e: {  	_ =	shalt  }
0x3f: {  	_ =	shalt  }
0x40: {  	_ =	shalt  }
0x41: {  	_ =	shalt  }
0x42: {  	_ =	shalt  }
0x43: {  	_ =	shalt  }
0x44: {  	_ =	shalt  }
0x45: {  	_ =	shalt  }
0x46: {  	_ =	shalt  }
0x47: {  	_ =	shalt  }
0x48: {  	_ =	shalt  }
0x49: {  	_ =	shalt  }
0x4a: {  	_ =	shalt  }
0x4b: {  	_ =	shalt  }
0x4c: {  	_ =	shalt  }
0x4d: {  	_ =	shalt  }
0x4e: {  	_ =	shalt  }
0x4f: {  	_ =	shalt  }
0x50: {  	_ =	shalt  }
0x51: {  	_ =	shalt  }
0x52: {  	_ =	shalt  }
0x53: {  	_ =	shalt  }
0x54: {  	_ =	shalt  }
0x55: {  	_ =	shalt  }
0x56: {  	_ =	shalt  }
0x57: {  	_ =	shalt  }
0x58: {  	_ =	shalt  }
0x59: {  	_ =	shalt  }
0x5a: {  	_ =	shalt  }
0x5b: {  	_ =	shalt  }
0x5c: {  	_ =	shalt  }
0x5d: {  	_ =	shalt  }
0x5e: {  	_ =	shalt  }
0x5f: {  	_ =	shalt  }
0x60: {  	_ =	shalt  }
0x61: {  	_ =	shalt  }
0x62: {  	_ =	shalt  }
0x63: {  	_ =	shalt  }
0x64: {  	_ =	shalt  }
0x65: {  	_ =	shalt  }
0x66: {  	_ =	shalt  }
0x67: {  	_ =	shalt  }
0x68: {  	_ =	shalt  }
0x69: {  	_ =	shalt  }
0x6a: {  	_ =	shalt  }
0x6b: {  	_ =	shalt  }
0x6c: {  	_ =	shalt  }
0x6d: {  	_ =	shalt  }
0x6e: {  	_ =	shalt  }
0x6f: {  	_ =	shalt  }
0x70: {  	_ =	shalt  }
0x71: {  	_ =	shalt  }
0x72: {  	_ =	shalt  }
0x73: {  	_ =	shalt  }
0x74: {  	_ =	shalt  }
0x75: {  	_ =	shalt  }
0x76: {  	_ =	shalt  }
0x77: {  	_ =	shalt  }
0x78: {  	_ =	shalt  }
0x79: {  	_ =	shalt  }
0x7a: {  	_ =	shalt  }
0x7b: {  	_ =	shalt  }
0x7c: {  	_ =	shalt  }
0x7d: {  	_ =	shalt  }
0x7e: {  	_ =	shalt  }
0x7f: {  	_ =	shalt  }
0x80: {  	_ =	shalt  }
0x81: {  	_ =	shalt  }
0x82: {  	_ =	shalt  }
0x83: {  	_ =	shalt  }
0x84: {  	_ =	shalt  }
0x85: {  	_ =	shalt  }
0x86: {  	_ =	shalt  }
0x87: {  	_ =	shalt  }
.Lfunc_end0:
.L_simem_size_0:
called_computation_lowered:
.L_overlay_start_0:
0x88: {  	s2 =	sld [smem:$0x3FD9]  }
0x89: {  	s3 =	sld [smem:$0x3FFE];
	_ =	sdelay $0x1  }
0x8a: {  	s1 =	srdreg.scid  }
0x8b: {  	s0 =	sand.u32 $0x1, s1  }
0x8c: {  	s17 =	sshll.u32 s0, $0xA;
	s2 =	sadd.s32 s3, s2  }
0x8d: {  	s2 =	sadd.s32 s2, s17  }
0x8e: {  	[smem:$0x3FC4] =	sst s2  }
0x8f: {  	_ = 	snop  }
0x90: {  	s2 =	sld [smem:$0x3FD0];
	(tm) =	ssettm $0x1  }
0x91: {  	s18 =	sld [smem:$0x3FFB];
	_ =	sdelay $0x3  }
0x92: {  	_ =	strace s18  }
0x93: {  	s3 =	sld [smem:$0x3FFC];
	_ =	sdelay $0x3  }
0x94: {  	_ =	strace s3  }
0x95: {  	s3 =	sld [smem:$0x3FFD];
	_ =	sdelay $0x3  }
0x96: {  	_ =	strace s3  }
0x97: {  	_ =	strace $0x8FFFFFFF  }
0x98: {  	s19 =	sld [smem:$0x3FDB];
	_ =	sdelay $0x1  }
0x99: {  	s4 =	simm.s32 $_scs_section_size  }
0x9a: {  	s5 =	simm.s32 $_size__tile_overlayer_lowered;
	s6 =	simm.s32 $_tile_overlayer_lowered  }
0x9b: {  	s22 =	simm.s32 $0x1BFF;
	s21 =	sshll.u32 s6, $0x1;
	s3 =	sadd.s32 s4, s19  }
0x9c: {  	s7 =	simm.s32 $0x0;
	s20 =	sshll.u32 s5, $0x1;
	s5 =	sadd.s32 s21, s3  }
0x9d: {  	[timem:s7], [sflag:s22] =	dma.local [hbm:s5], s20  }
0x9e: {  	_ =	swait.ge [sflag:s22], s20  }
0x9f: {  	s4 =	ssub.s32 $0x0, s20;
	[sflag:s22] =	ssyncset.done $0x0  }
0xa0: {  	[sflag:s22] =	ssyncadd.s32 s4;
	_ =	sdelay $0x1  }
0xa1: {  	s23 =	simm.s32 $0x1B8B  }
0xa2: {  	_ =	swait.ge [sflag:s23], $0x1  }
0xa3: {  	[sflag:s23] =	ssyncset.done $0x0  }
0xa4: {  	s25 =	simm.s32 $0x1B8E;
	s24 =	sld [smem:$0x3FFE];
	[sflag:s23] =	ssyncadd.s32 $0xFFFFFFFF  }
0xa5: {  	s26 =	simm.s32 $execute0_lowered;
	[smem:$0x3FD2] =	sst s25  }
0xa6: {  	s5 =	sshll.u32 s26, $0x1;
	_ =	strace $0x80000046;
	[dreg:$0x1] =	wrdreg $0xFFFFFFFF  }
0xa7: {  	s28 =	simm.s32 $_size_execute0_lowered;
	s3 =	sadd.s32 s3, s5;
	[dreg:$0x0] =	wrdreg $0x0  }
0xa8: {  	s5 =	sshll.u32 s28, $0x1;
	[dreg:$0x2] =	wrdreg s3  }
0xa9: {  	[dreg:$0x3] =	wrdreg s5  }
0xaa: {  	[dreg:$0x4] =	wrdreg $0xC0  }
0xab: {  	_ =	task [dreg:s7], $0x5FFFF  }
0xac: {  	[dreg:$0x1] =	wrdreg $0xFFFFFFFF  }
0xad: {  	[dreg:$0x0] =	wrdreg $0x60  }
0xae: {  	[dreg:$0x2] =	wrdreg s24  }
0xaf: {  	[dreg:$0x3] =	wrdreg s2  }
0xb0: {  	[dreg:$0x4] =	wrdreg $0x9  }
0xb1: {  	_ =	task.clear_ibuf [dreg:s7], $0x5FFFF;
	_ =	strace $0x90000046  }
0xb2: {  	s29 =	simm.s32 $0x9;
	_ =	strace $0x80000048  }
0xb3: {  	_ =	swait.ge [sflag:s29], $0x1  }
0xb4: {  	[sflag:s29] =	ssyncadd.s32 $0xFFFFFFFF  }
0xb5: {  	_ =	strace $0x90000048  }
0xb6: {  	_ =	sfence  }
0xb7: {  	s30 =	sld [smem:$0x0];
	_ =	sdelay $0x2  }
0xb8: {  	s31 =	sshll.u32 s1, $0xD;
	s1 =	sshrl.u32 s1, $0x2  }
0xb9: {  	s3 =	sand.u32 $0x4000, s31;
	s1 =	sadd.s32 s1, s30  }
0xba: {  	s0 =	sor.u32 s3, s0;
	s1 =	sshll.u32 s1, $0x11  }
0xbb: {  	s0 =	sor.u32 s1, s0  }
0xbc: {  	s0 =	sadd.s32 $0x8F2B, s0  }
0xbd: {  	[sflag:s0] =	ssyncadd.remote.s32 $0x1  }
0xbe: {  	_ =	sfence.sel $0xFFFF  }
0xbf: {  	[dreg:$0x0] =	wrdreg $0xFFFFFFFF;
	(pc) =	sbr.abs _section_cstart, $3  }
0xc0: {  	[dreg:$0x1] =	wrdreg $0xFFFFFFFF  }
0xc1: {  	_ =	task.clear_ibuf [dreg:s7], $0x2FFFF;
	_ =	strace $0x9FFFFFFF  }
0xc2: {  	(tm) =	ssettm $0x7FFFFFFF  }
0xc3: {  	_ =	shalt  }
tec
execute0_lowered:
.L_overlay_start_1:
0x0: {  	(tag) =	ssettag $0x1  }
0x1: {  	s0 =	rddreg [dreg:$0x0]  }
0x2: {  	s10 =	rddreg [dreg:$0x1];
	s3 =	simm.s32 $0x0  }
0x3: {  	s1 =	srdreg.scid;
	s2 =	stileid.u32;
	s16 =	simm.s32 $0x400  }
0x4: {  	s18 =	simm.s32 $0x32;
	s30 =	simm.s32 $0x9400;
	s20 =	simm.s32 $0xCC00  }
0x5: {  	s15 =	simm.s32 $0xE800;
	s17 =	simm.s32 $0x10400;
	s29 =	simm.s32 $0x15800  }
0x6: {  	s31 =	simm.s32 $0x17400;
	s13 =	simm.s32 $0x3;
	s19 =	simm.s32 $0x0  }
0x7: {  	[smem:$0x7FF] =	sst s3;
	s1 =	sand.u32 $0x1, s1;
	s4 =	sadd.s32 $0x40400, s0  }
0x8: {  	s2 =	sshll.u32 s2, $0xA;
	s5 =	sadd.s32 $0xF82800, s0;
	s7 =	sadd.s32 $0x400, s0  }
0x9: {  	s8 =	sadd.s32 $0x1EC4C00, s0;
	s6 =	sshll.u32 s1, $0x9;
	s1 =	ssub.s32 $0x2, s1  }
0xa: {  	_ =	strace $0x80000047;
	s6 =	sor.u32 s6, s2;
	s22 =	sshrl.u32 s1, $0x1  }
0xb: {  	s2 =	simm.s32 $0x1AC00;
	s9 =	sshll.u32 s6, $0x4;
	s23 =	ssub.s32 s1, s22  }
0xc: {  	s11 =	sor.u32 $0x10, s6;
	s12 =	sor.u32 $0x18, s6;
	s22 =	simm.s32 $0x1  }
0xd: {  	s24 =	sor.u32 $0x80, s9;
	s25 =	sadd.s32 s10, s9;
	s28 =	sadd.s32 s7, s9  }
.Ltmp0:
0xe: {  	s0 =	smax.u32 s23, $0x1;
	[dreg:$0x3] =	wrdreg s25;
	(pc) =	sbr.rel .LBB2_1-.Ltmp0, $4  }
0xf: {  	s9 =	simm.s32 $0x2;
	s26 =	sadd.s32 s10, s24;
	[dreg:$0x5] =	wrdreg s28  }
0x10: {  	s1 =	sadd.s32 s7, s24;
	[dreg:$0x7] =	wrdreg s0;
	s0 =	simm.s32 $0xB000  }
0x11: {  	s24 =	simm.s32 $0x5;
	s10 =	simm.s32 $0x19000;
	[dreg:$0x4] =	wrdreg s26  }
0x12: {  	[dreg:$0x6] =	wrdreg s1;
	s1 =	simm.s32 $0x12000;
	s26 =	simm.s32 $0x13C00  }
.LBB2_23:
0x13: {  	_ =	swait.ge [sflag:s13], $0xC800  }
0x14: {  	s19 =	rddreg [dreg:$0x8]  }
0x15: {  	s14 =	rddreg [dreg:$0x7];
	s19 =	sadd.s32 $0x1, s19  }
0x16: {  	p0 =	sne.s32 s19, s14  }
.Ltmp1:
0x17: {  	_ = 	snop;
	(pc) =	sbr.rel @!p0 .LBB2_24-.Ltmp1, $3  }
0x18: {  	_ =	sdelay $0x1  }
0x19: {  	[sflag:s13] =	ssyncset.done $0x0  }
0x1a: {  	[sflag:s13] =	ssyncadd.s32 $0xFFFF3800  }
.LBB2_1:
0x1b: {  	[dreg:$0x8] =	wrdreg s19  }
0x1c: {  	s14 =	rddreg [dreg:$0x3]  }
0x1d: {  	[tilespmem:s3], [sflag:$0x4] =	stream.linear.gather [hbm4b:s14+s3], $0x400, $0x38;
	[tilespmem:$0x1C800] =	vst v63  }
0x1e: {  	s19 =	rddreg [dreg:$0x4];
	s21 =	simm.s32 $0x4  }
0x1f: {  	[tilespmem:s16], [sflag:$0x5] =	stream.linear.gather [hbm4b:s19+s3], $0x400, $0x38;
	[tilespmem:$0x1C800] =	vst v63  }
0x20: {  	_ =	swait.ge [sflag:s21], $0x400  }
0x21: {  	[sflag:s21] =	ssyncset.done $0x0  }
0x22: {  	s23 =	simm.s32 $0x800;
	[sflag:s21] =	ssyncadd.s32 $0xFFFFFC00  }
0x23: {  	[tilespmem:s23], [sflag:$0x1] =	stream.indirect.gather [hbm4b:s4+s18], $0x80, s3, s18, $0xb8;
	[tilespmem:$0x1C800] =	vst v63  }
0x24: {  	s25 =	simm.s32 $0x80;
	s28 =	simm.s32 $0x2400  }
0x25: {  	[tilespmem:s28], [sflag:$0x1] =	stream.indirect.gather [hbm4b:s4+s18], $0x80, s25, s18, $0xb8;
	[tilespmem:$0x1C800] =	vst v63  }
0x26: {  	s21 =	simm.s32 $0x100;
	s23 =	simm.s32 $0x4000  }
0x27: {  	[tilespmem:s23], [sflag:$0x1] =	stream.indirect.gather [hbm4b:s4+s18], $0x80, s21, s18, $0xb8;
	[tilespmem:$0x1C800] =	vst v63  }
0x28: {  	s25 =	simm.s32 $0x180;
	s28 =	simm.s32 $0x5C00  }
0x29: {  	[tilespmem:s28], [sflag:$0x1] =	stream.indirect.gather [hbm4b:s4+s18], $0x80, s25, s18, $0xb8;
	[tilespmem:$0x1C800] =	vst v63  }
0x2a: {  	s19 =	simm.s32 $0x200;
	s21 =	simm.s32 $0x7800  }
0x2b: {  	[tilespmem:s21], [sflag:$0x2] =	stream.indirect.gather [hbm4b:s4+s18], $0x80, s19, s18, $0xb8;
	[tilespmem:$0x1C800] =	vst v63  }
0x2c: {  	s23 =	simm.s32 $0x280  }
0x2d: {  	[tilespmem:s30], [sflag:$0x2] =	stream.indirect.gather [hbm4b:s4+s18], $0x80, s23, s18, $0xb8;
	[tilespmem:$0x1C800] =	vst v63  }
0x2e: {  	s25 =	simm.s32 $0x300  }
0x2f: {  	[tilespmem:s0], [sflag:$0x2] =	stream.indirect.gather [hbm4b:s4+s18], $0x80, s25, s18, $0xb8;
	[tilespmem:$0x1C800] =	vst v63  }
0x30: {  	s14 =	simm.s32 $0x0;
	s28 =	simm.s32 $0x380  }
0x31: {  	[tilespmem:s20], [sflag:$0x2] =	stream.indirect.gather [hbm4b:s4+s18], $0x80, s28, s18, $0xb8;
	[tilespmem:$0x1C800] =	vst v63  }
.LBB2_2:
0x32: {  	_ =	swait.ge [sflag:s22], $0x1900  }
0x33: {  	[sflag:s22] =	ssyncset.done $0x0  }
0x34: {  	[sflag:s22] =	ssyncadd.s32 $0xFFFFE700  }
0x35: {  	_ =	swait.ge [sflag:s22], $0x1900  }
0x36: {  	[sflag:s22] =	ssyncset.done $0x0  }
0x37: {  	[sflag:s22] =	ssyncadd.s32 $0xFFFFE700  }
0x38: {  	_ =	swait.ge [sflag:s22], $0x1900  }
0x39: {  	[sflag:s22] =	ssyncset.done $0x0  }
0x3a: {  	[sflag:s22] =	ssyncadd.s32 $0xFFFFE700  }
0x3b: {  	_ =	swait.ge [sflag:s22], $0x1900  }
0x3c: {  	p0 =	seq.s32 s14, $0x0;
	[sflag:s22] =	ssyncset.done $0x0  }
0x3d: {  	s19 =	simm.s32 @!p0 $0x3;
	[sflag:s22] =	ssyncadd.s32 $0xFFFFE700  }
0x3e: {  	_ =	swait.ge @!p0 [sflag:s19], $0xC800  }
0x3f: {  	[sflag:s19] =	ssyncset.done @!p0 $0x0  }
0x40: {  	s21 =	simm.s32 $0x0;
	[sflag:s19] =	ssyncadd.s32 @!p0 $0xFFFF3800  }
0x41: {  	v0 =	vld [tilespmem:s21+$0x5C90]  }
0x42: {  	v1 =	vld [tilespmem:s21+$0x800]  }
0x43: {  	v2 =	vld [tilespmem:s21+$0x810]  }
0x44: {  	v3 =	vld [tilespmem:s21+$0x2400]  }
0x45: {  	v4 =	vld [tilespmem:s21+$0x2410]  }
0x46: {  	v5 =	vld [tilespmem:s21+$0x4000];
	[tilespmem:s21+$0x13C90] =	vst v0  }
0x47: {  	[tilespmem:s21+$0xE800] =	vst v1;
	v0 =	vld [tilespmem:s21+$0x4010]  }
0x48: {  	[tilespmem:s21+$0xE810] =	vst v2;
	v1 =	vld [tilespmem:s21+$0x5C00]  }
0x49: {  	[tilespmem:s21+$0x10400] =	vst v3;
	v2 =	vld [tilespmem:s21+$0x5C10]  }
0x4a: {  	[tilespmem:s21+$0x10410] =	vst v4;
	v3 =	vld [tilespmem:s21+$0x880]  }
0x4b: {  	[tilespmem:s21+$0x12000] =	vst v5;
	v4 =	vld [tilespmem:s21+$0x890]  }
0x4c: {  	[tilespmem:s21+$0x12010] =	vst v0;
	v0 =	vld [tilespmem:s21+$0x2480]  }
0x4d: {  	[tilespmem:s21+$0x13C00] =	vst v1;
	v1 =	vld [tilespmem:s21+$0x2490]  }
0x4e: {  	[tilespmem:s21+$0x13C10] =	vst v2;
	v2 =	vld [tilespmem:s21+$0x4080]  }
0x4f: {  	[tilespmem:s21+$0xE880] =	vst v3;
	v3 =	vld [tilespmem:s21+$0x4090]  }
0x50: {  	s23 =	simm.s32 $0x100;
	s25 =	simm.s32 $0x800;
	s19 =	sshll.u32 s14, $0x4;
	[tilespmem:s21+$0xE890] =	vst v4;
	v4 =	vld [tilespmem:s21+$0x5C80]  }
.LBB2_3:
0x51: {  	p0 =	sne.s32 s25, $0x6000;
	v5 =	vld [tilespmem:s23+$0x5C90];
	[tilespmem:s21+$0x10480] =	vst v0  }
0x52: {  	v0 =	vld [tilespmem:s23+$0x800];
	[tilespmem:s21+$0x10490] =	vst v1  }
0x53: {  	v1 =	vld [tilespmem:s23+$0x810];
	[tilespmem:s21+$0x12080] =	vst v2  }
0x54: {  	v2 =	vld [tilespmem:s23+$0x2400];
	[tilespmem:s21+$0x12090] =	vst v3  }
0x55: {  	v3 =	vld [tilespmem:s23+$0x2410];
	[tilespmem:s21+$0x13C80] =	vst v4;
	s21 =	smov.u32 s23  }
0x56: {  	v4 =	vld [tilespmem:s21+$0x4000];
	[tilespmem:s21+$0x13C90] =	vst v5  }
0x57: {  	[tilespmem:s21+$0xE800] =	vst v0;
	v0 =	vld [tilespmem:s21+$0x4010]  }
0x58: {  	[tilespmem:s21+$0xE810] =	vst v1;
	v1 =	vld [tilespmem:s21+$0x5C00]  }
0x59: {  	[tilespmem:s21+$0x10400] =	vst v2;
	v2 =	vld [tilespmem:s21+$0x5C10]  }
0x5a: {  	[tilespmem:s21+$0x10410] =	vst v3;
	v3 =	vld [tilespmem:s21+$0x880]  }
0x5b: {  	[tilespmem:s21+$0x12000] =	vst v4;
	v4 =	vld [tilespmem:s21+$0x890]  }
.Ltmp2:
0x5c: {  	[tilespmem:s21+$0x12010] =	vst v0;
	v0 =	vld [tilespmem:s21+$0x2480];
	(pc) =	sbr.rel @p0 .LBB2_3-.Ltmp2, $4  }
0x5d: {  	[tilespmem:s21+$0x13C00] =	vst v1;
	v1 =	vld [tilespmem:s21+$0x2490]  }
0x5e: {  	[tilespmem:s21+$0x13C10] =	vst v2;
	v2 =	vld [tilespmem:s21+$0x4080]  }
0x5f: {  	[tilespmem:s21+$0xE880] =	vst v3;
	v3 =	vld [tilespmem:s21+$0x4090]  }
0x60: {  	s23 =	sshra.s32 s25, $0x2;
	s25 =	sadd.s32 $0x400, s25;
	[tilespmem:s21+$0xE890] =	vst v4;
	v4 =	vld [tilespmem:s21+$0x5C80]  }
0x61: {  	v5 =	vld [tilespmem:s23+$0x5C90];
	[tilespmem:s21+$0x10480] =	vst v0  }
0x62: {  	v0 =	vld [tilespmem:s23+$0x800];
	[tilespmem:s21+$0x10490] =	vst v1  }
0x63: {  	v1 =	vld [tilespmem:s23+$0x810];
	[tilespmem:s21+$0x12080] =	vst v2  }
0x64: {  	v2 =	vld [tilespmem:s23+$0x2400];
	[tilespmem:s21+$0x12090] =	vst v3  }
0x65: {  	v3 =	vld [tilespmem:s23+$0x2410];
	[tilespmem:s21+$0x13C80] =	vst v4  }
0x66: {  	v4 =	vld [tilespmem:s23+$0x4000];
	[tilespmem:s23+$0x13C90] =	vst v5  }
0x67: {  	[tilespmem:s23+$0xE800] =	vst v0;
	v0 =	vld [tilespmem:s23+$0x4010]  }
0x68: {  	[tilespmem:s23+$0xE810] =	vst v1;
	v1 =	vld [tilespmem:s23+$0x5C00]  }
0x69: {  	[tilespmem:s23+$0x10400] =	vst v2;
	v2 =	vld [tilespmem:s23+$0x5C10]  }
0x6a: {  	[tilespmem:s23+$0x10410] =	vst v3;
	v3 =	vld [tilespmem:s23+$0x880]  }
0x6b: {  	[tilespmem:s23+$0x12000] =	vst v4;
	v4 =	vld [tilespmem:s23+$0x890]  }
0x6c: {  	[tilespmem:s23+$0x12010] =	vst v0;
	v0 =	vld [tilespmem:s23+$0x2480]  }
0x6d: {  	[tilespmem:s23+$0x13C00] =	vst v1;
	v1 =	vld [tilespmem:s23+$0x2490]  }
0x6e: {  	[tilespmem:s23+$0x13C10] =	vst v2;
	v2 =	vld [tilespmem:s23+$0x4080]  }
0x6f: {  	[tilespmem:s23+$0xE880] =	vst v3;
	v3 =	vld [tilespmem:s23+$0x4090]  }
0x70: {  	[tilespmem:s23+$0xE890] =	vst v4;
	v4 =	vld [tilespmem:s23+$0x5C80]  }
0x71: {  	[tilespmem:s23+$0x10480] =	vst v0  }
0x72: {  	[tilespmem:s23+$0x10490] =	vst v1  }
0x73: {  	[tilespmem:s23+$0x12080] =	vst v2  }
0x74: {  	[tilespmem:s23+$0x12090] =	vst v3  }
0x75: {  	[tilespmem:s23+$0x13C80] =	vst v4  }
0x76: {  	_ =	swait.ge [sflag:s24], $0x400  }
0x77: {  	[sflag:s24] =	ssyncset.done $0x0  }
0x78: {  	s23 =	simm.s32 $0x800;
	[sflag:s24] =	ssyncadd.s32 $0xFFFFFC00  }
0x79: {  	[tilespmem:s23], [sflag:$0x1] =	stream.indirect.gather [hbm4b:s4+s18], $0x80, s16, s18, $0xb8;
	[tilespmem:$0x1C800] =	vst v63  }
0x7a: {  	s25 =	simm.s32 $0x2400;
	s28 =	simm.s32 $0x480  }
0x7b: {  	[tilespmem:s25], [sflag:$0x1] =	stream.indirect.gather [hbm4b:s4+s18], $0x80, s28, s18, $0xb8;
	[tilespmem:$0x1C800] =	vst v63  }
0x7c: {  	s25 =	simm.s32 $0x4000;
	s28 =	simm.s32 $0x500  }
0x7d: {  	[tilespmem:s25], [sflag:$0x1] =	stream.indirect.gather [hbm4b:s4+s18], $0x80, s28, s18, $0xb8;
	[tilespmem:$0x1C800] =	vst v63  }
0x7e: {  	s25 =	simm.s32 $0x5C00;
	s28 =	simm.s32 $0x580  }
0x7f: {  	[tilespmem:s25], [sflag:$0x1] =	stream.indirect.gather [hbm4b:s4+s18], $0x80, s28, s18, $0xb8;
	[tilespmem:$0x1C800] =	vst v63  }
0x80: {  	_ =	swait.ge [sflag:s9], $0x1900  }
0x81: {  	[sflag:s9] =	ssyncset.done $0x0  }
0x82: {  	[sflag:s9] =	ssyncadd.s32 $0xFFFFE700  }
0x83: {  	_ =	swait.ge [sflag:s9], $0x1900  }
0x84: {  	[sflag:s9] =	ssyncset.done $0x0  }
0x85: {  	[sflag:s9] =	ssyncadd.s32 $0xFFFFE700  }
0x86: {  	_ =	swait.ge [sflag:s9], $0x1900  }
0x87: {  	[sflag:s9] =	ssyncset.done $0x0  }
0x88: {  	[sflag:s9] =	ssyncadd.s32 $0xFFFFE700  }
0x89: {  	_ =	swait.ge [sflag:s9], $0x1900  }
0x8a: {  	[sflag:s9] =	ssyncset.done $0x0  }
0x8b: {  	s21 =	simm.s32 $0x0;
	[sflag:s9] =	ssyncadd.s32 $0xFFFFE700  }
0x8c: {  	v0 =	vld [tilespmem:s21+$0xCC90]  }
0x8d: {  	v1 =	vld [tilespmem:s21+$0x7800]  }
0x8e: {  	v2 =	vld [tilespmem:s21+$0x7810]  }
0x8f: {  	v3 =	vld [tilespmem:s21+$0x9400]  }
0x90: {  	v4 =	vld [tilespmem:s21+$0x9410]  }
0x91: {  	v5 =	vld [tilespmem:s21+$0xB000];
	[tilespmem:s21+$0x1AC90] =	vst v0  }
0x92: {  	[tilespmem:s21+$0x15800] =	vst v1;
	v0 =	vld [tilespmem:s21+$0xB010]  }
0x93: {  	[tilespmem:s21+$0x15810] =	vst v2;
	v1 =	vld [tilespmem:s21+$0xCC00]  }
0x94: {  	[tilespmem:s21+$0x17400] =	vst v3;
	v2 =	vld [tilespmem:s21+$0xCC10]  }
0x95: {  	[tilespmem:s21+$0x17410] =	vst v4;
	v3 =	vld [tilespmem:s21+$0x7880]  }
0x96: {  	[tilespmem:s21+$0x19000] =	vst v5;
	v4 =	vld [tilespmem:s21+$0x7890]  }
0x97: {  	[tilespmem:s21+$0x19010] =	vst v0;
	v0 =	vld [tilespmem:s21+$0x9480]  }
0x98: {  	[tilespmem:s21+$0x1AC00] =	vst v1;
	v1 =	vld [tilespmem:s21+$0x9490]  }
0x99: {  	[tilespmem:s21+$0x1AC10] =	vst v2;
	v2 =	vld [tilespmem:s21+$0xB080]  }
0x9a: {  	[tilespmem:s21+$0x15880] =	vst v3;
	v3 =	vld [tilespmem:s21+$0xB090]  }
0x9b: {  	s23 =	simm.s32 $0x100;
	s25 =	simm.s32 $0x800;
	[tilespmem:s21+$0x15890] =	vst v4;
	v4 =	vld [tilespmem:s21+$0xCC80]  }
.LBB2_5:
0x9c: {  	p0 =	sne.s32 s25, $0x6000;
	v5 =	vld [tilespmem:s23+$0xCC90];
	[tilespmem:s21+$0x17480] =	vst v0  }
0x9d: {  	v0 =	vld [tilespmem:s23+$0x7800];
	[tilespmem:s21+$0x17490] =	vst v1  }
0x9e: {  	v1 =	vld [tilespmem:s23+$0x7810];
	[tilespmem:s21+$0x19080] =	vst v2  }
0x9f: {  	v2 =	vld [tilespmem:s23+$0x9400];
	[tilespmem:s21+$0x19090] =	vst v3  }
0xa0: {  	v3 =	vld [tilespmem:s23+$0x9410];
	[tilespmem:s21+$0x1AC80] =	vst v4;
	s21 =	smov.u32 s23  }
0xa1: {  	v4 =	vld [tilespmem:s21+$0xB000];
	[tilespmem:s21+$0x1AC90] =	vst v5  }
0xa2: {  	[tilespmem:s21+$0x15800] =	vst v0;
	v0 =	vld [tilespmem:s21+$0xB010]  }
0xa3: {  	[tilespmem:s21+$0x15810] =	vst v1;
	v1 =	vld [tilespmem:s21+$0xCC00]  }
0xa4: {  	[tilespmem:s21+$0x17400] =	vst v2;
	v2 =	vld [tilespmem:s21+$0xCC10]  }
0xa5: {  	[tilespmem:s21+$0x17410] =	vst v3;
	v3 =	vld [tilespmem:s21+$0x7880]  }
0xa6: {  	[tilespmem:s21+$0x19000] =	vst v4;
	v4 =	vld [tilespmem:s21+$0x7890]  }
.Ltmp3:
0xa7: {  	[tilespmem:s21+$0x19010] =	vst v0;
	v0 =	vld [tilespmem:s21+$0x9480];
	(pc) =	sbr.rel @p0 .LBB2_5-.Ltmp3, $4  }
0xa8: {  	[tilespmem:s21+$0x1AC00] =	vst v1;
	v1 =	vld [tilespmem:s21+$0x9490]  }
0xa9: {  	[tilespmem:s21+$0x1AC10] =	vst v2;
	v2 =	vld [tilespmem:s21+$0xB080]  }
0xaa: {  	[tilespmem:s21+$0x15880] =	vst v3;
	v3 =	vld [tilespmem:s21+$0xB090]  }
0xab: {  	s23 =	sshra.s32 s25, $0x2;
	s25 =	sadd.s32 $0x400, s25;
	[tilespmem:s21+$0x15890] =	vst v4;
	v4 =	vld [tilespmem:s21+$0xCC80]  }
0xac: {  	v5 =	vld [tilespmem:s23+$0xCC90];
	[tilespmem:s21+$0x17480] =	vst v0  }
0xad: {  	v0 =	vld [tilespmem:s23+$0x7800];
	[tilespmem:s21+$0x17490] =	vst v1  }
0xae: {  	v1 =	vld [tilespmem:s23+$0x7810];
	[tilespmem:s21+$0x19080] =	vst v2  }
0xaf: {  	v2 =	vld [tilespmem:s23+$0x9400];
	[tilespmem:s21+$0x19090] =	vst v3  }
0xb0: {  	v3 =	vld [tilespmem:s23+$0x9410];
	[tilespmem:s21+$0x1AC80] =	vst v4  }
0xb1: {  	v4 =	vld [tilespmem:s23+$0xB000];
	[tilespmem:s23+$0x1AC90] =	vst v5  }
0xb2: {  	[tilespmem:s23+$0x15800] =	vst v0;
	v0 =	vld [tilespmem:s23+$0xB010]  }
0xb3: {  	[tilespmem:s23+$0x15810] =	vst v1;
	v1 =	vld [tilespmem:s23+$0xCC00]  }
0xb4: {  	[tilespmem:s23+$0x17400] =	vst v2;
	v2 =	vld [tilespmem:s23+$0xCC10]  }
0xb5: {  	[tilespmem:s23+$0x17410] =	vst v3;
	v3 =	vld [tilespmem:s23+$0x7880]  }
0xb6: {  	[tilespmem:s23+$0x19000] =	vst v4;
	v4 =	vld [tilespmem:s23+$0x7890]  }
0xb7: {  	[tilespmem:s23+$0x19010] =	vst v0;
	v0 =	vld [tilespmem:s23+$0x9480]  }
0xb8: {  	[tilespmem:s23+$0x1AC00] =	vst v1;
	v1 =	vld [tilespmem:s23+$0x9490]  }
0xb9: {  	[tilespmem:s23+$0x1AC10] =	vst v2;
	v2 =	vld [tilespmem:s23+$0xB080]  }
0xba: {  	[tilespmem:s23+$0x15880] =	vst v3;
	v3 =	vld [tilespmem:s23+$0xB090]  }
0xbb: {  	[tilespmem:s23+$0x15890] =	vst v4;
	v4 =	vld [tilespmem:s23+$0xCC80]  }
0xbc: {  	[tilespmem:s23+$0x17480] =	vst v0  }
0xbd: {  	[tilespmem:s23+$0x17490] =	vst v1  }
0xbe: {  	[tilespmem:s23+$0x19080] =	vst v2  }
0xbf: {  	[tilespmem:s23+$0x19090] =	vst v3  }
0xc0: {  	s25 =	simm.s32 $0x600;
	[tilespmem:s23+$0x1AC80] =	vst v4;
	s23 =	simm.s32 $0x7800  }
0xc1: {  	[tilespmem:s23], [sflag:$0x2] =	stream.indirect.gather [hbm4b:s4+s18], $0x80, s25, s18, $0xb8;
	[tilespmem:$0x1C800] =	vst v63  }
0xc2: {  	s23 =	simm.s32 $0x680  }
0xc3: {  	[tilespmem:s30], [sflag:$0x2] =	stream.indirect.gather [hbm4b:s4+s18], $0x80, s23, s18, $0xb8;
	[tilespmem:$0x1C800] =	vst v63  }
0xc4: {  	s21 =	sadd.s32 s6, s19;
	s25 =	simm.s32 $0x700  }
0xc5: {  	[tilespmem:s0], [sflag:$0x2] =	stream.indirect.gather [hbm4b:s4+s18], $0x80, s25, s18, $0xb8;
	[tilespmem:$0x1C800] =	vst v63  }
0xc6: {  	s23 =	smul.u32 $0x380, s21;
	s25 =	simm.s32 $0x780  }
0xc7: {  	[tilespmem:s20], [sflag:$0x2] =	stream.indirect.gather [hbm4b:s4+s18], $0x80, s25, s18, $0xb8;
	[tilespmem:$0x1C800] =	vst v63  }
0xc8: {  	s23 =	sadd.s32 s8, s23  }
0xc9: {  	[hbm4b:s23+s3] =	stream.linear.scatter [tilespmem:s15], [sflag:$0x3], $0x1900, $0x38;
	[tilespmem:$0x1C800] =	vst v63  }
0xca: {  	s25 =	sadd.s32 $0x380, s23  }
0xcb: {  	[hbm4b:s25+s3] =	stream.linear.scatter [tilespmem:s17], [sflag:$0x3], $0x1900, $0x38;
	[tilespmem:$0x1C800] =	vst v63  }
0xcc: {  	s25 =	sadd.s32 $0x700, s23  }
0xcd: {  	[hbm4b:s25+s3] =	stream.linear.scatter [tilespmem:s1], [sflag:$0x3], $0x1900, $0x38;
	[tilespmem:$0x1C800] =	vst v63  }
0xce: {  	s25 =	sadd.s32 $0xA80, s23  }
0xcf: {  	[hbm4b:s25+s3] =	stream.linear.scatter [tilespmem:s26], [sflag:$0x3], $0x1900, $0x38;
	[tilespmem:$0x1C800] =	vst v63  }
0xd0: {  	s25 =	sadd.s32 $0xE00, s23  }
0xd1: {  	[hbm4b:s25+s3] =	stream.linear.scatter [tilespmem:s29], [sflag:$0x3], $0x1900, $0x38;
	[tilespmem:$0x1C800] =	vst v63  }
0xd2: {  	s25 =	sadd.s32 $0x1180, s23  }
0xd3: {  	[hbm4b:s25+s3] =	stream.linear.scatter [tilespmem:s31], [sflag:$0x3], $0x1900, $0x38;
	[tilespmem:$0x1C800] =	vst v63  }
0xd4: {  	s25 =	sadd.s32 $0x1500, s23  }
0xd5: {  	[hbm4b:s25+s3] =	stream.linear.scatter [tilespmem:s10], [sflag:$0x3], $0x1900, $0x38;
	[tilespmem:$0x1C800] =	vst v63  }
0xd6: {  	p0 =	seq.s32 s14, $0x1F;
	s23 =	sadd.s32 $0x1880, s23  }
0xd7: {  	[hbm4b:s23+s3] =	stream.linear.scatter [tilespmem:s2], [sflag:$0x3], $0x1900, $0x38;
	[tilespmem:$0x1C800] =	vst v63  }
0xd8: {  	s23 =	sadd.s32 @!p0 s19, s11  }
0xd9: {  	s25 =	rddreg [dreg:$0x1];
	s23 =	sshll.u32 @!p0 s23, $0x4  }
0xda: {  	s23 =	sadd.s32 @!p0 s25, s23;
	s25 =	simm.s32 @!p0 $0x0  }
0xdb: {  	[tilespmem:s25], [sflag:$0x4] =	stream.linear.gather @!p0 [hbm4b:s23+s25], $0x400, $0x38;
	[tilespmem:$0x1C800] =	vst v63  }
0xdc: {  	_ =	swait.ge [sflag:s22], $0x1900  }
0xdd: {  	[sflag:s22] =	ssyncset.done $0x0  }
0xde: {  	[sflag:s22] =	ssyncadd.s32 $0xFFFFE700  }
0xdf: {  	_ =	swait.ge [sflag:s22], $0x1900  }
0xe0: {  	[sflag:s22] =	ssyncset.done $0x0  }
0xe1: {  	[sflag:s22] =	ssyncadd.s32 $0xFFFFE700  }
0xe2: {  	_ =	swait.ge [sflag:s22], $0x1900  }
0xe3: {  	[sflag:s22] =	ssyncset.done $0x0  }
0xe4: {  	[sflag:s22] =	ssyncadd.s32 $0xFFFFE700  }
0xe5: {  	_ =	swait.ge [sflag:s22], $0x1900  }
0xe6: {  	[sflag:s22] =	ssyncset.done $0x0  }
0xe7: {  	[sflag:s22] =	ssyncadd.s32 $0xFFFFE700  }
0xe8: {  	_ =	swait.ge [sflag:s13], $0xC800  }
0xe9: {  	[sflag:s13] =	ssyncset.done $0x0  }
0xea: {  	s23 =	simm.s32 $0x0;
	[sflag:s13] =	ssyncadd.s32 $0xFFFF3800  }
0xeb: {  	v0 =	vld [tilespmem:s23+$0x5C90]  }
0xec: {  	v1 =	vld [tilespmem:s23+$0x800]  }
0xed: {  	v2 =	vld [tilespmem:s23+$0x810]  }
0xee: {  	v3 =	vld [tilespmem:s23+$0x2400]  }
0xef: {  	v4 =	vld [tilespmem:s23+$0x2410]  }
0xf0: {  	v5 =	vld [tilespmem:s23+$0x4000];
	[tilespmem:s23+$0x13C90] =	vst v0  }
0xf1: {  	[tilespmem:s23+$0xE800] =	vst v1;
	v0 =	vld [tilespmem:s23+$0x4010]  }
0xf2: {  	[tilespmem:s23+$0xE810] =	vst v2;
	v1 =	vld [tilespmem:s23+$0x5C00]  }
0xf3: {  	[tilespmem:s23+$0x10400] =	vst v3;
	v2 =	vld [tilespmem:s23+$0x5C10]  }
0xf4: {  	[tilespmem:s23+$0x10410] =	vst v4;
	v3 =	vld [tilespmem:s23+$0x880]  }
0xf5: {  	[tilespmem:s23+$0x12000] =	vst v5;
	v4 =	vld [tilespmem:s23+$0x890]  }
0xf6: {  	[tilespmem:s23+$0x12010] =	vst v0;
	v0 =	vld [tilespmem:s23+$0x2480]  }
0xf7: {  	[tilespmem:s23+$0x13C00] =	vst v1;
	v1 =	vld [tilespmem:s23+$0x2490]  }
0xf8: {  	[tilespmem:s23+$0x13C10] =	vst v2;
	v2 =	vld [tilespmem:s23+$0x4080]  }
0xf9: {  	[tilespmem:s23+$0xE880] =	vst v3;
	v3 =	vld [tilespmem:s23+$0x4090]  }
0xfa: {  	s28 =	simm.s32 $0x800;
	s21 =	sadd.s32 $0x8, s21;
	s25 =	simm.s32 $0x100;
	[tilespmem:s23+$0xE890] =	vst v4;
	v4 =	vld [tilespmem:s23+$0x5C80]  }
.LBB2_7:
0xfb: {  	p1 =	sne.s32 s28, $0x6000;
	v5 =	vld [tilespmem:s25+$0x5C90];
	[tilespmem:s23+$0x10480] =	vst v0  }
0xfc: {  	v0 =	vld [tilespmem:s25+$0x800];
	[tilespmem:s23+$0x10490] =	vst v1  }
0xfd: {  	v1 =	vld [tilespmem:s25+$0x810];
	[tilespmem:s23+$0x12080] =	vst v2  }
0xfe: {  	v2 =	vld [tilespmem:s25+$0x2400];
	[tilespmem:s23+$0x12090] =	vst v3  }
0xff: {  	v3 =	vld [tilespmem:s25+$0x2410];
	[tilespmem:s23+$0x13C80] =	vst v4;
	s23 =	smov.u32 s25  }
0x100: {  	v4 =	vld [tilespmem:s23+$0x4000];
	[tilespmem:s23+$0x13C90] =	vst v5  }
0x101: {  	[tilespmem:s23+$0xE800] =	vst v0;
	v0 =	vld [tilespmem:s23+$0x4010]  }
0x102: {  	[tilespmem:s23+$0xE810] =	vst v1;
	v1 =	vld [tilespmem:s23+$0x5C00]  }
0x103: {  	[tilespmem:s23+$0x10400] =	vst v2;
	v2 =	vld [tilespmem:s23+$0x5C10]  }
0x104: {  	[tilespmem:s23+$0x10410] =	vst v3;
	v3 =	vld [tilespmem:s23+$0x880]  }
0x105: {  	[tilespmem:s23+$0x12000] =	vst v4;
	v4 =	vld [tilespmem:s23+$0x890]  }
.Ltmp4:
0x106: {  	[tilespmem:s23+$0x12010] =	vst v0;
	v0 =	vld [tilespmem:s23+$0x2480];
	(pc) =	sbr.rel @p1 .LBB2_7-.Ltmp4, $4  }
0x107: {  	[tilespmem:s23+$0x13C00] =	vst v1;
	v1 =	vld [tilespmem:s23+$0x2490]  }
0x108: {  	[tilespmem:s23+$0x13C10] =	vst v2;
	v2 =	vld [tilespmem:s23+$0x4080]  }
0x109: {  	[tilespmem:s23+$0xE880] =	vst v3;
	v3 =	vld [tilespmem:s23+$0x4090]  }
0x10a: {  	s25 =	sshra.s32 s28, $0x2;
	s28 =	sadd.s32 $0x400, s28;
	[tilespmem:s23+$0xE890] =	vst v4;
	v4 =	vld [tilespmem:s23+$0x5C80]  }
0x10b: {  	v5 =	vld [tilespmem:s25+$0x5C90];
	[tilespmem:s23+$0x10480] =	vst v0  }
0x10c: {  	v0 =	vld [tilespmem:s25+$0x800];
	[tilespmem:s23+$0x10490] =	vst v1  }
0x10d: {  	v1 =	vld [tilespmem:s25+$0x810];
	[tilespmem:s23+$0x12080] =	vst v2  }
0x10e: {  	v2 =	vld [tilespmem:s25+$0x2400];
	[tilespmem:s23+$0x12090] =	vst v3  }
0x10f: {  	v3 =	vld [tilespmem:s25+$0x2410];
	[tilespmem:s23+$0x13C80] =	vst v4  }
0x110: {  	v4 =	vld [tilespmem:s25+$0x4000];
	[tilespmem:s25+$0x13C90] =	vst v5  }
0x111: {  	[tilespmem:s25+$0xE800] =	vst v0;
	v0 =	vld [tilespmem:s25+$0x4010]  }
0x112: {  	[tilespmem:s25+$0xE810] =	vst v1;
	v1 =	vld [tilespmem:s25+$0x5C00]  }
0x113: {  	[tilespmem:s25+$0x10400] =	vst v2;
	v2 =	vld [tilespmem:s25+$0x5C10]  }
0x114: {  	[tilespmem:s25+$0x10410] =	vst v3;
	v3 =	vld [tilespmem:s25+$0x880]  }
0x115: {  	[tilespmem:s25+$0x12000] =	vst v4;
	v4 =	vld [tilespmem:s25+$0x890]  }
0x116: {  	[tilespmem:s25+$0x12010] =	vst v0;
	v0 =	vld [tilespmem:s25+$0x2480]  }
0x117: {  	[tilespmem:s25+$0x13C00] =	vst v1;
	v1 =	vld [tilespmem:s25+$0x2490]  }
0x118: {  	[tilespmem:s25+$0x13C10] =	vst v2;
	v2 =	vld [tilespmem:s25+$0x4080]  }
0x119: {  	[tilespmem:s25+$0xE880] =	vst v3;
	v3 =	vld [tilespmem:s25+$0x4090]  }
0x11a: {  	[tilespmem:s25+$0xE890] =	vst v4;
	v4 =	vld [tilespmem:s25+$0x5C80]  }
0x11b: {  	[tilespmem:s25+$0x10480] =	vst v0  }
0x11c: {  	[tilespmem:s25+$0x10490] =	vst v1  }
0x11d: {  	[tilespmem:s25+$0x12080] =	vst v2  }
0x11e: {  	[tilespmem:s25+$0x12090] =	vst v3  }
0x11f: {  	s23 =	simm.s32 @!p0 $0x4;
	[tilespmem:s25+$0x13C80] =	vst v4  }
0x120: {  	_ =	swait.ge @!p0 [sflag:s23], $0x400  }
0x121: {  	s28 =	simm.s32 @!p0 $0x800;
	[sflag:s23] =	ssyncset.done @!p0 $0x0  }
0x122: {  	s25 =	simm.s32 @!p0 $0x0;
	[sflag:s23] =	ssyncadd.s32 @!p0 $0xFFFFFC00;
	s23 =	simm.s32 @!p0 $0x32  }
0x123: {  	[tilespmem:s28], [sflag:$0x1] =	stream.indirect.gather @!p0 [hbm4b:s4+s23], $0x80, s25, s23, $0xb8;
	[tilespmem:$0x1C800] =	vst v63  }
0x124: {  	s25 =	simm.s32 @!p0 $0x80;
	s28 =	simm.s32 @!p0 $0x2400  }
0x125: {  	[tilespmem:s28], [sflag:$0x1] =	stream.indirect.gather @!p0 [hbm4b:s4+s23], $0x80, s25, s23, $0xb8;
	[tilespmem:$0x1C800] =	vst v63  }
0x126: {  	s25 =	simm.s32 @!p0 $0x100;
	s28 =	simm.s32 @!p0 $0x4000  }
0x127: {  	[tilespmem:s28], [sflag:$0x1] =	stream.indirect.gather @!p0 [hbm4b:s4+s23], $0x80, s25, s23, $0xb8;
	[tilespmem:$0x1C800] =	vst v63  }
0x128: {  	s25 =	simm.s32 @!p0 $0x180;
	s28 =	simm.s32 @!p0 $0x5C00  }
0x129: {  	[tilespmem:s28], [sflag:$0x1] =	stream.indirect.gather @!p0 [hbm4b:s4+s23], $0x80, s25, s23, $0xb8;
	[tilespmem:$0x1C800] =	vst v63  }
0x12a: {  	_ =	swait.ge [sflag:s9], $0x1900  }
0x12b: {  	[sflag:s9] =	ssyncset.done $0x0  }
0x12c: {  	[sflag:s9] =	ssyncadd.s32 $0xFFFFE700  }
0x12d: {  	_ =	swait.ge [sflag:s9], $0x1900  }
0x12e: {  	[sflag:s9] =	ssyncset.done $0x0  }
0x12f: {  	[sflag:s9] =	ssyncadd.s32 $0xFFFFE700  }
0x130: {  	_ =	swait.ge [sflag:s9], $0x1900  }
0x131: {  	[sflag:s9] =	ssyncset.done $0x0  }
0x132: {  	[sflag:s9] =	ssyncadd.s32 $0xFFFFE700  }
0x133: {  	_ =	swait.ge [sflag:s9], $0x1900  }
0x134: {  	[sflag:s9] =	ssyncset.done $0x0  }
0x135: {  	s23 =	simm.s32 $0x0;
	[sflag:s9] =	ssyncadd.s32 $0xFFFFE700  }
0x136: {  	v0 =	vld [tilespmem:s23+$0xCC90]  }
0x137: {  	v1 =	vld [tilespmem:s23+$0x7800]  }
0x138: {  	v2 =	vld [tilespmem:s23+$0x7810]  }
0x139: {  	v3 =	vld [tilespmem:s23+$0x9400]  }
0x13a: {  	v4 =	vld [tilespmem:s23+$0x9410]  }
0x13b: {  	v5 =	vld [tilespmem:s23+$0xB000];
	[tilespmem:s23+$0x1AC90] =	vst v0  }
0x13c: {  	[tilespmem:s23+$0x15800] =	vst v1;
	v0 =	vld [tilespmem:s23+$0xB010]  }
0x13d: {  	[tilespmem:s23+$0x15810] =	vst v2;
	v1 =	vld [tilespmem:s23+$0xCC00]  }
0x13e: {  	[tilespmem:s23+$0x17400] =	vst v3;
	v2 =	vld [tilespmem:s23+$0xCC10]  }
0x13f: {  	[tilespmem:s23+$0x17410] =	vst v4;
	v3 =	vld [tilespmem:s23+$0x7880]  }
0x140: {  	[tilespmem:s23+$0x19000] =	vst v5;
	v4 =	vld [tilespmem:s23+$0x7890]  }
0x141: {  	[tilespmem:s23+$0x19010] =	vst v0;
	v0 =	vld [tilespmem:s23+$0x9480]  }
0x142: {  	[tilespmem:s23+$0x1AC00] =	vst v1;
	v1 =	vld [tilespmem:s23+$0x9490]  }
0x143: {  	[tilespmem:s23+$0x1AC10] =	vst v2;
	v2 =	vld [tilespmem:s23+$0xB080]  }
0x144: {  	[tilespmem:s23+$0x15880] =	vst v3;
	v3 =	vld [tilespmem:s23+$0xB090]  }
0x145: {  	s25 =	simm.s32 $0x100;
	s28 =	simm.s32 $0x800;
	[tilespmem:s23+$0x15890] =	vst v4;
	v4 =	vld [tilespmem:s23+$0xCC80]  }
.LBB2_9:
0x146: {  	p1 =	sne.s32 s28, $0x6000;
	v5 =	vld [tilespmem:s25+$0xCC90];
	[tilespmem:s23+$0x17480] =	vst v0  }
0x147: {  	v0 =	vld [tilespmem:s25+$0x7800];
	[tilespmem:s23+$0x17490] =	vst v1  }
0x148: {  	v1 =	vld [tilespmem:s25+$0x7810];
	[tilespmem:s23+$0x19080] =	vst v2  }
0x149: {  	v2 =	vld [tilespmem:s25+$0x9400];
	[tilespmem:s23+$0x19090] =	vst v3  }
0x14a: {  	v3 =	vld [tilespmem:s25+$0x9410];
	[tilespmem:s23+$0x1AC80] =	vst v4;
	s23 =	smov.u32 s25  }
0x14b: {  	v4 =	vld [tilespmem:s23+$0xB000];
	[tilespmem:s23+$0x1AC90] =	vst v5  }
0x14c: {  	[tilespmem:s23+$0x15800] =	vst v0;
	v0 =	vld [tilespmem:s23+$0xB010]  }
0x14d: {  	[tilespmem:s23+$0x15810] =	vst v1;
	v1 =	vld [tilespmem:s23+$0xCC00]  }
0x14e: {  	[tilespmem:s23+$0x17400] =	vst v2;
	v2 =	vld [tilespmem:s23+$0xCC10]  }
0x14f: {  	[tilespmem:s23+$0x17410] =	vst v3;
	v3 =	vld [tilespmem:s23+$0x7880]  }
0x150: {  	[tilespmem:s23+$0x19000] =	vst v4;
	v4 =	vld [tilespmem:s23+$0x7890]  }
.Ltmp5:
0x151: {  	[tilespmem:s23+$0x19010] =	vst v0;
	v0 =	vld [tilespmem:s23+$0x9480];
	(pc) =	sbr.rel @p1 .LBB2_9-.Ltmp5, $4  }
0x152: {  	[tilespmem:s23+$0x1AC00] =	vst v1;
	v1 =	vld [tilespmem:s23+$0x9490]  }
0x153: {  	[tilespmem:s23+$0x1AC10] =	vst v2;
	v2 =	vld [tilespmem:s23+$0xB080]  }
0x154: {  	[tilespmem:s23+$0x15880] =	vst v3;
	v3 =	vld [tilespmem:s23+$0xB090]  }
0x155: {  	s25 =	sshra.s32 s28, $0x2;
	s28 =	sadd.s32 $0x400, s28;
	[tilespmem:s23+$0x15890] =	vst v4;
	v4 =	vld [tilespmem:s23+$0xCC80]  }
0x156: {  	v5 =	vld [tilespmem:s25+$0xCC90];
	[tilespmem:s23+$0x17480] =	vst v0  }
0x157: {  	v0 =	vld [tilespmem:s25+$0x7800];
	[tilespmem:s23+$0x17490] =	vst v1  }
0x158: {  	v1 =	vld [tilespmem:s25+$0x7810];
	[tilespmem:s23+$0x19080] =	vst v2  }
0x159: {  	v2 =	vld [tilespmem:s25+$0x9400];
	[tilespmem:s23+$0x19090] =	vst v3  }
0x15a: {  	v3 =	vld [tilespmem:s25+$0x9410];
	[tilespmem:s23+$0x1AC80] =	vst v4  }
0x15b: {  	v4 =	vld [tilespmem:s25+$0xB000];
	[tilespmem:s25+$0x1AC90] =	vst v5  }
0x15c: {  	v54 =	vld [tilespmem:s25+$0xB010];
	[tilespmem:s25+$0x15800] =	vst v0  }
0x15d: {  	v55 =	vld [tilespmem:s25+$0xCC00];
	[tilespmem:s25+$0x15810] =	vst v1  }
0x15e: {  	v56 =	vld [tilespmem:s25+$0xCC10];
	[tilespmem:s25+$0x17400] =	vst v2  }
0x15f: {  	v57 =	vld [tilespmem:s25+$0x7880];
	[tilespmem:s25+$0x17410] =	vst v3  }
0x160: {  	v58 =	vld [tilespmem:s25+$0x7890];
	[tilespmem:s25+$0x19000] =	vst v4  }
0x161: {  	v59 =	vld [tilespmem:s25+$0x9480];
	[tilespmem:s25+$0x19010] =	vst v54  }
0x162: {  	v60 =	vld [tilespmem:s25+$0x9490];
	[tilespmem:s25+$0x1AC00] =	vst v55  }
0x163: {  	v61 =	vld [tilespmem:s25+$0xB080];
	[tilespmem:s25+$0x1AC10] =	vst v56  }
0x164: {  	v62 =	vld [tilespmem:s25+$0xB090];
	[tilespmem:s25+$0x15880] =	vst v57  }
0x165: {  	v63 =	vld [tilespmem:s25+$0xCC80];
	[tilespmem:s25+$0x15890] =	vst v58  }
0x166: {  	[tilespmem:s25+$0x17480] =	vst v59  }
0x167: {  	[tilespmem:s25+$0x17490] =	vst v60  }
0x168: {  	[tilespmem:s25+$0x19080] =	vst v61  }
0x169: {  	[tilespmem:s25+$0x19090] =	vst v62  }
0x16a: {  	s28 =	simm.s32 @!p0 $0x7800;
	s23 =	simm.s32 @!p0 $0x32;
	[tilespmem:s25+$0x1AC80] =	vst v63;
	s25 =	simm.s32 @!p0 $0x200  }
0x16b: {  	[tilespmem:s28], [sflag:$0x2] =	stream.indirect.gather @!p0 [hbm4b:s4+s23], $0x80, s25, s23, $0xb8;
	[tilespmem:$0x1C800] =	vst v63  }
0x16c: {  	s25 =	simm.s32 @!p0 $0x280;
	s28 =	simm.s32 @!p0 $0x9400  }
0x16d: {  	[tilespmem:s28], [sflag:$0x2] =	stream.indirect.gather @!p0 [hbm4b:s4+s23], $0x80, s25, s23, $0xb8;
	[tilespmem:$0x1C800] =	vst v63  }
0x16e: {  	s25 =	simm.s32 @!p0 $0x300;
	s28 =	simm.s32 @!p0 $0xB000  }
0x16f: {  	[tilespmem:s28], [sflag:$0x2] =	stream.indirect.gather @!p0 [hbm4b:s4+s23], $0x80, s25, s23, $0xb8;
	[tilespmem:$0x1C800] =	vst v63  }
0x170: {  	s21 =	smul.u32 $0x380, s21;
	s25 =	simm.s32 @!p0 $0x380;
	s28 =	simm.s32 @!p0 $0xCC00  }
0x171: {  	[tilespmem:s28], [sflag:$0x2] =	stream.indirect.gather @!p0 [hbm4b:s4+s23], $0x80, s25, s23, $0xb8;
	[tilespmem:$0x1C800] =	vst v63  }
0x172: {  	s21 =	sadd.s32 s8, s21  }
0x173: {  	[hbm4b:s21+s3] =	stream.linear.scatter [tilespmem:s15], [sflag:$0x3], $0x1900, $0x38;
	[tilespmem:$0x1C800] =	vst v63  }
0x174: {  	s25 =	sadd.s32 $0x380, s21  }
0x175: {  	[hbm4b:s25+s3] =	stream.linear.scatter [tilespmem:s17], [sflag:$0x3], $0x1900, $0x38;
	[tilespmem:$0x1C800] =	vst v63  }
0x176: {  	s28 =	sadd.s32 $0x700, s21  }
0x177: {  	[hbm4b:s28+s3] =	stream.linear.scatter [tilespmem:s1], [sflag:$0x3], $0x1900, $0x38;
	[tilespmem:$0x1C800] =	vst v63  }
0x178: {  	s25 =	sadd.s32 $0xA80, s21  }
0x179: {  	[hbm4b:s25+s3] =	stream.linear.scatter [tilespmem:s26], [sflag:$0x3], $0x1900, $0x38;
	[tilespmem:$0x1C800] =	vst v63  }
0x17a: {  	s28 =	sadd.s32 $0xE00, s21  }
0x17b: {  	[hbm4b:s28+s3] =	stream.linear.scatter [tilespmem:s29], [sflag:$0x3], $0x1900, $0x38;
	[tilespmem:$0x1C800] =	vst v63  }
0x17c: {  	s25 =	sadd.s32 $0x1180, s21  }
0x17d: {  	[hbm4b:s25+s3] =	stream.linear.scatter [tilespmem:s31], [sflag:$0x3], $0x1900, $0x38;
	[tilespmem:$0x1C800] =	vst v63  }
.Ltmp6:
0x17e: {  	_ = 	snop;
	(pc) =	sbr.rel @p0 .LBB2_12-.Ltmp6, $4  }
0x17f: {  	s28 =	sadd.s32 $0x1500, s21  }
0x180: {  	[hbm4b:s28+s3] =	stream.linear.scatter [tilespmem:s10], [sflag:$0x3], $0x1900, $0x38;
	[tilespmem:$0x1C800] =	vst v63  }
0x181: {  	s21 =	sadd.s32 $0x1880, s21  }
0x182: {  	[hbm4b:s21+s3] =	stream.linear.scatter [tilespmem:s2], [sflag:$0x3], $0x1900, $0x38;
	[tilespmem:$0x1C800] =	vst v63  }
.Ltmp7:
0x183: {  	(pc) =	sbr.rel .LBB2_2-.Ltmp7, $4  }
0x184: {  	s19 =	sadd.s32 s19, s12  }
0x185: {  	s21 =	rddreg [dreg:$0x1];
	s19 =	sshll.u32 s19, $0x4  }
0x186: {  	s14 =	sadd.s32 $0x1, s14;
	s19 =	sadd.s32 s21, s19  }
0x187: {  	[tilespmem:s16], [sflag:$0x5] =	stream.linear.gather [hbm4b:s19+s3], $0x400, $0x38;
	[tilespmem:$0x1C800] =	vst v63  }
.LBB2_12:
0x188: {  	_ =	swait.ge [sflag:s13], $0xC800  }
0x189: {  	[sflag:s13] =	ssyncset.done $0x0  }
0x18a: {  	s14 =	simm.s32 $0x0;
	s19 =	rddreg [dreg:$0x5];
	[sflag:s13] =	ssyncadd.s32 $0xFFFF3800  }
0x18b: {  	[tilespmem:s14], [sflag:$0x4] =	stream.linear.gather [hbm4b:s19+s14], $0x400, $0x38;
	[tilespmem:$0x1C800] =	vst v63  }
0x18c: {  	s28 =	simm.s32 $0x4;
	s25 =	rddreg [dreg:$0x6]  }
0x18d: {  	[tilespmem:s16], [sflag:$0x5] =	stream.linear.gather [hbm4b:s25+s14], $0x400, $0x38;
	[tilespmem:$0x1C800] =	vst v63  }
0x18e: {  	_ =	swait.ge [sflag:s28], $0x400  }
0x18f: {  	[sflag:s28] =	ssyncset.done $0x0  }
0x190: {  	s21 =	simm.s32 $0x800;
	[sflag:s28] =	ssyncadd.s32 $0xFFFFFC00  }
0x191: {  	[tilespmem:s21], [sflag:$0x1] =	stream.indirect.gather [hbm4b:s5+s18], $0x80, s14, s18, $0xb8;
	[tilespmem:$0x1C800] =	vst v63  }
0x192: {  	s23 =	simm.s32 $0x80;
	s21 =	simm.s32 $0x2400  }
0x193: {  	[tilespmem:s21], [sflag:$0x1] =	stream.indirect.gather [hbm4b:s5+s18], $0x80, s23, s18, $0xb8;
	[tilespmem:$0x1C800] =	vst v63  }
0x194: {  	s25 =	simm.s32 $0x100;
	s28 =	simm.s32 $0x4000  }
0x195: {  	[tilespmem:s28], [sflag:$0x1] =	stream.indirect.gather [hbm4b:s5+s18], $0x80, s25, s18, $0xb8;
	[tilespmem:$0x1C800] =	vst v63  }
0x196: {  	s21 =	simm.s32 $0x180;
	s23 =	simm.s32 $0x5C00  }
0x197: {  	[tilespmem:s23], [sflag:$0x1] =	stream.indirect.gather [hbm4b:s5+s18], $0x80, s21, s18, $0xb8;
	[tilespmem:$0x1C800] =	vst v63  }
0x198: {  	s25 =	simm.s32 $0x200;
	s28 =	simm.s32 $0x7800  }
0x199: {  	[tilespmem:s28], [sflag:$0x2] =	stream.indirect.gather [hbm4b:s5+s18], $0x80, s25, s18, $0xb8;
	[tilespmem:$0x1C800] =	vst v63  }
0x19a: {  	s23 =	simm.s32 $0x280  }
0x19b: {  	[tilespmem:s30], [sflag:$0x2] =	stream.indirect.gather [hbm4b:s5+s18], $0x80, s23, s18, $0xb8;
	[tilespmem:$0x1C800] =	vst v63  }
0x19c: {  	s25 =	simm.s32 $0x300  }
0x19d: {  	[tilespmem:s0], [sflag:$0x2] =	stream.indirect.gather [hbm4b:s5+s18], $0x80, s25, s18, $0xb8;
	[tilespmem:$0x1C800] =	vst v63  }
0x19e: {  	s28 =	simm.s32 $0x380  }
0x19f: {  	[tilespmem:s20], [sflag:$0x2] =	stream.indirect.gather [hbm4b:s5+s18], $0x80, s28, s18, $0xb8;
	[tilespmem:$0x1C800] =	vst v63  }
.LBB2_13:
0x1a0: {  	_ =	swait.ge [sflag:s22], $0x1900  }
0x1a1: {  	[sflag:s22] =	ssyncset.done $0x0  }
0x1a2: {  	[sflag:s22] =	ssyncadd.s32 $0xFFFFE700  }
0x1a3: {  	_ =	swait.ge [sflag:s22], $0x1900  }
0x1a4: {  	[sflag:s22] =	ssyncset.done $0x0  }
0x1a5: {  	[sflag:s22] =	ssyncadd.s32 $0xFFFFE700  }
0x1a6: {  	_ =	swait.ge [sflag:s22], $0x1900  }
0x1a7: {  	[sflag:s22] =	ssyncset.done $0x0  }
0x1a8: {  	[sflag:s22] =	ssyncadd.s32 $0xFFFFE700  }
0x1a9: {  	_ =	swait.ge [sflag:s22], $0x1900  }
0x1aa: {  	p0 =	seq.s32 s14, $0x0;
	[sflag:s22] =	ssyncset.done $0x0  }
0x1ab: {  	s19 =	simm.s32 @!p0 $0x3;
	[sflag:s22] =	ssyncadd.s32 $0xFFFFE700  }
0x1ac: {  	_ =	swait.ge @!p0 [sflag:s19], $0xC800  }
0x1ad: {  	[sflag:s19] =	ssyncset.done @!p0 $0x0  }
0x1ae: {  	s21 =	simm.s32 $0x0;
	[sflag:s19] =	ssyncadd.s32 @!p0 $0xFFFF3800  }
0x1af: {  	v0 =	vld [tilespmem:s21+$0x5C90]  }
0x1b0: {  	v1 =	vld [tilespmem:s21+$0x800]  }
0x1b1: {  	v2 =	vld [tilespmem:s21+$0x810]  }
0x1b2: {  	v3 =	vld [tilespmem:s21+$0x2400]  }
0x1b3: {  	v4 =	vld [tilespmem:s21+$0x2410]  }
0x1b4: {  	v5 =	vld [tilespmem:s21+$0x4000];
	[tilespmem:s21+$0x13C90] =	vst v0  }
0x1b5: {  	[tilespmem:s21+$0xE800] =	vst v1;
	v0 =	vld [tilespmem:s21+$0x4010]  }
0x1b6: {  	[tilespmem:s21+$0xE810] =	vst v2;
	v1 =	vld [tilespmem:s21+$0x5C00]  }
0x1b7: {  	[tilespmem:s21+$0x10400] =	vst v3;
	v2 =	vld [tilespmem:s21+$0x5C10]  }
0x1b8: {  	[tilespmem:s21+$0x10410] =	vst v4;
	v3 =	vld [tilespmem:s21+$0x880]  }
0x1b9: {  	[tilespmem:s21+$0x12000] =	vst v5;
	v4 =	vld [tilespmem:s21+$0x890]  }
0x1ba: {  	[tilespmem:s21+$0x12010] =	vst v0;
	v0 =	vld [tilespmem:s21+$0x2480]  }
0x1bb: {  	[tilespmem:s21+$0x13C00] =	vst v1;
	v1 =	vld [tilespmem:s21+$0x2490]  }
0x1bc: {  	[tilespmem:s21+$0x13C10] =	vst v2;
	v2 =	vld [tilespmem:s21+$0x4080]  }
0x1bd: {  	[tilespmem:s21+$0xE880] =	vst v3;
	v3 =	vld [tilespmem:s21+$0x4090]  }
0x1be: {  	s23 =	simm.s32 $0x100;
	s25 =	simm.s32 $0x800;
	s19 =	sshll.u32 s14, $0x4;
	[tilespmem:s21+$0xE890] =	vst v4;
	v4 =	vld [tilespmem:s21+$0x5C80]  }
.LBB2_14:
0x1bf: {  	p0 =	sne.s32 s25, $0x6000;
	v5 =	vld [tilespmem:s23+$0x5C90];
	[tilespmem:s21+$0x10480] =	vst v0  }
0x1c0: {  	v0 =	vld [tilespmem:s23+$0x800];
	[tilespmem:s21+$0x10490] =	vst v1  }
0x1c1: {  	v1 =	vld [tilespmem:s23+$0x810];
	[tilespmem:s21+$0x12080] =	vst v2  }
0x1c2: {  	v2 =	vld [tilespmem:s23+$0x2400];
	[tilespmem:s21+$0x12090] =	vst v3  }
0x1c3: {  	v3 =	vld [tilespmem:s23+$0x2410];
	[tilespmem:s21+$0x13C80] =	vst v4;
	s21 =	smov.u32 s23  }
0x1c4: {  	v4 =	vld [tilespmem:s21+$0x4000];
	[tilespmem:s21+$0x13C90] =	vst v5  }
0x1c5: {  	[tilespmem:s21+$0xE800] =	vst v0;
	v0 =	vld [tilespmem:s21+$0x4010]  }
0x1c6: {  	[tilespmem:s21+$0xE810] =	vst v1;
	v1 =	vld [tilespmem:s21+$0x5C00]  }
0x1c7: {  	[tilespmem:s21+$0x10400] =	vst v2;
	v2 =	vld [tilespmem:s21+$0x5C10]  }
0x1c8: {  	[tilespmem:s21+$0x10410] =	vst v3;
	v3 =	vld [tilespmem:s21+$0x880]  }
0x1c9: {  	[tilespmem:s21+$0x12000] =	vst v4;
	v4 =	vld [tilespmem:s21+$0x890]  }
.Ltmp8:
0x1ca: {  	[tilespmem:s21+$0x12010] =	vst v0;
	v0 =	vld [tilespmem:s21+$0x2480];
	(pc) =	sbr.rel @p0 .LBB2_14-.Ltmp8, $4  }
0x1cb: {  	[tilespmem:s21+$0x13C00] =	vst v1;
	v1 =	vld [tilespmem:s21+$0x2490]  }
0x1cc: {  	[tilespmem:s21+$0x13C10] =	vst v2;
	v2 =	vld [tilespmem:s21+$0x4080]  }
0x1cd: {  	[tilespmem:s21+$0xE880] =	vst v3;
	v3 =	vld [tilespmem:s21+$0x4090]  }
0x1ce: {  	s23 =	sshra.s32 s25, $0x2;
	s25 =	sadd.s32 $0x400, s25;
	[tilespmem:s21+$0xE890] =	vst v4;
	v4 =	vld [tilespmem:s21+$0x5C80]  }
0x1cf: {  	v5 =	vld [tilespmem:s23+$0x5C90];
	[tilespmem:s21+$0x10480] =	vst v0  }
0x1d0: {  	v0 =	vld [tilespmem:s23+$0x800];
	[tilespmem:s21+$0x10490] =	vst v1  }
0x1d1: {  	v1 =	vld [tilespmem:s23+$0x810];
	[tilespmem:s21+$0x12080] =	vst v2  }
0x1d2: {  	v2 =	vld [tilespmem:s23+$0x2400];
	[tilespmem:s21+$0x12090] =	vst v3  }
0x1d3: {  	v3 =	vld [tilespmem:s23+$0x2410];
	[tilespmem:s21+$0x13C80] =	vst v4  }
0x1d4: {  	v4 =	vld [tilespmem:s23+$0x4000];
	[tilespmem:s23+$0x13C90] =	vst v5  }
0x1d5: {  	[tilespmem:s23+$0xE800] =	vst v0;
	v0 =	vld [tilespmem:s23+$0x4010]  }
0x1d6: {  	[tilespmem:s23+$0xE810] =	vst v1;
	v1 =	vld [tilespmem:s23+$0x5C00]  }
0x1d7: {  	[tilespmem:s23+$0x10400] =	vst v2;
	v2 =	vld [tilespmem:s23+$0x5C10]  }
0x1d8: {  	[tilespmem:s23+$0x10410] =	vst v3;
	v3 =	vld [tilespmem:s23+$0x880]  }
0x1d9: {  	[tilespmem:s23+$0x12000] =	vst v4;
	v4 =	vld [tilespmem:s23+$0x890]  }
0x1da: {  	[tilespmem:s23+$0x12010] =	vst v0;
	v0 =	vld [tilespmem:s23+$0x2480]  }
0x1db: {  	[tilespmem:s23+$0x13C00] =	vst v1;
	v1 =	vld [tilespmem:s23+$0x2490]  }
0x1dc: {  	[tilespmem:s23+$0x13C10] =	vst v2;
	v2 =	vld [tilespmem:s23+$0x4080]  }
0x1dd: {  	[tilespmem:s23+$0xE880] =	vst v3;
	v3 =	vld [tilespmem:s23+$0x4090]  }
0x1de: {  	[tilespmem:s23+$0xE890] =	vst v4;
	v4 =	vld [tilespmem:s23+$0x5C80]  }
0x1df: {  	[tilespmem:s23+$0x10480] =	vst v0  }
0x1e0: {  	[tilespmem:s23+$0x10490] =	vst v1  }
0x1e1: {  	[tilespmem:s23+$0x12080] =	vst v2  }
0x1e2: {  	[tilespmem:s23+$0x12090] =	vst v3  }
0x1e3: {  	[tilespmem:s23+$0x13C80] =	vst v4  }
0x1e4: {  	_ =	swait.ge [sflag:s24], $0x400  }
0x1e5: {  	[sflag:s24] =	ssyncset.done $0x0  }
0x1e6: {  	s23 =	simm.s32 $0x800;
	[sflag:s24] =	ssyncadd.s32 $0xFFFFFC00  }
0x1e7: {  	[tilespmem:s23], [sflag:$0x1] =	stream.indirect.gather [hbm4b:s5+s18], $0x80, s16, s18, $0xb8;
	[tilespmem:$0x1C800] =	vst v63  }
0x1e8: {  	s25 =	simm.s32 $0x2400;
	s28 =	simm.s32 $0x480  }
0x1e9: {  	[tilespmem:s25], [sflag:$0x1] =	stream.indirect.gather [hbm4b:s5+s18], $0x80, s28, s18, $0xb8;
	[tilespmem:$0x1C800] =	vst v63  }
0x1ea: {  	s25 =	simm.s32 $0x4000;
	s28 =	simm.s32 $0x500  }
0x1eb: {  	[tilespmem:s25], [sflag:$0x1] =	stream.indirect.gather [hbm4b:s5+s18], $0x80, s28, s18, $0xb8;
	[tilespmem:$0x1C800] =	vst v63  }
0x1ec: {  	s25 =	simm.s32 $0x5C00;
	s28 =	simm.s32 $0x580  }
0x1ed: {  	[tilespmem:s25], [sflag:$0x1] =	stream.indirect.gather [hbm4b:s5+s18], $0x80, s28, s18, $0xb8;
	[tilespmem:$0x1C800] =	vst v63  }
0x1ee: {  	_ =	swait.ge [sflag:s9], $0x1900  }
0x1ef: {  	[sflag:s9] =	ssyncset.done $0x0  }
0x1f0: {  	[sflag:s9] =	ssyncadd.s32 $0xFFFFE700  }
0x1f1: {  	_ =	swait.ge [sflag:s9], $0x1900  }
0x1f2: {  	[sflag:s9] =	ssyncset.done $0x0  }
0x1f3: {  	[sflag:s9] =	ssyncadd.s32 $0xFFFFE700  }
0x1f4: {  	_ =	swait.ge [sflag:s9], $0x1900  }
0x1f5: {  	[sflag:s9] =	ssyncset.done $0x0  }
0x1f6: {  	[sflag:s9] =	ssyncadd.s32 $0xFFFFE700  }
0x1f7: {  	_ =	swait.ge [sflag:s9], $0x1900  }
0x1f8: {  	[sflag:s9] =	ssyncset.done $0x0  }
0x1f9: {  	s21 =	simm.s32 $0x0;
	[sflag:s9] =	ssyncadd.s32 $0xFFFFE700  }
0x1fa: {  	v0 =	vld [tilespmem:s21+$0xCC90]  }
0x1fb: {  	v1 =	vld [tilespmem:s21+$0x7800]  }
0x1fc: {  	v2 =	vld [tilespmem:s21+$0x7810]  }
0x1fd: {  	v3 =	vld [tilespmem:s21+$0x9400]  }
0x1fe: {  	v4 =	vld [tilespmem:s21+$0x9410]  }
0x1ff: {  	v5 =	vld [tilespmem:s21+$0xB000];
	[tilespmem:s21+$0x1AC90] =	vst v0  }
0x200: {  	[tilespmem:s21+$0x15800] =	vst v1;
	v0 =	vld [tilespmem:s21+$0xB010]  }
0x201: {  	[tilespmem:s21+$0x15810] =	vst v2;
	v1 =	vld [tilespmem:s21+$0xCC00]  }
0x202: {  	[tilespmem:s21+$0x17400] =	vst v3;
	v2 =	vld [tilespmem:s21+$0xCC10]  }
0x203: {  	[tilespmem:s21+$0x17410] =	vst v4;
	v3 =	vld [tilespmem:s21+$0x7880]  }
0x204: {  	[tilespmem:s21+$0x19000] =	vst v5;
	v4 =	vld [tilespmem:s21+$0x7890]  }
0x205: {  	[tilespmem:s21+$0x19010] =	vst v0;
	v0 =	vld [tilespmem:s21+$0x9480]  }
0x206: {  	[tilespmem:s21+$0x1AC00] =	vst v1;
	v1 =	vld [tilespmem:s21+$0x9490]  }
0x207: {  	[tilespmem:s21+$0x1AC10] =	vst v2;
	v2 =	vld [tilespmem:s21+$0xB080]  }
0x208: {  	[tilespmem:s21+$0x15880] =	vst v3;
	v3 =	vld [tilespmem:s21+$0xB090]  }
0x209: {  	s23 =	simm.s32 $0x100;
	s25 =	simm.s32 $0x800;
	[tilespmem:s21+$0x15890] =	vst v4;
	v4 =	vld [tilespmem:s21+$0xCC80]  }
.LBB2_16:
0x20a: {  	p0 =	sne.s32 s25, $0x6000;
	v5 =	vld [tilespmem:s23+$0xCC90];
	[tilespmem:s21+$0x17480] =	vst v0  }
0x20b: {  	v0 =	vld [tilespmem:s23+$0x7800];
	[tilespmem:s21+$0x17490] =	vst v1  }
0x20c: {  	v1 =	vld [tilespmem:s23+$0x7810];
	[tilespmem:s21+$0x19080] =	vst v2  }
0x20d: {  	v2 =	vld [tilespmem:s23+$0x9400];
	[tilespmem:s21+$0x19090] =	vst v3  }
0x20e: {  	v3 =	vld [tilespmem:s23+$0x9410];
	[tilespmem:s21+$0x1AC80] =	vst v4;
	s21 =	smov.u32 s23  }
0x20f: {  	v4 =	vld [tilespmem:s21+$0xB000];
	[tilespmem:s21+$0x1AC90] =	vst v5  }
0x210: {  	[tilespmem:s21+$0x15800] =	vst v0;
	v0 =	vld [tilespmem:s21+$0xB010]  }
0x211: {  	[tilespmem:s21+$0x15810] =	vst v1;
	v1 =	vld [tilespmem:s21+$0xCC00]  }
0x212: {  	[tilespmem:s21+$0x17400] =	vst v2;
	v2 =	vld [tilespmem:s21+$0xCC10]  }
0x213: {  	[tilespmem:s21+$0x17410] =	vst v3;
	v3 =	vld [tilespmem:s21+$0x7880]  }
0x214: {  	[tilespmem:s21+$0x19000] =	vst v4;
	v4 =	vld [tilespmem:s21+$0x7890]  }
.Ltmp9:
0x215: {  	[tilespmem:s21+$0x19010] =	vst v0;
	v0 =	vld [tilespmem:s21+$0x9480];
	(pc) =	sbr.rel @p0 .LBB2_16-.Ltmp9, $4  }
0x216: {  	[tilespmem:s21+$0x1AC00] =	vst v1;
	v1 =	vld [tilespmem:s21+$0x9490]  }
0x217: {  	[tilespmem:s21+$0x1AC10] =	vst v2;
	v2 =	vld [tilespmem:s21+$0xB080]  }
0x218: {  	[tilespmem:s21+$0x15880] =	vst v3;
	v3 =	vld [tilespmem:s21+$0xB090]  }
0x219: {  	s23 =	sshra.s32 s25, $0x2;
	s25 =	sadd.s32 $0x400, s25;
	[tilespmem:s21+$0x15890] =	vst v4;
	v4 =	vld [tilespmem:s21+$0xCC80]  }
0x21a: {  	v5 =	vld [tilespmem:s23+$0xCC90];
	[tilespmem:s21+$0x17480] =	vst v0  }
0x21b: {  	v0 =	vld [tilespmem:s23+$0x7800];
	[tilespmem:s21+$0x17490] =	vst v1  }
0x21c: {  	v1 =	vld [tilespmem:s23+$0x7810];
	[tilespmem:s21+$0x19080] =	vst v2  }
0x21d: {  	v2 =	vld [tilespmem:s23+$0x9400];
	[tilespmem:s21+$0x19090] =	vst v3  }
0x21e: {  	v3 =	vld [tilespmem:s23+$0x9410];
	[tilespmem:s21+$0x1AC80] =	vst v4  }
0x21f: {  	v4 =	vld [tilespmem:s23+$0xB000];
	[tilespmem:s23+$0x1AC90] =	vst v5  }
0x220: {  	[tilespmem:s23+$0x15800] =	vst v0;
	v0 =	vld [tilespmem:s23+$0xB010]  }
0x221: {  	[tilespmem:s23+$0x15810] =	vst v1;
	v1 =	vld [tilespmem:s23+$0xCC00]  }
0x222: {  	[tilespmem:s23+$0x17400] =	vst v2;
	v2 =	vld [tilespmem:s23+$0xCC10]  }
0x223: {  	[tilespmem:s23+$0x17410] =	vst v3;
	v3 =	vld [tilespmem:s23+$0x7880]  }
0x224: {  	[tilespmem:s23+$0x19000] =	vst v4;
	v4 =	vld [tilespmem:s23+$0x7890]  }
0x225: {  	[tilespmem:s23+$0x19010] =	vst v0;
	v0 =	vld [tilespmem:s23+$0x9480]  }
0x226: {  	[tilespmem:s23+$0x1AC00] =	vst v1;
	v1 =	vld [tilespmem:s23+$0x9490]  }
0x227: {  	[tilespmem:s23+$0x1AC10] =	vst v2;
	v2 =	vld [tilespmem:s23+$0xB080]  }
0x228: {  	[tilespmem:s23+$0x15880] =	vst v3;
	v3 =	vld [tilespmem:s23+$0xB090]  }
0x229: {  	[tilespmem:s23+$0x15890] =	vst v4;
	v4 =	vld [tilespmem:s23+$0xCC80]  }
0x22a: {  	[tilespmem:s23+$0x17480] =	vst v0  }
0x22b: {  	[tilespmem:s23+$0x17490] =	vst v1  }
0x22c: {  	[tilespmem:s23+$0x19080] =	vst v2  }
0x22d: {  	[tilespmem:s23+$0x19090] =	vst v3  }
0x22e: {  	s25 =	simm.s32 $0x600;
	[tilespmem:s23+$0x1AC80] =	vst v4;
	s23 =	simm.s32 $0x7800  }
0x22f: {  	[tilespmem:s23], [sflag:$0x2] =	stream.indirect.gather [hbm4b:s5+s18], $0x80, s25, s18, $0xb8;
	[tilespmem:$0x1C800] =	vst v63  }
0x230: {  	s21 =	sadd.s32 s6, s19;
	s23 =	simm.s32 $0x680  }
0x231: {  	[tilespmem:s30], [sflag:$0x2] =	stream.indirect.gather [hbm4b:s5+s18], $0x80, s23, s18, $0xb8;
	[tilespmem:$0x1C800] =	vst v63  }
0x232: {  	s25 =	simm.s32 $0x700;
	s23 =	smul.u32 $0x1C00, s21  }
0x233: {  	[tilespmem:s0], [sflag:$0x2] =	stream.indirect.gather [hbm4b:s5+s18], $0x80, s25, s18, $0xb8;
	[tilespmem:$0x1C800] =	vst v63  }
0x234: {  	s23 =	sshrl.u32 s23, $0x3  }
0x235: {  	s25 =	simm.s32 $0x780;
	s23 =	sadd.s32 s8, s23  }
0x236: {  	[tilespmem:s20], [sflag:$0x2] =	stream.indirect.gather [hbm4b:s5+s18], $0x80, s25, s18, $0xb8;
	[tilespmem:$0x1C800] =	vst v63  }
0x237: {  	s23 =	sadd.s32 $0xE00000, s23  }
0x238: {  	[hbm4b:s23+s3] =	stream.linear.scatter [tilespmem:s15], [sflag:$0x3], $0x1900, $0x38;
	[tilespmem:$0x1C800] =	vst v63  }
0x239: {  	s25 =	sadd.s32 $0x380, s23  }
0x23a: {  	[hbm4b:s25+s3] =	stream.linear.scatter [tilespmem:s17], [sflag:$0x3], $0x1900, $0x38;
	[tilespmem:$0x1C800] =	vst v63  }
0x23b: {  	s25 =	sadd.s32 $0x700, s23  }
0x23c: {  	[hbm4b:s25+s3] =	stream.linear.scatter [tilespmem:s1], [sflag:$0x3], $0x1900, $0x38;
	[tilespmem:$0x1C800] =	vst v63  }
0x23d: {  	s25 =	sadd.s32 $0xA80, s23  }
0x23e: {  	[hbm4b:s25+s3] =	stream.linear.scatter [tilespmem:s26], [sflag:$0x3], $0x1900, $0x38;
	[tilespmem:$0x1C800] =	vst v63  }
0x23f: {  	s25 =	sadd.s32 $0xE00, s23  }
0x240: {  	[hbm4b:s25+s3] =	stream.linear.scatter [tilespmem:s29], [sflag:$0x3], $0x1900, $0x38;
	[tilespmem:$0x1C800] =	vst v63  }
0x241: {  	s25 =	sadd.s32 $0x1180, s23  }
0x242: {  	[hbm4b:s25+s3] =	stream.linear.scatter [tilespmem:s31], [sflag:$0x3], $0x1900, $0x38;
	[tilespmem:$0x1C800] =	vst v63  }
0x243: {  	s25 =	sadd.s32 $0x1500, s23  }
0x244: {  	[hbm4b:s25+s3] =	stream.linear.scatter [tilespmem:s10], [sflag:$0x3], $0x1900, $0x38;
	[tilespmem:$0x1C800] =	vst v63  }
0x245: {  	p0 =	seq.s32 s14, $0x1F;
	s23 =	sadd.s32 $0x1880, s23  }
0x246: {  	[hbm4b:s23+s3] =	stream.linear.scatter [tilespmem:s2], [sflag:$0x3], $0x1900, $0x38;
	[tilespmem:$0x1C800] =	vst v63  }
0x247: {  	s23 =	sadd.s32 @!p0 s19, s11  }
0x248: {  	s23 =	sshll.u32 @!p0 s23, $0x4  }
0x249: {  	s25 =	simm.s32 @!p0 $0x0;
	s23 =	sadd.s32 @!p0 s7, s23  }
0x24a: {  	[tilespmem:s25], [sflag:$0x4] =	stream.linear.gather @!p0 [hbm4b:s23+s25], $0x400, $0x38;
	[tilespmem:$0x1C800] =	vst v63  }
0x24b: {  	_ =	swait.ge [sflag:s22], $0x1900  }
0x24c: {  	[sflag:s22] =	ssyncset.done $0x0  }
0x24d: {  	[sflag:s22] =	ssyncadd.s32 $0xFFFFE700  }
0x24e: {  	_ =	swait.ge [sflag:s22], $0x1900  }
0x24f: {  	[sflag:s22] =	ssyncset.done $0x0  }
0x250: {  	[sflag:s22] =	ssyncadd.s32 $0xFFFFE700  }
0x251: {  	_ =	swait.ge [sflag:s22], $0x1900  }
0x252: {  	[sflag:s22] =	ssyncset.done $0x0  }
0x253: {  	[sflag:s22] =	ssyncadd.s32 $0xFFFFE700  }
0x254: {  	_ =	swait.ge [sflag:s22], $0x1900  }
0x255: {  	[sflag:s22] =	ssyncset.done $0x0  }
0x256: {  	[sflag:s22] =	ssyncadd.s32 $0xFFFFE700  }
0x257: {  	_ =	swait.ge [sflag:s13], $0xC800  }
0x258: {  	[sflag:s13] =	ssyncset.done $0x0  }
0x259: {  	s23 =	simm.s32 $0x0;
	[sflag:s13] =	ssyncadd.s32 $0xFFFF3800  }
0x25a: {  	v0 =	vld [tilespmem:s23+$0x5C90]  }
0x25b: {  	v1 =	vld [tilespmem:s23+$0x800]  }
0x25c: {  	v2 =	vld [tilespmem:s23+$0x810]  }
0x25d: {  	v3 =	vld [tilespmem:s23+$0x2400]  }
0x25e: {  	v4 =	vld [tilespmem:s23+$0x2410]  }
0x25f: {  	v5 =	vld [tilespmem:s23+$0x4000];
	[tilespmem:s23+$0x13C90] =	vst v0  }
0x260: {  	[tilespmem:s23+$0xE800] =	vst v1;
	v0 =	vld [tilespmem:s23+$0x4010]  }
0x261: {  	[tilespmem:s23+$0xE810] =	vst v2;
	v1 =	vld [tilespmem:s23+$0x5C00]  }
0x262: {  	[tilespmem:s23+$0x10400] =	vst v3;
	v2 =	vld [tilespmem:s23+$0x5C10]  }
0x263: {  	[tilespmem:s23+$0x10410] =	vst v4;
	v3 =	vld [tilespmem:s23+$0x880]  }
0x264: {  	[tilespmem:s23+$0x12000] =	vst v5;
	v4 =	vld [tilespmem:s23+$0x890]  }
0x265: {  	[tilespmem:s23+$0x12010] =	vst v0;
	v0 =	vld [tilespmem:s23+$0x2480]  }
0x266: {  	[tilespmem:s23+$0x13C00] =	vst v1;
	v1 =	vld [tilespmem:s23+$0x2490]  }
0x267: {  	[tilespmem:s23+$0x13C10] =	vst v2;
	v2 =	vld [tilespmem:s23+$0x4080]  }
0x268: {  	[tilespmem:s23+$0xE880] =	vst v3;
	v3 =	vld [tilespmem:s23+$0x4090]  }
0x269: {  	s28 =	simm.s32 $0x800;
	s21 =	sadd.s32 $0x8, s21;
	s25 =	simm.s32 $0x100;
	[tilespmem:s23+$0xE890] =	vst v4;
	v4 =	vld [tilespmem:s23+$0x5C80]  }
.LBB2_18:
0x26a: {  	p1 =	sne.s32 s28, $0x6000;
	v5 =	vld [tilespmem:s25+$0x5C90];
	[tilespmem:s23+$0x10480] =	vst v0  }
0x26b: {  	v0 =	vld [tilespmem:s25+$0x800];
	[tilespmem:s23+$0x10490] =	vst v1  }
0x26c: {  	v1 =	vld [tilespmem:s25+$0x810];
	[tilespmem:s23+$0x12080] =	vst v2  }
0x26d: {  	v2 =	vld [tilespmem:s25+$0x2400];
	[tilespmem:s23+$0x12090] =	vst v3  }
0x26e: {  	v3 =	vld [tilespmem:s25+$0x2410];
	[tilespmem:s23+$0x13C80] =	vst v4;
	s23 =	smov.u32 s25  }
0x26f: {  	v4 =	vld [tilespmem:s23+$0x4000];
	[tilespmem:s23+$0x13C90] =	vst v5  }
0x270: {  	[tilespmem:s23+$0xE800] =	vst v0;
	v0 =	vld [tilespmem:s23+$0x4010]  }
0x271: {  	[tilespmem:s23+$0xE810] =	vst v1;
	v1 =	vld [tilespmem:s23+$0x5C00]  }
0x272: {  	[tilespmem:s23+$0x10400] =	vst v2;
	v2 =	vld [tilespmem:s23+$0x5C10]  }
0x273: {  	[tilespmem:s23+$0x10410] =	vst v3;
	v3 =	vld [tilespmem:s23+$0x880]  }
0x274: {  	[tilespmem:s23+$0x12000] =	vst v4;
	v4 =	vld [tilespmem:s23+$0x890]  }
.Ltmp10:
0x275: {  	[tilespmem:s23+$0x12010] =	vst v0;
	v0 =	vld [tilespmem:s23+$0x2480];
	(pc) =	sbr.rel @p1 .LBB2_18-.Ltmp10, $4  }
0x276: {  	[tilespmem:s23+$0x13C00] =	vst v1;
	v1 =	vld [tilespmem:s23+$0x2490]  }
0x277: {  	[tilespmem:s23+$0x13C10] =	vst v2;
	v2 =	vld [tilespmem:s23+$0x4080]  }
0x278: {  	[tilespmem:s23+$0xE880] =	vst v3;
	v3 =	vld [tilespmem:s23+$0x4090]  }
0x279: {  	s25 =	sshra.s32 s28, $0x2;
	s28 =	sadd.s32 $0x400, s28;
	[tilespmem:s23+$0xE890] =	vst v4;
	v4 =	vld [tilespmem:s23+$0x5C80]  }
0x27a: {  	v5 =	vld [tilespmem:s25+$0x5C90];
	[tilespmem:s23+$0x10480] =	vst v0  }
0x27b: {  	v0 =	vld [tilespmem:s25+$0x800];
	[tilespmem:s23+$0x10490] =	vst v1  }
0x27c: {  	v1 =	vld [tilespmem:s25+$0x810];
	[tilespmem:s23+$0x12080] =	vst v2  }
0x27d: {  	v2 =	vld [tilespmem:s25+$0x2400];
	[tilespmem:s23+$0x12090] =	vst v3  }
0x27e: {  	v3 =	vld [tilespmem:s25+$0x2410];
	[tilespmem:s23+$0x13C80] =	vst v4  }
0x27f: {  	v4 =	vld [tilespmem:s25+$0x4000];
	[tilespmem:s25+$0x13C90] =	vst v5  }
0x280: {  	[tilespmem:s25+$0xE800] =	vst v0;
	v0 =	vld [tilespmem:s25+$0x4010]  }
0x281: {  	[tilespmem:s25+$0xE810] =	vst v1;
	v1 =	vld [tilespmem:s25+$0x5C00]  }
0x282: {  	[tilespmem:s25+$0x10400] =	vst v2;
	v2 =	vld [tilespmem:s25+$0x5C10]  }
0x283: {  	[tilespmem:s25+$0x10410] =	vst v3;
	v3 =	vld [tilespmem:s25+$0x880]  }
0x284: {  	[tilespmem:s25+$0x12000] =	vst v4;
	v4 =	vld [tilespmem:s25+$0x890]  }
0x285: {  	[tilespmem:s25+$0x12010] =	vst v0;
	v0 =	vld [tilespmem:s25+$0x2480]  }
0x286: {  	[tilespmem:s25+$0x13C00] =	vst v1;
	v1 =	vld [tilespmem:s25+$0x2490]  }
0x287: {  	[tilespmem:s25+$0x13C10] =	vst v2;
	v2 =	vld [tilespmem:s25+$0x4080]  }
0x288: {  	[tilespmem:s25+$0xE880] =	vst v3;
	v3 =	vld [tilespmem:s25+$0x4090]  }
0x289: {  	[tilespmem:s25+$0xE890] =	vst v4;
	v4 =	vld [tilespmem:s25+$0x5C80]  }
0x28a: {  	[tilespmem:s25+$0x10480] =	vst v0  }
0x28b: {  	[tilespmem:s25+$0x10490] =	vst v1  }
0x28c: {  	[tilespmem:s25+$0x12080] =	vst v2  }
0x28d: {  	[tilespmem:s25+$0x12090] =	vst v3  }
0x28e: {  	s23 =	simm.s32 @!p0 $0x4;
	[tilespmem:s25+$0x13C80] =	vst v4  }
0x28f: {  	_ =	swait.ge @!p0 [sflag:s23], $0x400  }
0x290: {  	s28 =	simm.s32 @!p0 $0x800;
	[sflag:s23] =	ssyncset.done @!p0 $0x0  }
0x291: {  	s25 =	simm.s32 @!p0 $0x0;
	[sflag:s23] =	ssyncadd.s32 @!p0 $0xFFFFFC00;
	s23 =	simm.s32 @!p0 $0x32  }
0x292: {  	[tilespmem:s28], [sflag:$0x1] =	stream.indirect.gather @!p0 [hbm4b:s5+s23], $0x80, s25, s23, $0xb8;
	[tilespmem:$0x1C800] =	vst v63  }
0x293: {  	s25 =	simm.s32 @!p0 $0x80;
	s28 =	simm.s32 @!p0 $0x2400  }
0x294: {  	[tilespmem:s28], [sflag:$0x1] =	stream.indirect.gather @!p0 [hbm4b:s5+s23], $0x80, s25, s23, $0xb8;
	[tilespmem:$0x1C800] =	vst v63  }
0x295: {  	s25 =	simm.s32 @!p0 $0x100;
	s28 =	simm.s32 @!p0 $0x4000  }
0x296: {  	[tilespmem:s28], [sflag:$0x1] =	stream.indirect.gather @!p0 [hbm4b:s5+s23], $0x80, s25, s23, $0xb8;
	[tilespmem:$0x1C800] =	vst v63  }
0x297: {  	s25 =	simm.s32 @!p0 $0x180;
	s28 =	simm.s32 @!p0 $0x5C00  }
0x298: {  	[tilespmem:s28], [sflag:$0x1] =	stream.indirect.gather @!p0 [hbm4b:s5+s23], $0x80, s25, s23, $0xb8;
	[tilespmem:$0x1C800] =	vst v63  }
0x299: {  	_ =	swait.ge [sflag:s9], $0x1900  }
0x29a: {  	[sflag:s9] =	ssyncset.done $0x0  }
0x29b: {  	[sflag:s9] =	ssyncadd.s32 $0xFFFFE700  }
0x29c: {  	_ =	swait.ge [sflag:s9], $0x1900  }
0x29d: {  	[sflag:s9] =	ssyncset.done $0x0  }
0x29e: {  	[sflag:s9] =	ssyncadd.s32 $0xFFFFE700  }
0x29f: {  	_ =	swait.ge [sflag:s9], $0x1900  }
0x2a0: {  	[sflag:s9] =	ssyncset.done $0x0  }
0x2a1: {  	[sflag:s9] =	ssyncadd.s32 $0xFFFFE700  }
0x2a2: {  	_ =	swait.ge [sflag:s9], $0x1900  }
0x2a3: {  	[sflag:s9] =	ssyncset.done $0x0  }
0x2a4: {  	s23 =	simm.s32 $0x0;
	[sflag:s9] =	ssyncadd.s32 $0xFFFFE700  }
0x2a5: {  	v0 =	vld [tilespmem:s23+$0xCC90]  }
0x2a6: {  	v1 =	vld [tilespmem:s23+$0x7800]  }
0x2a7: {  	v2 =	vld [tilespmem:s23+$0x7810]  }
0x2a8: {  	v3 =	vld [tilespmem:s23+$0x9400]  }
0x2a9: {  	v4 =	vld [tilespmem:s23+$0x9410]  }
0x2aa: {  	v5 =	vld [tilespmem:s23+$0xB000];
	[tilespmem:s23+$0x1AC90] =	vst v0  }
0x2ab: {  	[tilespmem:s23+$0x15800] =	vst v1;
	v0 =	vld [tilespmem:s23+$0xB010]  }
0x2ac: {  	[tilespmem:s23+$0x15810] =	vst v2;
	v1 =	vld [tilespmem:s23+$0xCC00]  }
0x2ad: {  	[tilespmem:s23+$0x17400] =	vst v3;
	v2 =	vld [tilespmem:s23+$0xCC10]  }
0x2ae: {  	[tilespmem:s23+$0x17410] =	vst v4;
	v3 =	vld [tilespmem:s23+$0x7880]  }
0x2af: {  	[tilespmem:s23+$0x19000] =	vst v5;
	v4 =	vld [tilespmem:s23+$0x7890]  }
0x2b0: {  	[tilespmem:s23+$0x19010] =	vst v0;
	v0 =	vld [tilespmem:s23+$0x9480]  }
0x2b1: {  	[tilespmem:s23+$0x1AC00] =	vst v1;
	v1 =	vld [tilespmem:s23+$0x9490]  }
0x2b2: {  	[tilespmem:s23+$0x1AC10] =	vst v2;
	v2 =	vld [tilespmem:s23+$0xB080]  }
0x2b3: {  	[tilespmem:s23+$0x15880] =	vst v3;
	v3 =	vld [tilespmem:s23+$0xB090]  }
0x2b4: {  	s25 =	simm.s32 $0x100;
	s28 =	simm.s32 $0x800;
	[tilespmem:s23+$0x15890] =	vst v4;
	v4 =	vld [tilespmem:s23+$0xCC80]  }
.LBB2_20:
0x2b5: {  	p1 =	sne.s32 s28, $0x6000;
	v5 =	vld [tilespmem:s25+$0xCC90];
	[tilespmem:s23+$0x17480] =	vst v0  }
0x2b6: {  	v0 =	vld [tilespmem:s25+$0x7800];
	[tilespmem:s23+$0x17490] =	vst v1  }
0x2b7: {  	v1 =	vld [tilespmem:s25+$0x7810];
	[tilespmem:s23+$0x19080] =	vst v2  }
0x2b8: {  	v2 =	vld [tilespmem:s25+$0x9400];
	[tilespmem:s23+$0x19090] =	vst v3  }
0x2b9: {  	v3 =	vld [tilespmem:s25+$0x9410];
	[tilespmem:s23+$0x1AC80] =	vst v4;
	s23 =	smov.u32 s25  }
0x2ba: {  	v4 =	vld [tilespmem:s23+$0xB000];
	[tilespmem:s23+$0x1AC90] =	vst v5  }
0x2bb: {  	[tilespmem:s23+$0x15800] =	vst v0;
	v0 =	vld [tilespmem:s23+$0xB010]  }
0x2bc: {  	[tilespmem:s23+$0x15810] =	vst v1;
	v1 =	vld [tilespmem:s23+$0xCC00]  }
0x2bd: {  	[tilespmem:s23+$0x17400] =	vst v2;
	v2 =	vld [tilespmem:s23+$0xCC10]  }
0x2be: {  	[tilespmem:s23+$0x17410] =	vst v3;
	v3 =	vld [tilespmem:s23+$0x7880]  }
0x2bf: {  	[tilespmem:s23+$0x19000] =	vst v4;
	v4 =	vld [tilespmem:s23+$0x7890]  }
.Ltmp11:
0x2c0: {  	[tilespmem:s23+$0x19010] =	vst v0;
	v0 =	vld [tilespmem:s23+$0x9480];
	(pc) =	sbr.rel @p1 .LBB2_20-.Ltmp11, $4  }
0x2c1: {  	[tilespmem:s23+$0x1AC00] =	vst v1;
	v1 =	vld [tilespmem:s23+$0x9490]  }
0x2c2: {  	[tilespmem:s23+$0x1AC10] =	vst v2;
	v2 =	vld [tilespmem:s23+$0xB080]  }
0x2c3: {  	[tilespmem:s23+$0x15880] =	vst v3;
	v3 =	vld [tilespmem:s23+$0xB090]  }
0x2c4: {  	s25 =	sshra.s32 s28, $0x2;
	s28 =	sadd.s32 $0x400, s28;
	[tilespmem:s23+$0x15890] =	vst v4;
	v4 =	vld [tilespmem:s23+$0xCC80]  }
0x2c5: {  	v5 =	vld [tilespmem:s25+$0xCC90];
	[tilespmem:s23+$0x17480] =	vst v0  }
0x2c6: {  	v0 =	vld [tilespmem:s25+$0x7800];
	[tilespmem:s23+$0x17490] =	vst v1  }
0x2c7: {  	v1 =	vld [tilespmem:s25+$0x7810];
	[tilespmem:s23+$0x19080] =	vst v2  }
0x2c8: {  	v2 =	vld [tilespmem:s25+$0x9400];
	[tilespmem:s23+$0x19090] =	vst v3  }
0x2c9: {  	v3 =	vld [tilespmem:s25+$0x9410];
	[tilespmem:s23+$0x1AC80] =	vst v4  }
0x2ca: {  	v4 =	vld [tilespmem:s25+$0xB000];
	[tilespmem:s25+$0x1AC90] =	vst v5  }
0x2cb: {  	v54 =	vld [tilespmem:s25+$0xB010];
	[tilespmem:s25+$0x15800] =	vst v0  }
0x2cc: {  	v55 =	vld [tilespmem:s25+$0xCC00];
	[tilespmem:s25+$0x15810] =	vst v1  }
0x2cd: {  	v56 =	vld [tilespmem:s25+$0xCC10];
	[tilespmem:s25+$0x17400] =	vst v2  }
0x2ce: {  	v57 =	vld [tilespmem:s25+$0x7880];
	[tilespmem:s25+$0x17410] =	vst v3  }
0x2cf: {  	v58 =	vld [tilespmem:s25+$0x7890];
	[tilespmem:s25+$0x19000] =	vst v4  }
0x2d0: {  	v59 =	vld [tilespmem:s25+$0x9480];
	[tilespmem:s25+$0x19010] =	vst v54  }
0x2d1: {  	v60 =	vld [tilespmem:s25+$0x9490];
	[tilespmem:s25+$0x1AC00] =	vst v55  }
0x2d2: {  	v61 =	vld [tilespmem:s25+$0xB080];
	[tilespmem:s25+$0x1AC10] =	vst v56  }
0x2d3: {  	v62 =	vld [tilespmem:s25+$0xB090];
	[tilespmem:s25+$0x15880] =	vst v57  }
0x2d4: {  	v63 =	vld [tilespmem:s25+$0xCC80];
	[tilespmem:s25+$0x15890] =	vst v58  }
0x2d5: {  	[tilespmem:s25+$0x17480] =	vst v59  }
0x2d6: {  	[tilespmem:s25+$0x17490] =	vst v60  }
0x2d7: {  	[tilespmem:s25+$0x19080] =	vst v61  }
0x2d8: {  	[tilespmem:s25+$0x19090] =	vst v62  }
0x2d9: {  	s28 =	simm.s32 @!p0 $0x7800;
	s23 =	simm.s32 @!p0 $0x32;
	[tilespmem:s25+$0x1AC80] =	vst v63;
	s25 =	simm.s32 @!p0 $0x200  }
0x2da: {  	[tilespmem:s28], [sflag:$0x2] =	stream.indirect.gather @!p0 [hbm4b:s5+s23], $0x80, s25, s23, $0xb8;
	[tilespmem:$0x1C800] =	vst v63  }
0x2db: {  	s21 =	smul.u32 $0x1C00, s21;
	s25 =	simm.s32 @!p0 $0x280;
	s28 =	simm.s32 @!p0 $0x9400  }
0x2dc: {  	[tilespmem:s28], [sflag:$0x2] =	stream.indirect.gather @!p0 [hbm4b:s5+s23], $0x80, s25, s23, $0xb8;
	[tilespmem:$0x1C800] =	vst v63  }
0x2dd: {  	s21 =	sshrl.u32 s21, $0x3;
	s25 =	simm.s32 @!p0 $0x300;
	s28 =	simm.s32 @!p0 $0xB000  }
0x2de: {  	[tilespmem:s28], [sflag:$0x2] =	stream.indirect.gather @!p0 [hbm4b:s5+s23], $0x80, s25, s23, $0xb8;
	[tilespmem:$0x1C800] =	vst v63  }
0x2df: {  	s21 =	sadd.s32 s8, s21;
	s25 =	simm.s32 @!p0 $0x380;
	s28 =	simm.s32 @!p0 $0xCC00  }
0x2e0: {  	[tilespmem:s28], [sflag:$0x2] =	stream.indirect.gather @!p0 [hbm4b:s5+s23], $0x80, s25, s23, $0xb8;
	[tilespmem:$0x1C800] =	vst v63  }
0x2e1: {  	s21 =	sadd.s32 $0xE00000, s21  }
0x2e2: {  	[hbm4b:s21+s3] =	stream.linear.scatter [tilespmem:s15], [sflag:$0x3], $0x1900, $0x38;
	[tilespmem:$0x1C800] =	vst v63  }
0x2e3: {  	s25 =	sadd.s32 $0x380, s21  }
0x2e4: {  	[hbm4b:s25+s3] =	stream.linear.scatter [tilespmem:s17], [sflag:$0x3], $0x1900, $0x38;
	[tilespmem:$0x1C800] =	vst v63  }
0x2e5: {  	s28 =	sadd.s32 $0x700, s21  }
0x2e6: {  	[hbm4b:s28+s3] =	stream.linear.scatter [tilespmem:s1], [sflag:$0x3], $0x1900, $0x38;
	[tilespmem:$0x1C800] =	vst v63  }
0x2e7: {  	s25 =	sadd.s32 $0xA80, s21  }
0x2e8: {  	[hbm4b:s25+s3] =	stream.linear.scatter [tilespmem:s26], [sflag:$0x3], $0x1900, $0x38;
	[tilespmem:$0x1C800] =	vst v63  }
0x2e9: {  	s28 =	sadd.s32 $0xE00, s21  }
0x2ea: {  	[hbm4b:s28+s3] =	stream.linear.scatter [tilespmem:s29], [sflag:$0x3], $0x1900, $0x38;
	[tilespmem:$0x1C800] =	vst v63  }
0x2eb: {  	s25 =	sadd.s32 $0x1180, s21  }
0x2ec: {  	[hbm4b:s25+s3] =	stream.linear.scatter [tilespmem:s31], [sflag:$0x3], $0x1900, $0x38;
	[tilespmem:$0x1C800] =	vst v63  }
.Ltmp12:
0x2ed: {  	_ = 	snop;
	(pc) =	sbr.rel @p0 .LBB2_23-.Ltmp12, $4  }
0x2ee: {  	s28 =	sadd.s32 $0x1500, s21  }
0x2ef: {  	[hbm4b:s28+s3] =	stream.linear.scatter [tilespmem:s10], [sflag:$0x3], $0x1900, $0x38;
	[tilespmem:$0x1C800] =	vst v63  }
0x2f0: {  	s21 =	sadd.s32 $0x1880, s21  }
0x2f1: {  	[hbm4b:s21+s3] =	stream.linear.scatter [tilespmem:s2], [sflag:$0x3], $0x1900, $0x38;
	[tilespmem:$0x1C800] =	vst v63  }
.Ltmp13:
0x2f2: {  	(pc) =	sbr.rel .LBB2_13-.Ltmp13, $4  }
0x2f3: {  	s19 =	sadd.s32 s19, s12  }
0x2f4: {  	s19 =	sshll.u32 s19, $0x4  }
0x2f5: {  	s14 =	sadd.s32 $0x1, s14;
	s19 =	sadd.s32 s7, s19  }
0x2f6: {  	[tilespmem:s16], [sflag:$0x5] =	stream.linear.gather [hbm4b:s19+s3], $0x400, $0x38;
	[tilespmem:$0x1C800] =	vst v63  }
.LBB2_24:
0x2f7: {  	_ =	sfence.sel $0x180000  }
0x2f8: {  	[bflag:$0x0] =	sbarrier.arrive $0xFFFF  }
0x2f9: {  	_ =	strace $0x90000047  }
0x2fa: {  	s0 =	stileid.u32;
	[bflag:$0x2] =	sbarrier.arrive $0xFFFF  }
0x2fb: {  	p0 =	sne.s32 s0, $0x0;
	s0 =	rddreg [dreg:$0x2]  }
0x2fc: {  	s0 =	sadd.s32 @!p0 $0x100000, s0  }
0x2fd: {  	[sflag:s0] =	ssyncadd.tile.s32 @!p0 $0x1;
	_ =	shalt  }
.Lfunc_end2:
_tile_overlayer_lowered:
.L_overlay_start_2:
0x2fe: {  	(tag) =	ssettag $0x2  }
0x2ff: {  	s0 =	rddreg [dreg:$0x0];
	s2 =	stileid.u32  }
0x300: {  	s1 =	rddreg [dreg:$0x1];
	p0 =	sne.s32 s2, $0x0  }
0x301: {  	s3 =	rddreg [dreg:$0x2];
	[bflag:$0x3] =	sbarrier.arrive $0xFFFF;
	s2 =	simm.s32 @!p0 $0x1C06  }
0x302: {  	[timem:s3], [sflag:s2] =	dma.local @!p0 [hbm:s0], s1  }
0x303: {  	s0 =	simm.s32 @!p0 $0x6  }
0x304: {  	_ =	swait.ge @!p0 [sflag:s0], s1  }
0x305: {  	s1 =	ssub.s32 @!p0 $0x0, s1;
	[sflag:s0] =	ssyncset.done @!p0 $0x0  }
0x306: {  	[sflag:s0] =	ssyncadd.s32 @!p0 s1  }
0x307: {  	[bflag:$0x3] =	sbarrier.arrive $0xFFFF  }
0x308: {  	_ =	shalt  }

</sc_bundles>
